<compile_context>
chip_gen: v7x
topology: tpu7x:2x2x1
jax: 0.10.2.dev20260603
libtpu: 0.0.44.dev20260713+nightly
codegen_flags: <defaults>
</compile_context>

<pallas_src>
import functools

import jax
import jax.numpy as jnp
from jax import lax
from jax.experimental import pallas as pl
from jax.experimental.pallas import tpu as pltpu
from jax.experimental.pallas import tpu_sc as plsc

N = 10000
E = 320000
D = 128
NP = 10240
NC = 2
NS = 16
NW = NC * NS
EPW = E // NW

SCHUNK = 125
CPW = EPW // SCHUNK

_mesh = plsc.VectorSubcoreMesh(core_axis_name="c", subcore_axis_name="s")



@functools.partial(
    pl.kernel,
    out_type=[jax.ShapeDtypeStruct((NC, NP), jnp.float32),
              jax.ShapeDtypeStruct((NC, NP), jnp.float32)],
    mesh=_mesh,
    scratch_types=[
        pltpu.VMEM((CPW, 1, SCHUNK), jnp.int32),
        pltpu.VMEM((CPW, 1, SCHUNK), jnp.int32),
        pltpu.VMEM((128,), jnp.float32),
        pltpu.VMEM_SHARED((NP,), jnp.float32),
        pltpu.VMEM_SHARED((NP,), jnp.float32),
    ],
)
def _deg_kernel(src_h, dst_h, zeros_h, outs_h, outd_h, srcv, dstv, ones_v,
                acc_s, acc_d):
    c = lax.axis_index("c")
    s = lax.axis_index("s")
    wid = c * NS + s
    stripe = NP // NS

    pltpu.sync_copy(src_h.at[pl.ds(wid * CPW, CPW)], srcv)
    pltpu.sync_copy(dst_h.at[pl.ds(wid * CPW, CPW)], dstv)

    def fill(i, carry):
        ones_v[pl.ds(i * 16, 16)] = jnp.ones((16,), jnp.float32)
        return carry

    lax.fori_loop(0, 8, fill, 0)
    pltpu.sync_copy(zeros_h.at[pl.ds(s * stripe, stripe)],
                    acc_s.at[pl.ds(s * stripe, stripe)])
    pltpu.sync_copy(zeros_h.at[pl.ds(s * stripe, stripe)],
                    acc_d.at[pl.ds(s * stripe, stripe)])
    plsc.subcore_barrier()

    def body(j, carry):
        pltpu.sync_copy(ones_v.at[pl.ds(0, SCHUNK)], acc_s.at[srcv.at[j, 0]], add=True)
        pltpu.sync_copy(ones_v.at[pl.ds(0, SCHUNK)], acc_d.at[dstv.at[j, 0]], add=True)
        return carry

    lax.fori_loop(0, CPW, body, 0)
    plsc.subcore_barrier()
    pltpu.sync_copy(acc_s.at[pl.ds(s * stripe, stripe)],
                    outs_h.at[c, pl.ds(s * stripe, stripe)])
    pltpu.sync_copy(acc_d.at[pl.ds(s * stripe, stripe)],
                    outd_h.at[c, pl.ds(s * stripe, stripe)])




@functools.partial(
    pl.kernel,
    out_type=jax.ShapeDtypeStruct((NC, NP, D), jnp.float32),
    mesh=_mesh,
    scratch_types=[
        pltpu.VMEM((CPW // 2, 1, SCHUNK), jnp.int32),
        pltpu.VMEM((CPW // 2, 1, SCHUNK), jnp.int32),
        pltpu.VMEM((SCHUNK, D), jnp.float32),
        pltpu.VMEM((SCHUNK, D), jnp.float32),
        pltpu.VMEM_SHARED((NP, D), jnp.float32),
        pltpu.SemaphoreType.DMA,
        pltpu.SemaphoreType.DMA,
    ],
)
def _s_pass_kernel(table_h, src_h, dst_h, zrows_h, out_h,
                   srcv, dstv, bufa, bufb, acc, sema, semb):
    c = lax.axis_index("c")
    s = lax.axis_index("s")
    wid = c * NS + s
    stripe = NP // NS
    half = CPW // 2

    pltpu.sync_copy(zrows_h, acc.at[pl.ds(s * stripe, stripe)])
    plsc.subcore_barrier()

    for ph in range(2):
        pltpu.sync_copy(src_h.at[pl.ds(wid * CPW + ph * half, half)], srcv)
        pltpu.sync_copy(dst_h.at[pl.ds(wid * CPW + ph * half, half)], dstv)
        pltpu.async_copy(table_h.at[srcv.at[0, 0]], bufa, sema)

        def body(jj, carry):
            j0 = 2 * jj
            j1 = j0 + 1
            pltpu.async_copy(table_h.at[srcv.at[j1, 0]], bufb, semb)
            pltpu.make_async_copy(table_h.at[srcv.at[j0, 0]], bufa, sema).wait()
            pltpu.sync_copy(bufa, acc.at[dstv.at[j0, 0]], add=True)

            @pl.when(jj + 1 < half // 2)
            def _():
                pltpu.async_copy(table_h.at[srcv.at[j0 + 2, 0]], bufa, sema)

            pltpu.make_async_copy(table_h.at[srcv.at[j1, 0]], bufb, semb).wait()
            pltpu.sync_copy(bufb, acc.at[dstv.at[j1, 0]], add=True)
            return carry

        lax.fori_loop(0, half // 2, body, 0)
    plsc.subcore_barrier()
    pltpu.sync_copy(acc.at[pl.ds(s * stripe, stripe)],
                    out_h.at[c, pl.ds(s * stripe, stripe)])


@functools.partial(
    pl.kernel,
    out_type=[jax.ShapeDtypeStruct((NC, NP, D), jnp.float32),
              jax.ShapeDtypeStruct((NC, NP, D), jnp.float32)],
    mesh=_mesh,
    scratch_types=[
        pltpu.VMEM((CPW // 2, 1, SCHUNK), jnp.int32),
        pltpu.VMEM((CPW // 2, 1, SCHUNK), jnp.int32),
        pltpu.VMEM((SCHUNK, D), jnp.float32),
        pltpu.VMEM((SCHUNK, D), jnp.float32),
        pltpu.VMEM_SHARED((NP, D), jnp.float32),
        pltpu.SemaphoreType.DMA,
        pltpu.SemaphoreType.DMA,
    ],
)
def _s2_pass_kernel(t1_h, t2_h, src_h, dst_h, zrows_h, o1_h, o2_h,
                    srcv, dstv, bufa, bufb, acc, sema, semb):
    c = lax.axis_index("c")
    s = lax.axis_index("s")
    wid = c * NS + s
    stripe = NP // NS
    half = CPW // 2

    pltpu.sync_copy(zrows_h, acc.at[pl.ds(s * stripe, stripe)])
    plsc.subcore_barrier()

    for table_h, out_h, last in ((t1_h, o1_h, False), (t2_h, o2_h, True)):
        for ph in range(2):
            pltpu.sync_copy(src_h.at[pl.ds(wid * CPW + ph * half, half)], srcv)
            pltpu.sync_copy(dst_h.at[pl.ds(wid * CPW + ph * half, half)], dstv)
            pltpu.async_copy(table_h.at[srcv.at[0, 0]], bufa, sema)

            def body(jj, carry):
                j0 = 2 * jj
                j1 = j0 + 1
                pltpu.async_copy(table_h.at[srcv.at[j1, 0]], bufb, semb)
                pltpu.make_async_copy(table_h.at[srcv.at[j0, 0]], bufa, sema).wait()
                pltpu.sync_copy(bufa, acc.at[dstv.at[j0, 0]], add=True)

                @pl.when(jj + 1 < half // 2)
                def _():
                    pltpu.async_copy(table_h.at[srcv.at[j0 + 2, 0]], bufa, sema)

                pltpu.make_async_copy(table_h.at[srcv.at[j1, 0]], bufb, semb).wait()
                pltpu.sync_copy(bufb, acc.at[dstv.at[j1, 0]], add=True)
                return carry

            lax.fori_loop(0, half // 2, body, 0)
        plsc.subcore_barrier()
        pltpu.sync_copy(acc.at[pl.ds(s * stripe, stripe)],
                        out_h.at[c, pl.ds(s * stripe, stripe)])
        if not last:
            pltpu.sync_copy(zrows_h, acc.at[pl.ds(s * stripe, stripe)])
            plsc.subcore_barrier()



BN = 2048
GRID = NP // BN


def _norm_body(dsp_ref, ddp_ref, ns_ref, nd_ref):
    ds = dsp_ref[0] + dsp_ref[1]
    dd = ddp_ref[0] + ddp_ref[1]
    ns_ref[...] = lax.rsqrt(jnp.maximum(ds, 1.0))
    nd_ref[...] = lax.rsqrt(jnp.maximum(dd, 1.0))


def _norms(degs, degd):
    nrows = NP // D
    ns2, nd2 = pl.pallas_call(
        _norm_body,
        out_shape=[jax.ShapeDtypeStruct((nrows, D), jnp.float32)] * 2,
    )(degs.reshape(NC, nrows, D), degd.reshape(NC, nrows, D))
    return ns2.reshape(NP, 1), nd2.reshape(NP, 1)


def _scale_body(ns_ref, x_ref, h0_ref, h1_ref, xs_ref, p0s_ref, p1s_ref):
    ns = ns_ref[...]
    xs_ref[...] = x_ref[...] * ns
    p0s_ref[...] = h0_ref[...] * ns
    p1s_ref[...] = h1_ref[...] * ns


def _scale_tables(ns_col, x, h0, h1):
    blk = pl.BlockSpec((BN, D), lambda i: (i, 0))
    cblk = pl.BlockSpec((BN, 1), lambda i: (i, 0))
    return pl.pallas_call(
        _scale_body,
        grid=(GRID,),
        in_specs=[cblk, blk, blk, blk],
        out_specs=[blk, blk, blk],
        out_shape=[jax.ShapeDtypeStruct((NP, D), jnp.float32)] * 3,
    )(ns_col, x, h0, h1)


def _gates_body(axp_ref, app_ref, nd_ref, ps_ref,
                wrt_ref, wrb_ref, wut_ref, wub_ref, wct_ref, br_ref, bu_ref,
                qs_ref, u_ref, axc_ref):
    nd = nd_ref[...]
    ax = (axp_ref[0] + axp_ref[1]) * nd
    ap = (app_ref[0] + app_ref[1]) * nd
    f32 = jnp.float32
    r = jax.nn.sigmoid(jnp.dot(ax, wrt_ref[...], preferred_element_type=f32)
                       + jnp.dot(ap, wrb_ref[...], preferred_element_type=f32)
                       + br_ref[...])
    u = jax.nn.sigmoid(jnp.dot(ax, wut_ref[...], preferred_element_type=f32)
                       + jnp.dot(ap, wub_ref[...], preferred_element_type=f32)
                       + bu_ref[...])
    qs_ref[...] = r * ps_ref[...]
    u_ref[...] = u
    axc_ref[...] = jnp.dot(ax, wct_ref[...], preferred_element_type=f32)


def _gates(axp, app, nd_col, ps, wrt, wrb, wut, wub, wct, br, bu):
    blk = pl.BlockSpec((BN, D), lambda i: (i, 0))
    pblk = pl.BlockSpec((NC, BN, D), lambda i: (0, i, 0))
    cblk = pl.BlockSpec((BN, 1), lambda i: (i, 0))
    wblk = pl.BlockSpec((D, D), lambda i: (0, 0))
    bblk = pl.BlockSpec((1, D), lambda i: (0, 0))
    return pl.pallas_call(
        _gates_body,
        grid=(GRID,),
        in_specs=[pblk, pblk, cblk, blk, wblk, wblk, wblk, wblk, wblk, bblk, bblk],
        out_specs=[blk, blk, blk],
        out_shape=[jax.ShapeDtypeStruct((NP, D), jnp.float32)] * 3,
    )(axp, app, nd_col, ps, wrt, wrb, wut, wub, wct, br, bu)


def _update_body(aqp_ref, nd_ref, ns_ref, axc_ref, u_ref, p_ref,
                 wcb_ref, bc_ref, h_ref, hs_ref):
    nd = nd_ref[...]
    aq = (aqp_ref[0] + aqp_ref[1]) * nd
    c = jnp.tanh(axc_ref[...]
                 + jnp.dot(aq, wcb_ref[...], preferred_element_type=jnp.float32)
                 + bc_ref[...])
    u = u_ref[...]
    h = u * p_ref[...] + (1.0 - u) * c
    h_ref[...] = h
    hs_ref[...] = h * ns_ref[...]


def _update(aqp, nd_col, ns_col, axc, u, p, wcb, bc):
    blk = pl.BlockSpec((BN, D), lambda i: (i, 0))
    pblk = pl.BlockSpec((NC, BN, D), lambda i: (0, i, 0))
    cblk = pl.BlockSpec((BN, 1), lambda i: (i, 0))
    wblk = pl.BlockSpec((D, D), lambda i: (0, 0))
    bblk = pl.BlockSpec((1, D), lambda i: (0, 0))
    return pl.pallas_call(
        _update_body,
        grid=(GRID,),
        in_specs=[pblk, cblk, cblk, blk, blk, blk, wblk, bblk],
        out_specs=[blk, blk],
        out_shape=[jax.ShapeDtypeStruct((NP, D), jnp.float32)] * 2,
    )(aqp, nd_col, ns_col, axc, u, p, wcb, bc)




def kernel(x, edge_index, hidden_states, Wr, Wu, Wc, br, bu, bc):
    src = edge_index[0]
    dst = edge_index[1]
    src_s = src.reshape(E // SCHUNK, 1, SCHUNK)
    dst_s = dst.reshape(E // SCHUNK, 1, SCHUNK)

    pad = NP - N
    xp = jnp.pad(x, ((0, pad), (0, 0)))
    h0 = jnp.pad(hidden_states[0], ((0, pad), (0, 0)))
    h1 = jnp.pad(hidden_states[1], ((0, pad), (0, 0)))

    zvec = jnp.zeros((NP,), jnp.float32)
    zrows = jnp.zeros((NP // NS, D), jnp.float32)

    degs, degd = _deg_kernel(src_s, dst_s, zvec)
    ns_col, nd_col = _norms(degs, degd)

    xs, p0s, p1s = _scale_tables(ns_col, xp, h0, h1)

    s_pass = lambda t: _s_pass_kernel(t, src_s, dst_s, zrows)

    axp, app = _s2_pass_kernel(xs, p0s, src_s, dst_s, zrows)
    qs0, u0, axc0 = _gates(axp, app, nd_col, p0s,
                           Wr[0, :D], Wr[0, D:], Wu[0, :D], Wu[0, D:],
                           Wc[0, :D], br[0].reshape(1, D), bu[0].reshape(1, D))
    aqp = s_pass(qs0)
    hx0, hx0s = _update(aqp, nd_col, ns_col, axc0, u0, h0,
                        Wc[0, D:], bc[0].reshape(1, D))

    axp1, app1 = _s2_pass_kernel(hx0s, p1s, src_s, dst_s, zrows)
    qs1, u1, axc1 = _gates(axp1, app1, nd_col, p1s,
                           Wr[1, :D], Wr[1, D:], Wu[1, :D], Wu[1, D:],
                           Wc[1, :D], br[1].reshape(1, D), bu[1].reshape(1, D))
    aqp1 = s_pass(qs1)
    hx1, _ = _update(aqp1, nd_col, ns_col, axc1, u1, h1,
                     Wc[1, D:], bc[1].reshape(1, D))

    out0 = hx0[:N]
    out1 = hx1[:N]
    return (out1, jnp.stack([out0, out1]))

# --- scband reference (transcript-rebuilt; emitter-appended) ---
"""Pipeline reference for scband-stacked-encoder-59545426591868 (READ-ONLY COPY).

The authoritative reference and input builder live on the scoring server;
editing this copy changes nothing except your own understanding.
"""

import jax, jax.numpy as jnp
import numpy as np

N = 10000
E = 320000
D_IN = 128
D_OUT = 128
L = 2


def setup_inputs(seed: int = 0) -> dict:
    key = jax.random.key(seed)
    ks = jax.random.split(key, 10)
    x = jax.random.normal(ks[0], (N, D_IN), dtype=jnp.float32)
    edge_index = jax.random.randint(ks[1], (2, E), 0, N, dtype=jnp.int32)
    hidden_states = jax.random.normal(ks[2], (L, N, D_OUT), dtype=jnp.float32)
    cat_dim = D_IN + D_OUT  # layer0 in = D_IN, out = D_OUT; layer1 in = out = D_OUT; equal here
    scale = 1.0 / np.sqrt(cat_dim)
    Wr = jax.random.normal(ks[3], (L, cat_dim, D_OUT), dtype=jnp.float32) * scale
    Wu = jax.random.normal(ks[4], (L, cat_dim, D_OUT), dtype=jnp.float32) * scale
    Wc = jax.random.normal(ks[5], (L, cat_dim, D_OUT), dtype=jnp.float32) * scale
    br = jax.random.uniform(ks[6], (L, D_OUT), dtype=jnp.float32)
    bu = jax.random.uniform(ks[7], (L, D_OUT), dtype=jnp.float32)
    bc = jax.random.uniform(ks[8], (L, D_OUT), dtype=jnp.float32)
    return {"x": x, "edge_index": edge_index, "hidden_states": hidden_states,
            "Wr": Wr, "Wu": Wu, "Wc": Wc, "br": br, "bu": bu, "bc": bc}


def _gcn(h, W, src, dst, ns, nd):
    # dgl GraphConv(norm='both'): scale src feats by outdeg^-1/2, matmul, scatter-add, scale by indeg^-1/2
    h = h * ns[:, None]
    h = h @ W
    m = jnp.take(h, src, axis=0)
    agg = jnp.zeros((N, W.shape[1]), dtype=h.dtype).at[dst].add(m)
    return agg * nd[:, None]


def reference(x, edge_index, hidden_states, Wr, Wu, Wc, br, bu, bc):
    src = edge_index[0]
    dst = edge_index[1]
    out_deg = jnp.maximum(jnp.bincount(src, length=N), 1).astype(jnp.float32)
    in_deg = jnp.maximum(jnp.bincount(dst, length=N), 1).astype(jnp.float32)
    ns = out_deg ** -0.5
    nd = in_deg ** -0.5
    hiddens = []
    h_x = x
    for i in range(L):
        h_prev = hidden_states[i]
        cat = jnp.concatenate([h_x, h_prev], axis=1)
        r = jax.nn.sigmoid(_gcn(cat, Wr[i], src, dst, ns, nd) + br[i])
        u = jax.nn.sigmoid(_gcn(cat, Wu[i], src, dst, ns, nd) + bu[i])
        cat2 = jnp.concatenate([h_x, r * h_prev], axis=1)
        c = jnp.tanh(_gcn(cat2, Wc[i], src, dst, ns, nd) + bc[i])
        h_x = u * h_prev + (1.0 - u) * c
        hiddens.append(h_x)
    return (h_x, jnp.stack(hiddens))

if __name__ == "__main__":
    import jax
    _d = setup_inputs()
    print(jax.jit(kernel)(*tuple(_d.values())))

</pallas_src>

<mosaic_0001>
#map = affine_map<(d0, d1) -> (0, 0, 0)>
#map1 = affine_map<(d0, d1) -> (0)>
#map2 = affine_map<(d0, d1) -> (0, 0)>
module attributes {stable_mosaic.version = 14 : i64} {
  func.func @_deg_kernel(%arg0: i32, %arg1: i32, %arg2: memref<2560x1x125xi32, #tpu.memory_space<hbm>>, %arg3: memref<2560x1x125xi32, #tpu.memory_space<hbm>>, %arg4: memref<10240xf32, #tpu.memory_space<hbm>>, %arg5: memref<2x10240xf32, #tpu.memory_space<hbm>>, %arg6: memref<2x10240xf32, #tpu.memory_space<hbm>>, %arg7: memref<80x1x125xi32, #tpu.memory_space<vmem>>, %arg8: memref<80x1x125xi32, #tpu.memory_space<vmem>>, %arg9: memref<128xf32, #tpu.memory_space<vmem>>, %arg10: memref<10240xf32, #tpu.memory_space<vmem_shared>>, %arg11: memref<10240xf32, #tpu.memory_space<vmem_shared>>) attributes {dimension_semantics = [#tpu.dimension_semantics<core_parallel>, #tpu.dimension_semantics<subcore_parallel>], iteration_bounds = array<i64: 2, 16>, scalar_prefetch = 0 : i64, scratch_operands = 5 : i64, tpu.core_type = #tpu.core_type<sc_vector_subcore>, window_params = [{transform_indices = #map}, {transform_indices = #map}, {transform_indices = #map1}, {transform_indices = #map2}, {transform_indices = #map2}]} {
    %mul3A = arith.constant 16 : i32
    %mul3A_0 = arith.muli %arg0, %mul3A : i32
    %add3A = arith.addi %mul3A_0, %arg1 : i32
    %mul3A_1 = arith.constant 80 : i32
    %mul3A_2 = arith.muli %add3A, %mul3A_1 : i32
    "tpu.region"() ({
      %run_scoped3A = tpu.sem_alloc : memref<!tpu.dma_semaphore, #tpu.memory_space<semaphore_mem>>
      %dma_start3A = arith.constant 0 : i32
      %dma_start3A_33 = arith.constant 0 : i32
      %dma_start3A_34 = tpu.memref_slice %arg2[%mul3A_2, %dma_start3A, %dma_start3A_33] : memref<2560x1x125xi32, #tpu.memory_space<hbm>> -> memref<80x1x125xi32, #tpu.memory_space<hbm>>
      %dma_start3A_35 = arith.constant 0 : i32
      %dma_start3A_36 = arith.constant 0 : i32
      %dma_start3A_37 = tpu.memref_slice %arg2[%mul3A_2, %dma_start3A_35, %dma_start3A_36] : memref<2560x1x125xi32, #tpu.memory_space<hbm>> -> memref<80x1x125xi32, #tpu.memory_space<hbm>>
      tpu.enqueue_dma source(%dma_start3A_37 : memref<80x1x125xi32, #tpu.memory_space<hbm>>) target(%arg7 : memref<80x1x125xi32, #tpu.memory_space<vmem>>) target_semaphore(%run_scoped3A : memref<!tpu.dma_semaphore, #tpu.memory_space<semaphore_mem>>)
      %dma_wait3A = arith.constant 0 : i32
      %dma_wait3A_38 = arith.constant 0 : i32
      %dma_wait3A_39 = tpu.memref_slice %arg2[%mul3A_2, %dma_wait3A, %dma_wait3A_38] : memref<2560x1x125xi32, #tpu.memory_space<hbm>> -> memref<80x1x125xi32, #tpu.memory_space<hbm>>
      %dma_wait3A_40 = arith.constant 0 : i32
      %dma_wait3A_41 = arith.constant 0 : i32
      %dma_wait3A_42 = tpu.memref_slice %arg2[%mul3A_2, %dma_wait3A_40, %dma_wait3A_41] : memref<2560x1x125xi32, #tpu.memory_space<hbm>> -> memref<80x1x125xi32, #tpu.memory_space<hbm>>
      tpu.wait_dma2 semaphore(%run_scoped3A : memref<!tpu.dma_semaphore, #tpu.memory_space<semaphore_mem>>) src(%dma_wait3A_42 : memref<80x1x125xi32, #tpu.memory_space<hbm>>) dst(%arg7 : memref<80x1x125xi32, #tpu.memory_space<vmem>>)
      tpu.yield
    }) : () -> ()
    %mul3A_3 = arith.constant 80 : i32
    %mul3A_4 = arith.muli %add3A, %mul3A_3 : i32
    "tpu.region"() ({
      %run_scoped3A = tpu.sem_alloc : memref<!tpu.dma_semaphore, #tpu.memory_space<semaphore_mem>>
      %dma_start3A = arith.constant 0 : i32
      %dma_start3A_33 = arith.constant 0 : i32
      %dma_start3A_34 = tpu.memref_slice %arg3[%mul3A_4, %dma_start3A, %dma_start3A_33] : memref<2560x1x125xi32, #tpu.memory_space<hbm>> -> memref<80x1x125xi32, #tpu.memory_space<hbm>>
      %dma_start3A_35 = arith.constant 0 : i32
      %dma_start3A_36 = arith.constant 0 : i32
      %dma_start3A_37 = tpu.memref_slice %arg3[%mul3A_4, %dma_start3A_35, %dma_start3A_36] : memref<2560x1x125xi32, #tpu.memory_space<hbm>> -> memref<80x1x125xi32, #tpu.memory_space<hbm>>
      tpu.enqueue_dma source(%dma_start3A_37 : memref<80x1x125xi32, #tpu.memory_space<hbm>>) target(%arg8 : memref<80x1x125xi32, #tpu.memory_space<vmem>>) target_semaphore(%run_scoped3A : memref<!tpu.dma_semaphore, #tpu.memory_space<semaphore_mem>>)
      %dma_wait3A = arith.constant 0 : i32
      %dma_wait3A_38 = arith.constant 0 : i32
      %dma_wait3A_39 = tpu.memref_slice %arg3[%mul3A_4, %dma_wait3A, %dma_wait3A_38] : memref<2560x1x125xi32, #tpu.memory_space<hbm>> -> memref<80x1x125xi32, #tpu.memory_space<hbm>>
      %dma_wait3A_40 = arith.constant 0 : i32
      %dma_wait3A_41 = arith.constant 0 : i32
      %dma_wait3A_42 = tpu.memref_slice %arg3[%mul3A_4, %dma_wait3A_40, %dma_wait3A_41] : memref<2560x1x125xi32, #tpu.memory_space<hbm>> -> memref<80x1x125xi32, #tpu.memory_space<hbm>>
      tpu.wait_dma2 semaphore(%run_scoped3A : memref<!tpu.dma_semaphore, #tpu.memory_space<semaphore_mem>>) src(%dma_wait3A_42 : memref<80x1x125xi32, #tpu.memory_space<hbm>>) dst(%arg8 : memref<80x1x125xi32, #tpu.memory_space<vmem>>)
      tpu.yield
    }) : () -> ()
    %scan3A = arith.constant 0 : i32
    %scan3A_5 = arith.constant 0 : i32
    %scan3A_6 = arith.constant 8 : i32
    %scan3A_7 = arith.addi %scan3A_5, %scan3A_6 : i32
    %scan3A_8 = arith.constant 1 : i32
    scf.for %scan3A_33 = %scan3A_5 to %scan3A_7 step %scan3A_8  : i32 {
      %broadcast_in_dim3A = arith.constant 1.000000e+00 : f32
      %broadcast_in_dim3A_34 = vector.broadcast %broadcast_in_dim3A : f32 to vector<16xf32>
      %mul3A_35 = arith.constant 16 : i32
      %mul3A_36 = arith.muli %scan3A_33, %mul3A_35 : i32
      %swap3A = arith.index_cast %mul3A_36 : i32 to index
      %swap3A_37 = tpu.vector_load %arg9[%swap3A] {strides = array<i32>} : memref<128xf32, #tpu.memory_space<vmem>>, vector<16xf32>,
      %swap3A_38 = vector.shape_cast %swap3A_37 : vector<16xf32> to vector<16xf32>
      %swap3A_39 = vector.shape_cast %broadcast_in_dim3A_34 : vector<16xf32> to vector<16xf32>
      tpu.vector_store %arg9[%swap3A], %swap3A_39 {strides = array<i32>} : memref<128xf32, #tpu.memory_space<vmem>>, vector<16xf32>,
    }
    %scan3A_9 = arith.constant 8 : i32
    %mul3A_10 = arith.constant 640 : i32
    %mul3A_11 = arith.muli %arg1, %mul3A_10 : i32
    %mul3A_12 = arith.constant 640 : i32
    %mul3A_13 = arith.muli %arg1, %mul3A_12 : i32
    "tpu.region"() ({
      %run_scoped3A = tpu.sem_alloc : memref<!tpu.dma_semaphore, #tpu.memory_space<semaphore_mem>>
      %dma_start3A = tpu.memref_slice %arg10[%mul3A_13] : memref<10240xf32, #tpu.memory_space<vmem_shared>> -> memref<640xf32, #tpu.memory_space<vmem_shared>>
      %dma_start3A_33 = tpu.memref_slice %arg4[%mul3A_11] : memref<10240xf32, #tpu.memory_space<hbm>> -> memref<640xf32, #tpu.memory_space<hbm>>
      tpu.enqueue_dma source(%dma_start3A_33 : memref<640xf32, #tpu.memory_space<hbm>>) target(%dma_start3A : memref<640xf32, #tpu.memory_space<vmem_shared>>) target_semaphore(%run_scoped3A : memref<!tpu.dma_semaphore, #tpu.memory_space<semaphore_mem>>)
      %dma_wait3A = tpu.memref_slice %arg10[%mul3A_13] : memref<10240xf32, #tpu.memory_space<vmem_shared>> -> memref<640xf32, #tpu.memory_space<vmem_shared>>
      %dma_wait3A_34 = tpu.memref_slice %arg4[%mul3A_11] : memref<10240xf32, #tpu.memory_space<hbm>> -> memref<640xf32, #tpu.memory_space<hbm>>
      tpu.wait_dma2 semaphore(%run_scoped3A : memref<!tpu.dma_semaphore, #tpu.memory_space<semaphore_mem>>) src(%dma_wait3A_34 : memref<640xf32, #tpu.memory_space<hbm>>) dst(%dma_wait3A : memref<640xf32, #tpu.memory_space<vmem_shared>>)
      tpu.yield
    }) : () -> ()
    %mul3A_14 = arith.constant 640 : i32
    %mul3A_15 = arith.muli %arg1, %mul3A_14 : i32
    %mul3A_16 = arith.constant 640 : i32
    %mul3A_17 = arith.muli %arg1, %mul3A_16 : i32
    "tpu.region"() ({
      %run_scoped3A = tpu.sem_alloc : memref<!tpu.dma_semaphore, #tpu.memory_space<semaphore_mem>>
      %dma_start3A = tpu.memref_slice %arg11[%mul3A_17] : memref<10240xf32, #tpu.memory_space<vmem_shared>> -> memref<640xf32, #tpu.memory_space<vmem_shared>>
      %dma_start3A_33 = tpu.memref_slice %arg4[%mul3A_15] : memref<10240xf32, #tpu.memory_space<hbm>> -> memref<640xf32, #tpu.memory_space<hbm>>
      tpu.enqueue_dma source(%dma_start3A_33 : memref<640xf32, #tpu.memory_space<hbm>>) target(%dma_start3A : memref<640xf32, #tpu.memory_space<vmem_shared>>) target_semaphore(%run_scoped3A : memref<!tpu.dma_semaphore, #tpu.memory_space<semaphore_mem>>)
      %dma_wait3A = tpu.memref_slice %arg11[%mul3A_17] : memref<10240xf32, #tpu.memory_space<vmem_shared>> -> memref<640xf32, #tpu.memory_space<vmem_shared>>
      %dma_wait3A_34 = tpu.memref_slice %arg4[%mul3A_15] : memref<10240xf32, #tpu.memory_space<hbm>> -> memref<640xf32, #tpu.memory_space<hbm>>
      tpu.wait_dma2 semaphore(%run_scoped3A : memref<!tpu.dma_semaphore, #tpu.memory_space<semaphore_mem>>) src(%dma_wait3A_34 : memref<640xf32, #tpu.memory_space<hbm>>) dst(%dma_wait3A : memref<640xf32, #tpu.memory_space<vmem_shared>>)
      tpu.yield
    }) : () -> ()
    %barrier3A = arith.constant 0 : index
    tpu.barrier barrier_id(%barrier3A)
    %scan3A_18 = arith.constant 0 : i32
    %scan3A_19 = arith.constant 0 : i32
    %scan3A_20 = arith.constant 80 : i32
    %scan3A_21 = arith.addi %scan3A_19, %scan3A_20 : i32
    %scan3A_22 = arith.constant 1 : i32
    scf.for %scan3A_33 = %scan3A_19 to %scan3A_21 step %scan3A_22  : i32 {
      %run_scoped3A = arith.constant 0 : i32
      "tpu.region"() ({
        %run_scoped3A_35 = tpu.sem_alloc : memref<!tpu.dma_semaphore, #tpu.memory_space<semaphore_mem>>
        %dma_start3A = arith.constant 0 : i32
        %dma_start3A_36 = tpu.memref_slice %arg9[%dma_start3A] : memref<128xf32, #tpu.memory_space<vmem>> -> memref<125xf32, #tpu.memory_space<vmem>>
        %dma_start3A_37 = arith.constant 0 : i32
        %dma_start3A_38 = tpu.memref_slice %arg7[%scan3A_33, %run_scoped3A, %dma_start3A_37] : memref<80x1x125xi32, #tpu.memory_space<vmem>> -> memref<1x1x125xi32, #tpu.memory_space<vmem>>
        %dma_start3A_39 = tpu.memref_squeeze %dma_start3A_38 : memref<1x1x125xi32, #tpu.memory_space<vmem>> -> memref<125xi32, #tpu.memory_space<vmem>>
        %dma_start3A_40 = arith.constant 0 : i32
        %dma_start3A_41 = tpu.memref_slice %arg10[%dma_start3A_40] : memref<10240xf32, #tpu.memory_space<vmem_shared>> -> memref<10240xf32, #tpu.memory_space<vmem_shared>>
        tpu.enqueue_indirect_dma source(%dma_start3A_36 : memref<125xf32, #tpu.memory_space<vmem>>) target(%dma_start3A_41 : memref<10240xf32, #tpu.memory_space<vmem_shared>>) offsets(%dma_start3A_39 : memref<125xi32, #tpu.memory_space<vmem>>) semaphore(%run_scoped3A_35 : memref<!tpu.dma_semaphore, #tpu.memory_space<semaphore_mem>>) {add = true}
        %dma_wait3A = arith.constant 0 : i32
        %dma_wait3A_42 = tpu.memref_slice %arg9[%dma_wait3A] : memref<128xf32, #tpu.memory_space<vmem>> -> memref<125xf32, #tpu.memory_space<vmem>>
        %dma_wait3A_43 = arith.constant 0 : i32
        %dma_wait3A_44 = tpu.memref_slice %arg7[%scan3A_33, %run_scoped3A, %dma_wait3A_43] : memref<80x1x125xi32, #tpu.memory_space<vmem>> -> memref<1x1x125xi32, #tpu.memory_space<vmem>>
        %dma_wait3A_45 = tpu.memref_squeeze %dma_wait3A_44 : memref<1x1x125xi32, #tpu.memory_space<vmem>> -> memref<125xi32, #tpu.memory_space<vmem>>
        %dma_wait3A_46 = arith.constant 0 : i32
        %dma_wait3A_47 = tpu.memref_slice %arg10[%dma_wait3A_46] : memref<10240xf32, #tpu.memory_space<vmem_shared>> -> memref<10240xf32, #tpu.memory_space<vmem_shared>>
        tpu.wait_indirect_dma semaphore(%run_scoped3A_35 : memref<!tpu.dma_semaphore, #tpu.memory_space<semaphore_mem>>) src(%dma_wait3A_42 : memref<125xf32, #tpu.memory_space<vmem>>) dst(%dma_wait3A_47 : memref<10240xf32, #tpu.memory_space<vmem_shared>>)
        tpu.yield
      }) : () -> ()
      %run_scoped3A_34 = arith.constant 0 : i32
      "tpu.region"() ({
        %run_scoped3A_35 = tpu.sem_alloc : memref<!tpu.dma_semaphore, #tpu.memory_space<semaphore_mem>>
        %dma_start3A = arith.constant 0 : i32
        %dma_start3A_36 = tpu.memref_slice %arg9[%dma_start3A] : memref<128xf32, #tpu.memory_space<vmem>> -> memref<125xf32, #tpu.memory_space<vmem>>
        %dma_start3A_37 = arith.constant 0 : i32
        %dma_start3A_38 = tpu.memref_slice %arg8[%scan3A_33, %run_scoped3A_34, %dma_start3A_37] : memref<80x1x125xi32, #tpu.memory_space<vmem>> -> memref<1x1x125xi32, #tpu.memory_space<vmem>>
        %dma_start3A_39 = tpu.memref_squeeze %dma_start3A_38 : memref<1x1x125xi32, #tpu.memory_space<vmem>> -> memref<125xi32, #tpu.memory_space<vmem>>
        %dma_start3A_40 = arith.constant 0 : i32
        %dma_start3A_41 = tpu.memref_slice %arg11[%dma_start3A_40] : memref<10240xf32, #tpu.memory_space<vmem_shared>> -> memref<10240xf32, #tpu.memory_space<vmem_shared>>
        tpu.enqueue_indirect_dma source(%dma_start3A_36 : memref<125xf32, #tpu.memory_space<vmem>>) target(%dma_start3A_41 : memref<10240xf32, #tpu.memory_space<vmem_shared>>) offsets(%dma_start3A_39 : memref<125xi32, #tpu.memory_space<vmem>>) semaphore(%run_scoped3A_35 : memref<!tpu.dma_semaphore, #tpu.memory_space<semaphore_mem>>) {add = true}
        %dma_wait3A = arith.constant 0 : i32
        %dma_wait3A_42 = tpu.memref_slice %arg9[%dma_wait3A] : memref<128xf32, #tpu.memory_space<vmem>> -> memref<125xf32, #tpu.memory_space<vmem>>
        %dma_wait3A_43 = arith.constant 0 : i32
        %dma_wait3A_44 = tpu.memref_slice %arg8[%scan3A_33, %run_scoped3A_34, %dma_wait3A_43] : memref<80x1x125xi32, #tpu.memory_space<vmem>> -> memref<1x1x125xi32, #tpu.memory_space<vmem>>
        %dma_wait3A_45 = tpu.memref_squeeze %dma_wait3A_44 : memref<1x1x125xi32, #tpu.memory_space<vmem>> -> memref<125xi32, #tpu.memory_space<vmem>>
        %dma_wait3A_46 = arith.constant 0 : i32
        %dma_wait3A_47 = tpu.memref_slice %arg11[%dma_wait3A_46] : memref<10240xf32, #tpu.memory_space<vmem_shared>> -> memref<10240xf32, #tpu.memory_space<vmem_shared>>
        tpu.wait_indirect_dma semaphore(%run_scoped3A_35 : memref<!tpu.dma_semaphore, #tpu.memory_space<semaphore_mem>>) src(%dma_wait3A_42 : memref<125xf32, #tpu.memory_space<vmem>>) dst(%dma_wait3A_47 : memref<10240xf32, #tpu.memory_space<vmem_shared>>)
        tpu.yield
      }) : () -> ()
    }
    %scan3A_23 = arith.constant 80 : i32
    %barrier3A_24 = arith.constant 0 : index
    tpu.barrier barrier_id(%barrier3A_24)
    %mul3A_25 = arith.constant 640 : i32
    %mul3A_26 = arith.muli %arg1, %mul3A_25 : i32
    %mul3A_27 = arith.constant 640 : i32
    %mul3A_28 = arith.muli %arg1, %mul3A_27 : i32
    "tpu.region"() ({
      %run_scoped3A = tpu.sem_alloc : memref<!tpu.dma_semaphore, #tpu.memory_space<semaphore_mem>>
      %dma_start3A = tpu.memref_slice %arg5[%arg0, %mul3A_28] : memref<2x10240xf32, #tpu.memory_space<hbm>> -> memref<1x640xf32, #tpu.memory_space<hbm>>
      %dma_start3A_33 = tpu.memref_squeeze %dma_start3A : memref<1x640xf32, #tpu.memory_space<hbm>> -> memref<640xf32, #tpu.memory_space<hbm>>
      %dma_start3A_34 = tpu.memref_slice %arg10[%mul3A_26] : memref<10240xf32, #tpu.memory_space<vmem_shared>> -> memref<640xf32, #tpu.memory_space<vmem_shared>>
      tpu.enqueue_dma source(%dma_start3A_34 : memref<640xf32, #tpu.memory_space<vmem_shared>>) target(%dma_start3A_33 : memref<640xf32, #tpu.memory_space<hbm>>) target_semaphore(%run_scoped3A : memref<!tpu.dma_semaphore, #tpu.memory_space<semaphore_mem>>)
      %dma_wait3A = tpu.memref_slice %arg5[%arg0, %mul3A_28] : memref<2x10240xf32, #tpu.memory_space<hbm>> -> memref<1x640xf32, #tpu.memory_space<hbm>>
      %dma_wait3A_35 = tpu.memref_squeeze %dma_wait3A : memref<1x640xf32, #tpu.memory_space<hbm>> -> memref<640xf32, #tpu.memory_space<hbm>>
      %dma_wait3A_36 = tpu.memref_slice %arg10[%mul3A_26] : memref<10240xf32, #tpu.memory_space<vmem_shared>> -> memref<640xf32, #tpu.memory_space<vmem_shared>>
      tpu.wait_dma2 semaphore(%run_scoped3A : memref<!tpu.dma_semaphore, #tpu.memory_space<semaphore_mem>>) src(%dma_wait3A_36 : memref<640xf32, #tpu.memory_space<vmem_shared>>) dst(%dma_wait3A_35 : memref<640xf32, #tpu.memory_space<hbm>>)
      tpu.yield
    }) : () -> ()
    %mul3A_29 = arith.constant 640 : i32
    %mul3A_30 = arith.muli %arg1, %mul3A_29 : i32
    %mul3A_31 = arith.constant 640 : i32
    %mul3A_32 = arith.muli %arg1, %mul3A_31 : i32
    "tpu.region"() ({
      %run_scoped3A = tpu.sem_alloc : memref<!tpu.dma_semaphore, #tpu.memory_space<semaphore_mem>>
      %dma_start3A = tpu.memref_slice %arg6[%arg0, %mul3A_32] : memref<2x10240xf32, #tpu.memory_space<hbm>> -> memref<1x640xf32, #tpu.memory_space<hbm>>
      %dma_start3A_33 = tpu.memref_squeeze %dma_start3A : memref<1x640xf32, #tpu.memory_space<hbm>> -> memref<640xf32, #tpu.memory_space<hbm>>
      %dma_start3A_34 = tpu.memref_slice %arg11[%mul3A_30] : memref<10240xf32, #tpu.memory_space<vmem_shared>> -> memref<640xf32, #tpu.memory_space<vmem_shared>>
      tpu.enqueue_dma source(%dma_start3A_34 : memref<640xf32, #tpu.memory_space<vmem_shared>>) target(%dma_start3A_33 : memref<640xf32, #tpu.memory_space<hbm>>) target_semaphore(%run_scoped3A : memref<!tpu.dma_semaphore, #tpu.memory_space<semaphore_mem>>)
      %dma_wait3A = tpu.memref_slice %arg6[%arg0, %mul3A_32] : memref<2x10240xf32, #tpu.memory_space<hbm>> -> memref<1x640xf32, #tpu.memory_space<hbm>>
      %dma_wait3A_35 = tpu.memref_squeeze %dma_wait3A : memref<1x640xf32, #tpu.memory_space<hbm>> -> memref<640xf32, #tpu.memory_space<hbm>>
      %dma_wait3A_36 = tpu.memref_slice %arg11[%mul3A_30] : memref<10240xf32, #tpu.memory_space<vmem_shared>> -> memref<640xf32, #tpu.memory_space<vmem_shared>>
      tpu.wait_dma2 semaphore(%run_scoped3A : memref<!tpu.dma_semaphore, #tpu.memory_space<semaphore_mem>>) src(%dma_wait3A_36 : memref<640xf32, #tpu.memory_space<vmem_shared>>) dst(%dma_wait3A_35 : memref<640xf32, #tpu.memory_space<hbm>>)
      tpu.yield
    }) : () -> ()
    return
  }
}

#map = affine_map<(d0, d1) -> (0, 0)>
#map1 = affine_map<(d0, d1) -> (0, 0, 0)>
module attributes {stable_mosaic.version = 14 : i64} {
  func.func @_s2_pass_kernel(%arg0: i32, %arg1: i32, %arg2: memref<10240x128xf32, #tpu.memory_space<hbm>>, %arg3: memref<10240x128xf32, #tpu.memory_space<hbm>>, %arg4: memref<2560x1x125xi32, #tpu.memory_space<hbm>>, %arg5: memref<2560x1x125xi32, #tpu.memory_space<hbm>>, %arg6: memref<640x128xf32, #tpu.memory_space<hbm>>, %arg7: memref<2x10240x128xf32, #tpu.memory_space<hbm>>, %arg8: memref<2x10240x128xf32, #tpu.memory_space<hbm>>, %arg9: memref<40x1x125xi32, #tpu.memory_space<vmem>>, %arg10: memref<40x1x125xi32, #tpu.memory_space<vmem>>, %arg11: memref<125x128xf32, #tpu.memory_space<vmem>>, %arg12: memref<125x128xf32, #tpu.memory_space<vmem>>, %arg13: memref<10240x128xf32, #tpu.memory_space<vmem_shared>>, %arg14: memref<!tpu.dma_semaphore, #tpu.memory_space<semaphore_mem>>, %arg15: memref<!tpu.dma_semaphore, #tpu.memory_space<semaphore_mem>>) attributes {dimension_semantics = [#tpu.dimension_semantics<core_parallel>, #tpu.dimension_semantics<subcore_parallel>], iteration_bounds = array<i64: 2, 16>, scalar_prefetch = 0 : i64, scratch_operands = 7 : i64, tpu.core_type = #tpu.core_type<sc_vector_subcore>, window_params = [{transform_indices = #map}, {transform_indices = #map}, {transform_indices = #map1}, {transform_indices = #map1}, {transform_indices = #map}, {transform_indices = #map1}, {transform_indices = #map1}]} {
    %mul3A = arith.constant 16 : i32
    %mul3A_0 = arith.muli %arg0, %mul3A : i32
    %add3A = arith.addi %mul3A_0, %arg1 : i32
    %mul3A_1 = arith.constant 640 : i32
    %mul3A_2 = arith.muli %arg1, %mul3A_1 : i32
    "tpu.region"() ({
      %run_scoped3A = tpu.sem_alloc : memref<!tpu.dma_semaphore, #tpu.memory_space<semaphore_mem>>
      %dma_start3A_102 = arith.constant 0 : i32
      %dma_start3A_103 = tpu.memref_slice %arg13[%mul3A_2, %dma_start3A_102] : memref<10240x128xf32, #tpu.memory_space<vmem_shared>> -> memref<640x128xf32, #tpu.memory_space<vmem_shared>>
      tpu.enqueue_dma source(%arg6 : memref<640x128xf32, #tpu.memory_space<hbm>>) target(%dma_start3A_103 : memref<640x128xf32, #tpu.memory_space<vmem_shared>>) target_semaphore(%run_scoped3A : memref<!tpu.dma_semaphore, #tpu.memory_space<semaphore_mem>>)
      %dma_wait3A = arith.constant 0 : i32
      %dma_wait3A_104 = tpu.memref_slice %arg13[%mul3A_2, %dma_wait3A] : memref<10240x128xf32, #tpu.memory_space<vmem_shared>> -> memref<640x128xf32, #tpu.memory_space<vmem_shared>>
      tpu.wait_dma2 semaphore(%run_scoped3A : memref<!tpu.dma_semaphore, #tpu.memory_space<semaphore_mem>>) src(%arg6 : memref<640x128xf32, #tpu.memory_space<hbm>>) dst(%dma_wait3A_104 : memref<640x128xf32, #tpu.memory_space<vmem_shared>>)
      tpu.yield
    }) : () -> ()
    %barrier3A = arith.constant 0 : index
    tpu.barrier barrier_id(%barrier3A)
    %mul3A_3 = arith.constant 80 : i32
    %mul3A_4 = arith.muli %add3A, %mul3A_3 : i32
    %add3A_5 = arith.constant 0 : i32
    %add3A_6 = arith.addi %mul3A_4, %add3A_5 : i32
    "tpu.region"() ({
      %run_scoped3A = tpu.sem_alloc : memref<!tpu.dma_semaphore, #tpu.memory_space<semaphore_mem>>
      %dma_start3A_102 = arith.constant 0 : i32
      %dma_start3A_103 = arith.constant 0 : i32
      %dma_start3A_104 = tpu.memref_slice %arg4[%add3A_6, %dma_start3A_102, %dma_start3A_103] : memref<2560x1x125xi32, #tpu.memory_space<hbm>> -> memref<40x1x125xi32, #tpu.memory_space<hbm>>
      %dma_start3A_105 = arith.constant 0 : i32
      %dma_start3A_106 = arith.constant 0 : i32
      %dma_start3A_107 = tpu.memref_slice %arg4[%add3A_6, %dma_start3A_105, %dma_start3A_106] : memref<2560x1x125xi32, #tpu.memory_space<hbm>> -> memref<40x1x125xi32, #tpu.memory_space<hbm>>
      tpu.enqueue_dma source(%dma_start3A_107 : memref<40x1x125xi32, #tpu.memory_space<hbm>>) target(%arg9 : memref<40x1x125xi32, #tpu.memory_space<vmem>>) target_semaphore(%run_scoped3A : memref<!tpu.dma_semaphore, #tpu.memory_space<semaphore_mem>>)
      %dma_wait3A = arith.constant 0 : i32
      %dma_wait3A_108 = arith.constant 0 : i32
      %dma_wait3A_109 = tpu.memref_slice %arg4[%add3A_6, %dma_wait3A, %dma_wait3A_108] : memref<2560x1x125xi32, #tpu.memory_space<hbm>> -> memref<40x1x125xi32, #tpu.memory_space<hbm>>
      %dma_wait3A_110 = arith.constant 0 : i32
      %dma_wait3A_111 = arith.constant 0 : i32
      %dma_wait3A_112 = tpu.memref_slice %arg4[%add3A_6, %dma_wait3A_110, %dma_wait3A_111] : memref<2560x1x125xi32, #tpu.memory_space<hbm>> -> memref<40x1x125xi32, #tpu.memory_space<hbm>>
      tpu.wait_dma2 semaphore(%run_scoped3A : memref<!tpu.dma_semaphore, #tpu.memory_space<semaphore_mem>>) src(%dma_wait3A_112 : memref<40x1x125xi32, #tpu.memory_space<hbm>>) dst(%arg9 : memref<40x1x125xi32, #tpu.memory_space<vmem>>)
      tpu.yield
    }) : () -> ()
    %mul3A_7 = arith.constant 80 : i32
    %mul3A_8 = arith.muli %add3A, %mul3A_7 : i32
    %add3A_9 = arith.constant 0 : i32
    %add3A_10 = arith.addi %mul3A_8, %add3A_9 : i32
    "tpu.region"() ({
      %run_scoped3A = tpu.sem_alloc : memref<!tpu.dma_semaphore, #tpu.memory_space<semaphore_mem>>
      %dma_start3A_102 = arith.constant 0 : i32
      %dma_start3A_103 = arith.constant 0 : i32
      %dma_start3A_104 = tpu.memref_slice %arg5[%add3A_10, %dma_start3A_102, %dma_start3A_103] : memref<2560x1x125xi32, #tpu.memory_space<hbm>> -> memref<40x1x125xi32, #tpu.memory_space<hbm>>
      %dma_start3A_105 = arith.constant 0 : i32
      %dma_start3A_106 = arith.constant 0 : i32
      %dma_start3A_107 = tpu.memref_slice %arg5[%add3A_10, %dma_start3A_105, %dma_start3A_106] : memref<2560x1x125xi32, #tpu.memory_space<hbm>> -> memref<40x1x125xi32, #tpu.memory_space<hbm>>
      tpu.enqueue_dma source(%dma_start3A_107 : memref<40x1x125xi32, #tpu.memory_space<hbm>>) target(%arg10 : memref<40x1x125xi32, #tpu.memory_space<vmem>>) target_semaphore(%run_scoped3A : memref<!tpu.dma_semaphore, #tpu.memory_space<semaphore_mem>>)
      %dma_wait3A = arith.constant 0 : i32
      %dma_wait3A_108 = arith.constant 0 : i32
      %dma_wait3A_109 = tpu.memref_slice %arg5[%add3A_10, %dma_wait3A, %dma_wait3A_108] : memref<2560x1x125xi32, #tpu.memory_space<hbm>> -> memref<40x1x125xi32, #tpu.memory_space<hbm>>
      %dma_wait3A_110 = arith.constant 0 : i32
      %dma_wait3A_111 = arith.constant 0 : i32
      %dma_wait3A_112 = tpu.memref_slice %arg5[%add3A_10, %dma_wait3A_110, %dma_wait3A_111] : memref<2560x1x125xi32, #tpu.memory_space<hbm>> -> memref<40x1x125xi32, #tpu.memory_space<hbm>>
      tpu.wait_dma2 semaphore(%run_scoped3A : memref<!tpu.dma_semaphore, #tpu.memory_space<semaphore_mem>>) src(%dma_wait3A_112 : memref<40x1x125xi32, #tpu.memory_space<hbm>>) dst(%arg10 : memref<40x1x125xi32, #tpu.memory_space<vmem>>)
      tpu.yield
    }) : () -> ()
    %dma_start3A = arith.constant 0 : i32
    %dma_start3A_11 = arith.constant 0 : i32
    %dma_start3A_12 = arith.constant 0 : i32
    %dma_start3A_13 = tpu.memref_slice %arg9[%dma_start3A, %dma_start3A_11, %dma_start3A_12] : memref<40x1x125xi32, #tpu.memory_space<vmem>> -> memref<1x1x125xi32, #tpu.memory_space<vmem>>
    %dma_start3A_14 = tpu.memref_squeeze %dma_start3A_13 : memref<1x1x125xi32, #tpu.memory_space<vmem>> -> memref<125xi32, #tpu.memory_space<vmem>>
    %dma_start3A_15 = arith.constant 0 : i32
    %dma_start3A_16 = arith.constant 0 : i32
    %dma_start3A_17 = tpu.memref_slice %arg2[%dma_start3A_15, %dma_start3A_16] : memref<10240x128xf32, #tpu.memory_space<hbm>> -> memref<10240x128xf32, #tpu.memory_space<hbm>>
    tpu.enqueue_indirect_dma source(%dma_start3A_17 : memref<10240x128xf32, #tpu.memory_space<hbm>>) target(%arg11 : memref<125x128xf32, #tpu.memory_space<vmem>>) offsets(%dma_start3A_14 : memref<125xi32, #tpu.memory_space<vmem>>) semaphore(%arg14 : memref<!tpu.dma_semaphore, #tpu.memory_space<semaphore_mem>>)
    %scan3A = arith.constant 0 : i32
    %scan3A_18 = arith.constant 0 : i32
    %scan3A_19 = arith.constant 20 : i32
    %scan3A_20 = arith.addi %scan3A_18, %scan3A_19 : i32
    %scan3A_21 = arith.constant 1 : i32
    scf.for %scan3A_102 = %scan3A_18 to %scan3A_20 step %scan3A_21  : i32 {
      %mul3A_103 = arith.constant 2 : i32
      %mul3A_104 = arith.muli %mul3A_103, %scan3A_102 : i32
      %add3A_105 = arith.constant 1 : i32
      %add3A_106 = arith.addi %mul3A_104, %add3A_105 : i32
      %dma_start3A_107 = arith.constant 0 : i32
      %dma_start3A_108 = arith.constant 0 : i32
      %dma_start3A_109 = tpu.memref_slice %arg9[%add3A_106, %dma_start3A_107, %dma_start3A_108] : memref<40x1x125xi32, #tpu.memory_space<vmem>> -> memref<1x1x125xi32, #tpu.memory_space<vmem>>
      %dma_start3A_110 = tpu.memref_squeeze %dma_start3A_109 : memref<1x1x125xi32, #tpu.memory_space<vmem>> -> memref<125xi32, #tpu.memory_space<vmem>>
      %dma_start3A_111 = arith.constant 0 : i32
      %dma_start3A_112 = arith.constant 0 : i32
      %dma_start3A_113 = tpu.memref_slice %arg2[%dma_start3A_111, %dma_start3A_112] : memref<10240x128xf32, #tpu.memory_space<hbm>> -> memref<10240x128xf32, #tpu.memory_space<hbm>>
      tpu.enqueue_indirect_dma source(%dma_start3A_113 : memref<10240x128xf32, #tpu.memory_space<hbm>>) target(%arg12 : memref<125x128xf32, #tpu.memory_space<vmem>>) offsets(%dma_start3A_110 : memref<125xi32, #tpu.memory_space<vmem>>) semaphore(%arg15 : memref<!tpu.dma_semaphore, #tpu.memory_space<semaphore_mem>>)
      %dma_wait3A = arith.constant 0 : i32
      %dma_wait3A_114 = arith.constant 0 : i32
      %dma_wait3A_115 = tpu.memref_slice %arg9[%mul3A_104, %dma_wait3A, %dma_wait3A_114] : memref<40x1x125xi32, #tpu.memory_space<vmem>> -> memref<1x1x125xi32, #tpu.memory_space<vmem>>
      %dma_wait3A_116 = tpu.memref_squeeze %dma_wait3A_115 : memref<1x1x125xi32, #tpu.memory_space<vmem>> -> memref<125xi32, #tpu.memory_space<vmem>>
      %dma_wait3A_117 = arith.constant 0 : i32
      %dma_wait3A_118 = arith.constant 0 : i32
      %dma_wait3A_119 = tpu.memref_slice %arg2[%dma_wait3A_117, %dma_wait3A_118] : memref<10240x128xf32, #tpu.memory_space<hbm>> -> memref<10240x128xf32, #tpu.memory_space<hbm>>
      tpu.wait_indirect_dma semaphore(%arg14 : memref<!tpu.dma_semaphore, #tpu.memory_space<semaphore_mem>>) src(%dma_wait3A_119 : memref<10240x128xf32, #tpu.memory_space<hbm>>) dst(%arg11 : memref<125x128xf32, #tpu.memory_space<vmem>>)
      %run_scoped3A = arith.constant 0 : i32
      "tpu.region"() ({
        %run_scoped3A_132 = tpu.sem_alloc : memref<!tpu.dma_semaphore, #tpu.memory_space<semaphore_mem>>
        %dma_start3A_133 = arith.constant 0 : i32
        %dma_start3A_134 = tpu.memref_slice %arg10[%mul3A_104, %run_scoped3A, %dma_start3A_133] : memref<40x1x125xi32, #tpu.memory_space<vmem>> -> memref<1x1x125xi32, #tpu.memory_space<vmem>>
        %dma_start3A_135 = tpu.memref_squeeze %dma_start3A_134 : memref<1x1x125xi32, #tpu.memory_space<vmem>> -> memref<125xi32, #tpu.memory_space<vmem>>
        %dma_start3A_136 = arith.constant 0 : i32
        %dma_start3A_137 = arith.constant 0 : i32
        %dma_start3A_138 = tpu.memref_slice %arg13[%dma_start3A_136, %dma_start3A_137] : memref<10240x128xf32, #tpu.memory_space<vmem_shared>> -> memref<10240x128xf32, #tpu.memory_space<vmem_shared>>
        tpu.enqueue_indirect_dma source(%arg11 : memref<125x128xf32, #tpu.memory_space<vmem>>) target(%dma_start3A_138 : memref<10240x128xf32, #tpu.memory_space<vmem_shared>>) offsets(%dma_start3A_135 : memref<125xi32, #tpu.memory_space<vmem>>) semaphore(%run_scoped3A_132 : memref<!tpu.dma_semaphore, #tpu.memory_space<semaphore_mem>>) {add = true}
        %dma_wait3A_139 = arith.constant 0 : i32
        %dma_wait3A_140 = tpu.memref_slice %arg10[%mul3A_104, %run_scoped3A, %dma_wait3A_139] : memref<40x1x125xi32, #tpu.memory_space<vmem>> -> memref<1x1x125xi32, #tpu.memory_space<vmem>>
        %dma_wait3A_141 = tpu.memref_squeeze %dma_wait3A_140 : memref<1x1x125xi32, #tpu.memory_space<vmem>> -> memref<125xi32, #tpu.memory_space<vmem>>
        %dma_wait3A_142 = arith.constant 0 : i32
        %dma_wait3A_143 = arith.constant 0 : i32
        %dma_wait3A_144 = tpu.memref_slice %arg13[%dma_wait3A_142, %dma_wait3A_143] : memref<10240x128xf32, #tpu.memory_space<vmem_shared>> -> memref<10240x128xf32, #tpu.memory_space<vmem_shared>>
        tpu.wait_indirect_dma semaphore(%run_scoped3A_132 : memref<!tpu.dma_semaphore, #tpu.memory_space<semaphore_mem>>) src(%arg11 : memref<125x128xf32, #tpu.memory_space<vmem>>) dst(%dma_wait3A_144 : memref<10240x128xf32, #tpu.memory_space<vmem_shared>>)
        tpu.yield
      }) : () -> ()
      %add3A_120 = arith.constant 1 : i32
      %add3A_121 = arith.addi %scan3A_102, %add3A_120 : i32
      %lt3A = arith.constant 20 : i32
      %lt3A_122 = arith.cmpi slt, %add3A_121, %lt3A : i32
      %convert_element_type3A = arith.extui %lt3A_122 : i1 to i32
      %cond3A = arith.constant 0 : i32
      %cond3A_123 = arith.cmpi ne, %convert_element_type3A, %cond3A : i32
      scf.if %cond3A_123 {
        %add3A_132 = arith.constant 2 : i32
        %add3A_133 = arith.addi %mul3A_104, %add3A_132 : i32
        %dma_start3A_134 = arith.constant 0 : i32
        %dma_start3A_135 = arith.constant 0 : i32
        %dma_start3A_136 = tpu.memref_slice %arg9[%add3A_133, %dma_start3A_134, %dma_start3A_135] : memref<40x1x125xi32, #tpu.memory_space<vmem>> -> memref<1x1x125xi32, #tpu.memory_space<vmem>>
        %dma_start3A_137 = tpu.memref_squeeze %dma_start3A_136 : memref<1x1x125xi32, #tpu.memory_space<vmem>> -> memref<125xi32, #tpu.memory_space<vmem>>
        %dma_start3A_138 = arith.constant 0 : i32
        %dma_start3A_139 = arith.constant 0 : i32
        %dma_start3A_140 = tpu.memref_slice %arg2[%dma_start3A_138, %dma_start3A_139] : memref<10240x128xf32, #tpu.memory_space<hbm>> -> memref<10240x128xf32, #tpu.memory_space<hbm>>
        tpu.enqueue_indirect_dma source(%dma_start3A_140 : memref<10240x128xf32, #tpu.memory_space<hbm>>) target(%arg11 : memref<125x128xf32, #tpu.memory_space<vmem>>) offsets(%dma_start3A_137 : memref<125xi32, #tpu.memory_space<vmem>>) semaphore(%arg14 : memref<!tpu.dma_semaphore, #tpu.memory_space<semaphore_mem>>)
      } else {
      }
      %dma_wait3A_124 = arith.constant 0 : i32
      %dma_wait3A_125 = arith.constant 0 : i32
      %dma_wait3A_126 = tpu.memref_slice %arg9[%add3A_106, %dma_wait3A_124, %dma_wait3A_125] : memref<40x1x125xi32, #tpu.memory_space<vmem>> -> memref<1x1x125xi32, #tpu.memory_space<vmem>>
      %dma_wait3A_127 = tpu.memref_squeeze %dma_wait3A_126 : memref<1x1x125xi32, #tpu.memory_space<vmem>> -> memref<125xi32, #tpu.memory_space<vmem>>
      %dma_wait3A_128 = arith.constant 0 : i32
      %dma_wait3A_129 = arith.constant 0 : i32
      %dma_wait3A_130 = tpu.memref_slice %arg2[%dma_wait3A_128, %dma_wait3A_129] : memref<10240x128xf32, #tpu.memory_space<hbm>> -> memref<10240x128xf32, #tpu.memory_space<hbm>>
      tpu.wait_indirect_dma semaphore(%arg15 : memref<!tpu.dma_semaphore, #tpu.memory_space<semaphore_mem>>) src(%dma_wait3A_130 : memref<10240x128xf32, #tpu.memory_space<hbm>>) dst(%arg12 : memref<125x128xf32, #tpu.memory_space<vmem>>)
      %run_scoped3A_131 = arith.constant 0 : i32
      "tpu.region"() ({
        %run_scoped3A_132 = tpu.sem_alloc : memref<!tpu.dma_semaphore, #tpu.memory_space<semaphore_mem>>
        %dma_start3A_133 = arith.constant 0 : i32
        %dma_start3A_134 = tpu.memref_slice %arg10[%add3A_106, %run_scoped3A_131, %dma_start3A_133] : memref<40x1x125xi32, #tpu.memory_space<vmem>> -> memref<1x1x125xi32, #tpu.memory_space<vmem>>
        %dma_start3A_135 = tpu.memref_squeeze %dma_start3A_134 : memref<1x1x125xi32, #tpu.memory_space<vmem>> -> memref<125xi32, #tpu.memory_space<vmem>>
        %dma_start3A_136 = arith.constant 0 : i32
        %dma_start3A_137 = arith.constant 0 : i32
        %dma_start3A_138 = tpu.memref_slice %arg13[%dma_start3A_136, %dma_start3A_137] : memref<10240x128xf32, #tpu.memory_space<vmem_shared>> -> memref<10240x128xf32, #tpu.memory_space<vmem_shared>>
        tpu.enqueue_indirect_dma source(%arg12 : memref<125x128xf32, #tpu.memory_space<vmem>>) target(%dma_start3A_138 : memref<10240x128xf32, #tpu.memory_space<vmem_shared>>) offsets(%dma_start3A_135 : memref<125xi32, #tpu.memory_space<vmem>>) semaphore(%run_scoped3A_132 : memref<!tpu.dma_semaphore, #tpu.memory_space<semaphore_mem>>) {add = true}
        %dma_wait3A_139 = arith.constant 0 : i32
        %dma_wait3A_140 = tpu.memref_slice %arg10[%add3A_106, %run_scoped3A_131, %dma_wait3A_139] : memref<40x1x125xi32, #tpu.memory_space<vmem>> -> memref<1x1x125xi32, #tpu.memory_space<vmem>>
        %dma_wait3A_141 = tpu.memref_squeeze %dma_wait3A_140 : memref<1x1x125xi32, #tpu.memory_space<vmem>> -> memref<125xi32, #tpu.memory_space<vmem>>
        %dma_wait3A_142 = arith.constant 0 : i32
        %dma_wait3A_143 = arith.constant 0 : i32
        %dma_wait3A_144 = tpu.memref_slice %arg13[%dma_wait3A_142, %dma_wait3A_143] : memref<10240x128xf32, #tpu.memory_space<vmem_shared>> -> memref<10240x128xf32, #tpu.memory_space<vmem_shared>>
        tpu.wait_indirect_dma semaphore(%run_scoped3A_132 : memref<!tpu.dma_semaphore, #tpu.memory_space<semaphore_mem>>) src(%arg12 : memref<125x128xf32, #tpu.memory_space<vmem>>) dst(%dma_wait3A_144 : memref<10240x128xf32, #tpu.memory_space<vmem_shared>>)
        tpu.yield
      }) : () -> ()
    }
    %scan3A_22 = arith.constant 20 : i32
    %mul3A_23 = arith.constant 80 : i32
    %mul3A_24 = arith.muli %add3A, %mul3A_23 : i32
    %add3A_25 = arith.constant 40 : i32
    %add3A_26 = arith.addi %mul3A_24, %add3A_25 : i32
    "tpu.region"() ({
      %run_scoped3A = tpu.sem_alloc : memref<!tpu.dma_semaphore, #tpu.memory_space<semaphore_mem>>
      %dma_start3A_102 = arith.constant 0 : i32
      %dma_start3A_103 = arith.constant 0 : i32
      %dma_start3A_104 = tpu.memref_slice %arg4[%add3A_26, %dma_start3A_102, %dma_start3A_103] : memref<2560x1x125xi32, #tpu.memory_space<hbm>> -> memref<40x1x125xi32, #tpu.memory_space<hbm>>
      %dma_start3A_105 = arith.constant 0 : i32
      %dma_start3A_106 = arith.constant 0 : i32
      %dma_start3A_107 = tpu.memref_slice %arg4[%add3A_26, %dma_start3A_105, %dma_start3A_106] : memref<2560x1x125xi32, #tpu.memory_space<hbm>> -> memref<40x1x125xi32, #tpu.memory_space<hbm>>
      tpu.enqueue_dma source(%dma_start3A_107 : memref<40x1x125xi32, #tpu.memory_space<hbm>>) target(%arg9 : memref<40x1x125xi32, #tpu.memory_space<vmem>>) target_semaphore(%run_scoped3A : memref<!tpu.dma_semaphore, #tpu.memory_space<semaphore_mem>>)
      %dma_wait3A = arith.constant 0 : i32
      %dma_wait3A_108 = arith.constant 0 : i32
      %dma_wait3A_109 = tpu.memref_slice %arg4[%add3A_26, %dma_wait3A, %dma_wait3A_108] : memref<2560x1x125xi32, #tpu.memory_space<hbm>> -> memref<40x1x125xi32, #tpu.memory_space<hbm>>
      %dma_wait3A_110 = arith.constant 0 : i32
      %dma_wait3A_111 = arith.constant 0 : i32
      %dma_wait3A_112 = tpu.memref_slice %arg4[%add3A_26, %dma_wait3A_110, %dma_wait3A_111] : memref<2560x1x125xi32, #tpu.memory_space<hbm>> -> memref<40x1x125xi32, #tpu.memory_space<hbm>>
      tpu.wait_dma2 semaphore(%run_scoped3A : memref<!tpu.dma_semaphore, #tpu.memory_space<semaphore_mem>>) src(%dma_wait3A_112 : memref<40x1x125xi32, #tpu.memory_space<hbm>>) dst(%arg9 : memref<40x1x125xi32, #tpu.memory_space<vmem>>)
      tpu.yield
    }) : () -> ()
    %mul3A_27 = arith.constant 80 : i32
    %mul3A_28 = arith.muli %add3A, %mul3A_27 : i32
    %add3A_29 = arith.constant 40 : i32
    %add3A_30 = arith.addi %mul3A_28, %add3A_29 : i32
    "tpu.region"() ({
      %run_scoped3A = tpu.sem_alloc : memref<!tpu.dma_semaphore, #tpu.memory_space<semaphore_mem>>
      %dma_start3A_102 = arith.constant 0 : i32
      %dma_start3A_103 = arith.constant 0 : i32
      %dma_start3A_104 = tpu.memref_slice %arg5[%add3A_30, %dma_start3A_102, %dma_start3A_103] : memref<2560x1x125xi32, #tpu.memory_space<hbm>> -> memref<40x1x125xi32, #tpu.memory_space<hbm>>
      %dma_start3A_105 = arith.constant 0 : i32
      %dma_start3A_106 = arith.constant 0 : i32
      %dma_start3A_107 = tpu.memref_slice %arg5[%add3A_30, %dma_start3A_105, %dma_start3A_106] : memref<2560x1x125xi32, #tpu.memory_space<hbm>> -> memref<40x1x125xi32, #tpu.memory_space<hbm>>
      tpu.enqueue_dma source(%dma_start3A_107 : memref<40x1x125xi32, #tpu.memory_space<hbm>>) target(%arg10 : memref<40x1x125xi32, #tpu.memory_space<vmem>>) target_semaphore(%run_scoped3A : memref<!tpu.dma_semaphore, #tpu.memory_space<semaphore_mem>>)
      %dma_wait3A = arith.constant 0 : i32
      %dma_wait3A_108 = arith.constant 0 : i32
      %dma_wait3A_109 = tpu.memref_slice %arg5[%add3A_30, %dma_wait3A, %dma_wait3A_108] : memref<2560x1x125xi32, #tpu.memory_space<hbm>> -> memref<40x1x125xi32, #tpu.memory_space<hbm>>
      %dma_wait3A_110 = arith.constant 0 : i32
      %dma_wait3A_111 = arith.constant 0 : i32
      %dma_wait3A_112 = tpu.memref_slice %arg5[%add3A_30, %dma_wait3A_110, %dma_wait3A_111] : memref<2560x1x125xi32, #tpu.memory_space<hbm>> -> memref<40x1x125xi32, #tpu.memory_space<hbm>>
      tpu.wait_dma2 semaphore(%run_scoped3A : memref<!tpu.dma_semaphore, #tpu.memory_space<semaphore_mem>>) src(%dma_wait3A_112 : memref<40x1x125xi32, #tpu.memory_space<hbm>>) dst(%arg10 : memref<40x1x125xi32, #tpu.memory_space<vmem>>)
      tpu.yield
    }) : () -> ()
    %dma_start3A_31 = arith.constant 0 : i32
    %dma_start3A_32 = arith.constant 0 : i32
    %dma_start3A_33 = arith.constant 0 : i32
    %dma_start3A_34 = tpu.memref_slice %arg9[%dma_start3A_31, %dma_start3A_32, %dma_start3A_33] : memref<40x1x125xi32, #tpu.memory_space<vmem>> -> memref<1x1x125xi32, #tpu.memory_space<vmem>>
    %dma_start3A_35 = tpu.memref_squeeze %dma_start3A_34 : memref<1x1x125xi32, #tpu.memory_space<vmem>> -> memref<125xi32, #tpu.memory_space<vmem>>
    %dma_start3A_36 = arith.constant 0 : i32
    %dma_start3A_37 = arith.constant 0 : i32
    %dma_start3A_38 = tpu.memref_slice %arg2[%dma_start3A_36, %dma_start3A_37] : memref<10240x128xf32, #tpu.memory_space<hbm>> -> memref<10240x128xf32, #tpu.memory_space<hbm>>
    tpu.enqueue_indirect_dma source(%dma_start3A_38 : memref<10240x128xf32, #tpu.memory_space<hbm>>) target(%arg11 : memref<125x128xf32, #tpu.memory_space<vmem>>) offsets(%dma_start3A_35 : memref<125xi32, #tpu.memory_space<vmem>>) semaphore(%arg14 : memref<!tpu.dma_semaphore, #tpu.memory_space<semaphore_mem>>)
    %scan3A_39 = arith.constant 0 : i32
    %scan3A_40 = arith.constant 0 : i32
    %scan3A_41 = arith.constant 20 : i32
    %scan3A_42 = arith.addi %scan3A_40, %scan3A_41 : i32
    %scan3A_43 = arith.constant 1 : i32
    scf.for %scan3A_102 = %scan3A_40 to %scan3A_42 step %scan3A_43  : i32 {
      %mul3A_103 = arith.constant 2 : i32
      %mul3A_104 = arith.muli %mul3A_103, %scan3A_102 : i32
      %add3A_105 = arith.constant 1 : i32
      %add3A_106 = arith.addi %mul3A_104, %add3A_105 : i32
      %dma_start3A_107 = arith.constant 0 : i32
      %dma_start3A_108 = arith.constant 0 : i32
      %dma_start3A_109 = tpu.memref_slice %arg9[%add3A_106, %dma_start3A_107, %dma_start3A_108] : memref<40x1x125xi32, #tpu.memory_space<vmem>> -> memref<1x1x125xi32, #tpu.memory_space<vmem>>
      %dma_start3A_110 = tpu.memref_squeeze %dma_start3A_109 : memref<1x1x125xi32, #tpu.memory_space<vmem>> -> memref<125xi32, #tpu.memory_space<vmem>>
      %dma_start3A_111 = arith.constant 0 : i32
      %dma_start3A_112 = arith.constant 0 : i32
      %dma_start3A_113 = tpu.memref_slice %arg2[%dma_start3A_111, %dma_start3A_112] : memref<10240x128xf32, #tpu.memory_space<hbm>> -> memref<10240x128xf32, #tpu.memory_space<hbm>>
      tpu.enqueue_indirect_dma source(%dma_start3A_113 : memref<10240x128xf32, #tpu.memory_space<hbm>>) target(%arg12 : memref<125x128xf32, #tpu.memory_space<vmem>>) offsets(%dma_start3A_110 : memref<125xi32, #tpu.memory_space<vmem>>) semaphore(%arg15 : memref<!tpu.dma_semaphore, #tpu.memory_space<semaphore_mem>>)
      %dma_wait3A = arith.constant 0 : i32
      %dma_wait3A_114 = arith.constant 0 : i32
      %dma_wait3A_115 = tpu.memref_slice %arg9[%mul3A_104, %dma_wait3A, %dma_wait3A_114] : memref<40x1x125xi32, #tpu.memory_space<vmem>> -> memref<1x1x125xi32, #tpu.memory_space<vmem>>
      %dma_wait3A_116 = tpu.memref_squeeze %dma_wait3A_115 : memref<1x1x125xi32, #tpu.memory_space<vmem>> -> memref<125xi32, #tpu.memory_space<vmem>>
      %dma_wait3A_117 = arith.constant 0 : i32
      %dma_wait3A_118 = arith.constant 0 : i32
      %dma_wait3A_119 = tpu.memref_slice %arg2[%dma_wait3A_117, %dma_wait3A_118] : memref<10240x128xf32, #tpu.memory_space<hbm>> -> memref<10240x128xf32, #tpu.memory_space<hbm>>
      tpu.wait_indirect_dma semaphore(%arg14 : memref<!tpu.dma_semaphore, #tpu.memory_space<semaphore_mem>>) src(%dma_wait3A_119 : memref<10240x128xf32, #tpu.memory_space<hbm>>) dst(%arg11 : memref<125x128xf32, #tpu.memory_space<vmem>>)
      %run_scoped3A = arith.constant 0 : i32
      "tpu.region"() ({
        %run_scoped3A_132 = tpu.sem_alloc : memref<!tpu.dma_semaphore, #tpu.memory_space<semaphore_mem>>
        %dma_start3A_133 = arith.constant 0 : i32
        %dma_start3A_134 = tpu.memref_slice %arg10[%mul3A_104, %run_scoped3A, %dma_start3A_133] : memref<40x1x125xi32, #tpu.memory_space<vmem>> -> memref<1x1x125xi32, #tpu.memory_space<vmem>>
        %dma_start3A_135 = tpu.memref_squeeze %dma_start3A_134 : memref<1x1x125xi32, #tpu.memory_space<vmem>> -> memref<125xi32, #tpu.memory_space<vmem>>
        %dma_start3A_136 = arith.constant 0 : i32
        %dma_start3A_137 = arith.constant 0 : i32
        %dma_start3A_138 = tpu.memref_slice %arg13[%dma_start3A_136, %dma_start3A_137] : memref<10240x128xf32, #tpu.memory_space<vmem_shared>> -> memref<10240x128xf32, #tpu.memory_space<vmem_shared>>
        tpu.enqueue_indirect_dma source(%arg11 : memref<125x128xf32, #tpu.memory_space<vmem>>) target(%dma_start3A_138 : memref<10240x128xf32, #tpu.memory_space<vmem_shared>>) offsets(%dma_start3A_135 : memref<125xi32, #tpu.memory_space<vmem>>) semaphore(%run_scoped3A_132 : memref<!tpu.dma_semaphore, #tpu.memory_space<semaphore_mem>>) {add = true}
        %dma_wait3A_139 = arith.constant 0 : i32
        %dma_wait3A_140 = tpu.memref_slice %arg10[%mul3A_104, %run_scoped3A, %dma_wait3A_139] : memref<40x1x125xi32, #tpu.memory_space<vmem>> -> memref<1x1x125xi32, #tpu.memory_space<vmem>>
        %dma_wait3A_141 = tpu.memref_squeeze %dma_wait3A_140 : memref<1x1x125xi32, #tpu.memory_space<vmem>> -> memref<125xi32, #tpu.memory_space<vmem>>
        %dma_wait3A_142 = arith.constant 0 : i32
        %dma_wait3A_143 = arith.constant 0 : i32
        %dma_wait3A_144 = tpu.memref_slice %arg13[%dma_wait3A_142, %dma_wait3A_143] : memref<10240x128xf32, #tpu.memory_space<vmem_shared>> -> memref<10240x128xf32, #tpu.memory_space<vmem_shared>>
        tpu.wait_indirect_dma semaphore(%run_scoped3A_132 : memref<!tpu.dma_semaphore, #tpu.memory_space<semaphore_mem>>) src(%arg11 : memref<125x128xf32, #tpu.memory_space<vmem>>) dst(%dma_wait3A_144 : memref<10240x128xf32, #tpu.memory_space<vmem_shared>>)
        tpu.yield
      }) : () -> ()
      %add3A_120 = arith.constant 1 : i32
      %add3A_121 = arith.addi %scan3A_102, %add3A_120 : i32
      %lt3A = arith.constant 20 : i32
      %lt3A_122 = arith.cmpi slt, %add3A_121, %lt3A : i32
      %convert_element_type3A = arith.extui %lt3A_122 : i1 to i32
      %cond3A = arith.constant 0 : i32
      %cond3A_123 = arith.cmpi ne, %convert_element_type3A, %cond3A : i32
      scf.if %cond3A_123 {
        %add3A_132 = arith.constant 2 : i32
        %add3A_133 = arith.addi %mul3A_104, %add3A_132 : i32
        %dma_start3A_134 = arith.constant 0 : i32
        %dma_start3A_135 = arith.constant 0 : i32
        %dma_start3A_136 = tpu.memref_slice %arg9[%add3A_133, %dma_start3A_134, %dma_start3A_135] : memref<40x1x125xi32, #tpu.memory_space<vmem>> -> memref<1x1x125xi32, #tpu.memory_space<vmem>>
        %dma_start3A_137 = tpu.memref_squeeze %dma_start3A_136 : memref<1x1x125xi32, #tpu.memory_space<vmem>> -> memref<125xi32, #tpu.memory_space<vmem>>
        %dma_start3A_138 = arith.constant 0 : i32
        %dma_start3A_139 = arith.constant 0 : i32
        %dma_start3A_140 = tpu.memref_slice %arg2[%dma_start3A_138, %dma_start3A_139] : memref<10240x128xf32, #tpu.memory_space<hbm>> -> memref<10240x128xf32, #tpu.memory_space<hbm>>
        tpu.enqueue_indirect_dma source(%dma_start3A_140 : memref<10240x128xf32, #tpu.memory_space<hbm>>) target(%arg11 : memref<125x128xf32, #tpu.memory_space<vmem>>) offsets(%dma_start3A_137 : memref<125xi32, #tpu.memory_space<vmem>>) semaphore(%arg14 : memref<!tpu.dma_semaphore, #tpu.memory_space<semaphore_mem>>)
      } else {
      }
      %dma_wait3A_124 = arith.constant 0 : i32
      %dma_wait3A_125 = arith.constant 0 : i32
      %dma_wait3A_126 = tpu.memref_slice %arg9[%add3A_106, %dma_wait3A_124, %dma_wait3A_125] : memref<40x1x125xi32, #tpu.memory_space<vmem>> -> memref<1x1x125xi32, #tpu.memory_space<vmem>>
      %dma_wait3A_127 = tpu.memref_squeeze %dma_wait3A_126 : memref<1x1x125xi32, #tpu.memory_space<vmem>> -> memref<125xi32, #tpu.memory_space<vmem>>
      %dma_wait3A_128 = arith.constant 0 : i32
      %dma_wait3A_129 = arith.constant 0 : i32
      %dma_wait3A_130 = tpu.memref_slice %arg2[%dma_wait3A_128, %dma_wait3A_129] : memref<10240x128xf32, #tpu.memory_space<hbm>> -> memref<10240x128xf32, #tpu.memory_space<hbm>>
      tpu.wait_indirect_dma semaphore(%arg15 : memref<!tpu.dma_semaphore, #tpu.memory_space<semaphore_mem>>) src(%dma_wait3A_130 : memref<10240x128xf32, #tpu.memory_space<hbm>>) dst(%arg12 : memref<125x128xf32, #tpu.memory_space<vmem>>)
      %run_scoped3A_131 = arith.constant 0 : i32
      "tpu.region"() ({
        %run_scoped3A_132 = tpu.sem_alloc : memref<!tpu.dma_semaphore, #tpu.memory_space<semaphore_mem>>
        %dma_start3A_133 = arith.constant 0 : i32
        %dma_start3A_134 = tpu.memref_slice %arg10[%add3A_106, %run_scoped3A_131, %dma_start3A_133] : memref<40x1x125xi32, #tpu.memory_space<vmem>> -> memref<1x1x125xi32, #tpu.memory_space<vmem>>
        %dma_start3A_135 = tpu.memref_squeeze %dma_start3A_134 : memref<1x1x125xi32, #tpu.memory_space<vmem>> -> memref<125xi32, #tpu.memory_space<vmem>>
        %dma_start3A_136 = arith.constant 0 : i32
        %dma_start3A_137 = arith.constant 0 : i32
        %dma_start3A_138 = tpu.memref_slice %arg13[%dma_start3A_136, %dma_start3A_137] : memref<10240x128xf32, #tpu.memory_space<vmem_shared>> -> memref<10240x128xf32, #tpu.memory_space<vmem_shared>>
        tpu.enqueue_indirect_dma source(%arg12 : memref<125x128xf32, #tpu.memory_space<vmem>>) target(%dma_start3A_138 : memref<10240x128xf32, #tpu.memory_space<vmem_shared>>) offsets(%dma_start3A_135 : memref<125xi32, #tpu.memory_space<vmem>>) semaphore(%run_scoped3A_132 : memref<!tpu.dma_semaphore, #tpu.memory_space<semaphore_mem>>) {add = true}
        %dma_wait3A_139 = arith.constant 0 : i32
        %dma_wait3A_140 = tpu.memref_slice %arg10[%add3A_106, %run_scoped3A_131, %dma_wait3A_139] : memref<40x1x125xi32, #tpu.memory_space<vmem>> -> memref<1x1x125xi32, #tpu.memory_space<vmem>>
        %dma_wait3A_141 = tpu.memref_squeeze %dma_wait3A_140 : memref<1x1x125xi32, #tpu.memory_space<vmem>> -> memref<125xi32, #tpu.memory_space<vmem>>
        %dma_wait3A_142 = arith.constant 0 : i32
        %dma_wait3A_143 = arith.constant 0 : i32
        %dma_wait3A_144 = tpu.memref_slice %arg13[%dma_wait3A_142, %dma_wait3A_143] : memref<10240x128xf32, #tpu.memory_space<vmem_shared>> -> memref<10240x128xf32, #tpu.memory_space<vmem_shared>>
        tpu.wait_indirect_dma semaphore(%run_scoped3A_132 : memref<!tpu.dma_semaphore, #tpu.memory_space<semaphore_mem>>) src(%arg12 : memref<125x128xf32, #tpu.memory_space<vmem>>) dst(%dma_wait3A_144 : memref<10240x128xf32, #tpu.memory_space<vmem_shared>>)
        tpu.yield
      }) : () -> ()
    }
    %scan3A_44 = arith.constant 20 : i32
    %barrier3A_45 = arith.constant 0 : index
    tpu.barrier barrier_id(%barrier3A_45)
    %mul3A_46 = arith.constant 640 : i32
    %mul3A_47 = arith.muli %arg1, %mul3A_46 : i32
    %mul3A_48 = arith.constant 640 : i32
    %mul3A_49 = arith.muli %arg1, %mul3A_48 : i32
    "tpu.region"() ({
      %run_scoped3A = tpu.sem_alloc : memref<!tpu.dma_semaphore, #tpu.memory_space<semaphore_mem>>
      %dma_start3A_102 = arith.constant 0 : i32
      %dma_start3A_103 = tpu.memref_slice %arg7[%arg0, %mul3A_49, %dma_start3A_102] : memref<2x10240x128xf32, #tpu.memory_space<hbm>> -> memref<1x640x128xf32, #tpu.memory_space<hbm>>
      %dma_start3A_104 = tpu.memref_squeeze %dma_start3A_103 : memref<1x640x128xf32, #tpu.memory_space<hbm>> -> memref<640x128xf32, #tpu.memory_space<hbm>>
      %dma_start3A_105 = arith.constant 0 : i32
      %dma_start3A_106 = tpu.memref_slice %arg13[%mul3A_47, %dma_start3A_105] : memref<10240x128xf32, #tpu.memory_space<vmem_shared>> -> memref<640x128xf32, #tpu.memory_space<vmem_shared>>
      tpu.enqueue_dma source(%dma_start3A_106 : memref<640x128xf32, #tpu.memory_space<vmem_shared>>) target(%dma_start3A_104 : memref<640x128xf32, #tpu.memory_space<hbm>>) target_semaphore(%run_scoped3A : memref<!tpu.dma_semaphore, #tpu.memory_space<semaphore_mem>>)
      %dma_wait3A = arith.constant 0 : i32
      %dma_wait3A_107 = tpu.memref_slice %arg7[%arg0, %mul3A_49, %dma_wait3A] : memref<2x10240x128xf32, #tpu.memory_space<hbm>> -> memref<1x640x128xf32, #tpu.memory_space<hbm>>
      %dma_wait3A_108 = tpu.memref_squeeze %dma_wait3A_107 : memref<1x640x128xf32, #tpu.memory_space<hbm>> -> memref<640x128xf32, #tpu.memory_space<hbm>>
      %dma_wait3A_109 = arith.constant 0 : i32
      %dma_wait3A_110 = tpu.memref_slice %arg13[%mul3A_47, %dma_wait3A_109] : memref<10240x128xf32, #tpu.memory_space<vmem_shared>> -> memref<640x128xf32, #tpu.memory_space<vmem_shared>>
      tpu.wait_dma2 semaphore(%run_scoped3A : memref<!tpu.dma_semaphore, #tpu.memory_space<semaphore_mem>>) src(%dma_wait3A_110 : memref<640x128xf32, #tpu.memory_space<vmem_shared>>) dst(%dma_wait3A_108 : memref<640x128xf32, #tpu.memory_space<hbm>>)
      tpu.yield
    }) : () -> ()
    %mul3A_50 = arith.constant 640 : i32
    %mul3A_51 = arith.muli %arg1, %mul3A_50 : i32
    "tpu.region"() ({
      %run_scoped3A = tpu.sem_alloc : memref<!tpu.dma_semaphore, #tpu.memory_space<semaphore_mem>>
      %dma_start3A_102 = arith.constant 0 : i32
      %dma_start3A_103 = tpu.memref_slice %arg13[%mul3A_51, %dma_start3A_102] : memref<10240x128xf32, #tpu.memory_space<vmem_shared>> -> memref<640x128xf32, #tpu.memory_space<vmem_shared>>
      tpu.enqueue_dma source(%arg6 : memref<640x128xf32, #tpu.memory_space<hbm>>) target(%dma_start3A_103 : memref<640x128xf32, #tpu.memory_space<vmem_shared>>) target_semaphore(%run_scoped3A : memref<!tpu.dma_semaphore, #tpu.memory_space<semaphore_mem>>)
      %dma_wait3A = arith.constant 0 : i32
      %dma_wait3A_104 = tpu.memref_slice %arg13[%mul3A_51, %dma_wait3A] : memref<10240x128xf32, #tpu.memory_space<vmem_shared>> -> memref<640x128xf32, #tpu.memory_space<vmem_shared>>
      tpu.wait_dma2 semaphore(%run_scoped3A : memref<!tpu.dma_semaphore, #tpu.memory_space<semaphore_mem>>) src(%arg6 : memref<640x128xf32, #tpu.memory_space<hbm>>) dst(%dma_wait3A_104 : memref<640x128xf32, #tpu.memory_space<vmem_shared>>)
      tpu.yield
    }) : () -> ()
    %barrier3A_52 = arith.constant 0 : index
    tpu.barrier barrier_id(%barrier3A_52)
    %mul3A_53 = arith.constant 80 : i32
    %mul3A_54 = arith.muli %add3A, %mul3A_53 : i32
    %add3A_55 = arith.constant 0 : i32
    %add3A_56 = arith.addi %mul3A_54, %add3A_55 : i32
    "tpu.region"() ({
      %run_scoped3A = tpu.sem_alloc : memref<!tpu.dma_semaphore, #tpu.memory_space<semaphore_mem>>
      %dma_start3A_102 = arith.constant 0 : i32
      %dma_start3A_103 = arith.constant 0 : i32
      %dma_start3A_104 = tpu.memref_slice %arg4[%add3A_56, %dma_start3A_102, %dma_start3A_103] : memref<2560x1x125xi32, #tpu.memory_space<hbm>> -> memref<40x1x125xi32, #tpu.memory_space<hbm>>
      %dma_start3A_105 = arith.constant 0 : i32
      %dma_start3A_106 = arith.constant 0 : i32
      %dma_start3A_107 = tpu.memref_slice %arg4[%add3A_56, %dma_start3A_105, %dma_start3A_106] : memref<2560x1x125xi32, #tpu.memory_space<hbm>> -> memref<40x1x125xi32, #tpu.memory_space<hbm>>
      tpu.enqueue_dma source(%dma_start3A_107 : memref<40x1x125xi32, #tpu.memory_space<hbm>>) target(%arg9 : memref<40x1x125xi32, #tpu.memory_space<vmem>>) target_semaphore(%run_scoped3A : memref<!tpu.dma_semaphore, #tpu.memory_space<semaphore_mem>>)
      %dma_wait3A = arith.constant 0 : i32
      %dma_wait3A_108 = arith.constant 0 : i32
      %dma_wait3A_109 = tpu.memref_slice %arg4[%add3A_56, %dma_wait3A, %dma_wait3A_108] : memref<2560x1x125xi32, #tpu.memory_space<hbm>> -> memref<40x1x125xi32, #tpu.memory_space<hbm>>
      %dma_wait3A_110 = arith.constant 0 : i32
      %dma_wait3A_111 = arith.constant 0 : i32
      %dma_wait3A_112 = tpu.memref_slice %arg4[%add3A_56, %dma_wait3A_110, %dma_wait3A_111] : memref<2560x1x125xi32, #tpu.memory_space<hbm>> -> memref<40x1x125xi32, #tpu.memory_space<hbm>>
      tpu.wait_dma2 semaphore(%run_scoped3A : memref<!tpu.dma_semaphore, #tpu.memory_space<semaphore_mem>>) src(%dma_wait3A_112 : memref<40x1x125xi32, #tpu.memory_space<hbm>>) dst(%arg9 : memref<40x1x125xi32, #tpu.memory_space<vmem>>)
      tpu.yield
    }) : () -> ()
    %mul3A_57 = arith.constant 80 : i32
    %mul3A_58 = arith.muli %add3A, %mul3A_57 : i32
    %add3A_59 = arith.constant 0 : i32
    %add3A_60 = arith.addi %mul3A_58, %add3A_59 : i32
    "tpu.region"() ({
      %run_scoped3A = tpu.sem_alloc : memref<!tpu.dma_semaphore, #tpu.memory_space<semaphore_mem>>
      %dma_start3A_102 = arith.constant 0 : i32
      %dma_start3A_103 = arith.constant 0 : i32
      %dma_start3A_104 = tpu.memref_slice %arg5[%add3A_60, %dma_start3A_102, %dma_start3A_103] : memref<2560x1x125xi32, #tpu.memory_space<hbm>> -> memref<40x1x125xi32, #tpu.memory_space<hbm>>
      %dma_start3A_105 = arith.constant 0 : i32
      %dma_start3A_106 = arith.constant 0 : i32
      %dma_start3A_107 = tpu.memref_slice %arg5[%add3A_60, %dma_start3A_105, %dma_start3A_106] : memref<2560x1x125xi32, #tpu.memory_space<hbm>> -> memref<40x1x125xi32, #tpu.memory_space<hbm>>
      tpu.enqueue_dma source(%dma_start3A_107 : memref<40x1x125xi32, #tpu.memory_space<hbm>>) target(%arg10 : memref<40x1x125xi32, #tpu.memory_space<vmem>>) target_semaphore(%run_scoped3A : memref<!tpu.dma_semaphore, #tpu.memory_space<semaphore_mem>>)
      %dma_wait3A = arith.constant 0 : i32
      %dma_wait3A_108 = arith.constant 0 : i32
      %dma_wait3A_109 = tpu.memref_slice %arg5[%add3A_60, %dma_wait3A, %dma_wait3A_108] : memref<2560x1x125xi32, #tpu.memory_space<hbm>> -> memref<40x1x125xi32, #tpu.memory_space<hbm>>
      %dma_wait3A_110 = arith.constant 0 : i32
      %dma_wait3A_111 = arith.constant 0 : i32
      %dma_wait3A_112 = tpu.memref_slice %arg5[%add3A_60, %dma_wait3A_110, %dma_wait3A_111] : memref<2560x1x125xi32, #tpu.memory_space<hbm>> -> memref<40x1x125xi32, #tpu.memory_space<hbm>>
      tpu.wait_dma2 semaphore(%run_scoped3A : memref<!tpu.dma_semaphore, #tpu.memory_space<semaphore_mem>>) src(%dma_wait3A_112 : memref<40x1x125xi32, #tpu.memory_space<hbm>>) dst(%arg10 : memref<40x1x125xi32, #tpu.memory_space<vmem>>)
      tpu.yield
    }) : () -> ()
    %dma_start3A_61 = arith.constant 0 : i32
    %dma_start3A_62 = arith.constant 0 : i32
    %dma_start3A_63 = arith.constant 0 : i32
    %dma_start3A_64 = tpu.memref_slice %arg9[%dma_start3A_61, %dma_start3A_62, %dma_start3A_63] : memref<40x1x125xi32, #tpu.memory_space<vmem>> -> memref<1x1x125xi32, #tpu.memory_space<vmem>>
    %dma_start3A_65 = tpu.memref_squeeze %dma_start3A_64 : memref<1x1x125xi32, #tpu.memory_space<vmem>> -> memref<125xi32, #tpu.memory_space<vmem>>
    %dma_start3A_66 = arith.constant 0 : i32
    %dma_start3A_67 = arith.constant 0 : i32
    %dma_start3A_68 = tpu.memref_slice %arg3[%dma_start3A_66, %dma_start3A_67] : memref<10240x128xf32, #tpu.memory_space<hbm>> -> memref<10240x128xf32, #tpu.memory_space<hbm>>
    tpu.enqueue_indirect_dma source(%dma_start3A_68 : memref<10240x128xf32, #tpu.memory_space<hbm>>) target(%arg11 : memref<125x128xf32, #tpu.memory_space<vmem>>) offsets(%dma_start3A_65 : memref<125xi32, #tpu.memory_space<vmem>>) semaphore(%arg14 : memref<!tpu.dma_semaphore, #tpu.memory_space<semaphore_mem>>)
    %scan3A_69 = arith.constant 0 : i32
    %scan3A_70 = arith.constant 0 : i32
    %scan3A_71 = arith.constant 20 : i32
    %scan3A_72 = arith.addi %scan3A_70, %scan3A_71 : i32
    %scan3A_73 = arith.constant 1 : i32
    scf.for %scan3A_102 = %scan3A_70 to %scan3A_72 step %scan3A_73  : i32 {
      %mul3A_103 = arith.constant 2 : i32
      %mul3A_104 = arith.muli %mul3A_103, %scan3A_102 : i32
      %add3A_105 = arith.constant 1 : i32
      %add3A_106 = arith.addi %mul3A_104, %add3A_105 : i32
      %dma_start3A_107 = arith.constant 0 : i32
      %dma_start3A_108 = arith.constant 0 : i32
      %dma_start3A_109 = tpu.memref_slice %arg9[%add3A_106, %dma_start3A_107, %dma_start3A_108] : memref<40x1x125xi32, #tpu.memory_space<vmem>> -> memref<1x1x125xi32, #tpu.memory_space<vmem>>
      %dma_start3A_110 = tpu.memref_squeeze %dma_start3A_109 : memref<1x1x125xi32, #tpu.memory_space<vmem>> -> memref<125xi32, #tpu.memory_space<vmem>>
      %dma_start3A_111 = arith.constant 0 : i32
      %dma_start3A_112 = arith.constant 0 : i32
      %dma_start3A_113 = tpu.memref_slice %arg3[%dma_start3A_111, %dma_start3A_112] : memref<10240x128xf32, #tpu.memory_space<hbm>> -> memref<10240x128xf32, #tpu.memory_space<hbm>>
      tpu.enqueue_indirect_dma source(%dma_start3A_113 : memref<10240x128xf32, #tpu.memory_space<hbm>>) target(%arg12 : memref<125x128xf32, #tpu.memory_space<vmem>>) offsets(%dma_start3A_110 : memref<125xi32, #tpu.memory_space<vmem>>) semaphore(%arg15 : memref<!tpu.dma_semaphore, #tpu.memory_space<semaphore_mem>>)
      %dma_wait3A = arith.constant 0 : i32
      %dma_wait3A_114 = arith.constant 0 : i32
      %dma_wait3A_115 = tpu.memref_slice %arg9[%mul3A_104, %dma_wait3A, %dma_wait3A_114] : memref<40x1x125xi32, #tpu.memory_space<vmem>> -> memref<1x1x125xi32, #tpu.memory_space<vmem>>
      %dma_wait3A_116 = tpu.memref_squeeze %dma_wait3A_115 : memref<1x1x125xi32, #tpu.memory_space<vmem>> -> memref<125xi32, #tpu.memory_space<vmem>>
      %dma_wait3A_117 = arith.constant 0 : i32
      %dma_wait3A_118 = arith.constant 0 : i32
      %dma_wait3A_119 = tpu.memref_slice %arg3[%dma_wait3A_117, %dma_wait3A_118] : memref<10240x128xf32, #tpu.memory_space<hbm>> -> memref<10240x128xf32, #tpu.memory_space<hbm>>
      tpu.wait_indirect_dma semaphore(%arg14 : memref<!tpu.dma_semaphore, #tpu.memory_space<semaphore_mem>>) src(%dma_wait3A_119 : memref<10240x128xf32, #tpu.memory_space<hbm>>) dst(%arg11 : memref<125x128xf32, #tpu.memory_space<vmem>>)
      %run_scoped3A = arith.constant 0 : i32
      "tpu.region"() ({
        %run_scoped3A_132 = tpu.sem_alloc : memref<!tpu.dma_semaphore, #tpu.memory_space<semaphore_mem>>
        %dma_start3A_133 = arith.constant 0 : i32
        %dma_start3A_134 = tpu.memref_slice %arg10[%mul3A_104, %run_scoped3A, %dma_start3A_133] : memref<40x1x125xi32, #tpu.memory_space<vmem>> -> memref<1x1x125xi32, #tpu.memory_space<vmem>>
        %dma_start3A_135 = tpu.memref_squeeze %dma_start3A_134 : memref<1x1x125xi32, #tpu.memory_space<vmem>> -> memref<125xi32, #tpu.memory_space<vmem>>
        %dma_start3A_136 = arith.constant 0 : i32
        %dma_start3A_137 = arith.constant 0 : i32
        %dma_start3A_138 = tpu.memref_slice %arg13[%dma_start3A_136, %dma_start3A_137] : memref<10240x128xf32, #tpu.memory_space<vmem_shared>> -> memref<10240x128xf32, #tpu.memory_space<vmem_shared>>
        tpu.enqueue_indirect_dma source(%arg11 : memref<125x128xf32, #tpu.memory_space<vmem>>) target(%dma_start3A_138 : memref<10240x128xf32, #tpu.memory_space<vmem_shared>>) offsets(%dma_start3A_135 : memref<125xi32, #tpu.memory_space<vmem>>) semaphore(%run_scoped3A_132 : memref<!tpu.dma_semaphore, #tpu.memory_space<semaphore_mem>>) {add = true}
        %dma_wait3A_139 = arith.constant 0 : i32
        %dma_wait3A_140 = tpu.memref_slice %arg10[%mul3A_104, %run_scoped3A, %dma_wait3A_139] : memref<40x1x125xi32, #tpu.memory_space<vmem>> -> memref<1x1x125xi32, #tpu.memory_space<vmem>>
        %dma_wait3A_141 = tpu.memref_squeeze %dma_wait3A_140 : memref<1x1x125xi32, #tpu.memory_space<vmem>> -> memref<125xi32, #tpu.memory_space<vmem>>
        %dma_wait3A_142 = arith.constant 0 : i32
        %dma_wait3A_143 = arith.constant 0 : i32
        %dma_wait3A_144 = tpu.memref_slice %arg13[%dma_wait3A_142, %dma_wait3A_143] : memref<10240x128xf32, #tpu.memory_space<vmem_shared>> -> memref<10240x128xf32, #tpu.memory_space<vmem_shared>>
        tpu.wait_indirect_dma semaphore(%run_scoped3A_132 : memref<!tpu.dma_semaphore, #tpu.memory_space<semaphore_mem>>) src(%arg11 : memref<125x128xf32, #tpu.memory_space<vmem>>) dst(%dma_wait3A_144 : memref<10240x128xf32, #tpu.memory_space<vmem_shared>>)
        tpu.yield
      }) : () -> ()
      %add3A_120 = arith.constant 1 : i32
      %add3A_121 = arith.addi %scan3A_102, %add3A_120 : i32
      %lt3A = arith.constant 20 : i32
      %lt3A_122 = arith.cmpi slt, %add3A_121, %lt3A : i32
      %convert_element_type3A = arith.extui %lt3A_122 : i1 to i32
      %cond3A = arith.constant 0 : i32
      %cond3A_123 = arith.cmpi ne, %convert_element_type3A, %cond3A : i32
      scf.if %cond3A_123 {
        %add3A_132 = arith.constant 2 : i32
        %add3A_133 = arith.addi %mul3A_104, %add3A_132 : i32
        %dma_start3A_134 = arith.constant 0 : i32
        %dma_start3A_135 = arith.constant 0 : i32
        %dma_start3A_136 = tpu.memref_slice %arg9[%add3A_133, %dma_start3A_134, %dma_start3A_135] : memref<40x1x125xi32, #tpu.memory_space<vmem>> -> memref<1x1x125xi32, #tpu.memory_space<vmem>>
        %dma_start3A_137 = tpu.memref_squeeze %dma_start3A_136 : memref<1x1x125xi32, #tpu.memory_space<vmem>> -> memref<125xi32, #tpu.memory_space<vmem>>
        %dma_start3A_138 = arith.constant 0 : i32
        %dma_start3A_139 = arith.constant 0 : i32
        %dma_start3A_140 = tpu.memref_slice %arg3[%dma_start3A_138, %dma_start3A_139] : memref<10240x128xf32, #tpu.memory_space<hbm>> -> memref<10240x128xf32, #tpu.memory_space<hbm>>
        tpu.enqueue_indirect_dma source(%dma_start3A_140 : memref<10240x128xf32, #tpu.memory_space<hbm>>) target(%arg11 : memref<125x128xf32, #tpu.memory_space<vmem>>) offsets(%dma_start3A_137 : memref<125xi32, #tpu.memory_space<vmem>>) semaphore(%arg14 : memref<!tpu.dma_semaphore, #tpu.memory_space<semaphore_mem>>)
      } else {
      }
      %dma_wait3A_124 = arith.constant 0 : i32
      %dma_wait3A_125 = arith.constant 0 : i32
      %dma_wait3A_126 = tpu.memref_slice %arg9[%add3A_106, %dma_wait3A_124, %dma_wait3A_125] : memref<40x1x125xi32, #tpu.memory_space<vmem>> -> memref<1x1x125xi32, #tpu.memory_space<vmem>>
      %dma_wait3A_127 = tpu.memref_squeeze %dma_wait3A_126 : memref<1x1x125xi32, #tpu.memory_space<vmem>> -> memref<125xi32, #tpu.memory_space<vmem>>
      %dma_wait3A_128 = arith.constant 0 : i32
      %dma_wait3A_129 = arith.constant 0 : i32
      %dma_wait3A_130 = tpu.memref_slice %arg3[%dma_wait3A_128, %dma_wait3A_129] : memref<10240x128xf32, #tpu.memory_space<hbm>> -> memref<10240x128xf32, #tpu.memory_space<hbm>>
      tpu.wait_indirect_dma semaphore(%arg15 : memref<!tpu.dma_semaphore, #tpu.memory_space<semaphore_mem>>) src(%dma_wait3A_130 : memref<10240x128xf32, #tpu.memory_space<hbm>>) dst(%arg12 : memref<125x128xf32, #tpu.memory_space<vmem>>)
      %run_scoped3A_131 = arith.constant 0 : i32
      "tpu.region"() ({
        %run_scoped3A_132 = tpu.sem_alloc : memref<!tpu.dma_semaphore, #tpu.memory_space<semaphore_mem>>
        %dma_start3A_133 = arith.constant 0 : i32
        %dma_start3A_134 = tpu.memref_slice %arg10[%add3A_106, %run_scoped3A_131, %dma_start3A_133] : memref<40x1x125xi32, #tpu.memory_space<vmem>> -> memref<1x1x125xi32, #tpu.memory_space<vmem>>
        %dma_start3A_135 = tpu.memref_squeeze %dma_start3A_134 : memref<1x1x125xi32, #tpu.memory_space<vmem>> -> memref<125xi32, #tpu.memory_space<vmem>>
        %dma_start3A_136 = arith.constant 0 : i32
        %dma_start3A_137 = arith.constant 0 : i32
        %dma_start3A_138 = tpu.memref_slice %arg13[%dma_start3A_136, %dma_start3A_137] : memref<10240x128xf32, #tpu.memory_space<vmem_shared>> -> memref<10240x128xf32, #tpu.memory_space<vmem_shared>>
        tpu.enqueue_indirect_dma source(%arg12 : memref<125x128xf32, #tpu.memory_space<vmem>>) target(%dma_start3A_138 : memref<10240x128xf32, #tpu.memory_space<vmem_shared>>) offsets(%dma_start3A_135 : memref<125xi32, #tpu.memory_space<vmem>>) semaphore(%run_scoped3A_132 : memref<!tpu.dma_semaphore, #tpu.memory_space<semaphore_mem>>) {add = true}
        %dma_wait3A_139 = arith.constant 0 : i32
        %dma_wait3A_140 = tpu.memref_slice %arg10[%add3A_106, %run_scoped3A_131, %dma_wait3A_139] : memref<40x1x125xi32, #tpu.memory_space<vmem>> -> memref<1x1x125xi32, #tpu.memory_space<vmem>>
        %dma_wait3A_141 = tpu.memref_squeeze %dma_wait3A_140 : memref<1x1x125xi32, #tpu.memory_space<vmem>> -> memref<125xi32, #tpu.memory_space<vmem>>
        %dma_wait3A_142 = arith.constant 0 : i32
        %dma_wait3A_143 = arith.constant 0 : i32
        %dma_wait3A_144 = tpu.memref_slice %arg13[%dma_wait3A_142, %dma_wait3A_143] : memref<10240x128xf32, #tpu.memory_space<vmem_shared>> -> memref<10240x128xf32, #tpu.memory_space<vmem_shared>>
        tpu.wait_indirect_dma semaphore(%run_scoped3A_132 : memref<!tpu.dma_semaphore, #tpu.memory_space<semaphore_mem>>) src(%arg12 : memref<125x128xf32, #tpu.memory_space<vmem>>) dst(%dma_wait3A_144 : memref<10240x128xf32, #tpu.memory_space<vmem_shared>>)
        tpu.yield
      }) : () -> ()
    }
    %scan3A_74 = arith.constant 20 : i32
    %mul3A_75 = arith.constant 80 : i32
    %mul3A_76 = arith.muli %add3A, %mul3A_75 : i32
    %add3A_77 = arith.constant 40 : i32
    %add3A_78 = arith.addi %mul3A_76, %add3A_77 : i32
    "tpu.region"() ({
      %run_scoped3A = tpu.sem_alloc : memref<!tpu.dma_semaphore, #tpu.memory_space<semaphore_mem>>
      %dma_start3A_102 = arith.constant 0 : i32
      %dma_start3A_103 = arith.constant 0 : i32
      %dma_start3A_104 = tpu.memref_slice %arg4[%add3A_78, %dma_start3A_102, %dma_start3A_103] : memref<2560x1x125xi32, #tpu.memory_space<hbm>> -> memref<40x1x125xi32, #tpu.memory_space<hbm>>
      %dma_start3A_105 = arith.constant 0 : i32
      %dma_start3A_106 = arith.constant 0 : i32
      %dma_start3A_107 = tpu.memref_slice %arg4[%add3A_78, %dma_start3A_105, %dma_start3A_106] : memref<2560x1x125xi32, #tpu.memory_space<hbm>> -> memref<40x1x125xi32, #tpu.memory_space<hbm>>
      tpu.enqueue_dma source(%dma_start3A_107 : memref<40x1x125xi32, #tpu.memory_space<hbm>>) target(%arg9 : memref<40x1x125xi32, #tpu.memory_space<vmem>>) target_semaphore(%run_scoped3A : memref<!tpu.dma_semaphore, #tpu.memory_space<semaphore_mem>>)
      %dma_wait3A = arith.constant 0 : i32
      %dma_wait3A_108 = arith.constant 0 : i32
      %dma_wait3A_109 = tpu.memref_slice %arg4[%add3A_78, %dma_wait3A, %dma_wait3A_108] : memref<2560x1x125xi32, #tpu.memory_space<hbm>> -> memref<40x1x125xi32, #tpu.memory_space<hbm>>
      %dma_wait3A_110 = arith.constant 0 : i32
      %dma_wait3A_111 = arith.constant 0 : i32
      %dma_wait3A_112 = tpu.memref_slice %arg4[%add3A_78, %dma_wait3A_110, %dma_wait3A_111] : memref<2560x1x125xi32, #tpu.memory_space<hbm>> -> memref<40x1x125xi32, #tpu.memory_space<hbm>>
      tpu.wait_dma2 semaphore(%run_scoped3A : memref<!tpu.dma_semaphore, #tpu.memory_space<semaphore_mem>>) src(%dma_wait3A_112 : memref<40x1x125xi32, #tpu.memory_space<hbm>>) dst(%arg9 : memref<40x1x125xi32, #tpu.memory_space<vmem>>)
      tpu.yield
    }) : () -> ()
    %mul3A_79 = arith.constant 80 : i32
    %mul3A_80 = arith.muli %add3A, %mul3A_79 : i32
    %add3A_81 = arith.constant 40 : i32
    %add3A_82 = arith.addi %mul3A_80, %add3A_81 : i32
    "tpu.region"() ({
      %run_scoped3A = tpu.sem_alloc : memref<!tpu.dma_semaphore, #tpu.memory_space<semaphore_mem>>
      %dma_start3A_102 = arith.constant 0 : i32
      %dma_start3A_103 = arith.constant 0 : i32
      %dma_start3A_104 = tpu.memref_slice %arg5[%add3A_82, %dma_start3A_102, %dma_start3A_103] : memref<2560x1x125xi32, #tpu.memory_space<hbm>> -> memref<40x1x125xi32, #tpu.memory_space<hbm>>
      %dma_start3A_105 = arith.constant 0 : i32
      %dma_start3A_106 = arith.constant 0 : i32
      %dma_start3A_107 = tpu.memref_slice %arg5[%add3A_82, %dma_start3A_105, %dma_start3A_106] : memref<2560x1x125xi32, #tpu.memory_space<hbm>> -> memref<40x1x125xi32, #tpu.memory_space<hbm>>
      tpu.enqueue_dma source(%dma_start3A_107 : memref<40x1x125xi32, #tpu.memory_space<hbm>>) target(%arg10 : memref<40x1x125xi32, #tpu.memory_space<vmem>>) target_semaphore(%run_scoped3A : memref<!tpu.dma_semaphore, #tpu.memory_space<semaphore_mem>>)
      %dma_wait3A = arith.constant 0 : i32
      %dma_wait3A_108 = arith.constant 0 : i32
      %dma_wait3A_109 = tpu.memref_slice %arg5[%add3A_82, %dma_wait3A, %dma_wait3A_108] : memref<2560x1x125xi32, #tpu.memory_space<hbm>> -> memref<40x1x125xi32, #tpu.memory_space<hbm>>
      %dma_wait3A_110 = arith.constant 0 : i32
      %dma_wait3A_111 = arith.constant 0 : i32
      %dma_wait3A_112 = tpu.memref_slice %arg5[%add3A_82, %dma_wait3A_110, %dma_wait3A_111] : memref<2560x1x125xi32, #tpu.memory_space<hbm>> -> memref<40x1x125xi32, #tpu.memory_space<hbm>>
      tpu.wait_dma2 semaphore(%run_scoped3A : memref<!tpu.dma_semaphore, #tpu.memory_space<semaphore_mem>>) src(%dma_wait3A_112 : memref<40x1x125xi32, #tpu.memory_space<hbm>>) dst(%arg10 : memref<40x1x125xi32, #tpu.memory_space<vmem>>)
      tpu.yield
    }) : () -> ()
    %dma_start3A_83 = arith.constant 0 : i32
    %dma_start3A_84 = arith.constant 0 : i32
    %dma_start3A_85 = arith.constant 0 : i32
    %dma_start3A_86 = tpu.memref_slice %arg9[%dma_start3A_83, %dma_start3A_84, %dma_start3A_85] : memref<40x1x125xi32, #tpu.memory_space<vmem>> -> memref<1x1x125xi32, #tpu.memory_space<vmem>>
    %dma_start3A_87 = tpu.memref_squeeze %dma_start3A_86 : memref<1x1x125xi32, #tpu.memory_space<vmem>> -> memref<125xi32, #tpu.memory_space<vmem>>
    %dma_start3A_88 = arith.constant 0 : i32
    %dma_start3A_89 = arith.constant 0 : i32
    %dma_start3A_90 = tpu.memref_slice %arg3[%dma_start3A_88, %dma_start3A_89] : memref<10240x128xf32, #tpu.memory_space<hbm>> -> memref<10240x128xf32, #tpu.memory_space<hbm>>
    tpu.enqueue_indirect_dma source(%dma_start3A_90 : memref<10240x128xf32, #tpu.memory_space<hbm>>) target(%arg11 : memref<125x128xf32, #tpu.memory_space<vmem>>) offsets(%dma_start3A_87 : memref<125xi32, #tpu.memory_space<vmem>>) semaphore(%arg14 : memref<!tpu.dma_semaphore, #tpu.memory_space<semaphore_mem>>)
    %scan3A_91 = arith.constant 0 : i32
    %scan3A_92 = arith.constant 0 : i32
    %scan3A_93 = arith.constant 20 : i32
    %scan3A_94 = arith.addi %scan3A_92, %scan3A_93 : i32
    %scan3A_95 = arith.constant 1 : i32
    scf.for %scan3A_102 = %scan3A_92 to %scan3A_94 step %scan3A_95  : i32 {
      %mul3A_103 = arith.constant 2 : i32
      %mul3A_104 = arith.muli %mul3A_103, %scan3A_102 : i32
      %add3A_105 = arith.constant 1 : i32
      %add3A_106 = arith.addi %mul3A_104, %add3A_105 : i32
      %dma_start3A_107 = arith.constant 0 : i32
      %dma_start3A_108 = arith.constant 0 : i32
      %dma_start3A_109 = tpu.memref_slice %arg9[%add3A_106, %dma_start3A_107, %dma_start3A_108] : memref<40x1x125xi32, #tpu.memory_space<vmem>> -> memref<1x1x125xi32, #tpu.memory_space<vmem>>
      %dma_start3A_110 = tpu.memref_squeeze %dma_start3A_109 : memref<1x1x125xi32, #tpu.memory_space<vmem>> -> memref<125xi32, #tpu.memory_space<vmem>>
      %dma_start3A_111 = arith.constant 0 : i32
      %dma_start3A_112 = arith.constant 0 : i32
      %dma_start3A_113 = tpu.memref_slice %arg3[%dma_start3A_111, %dma_start3A_112] : memref<10240x128xf32, #tpu.memory_space<hbm>> -> memref<10240x128xf32, #tpu.memory_space<hbm>>
      tpu.enqueue_indirect_dma source(%dma_start3A_113 : memref<10240x128xf32, #tpu.memory_space<hbm>>) target(%arg12 : memref<125x128xf32, #tpu.memory_space<vmem>>) offsets(%dma_start3A_110 : memref<125xi32, #tpu.memory_space<vmem>>) semaphore(%arg15 : memref<!tpu.dma_semaphore, #tpu.memory_space<semaphore_mem>>)
      %dma_wait3A = arith.constant 0 : i32
      %dma_wait3A_114 = arith.constant 0 : i32
      %dma_wait3A_115 = tpu.memref_slice %arg9[%mul3A_104, %dma_wait3A, %dma_wait3A_114] : memref<40x1x125xi32, #tpu.memory_space<vmem>> -> memref<1x1x125xi32, #tpu.memory_space<vmem>>
      %dma_wait3A_116 = tpu.memref_squeeze %dma_wait3A_115 : memref<1x1x125xi32, #tpu.memory_space<vmem>> -> memref<125xi32, #tpu.memory_space<vmem>>
      %dma_wait3A_117 = arith.constant 0 : i32
      %dma_wait3A_118 = arith.constant 0 : i32
      %dma_wait3A_119 = tpu.memref_slice %arg3[%dma_wait3A_117, %dma_wait3A_118] : memref<10240x128xf32, #tpu.memory_space<hbm>> -> memref<10240x128xf32, #tpu.memory_space<hbm>>
      tpu.wait_indirect_dma semaphore(%arg14 : memref<!tpu.dma_semaphore, #tpu.memory_space<semaphore_mem>>) src(%dma_wait3A_119 : memref<10240x128xf32, #tpu.memory_space<hbm>>) dst(%arg11 : memref<125x128xf32, #tpu.memory_space<vmem>>)
      %run_scoped3A = arith.constant 0 : i32
      "tpu.region"() ({
        %run_scoped3A_132 = tpu.sem_alloc : memref<!tpu.dma_semaphore, #tpu.memory_space<semaphore_mem>>
        %dma_start3A_133 = arith.constant 0 : i32
        %dma_start3A_134 = tpu.memref_slice %arg10[%mul3A_104, %run_scoped3A, %dma_start3A_133] : memref<40x1x125xi32, #tpu.memory_space<vmem>> -> memref<1x1x125xi32, #tpu.memory_space<vmem>>
        %dma_start3A_135 = tpu.memref_squeeze %dma_start3A_134 : memref<1x1x125xi32, #tpu.memory_space<vmem>> -> memref<125xi32, #tpu.memory_space<vmem>>
        %dma_start3A_136 = arith.constant 0 : i32
        %dma_start3A_137 = arith.constant 0 : i32
        %dma_start3A_138 = tpu.memref_slice %arg13[%dma_start3A_136, %dma_start3A_137] : memref<10240x128xf32, #tpu.memory_space<vmem_shared>> -> memref<10240x128xf32, #tpu.memory_space<vmem_shared>>
        tpu.enqueue_indirect_dma source(%arg11 : memref<125x128xf32, #tpu.memory_space<vmem>>) target(%dma_start3A_138 : memref<10240x128xf32, #tpu.memory_space<vmem_shared>>) offsets(%dma_start3A_135 : memref<125xi32, #tpu.memory_space<vmem>>) semaphore(%run_scoped3A_132 : memref<!tpu.dma_semaphore, #tpu.memory_space<semaphore_mem>>) {add = true}
        %dma_wait3A_139 = arith.constant 0 : i32
        %dma_wait3A_140 = tpu.memref_slice %arg10[%mul3A_104, %run_scoped3A, %dma_wait3A_139] : memref<40x1x125xi32, #tpu.memory_space<vmem>> -> memref<1x1x125xi32, #tpu.memory_space<vmem>>
        %dma_wait3A_141 = tpu.memref_squeeze %dma_wait3A_140 : memref<1x1x125xi32, #tpu.memory_space<vmem>> -> memref<125xi32, #tpu.memory_space<vmem>>
        %dma_wait3A_142 = arith.constant 0 : i32
        %dma_wait3A_143 = arith.constant 0 : i32
        %dma_wait3A_144 = tpu.memref_slice %arg13[%dma_wait3A_142, %dma_wait3A_143] : memref<10240x128xf32, #tpu.memory_space<vmem_shared>> -> memref<10240x128xf32, #tpu.memory_space<vmem_shared>>
        tpu.wait_indirect_dma semaphore(%run_scoped3A_132 : memref<!tpu.dma_semaphore, #tpu.memory_space<semaphore_mem>>) src(%arg11 : memref<125x128xf32, #tpu.memory_space<vmem>>) dst(%dma_wait3A_144 : memref<10240x128xf32, #tpu.memory_space<vmem_shared>>)
        tpu.yield
      }) : () -> ()
      %add3A_120 = arith.constant 1 : i32
      %add3A_121 = arith.addi %scan3A_102, %add3A_120 : i32
      %lt3A = arith.constant 20 : i32
      %lt3A_122 = arith.cmpi slt, %add3A_121, %lt3A : i32
      %convert_element_type3A = arith.extui %lt3A_122 : i1 to i32
      %cond3A = arith.constant 0 : i32
      %cond3A_123 = arith.cmpi ne, %convert_element_type3A, %cond3A : i32
      scf.if %cond3A_123 {
        %add3A_132 = arith.constant 2 : i32
        %add3A_133 = arith.addi %mul3A_104, %add3A_132 : i32
        %dma_start3A_134 = arith.constant 0 : i32
        %dma_start3A_135 = arith.constant 0 : i32
        %dma_start3A_136 = tpu.memref_slice %arg9[%add3A_133, %dma_start3A_134, %dma_start3A_135] : memref<40x1x125xi32, #tpu.memory_space<vmem>> -> memref<1x1x125xi32, #tpu.memory_space<vmem>>
        %dma_start3A_137 = tpu.memref_squeeze %dma_start3A_136 : memref<1x1x125xi32, #tpu.memory_space<vmem>> -> memref<125xi32, #tpu.memory_space<vmem>>
        %dma_start3A_138 = arith.constant 0 : i32
        %dma_start3A_139 = arith.constant 0 : i32
        %dma_start3A_140 = tpu.memref_slice %arg3[%dma_start3A_138, %dma_start3A_139] : memref<10240x128xf32, #tpu.memory_space<hbm>> -> memref<10240x128xf32, #tpu.memory_space<hbm>>
        tpu.enqueue_indirect_dma source(%dma_start3A_140 : memref<10240x128xf32, #tpu.memory_space<hbm>>) target(%arg11 : memref<125x128xf32, #tpu.memory_space<vmem>>) offsets(%dma_start3A_137 : memref<125xi32, #tpu.memory_space<vmem>>) semaphore(%arg14 : memref<!tpu.dma_semaphore, #tpu.memory_space<semaphore_mem>>)
      } else {
      }
      %dma_wait3A_124 = arith.constant 0 : i32
      %dma_wait3A_125 = arith.constant 0 : i32
      %dma_wait3A_126 = tpu.memref_slice %arg9[%add3A_106, %dma_wait3A_124, %dma_wait3A_125] : memref<40x1x125xi32, #tpu.memory_space<vmem>> -> memref<1x1x125xi32, #tpu.memory_space<vmem>>
      %dma_wait3A_127 = tpu.memref_squeeze %dma_wait3A_126 : memref<1x1x125xi32, #tpu.memory_space<vmem>> -> memref<125xi32, #tpu.memory_space<vmem>>
      %dma_wait3A_128 = arith.constant 0 : i32
      %dma_wait3A_129 = arith.constant 0 : i32
      %dma_wait3A_130 = tpu.memref_slice %arg3[%dma_wait3A_128, %dma_wait3A_129] : memref<10240x128xf32, #tpu.memory_space<hbm>> -> memref<10240x128xf32, #tpu.memory_space<hbm>>
      tpu.wait_indirect_dma semaphore(%arg15 : memref<!tpu.dma_semaphore, #tpu.memory_space<semaphore_mem>>) src(%dma_wait3A_130 : memref<10240x128xf32, #tpu.memory_space<hbm>>) dst(%arg12 : memref<125x128xf32, #tpu.memory_space<vmem>>)
      %run_scoped3A_131 = arith.constant 0 : i32
      "tpu.region"() ({
        %run_scoped3A_132 = tpu.sem_alloc : memref<!tpu.dma_semaphore, #tpu.memory_space<semaphore_mem>>
        %dma_start3A_133 = arith.constant 0 : i32
        %dma_start3A_134 = tpu.memref_slice %arg10[%add3A_106, %run_scoped3A_131, %dma_start3A_133] : memref<40x1x125xi32, #tpu.memory_space<vmem>> -> memref<1x1x125xi32, #tpu.memory_space<vmem>>
        %dma_start3A_135 = tpu.memref_squeeze %dma_start3A_134 : memref<1x1x125xi32, #tpu.memory_space<vmem>> -> memref<125xi32, #tpu.memory_space<vmem>>
        %dma_start3A_136 = arith.constant 0 : i32
        %dma_start3A_137 = arith.constant 0 : i32
        %dma_start3A_138 = tpu.memref_slice %arg13[%dma_start3A_136, %dma_start3A_137] : memref<10240x128xf32, #tpu.memory_space<vmem_shared>> -> memref<10240x128xf32, #tpu.memory_space<vmem_shared>>
        tpu.enqueue_indirect_dma source(%arg12 : memref<125x128xf32, #tpu.memory_space<vmem>>) target(%dma_start3A_138 : memref<10240x128xf32, #tpu.memory_space<vmem_shared>>) offsets(%dma_start3A_135 : memref<125xi32, #tpu.memory_space<vmem>>) semaphore(%run_scoped3A_132 : memref<!tpu.dma_semaphore, #tpu.memory_space<semaphore_mem>>) {add = true}
        %dma_wait3A_139 = arith.constant 0 : i32
        %dma_wait3A_140 = tpu.memref_slice %arg10[%add3A_106, %run_scoped3A_131, %dma_wait3A_139] : memref<40x1x125xi32, #tpu.memory_space<vmem>> -> memref<1x1x125xi32, #tpu.memory_space<vmem>>
        %dma_wait3A_141 = tpu.memref_squeeze %dma_wait3A_140 : memref<1x1x125xi32, #tpu.memory_space<vmem>> -> memref<125xi32, #tpu.memory_space<vmem>>
        %dma_wait3A_142 = arith.constant 0 : i32
        %dma_wait3A_143 = arith.constant 0 : i32
        %dma_wait3A_144 = tpu.memref_slice %arg13[%dma_wait3A_142, %dma_wait3A_143] : memref<10240x128xf32, #tpu.memory_space<vmem_shared>> -> memref<10240x128xf32, #tpu.memory_space<vmem_shared>>
        tpu.wait_indirect_dma semaphore(%run_scoped3A_132 : memref<!tpu.dma_semaphore, #tpu.memory_space<semaphore_mem>>) src(%arg12 : memref<125x128xf32, #tpu.memory_space<vmem>>) dst(%dma_wait3A_144 : memref<10240x128xf32, #tpu.memory_space<vmem_shared>>)
        tpu.yield
      }) : () -> ()
    }
    %scan3A_96 = arith.constant 20 : i32
    %barrier3A_97 = arith.constant 0 : index
    tpu.barrier barrier_id(%barrier3A_97)
    %mul3A_98 = arith.constant 640 : i32
    %mul3A_99 = arith.muli %arg1, %mul3A_98 : i32
    %mul3A_100 = arith.constant 640 : i32
    %mul3A_101 = arith.muli %arg1, %mul3A_100 : i32
    "tpu.region"() ({
      %run_scoped3A = tpu.sem_alloc : memref<!tpu.dma_semaphore, #tpu.memory_space<semaphore_mem>>
      %dma_start3A_102 = arith.constant 0 : i32
      %dma_start3A_103 = tpu.memref_slice %arg8[%arg0, %mul3A_101, %dma_start3A_102] : memref<2x10240x128xf32, #tpu.memory_space<hbm>> -> memref<1x640x128xf32, #tpu.memory_space<hbm>>
      %dma_start3A_104 = tpu.memref_squeeze %dma_start3A_103 : memref<1x640x128xf32, #tpu.memory_space<hbm>> -> memref<640x128xf32, #tpu.memory_space<hbm>>
      %dma_start3A_105 = arith.constant 0 : i32
      %dma_start3A_106 = tpu.memref_slice %arg13[%mul3A_99, %dma_start3A_105] : memref<10240x128xf32, #tpu.memory_space<vmem_shared>> -> memref<640x128xf32, #tpu.memory_space<vmem_shared>>
      tpu.enqueue_dma source(%dma_start3A_106 : memref<640x128xf32, #tpu.memory_space<vmem_shared>>) target(%dma_start3A_104 : memref<640x128xf32, #tpu.memory_space<hbm>>) target_semaphore(%run_scoped3A : memref<!tpu.dma_semaphore, #tpu.memory_space<semaphore_mem>>)
      %dma_wait3A = arith.constant 0 : i32
      %dma_wait3A_107 = tpu.memref_slice %arg8[%arg0, %mul3A_101, %dma_wait3A] : memref<2x10240x128xf32, #tpu.memory_space<hbm>> -> memref<1x640x128xf32, #tpu.memory_space<hbm>>
      %dma_wait3A_108 = tpu.memref_squeeze %dma_wait3A_107 : memref<1x640x128xf32, #tpu.memory_space<hbm>> -> memref<640x128xf32, #tpu.memory_space<hbm>>
      %dma_wait3A_109 = arith.constant 0 : i32
      %dma_wait3A_110 = tpu.memref_slice %arg13[%mul3A_99, %dma_wait3A_109] : memref<10240x128xf32, #tpu.memory_space<vmem_shared>> -> memref<640x128xf32, #tpu.memory_space<vmem_shared>>
      tpu.wait_dma2 semaphore(%run_scoped3A : memref<!tpu.dma_semaphore, #tpu.memory_space<semaphore_mem>>) src(%dma_wait3A_110 : memref<640x128xf32, #tpu.memory_space<vmem_shared>>) dst(%dma_wait3A_108 : memref<640x128xf32, #tpu.memory_space<hbm>>)
      tpu.yield
    }) : () -> ()
    return
  }
}

#map = affine_map<(d0, d1) -> (0, 0)>
#map1 = affine_map<(d0, d1) -> (0, 0, 0)>
module attributes {stable_mosaic.version = 14 : i64} {
  func.func @_s_pass_kernel(%arg0: i32, %arg1: i32, %arg2: memref<10240x128xf32, #tpu.memory_space<hbm>>, %arg3: memref<2560x1x125xi32, #tpu.memory_space<hbm>>, %arg4: memref<2560x1x125xi32, #tpu.memory_space<hbm>>, %arg5: memref<640x128xf32, #tpu.memory_space<hbm>>, %arg6: memref<2x10240x128xf32, #tpu.memory_space<hbm>>, %arg7: memref<40x1x125xi32, #tpu.memory_space<vmem>>, %arg8: memref<40x1x125xi32, #tpu.memory_space<vmem>>, %arg9: memref<125x128xf32, #tpu.memory_space<vmem>>, %arg10: memref<125x128xf32, #tpu.memory_space<vmem>>, %arg11: memref<10240x128xf32, #tpu.memory_space<vmem_shared>>, %arg12: memref<!tpu.dma_semaphore, #tpu.memory_space<semaphore_mem>>, %arg13: memref<!tpu.dma_semaphore, #tpu.memory_space<semaphore_mem>>) attributes {dimension_semantics = [#tpu.dimension_semantics<core_parallel>, #tpu.dimension_semantics<subcore_parallel>], iteration_bounds = array<i64: 2, 16>, scalar_prefetch = 0 : i64, scratch_operands = 7 : i64, tpu.core_type = #tpu.core_type<sc_vector_subcore>, window_params = [{transform_indices = #map}, {transform_indices = #map1}, {transform_indices = #map1}, {transform_indices = #map}, {transform_indices = #map1}]} {
    %mul3A = arith.constant 16 : i32
    %mul3A_0 = arith.muli %arg0, %mul3A : i32
    %add3A = arith.addi %mul3A_0, %arg1 : i32
    %mul3A_1 = arith.constant 640 : i32
    %mul3A_2 = arith.muli %arg1, %mul3A_1 : i32
    "tpu.region"() ({
      %run_scoped3A = tpu.sem_alloc : memref<!tpu.dma_semaphore, #tpu.memory_space<semaphore_mem>>
      %dma_start3A_50 = arith.constant 0 : i32
      %dma_start3A_51 = tpu.memref_slice %arg11[%mul3A_2, %dma_start3A_50] : memref<10240x128xf32, #tpu.memory_space<vmem_shared>> -> memref<640x128xf32, #tpu.memory_space<vmem_shared>>
      tpu.enqueue_dma source(%arg5 : memref<640x128xf32, #tpu.memory_space<hbm>>) target(%dma_start3A_51 : memref<640x128xf32, #tpu.memory_space<vmem_shared>>) target_semaphore(%run_scoped3A : memref<!tpu.dma_semaphore, #tpu.memory_space<semaphore_mem>>)
      %dma_wait3A = arith.constant 0 : i32
      %dma_wait3A_52 = tpu.memref_slice %arg11[%mul3A_2, %dma_wait3A] : memref<10240x128xf32, #tpu.memory_space<vmem_shared>> -> memref<640x128xf32, #tpu.memory_space<vmem_shared>>
      tpu.wait_dma2 semaphore(%run_scoped3A : memref<!tpu.dma_semaphore, #tpu.memory_space<semaphore_mem>>) src(%arg5 : memref<640x128xf32, #tpu.memory_space<hbm>>) dst(%dma_wait3A_52 : memref<640x128xf32, #tpu.memory_space<vmem_shared>>)
      tpu.yield
    }) : () -> ()
    %barrier3A = arith.constant 0 : index
    tpu.barrier barrier_id(%barrier3A)
    %mul3A_3 = arith.constant 80 : i32
    %mul3A_4 = arith.muli %add3A, %mul3A_3 : i32
    %add3A_5 = arith.constant 0 : i32
    %add3A_6 = arith.addi %mul3A_4, %add3A_5 : i32
    "tpu.region"() ({
      %run_scoped3A = tpu.sem_alloc : memref<!tpu.dma_semaphore, #tpu.memory_space<semaphore_mem>>
      %dma_start3A_50 = arith.constant 0 : i32
      %dma_start3A_51 = arith.constant 0 : i32
      %dma_start3A_52 = tpu.memref_slice %arg3[%add3A_6, %dma_start3A_50, %dma_start3A_51] : memref<2560x1x125xi32, #tpu.memory_space<hbm>> -> memref<40x1x125xi32, #tpu.memory_space<hbm>>
      %dma_start3A_53 = arith.constant 0 : i32
      %dma_start3A_54 = arith.constant 0 : i32
      %dma_start3A_55 = tpu.memref_slice %arg3[%add3A_6, %dma_start3A_53, %dma_start3A_54] : memref<2560x1x125xi32, #tpu.memory_space<hbm>> -> memref<40x1x125xi32, #tpu.memory_space<hbm>>
      tpu.enqueue_dma source(%dma_start3A_55 : memref<40x1x125xi32, #tpu.memory_space<hbm>>) target(%arg7 : memref<40x1x125xi32, #tpu.memory_space<vmem>>) target_semaphore(%run_scoped3A : memref<!tpu.dma_semaphore, #tpu.memory_space<semaphore_mem>>)
      %dma_wait3A = arith.constant 0 : i32
      %dma_wait3A_56 = arith.constant 0 : i32
      %dma_wait3A_57 = tpu.memref_slice %arg3[%add3A_6, %dma_wait3A, %dma_wait3A_56] : memref<2560x1x125xi32, #tpu.memory_space<hbm>> -> memref<40x1x125xi32, #tpu.memory_space<hbm>>
      %dma_wait3A_58 = arith.constant 0 : i32
      %dma_wait3A_59 = arith.constant 0 : i32
      %dma_wait3A_60 = tpu.memref_slice %arg3[%add3A_6, %dma_wait3A_58, %dma_wait3A_59] : memref<2560x1x125xi32, #tpu.memory_space<hbm>> -> memref<40x1x125xi32, #tpu.memory_space<hbm>>
      tpu.wait_dma2 semaphore(%run_scoped3A : memref<!tpu.dma_semaphore, #tpu.memory_space<semaphore_mem>>) src(%dma_wait3A_60 : memref<40x1x125xi32, #tpu.memory_space<hbm>>) dst(%arg7 : memref<40x1x125xi32, #tpu.memory_space<vmem>>)
      tpu.yield
    }) : () -> ()
    %mul3A_7 = arith.constant 80 : i32
    %mul3A_8 = arith.muli %add3A, %mul3A_7 : i32
    %add3A_9 = arith.constant 0 : i32
    %add3A_10 = arith.addi %mul3A_8, %add3A_9 : i32
    "tpu.region"() ({
      %run_scoped3A = tpu.sem_alloc : memref<!tpu.dma_semaphore, #tpu.memory_space<semaphore_mem>>
      %dma_start3A_50 = arith.constant 0 : i32
      %dma_start3A_51 = arith.constant 0 : i32
      %dma_start3A_52 = tpu.memref_slice %arg4[%add3A_10, %dma_start3A_50, %dma_start3A_51] : memref<2560x1x125xi32, #tpu.memory_space<hbm>> -> memref<40x1x125xi32, #tpu.memory_space<hbm>>
      %dma_start3A_53 = arith.constant 0 : i32
      %dma_start3A_54 = arith.constant 0 : i32
      %dma_start3A_55 = tpu.memref_slice %arg4[%add3A_10, %dma_start3A_53, %dma_start3A_54] : memref<2560x1x125xi32, #tpu.memory_space<hbm>> -> memref<40x1x125xi32, #tpu.memory_space<hbm>>
      tpu.enqueue_dma source(%dma_start3A_55 : memref<40x1x125xi32, #tpu.memory_space<hbm>>) target(%arg8 : memref<40x1x125xi32, #tpu.memory_space<vmem>>) target_semaphore(%run_scoped3A : memref<!tpu.dma_semaphore, #tpu.memory_space<semaphore_mem>>)
      %dma_wait3A = arith.constant 0 : i32
      %dma_wait3A_56 = arith.constant 0 : i32
      %dma_wait3A_57 = tpu.memref_slice %arg4[%add3A_10, %dma_wait3A, %dma_wait3A_56] : memref<2560x1x125xi32, #tpu.memory_space<hbm>> -> memref<40x1x125xi32, #tpu.memory_space<hbm>>
      %dma_wait3A_58 = arith.constant 0 : i32
      %dma_wait3A_59 = arith.constant 0 : i32
      %dma_wait3A_60 = tpu.memref_slice %arg4[%add3A_10, %dma_wait3A_58, %dma_wait3A_59] : memref<2560x1x125xi32, #tpu.memory_space<hbm>> -> memref<40x1x125xi32, #tpu.memory_space<hbm>>
      tpu.wait_dma2 semaphore(%run_scoped3A : memref<!tpu.dma_semaphore, #tpu.memory_space<semaphore_mem>>) src(%dma_wait3A_60 : memref<40x1x125xi32, #tpu.memory_space<hbm>>) dst(%arg8 : memref<40x1x125xi32, #tpu.memory_space<vmem>>)
      tpu.yield
    }) : () -> ()
    %dma_start3A = arith.constant 0 : i32
    %dma_start3A_11 = arith.constant 0 : i32
    %dma_start3A_12 = arith.constant 0 : i32
    %dma_start3A_13 = tpu.memref_slice %arg7[%dma_start3A, %dma_start3A_11, %dma_start3A_12] : memref<40x1x125xi32, #tpu.memory_space<vmem>> -> memref<1x1x125xi32, #tpu.memory_space<vmem>>
    %dma_start3A_14 = tpu.memref_squeeze %dma_start3A_13 : memref<1x1x125xi32, #tpu.memory_space<vmem>> -> memref<125xi32, #tpu.memory_space<vmem>>
    %dma_start3A_15 = arith.constant 0 : i32
    %dma_start3A_16 = arith.constant 0 : i32
    %dma_start3A_17 = tpu.memref_slice %arg2[%dma_start3A_15, %dma_start3A_16] : memref<10240x128xf32, #tpu.memory_space<hbm>> -> memref<10240x128xf32, #tpu.memory_space<hbm>>
    tpu.enqueue_indirect_dma source(%dma_start3A_17 : memref<10240x128xf32, #tpu.memory_space<hbm>>) target(%arg9 : memref<125x128xf32, #tpu.memory_space<vmem>>) offsets(%dma_start3A_14 : memref<125xi32, #tpu.memory_space<vmem>>) semaphore(%arg12 : memref<!tpu.dma_semaphore, #tpu.memory_space<semaphore_mem>>)
    %scan3A = arith.constant 0 : i32
    %scan3A_18 = arith.constant 0 : i32
    %scan3A_19 = arith.constant 20 : i32
    %scan3A_20 = arith.addi %scan3A_18, %scan3A_19 : i32
    %scan3A_21 = arith.constant 1 : i32
    scf.for %scan3A_50 = %scan3A_18 to %scan3A_20 step %scan3A_21  : i32 {
      %mul3A_51 = arith.constant 2 : i32
      %mul3A_52 = arith.muli %mul3A_51, %scan3A_50 : i32
      %add3A_53 = arith.constant 1 : i32
      %add3A_54 = arith.addi %mul3A_52, %add3A_53 : i32
      %dma_start3A_55 = arith.constant 0 : i32
      %dma_start3A_56 = arith.constant 0 : i32
      %dma_start3A_57 = tpu.memref_slice %arg7[%add3A_54, %dma_start3A_55, %dma_start3A_56] : memref<40x1x125xi32, #tpu.memory_space<vmem>> -> memref<1x1x125xi32, #tpu.memory_space<vmem>>
      %dma_start3A_58 = tpu.memref_squeeze %dma_start3A_57 : memref<1x1x125xi32, #tpu.memory_space<vmem>> -> memref<125xi32, #tpu.memory_space<vmem>>
      %dma_start3A_59 = arith.constant 0 : i32
      %dma_start3A_60 = arith.constant 0 : i32
      %dma_start3A_61 = tpu.memref_slice %arg2[%dma_start3A_59, %dma_start3A_60] : memref<10240x128xf32, #tpu.memory_space<hbm>> -> memref<10240x128xf32, #tpu.memory_space<hbm>>
      tpu.enqueue_indirect_dma source(%dma_start3A_61 : memref<10240x128xf32, #tpu.memory_space<hbm>>) target(%arg10 : memref<125x128xf32, #tpu.memory_space<vmem>>) offsets(%dma_start3A_58 : memref<125xi32, #tpu.memory_space<vmem>>) semaphore(%arg13 : memref<!tpu.dma_semaphore, #tpu.memory_space<semaphore_mem>>)
      %dma_wait3A = arith.constant 0 : i32
      %dma_wait3A_62 = arith.constant 0 : i32
      %dma_wait3A_63 = tpu.memref_slice %arg7[%mul3A_52, %dma_wait3A, %dma_wait3A_62] : memref<40x1x125xi32, #tpu.memory_space<vmem>> -> memref<1x1x125xi32, #tpu.memory_space<vmem>>
      %dma_wait3A_64 = tpu.memref_squeeze %dma_wait3A_63 : memref<1x1x125xi32, #tpu.memory_space<vmem>> -> memref<125xi32, #tpu.memory_space<vmem>>
      %dma_wait3A_65 = arith.constant 0 : i32
      %dma_wait3A_66 = arith.constant 0 : i32
      %dma_wait3A_67 = tpu.memref_slice %arg2[%dma_wait3A_65, %dma_wait3A_66] : memref<10240x128xf32, #tpu.memory_space<hbm>> -> memref<10240x128xf32, #tpu.memory_space<hbm>>
      tpu.wait_indirect_dma semaphore(%arg12 : memref<!tpu.dma_semaphore, #tpu.memory_space<semaphore_mem>>) src(%dma_wait3A_67 : memref<10240x128xf32, #tpu.memory_space<hbm>>) dst(%arg9 : memref<125x128xf32, #tpu.memory_space<vmem>>)
      %run_scoped3A = arith.constant 0 : i32
      "tpu.region"() ({
        %run_scoped3A_80 = tpu.sem_alloc : memref<!tpu.dma_semaphore, #tpu.memory_space<semaphore_mem>>
        %dma_start3A_81 = arith.constant 0 : i32
        %dma_start3A_82 = tpu.memref_slice %arg8[%mul3A_52, %run_scoped3A, %dma_start3A_81] : memref<40x1x125xi32, #tpu.memory_space<vmem>> -> memref<1x1x125xi32, #tpu.memory_space<vmem>>
        %dma_start3A_83 = tpu.memref_squeeze %dma_start3A_82 : memref<1x1x125xi32, #tpu.memory_space<vmem>> -> memref<125xi32, #tpu.memory_space<vmem>>
        %dma_start3A_84 = arith.constant 0 : i32
        %dma_start3A_85 = arith.constant 0 : i32
        %dma_start3A_86 = tpu.memref_slice %arg11[%dma_start3A_84, %dma_start3A_85] : memref<10240x128xf32, #tpu.memory_space<vmem_shared>> -> memref<10240x128xf32, #tpu.memory_space<vmem_shared>>
        tpu.enqueue_indirect_dma source(%arg9 : memref<125x128xf32, #tpu.memory_space<vmem>>) target(%dma_start3A_86 : memref<10240x128xf32, #tpu.memory_space<vmem_shared>>) offsets(%dma_start3A_83 : memref<125xi32, #tpu.memory_space<vmem>>) semaphore(%run_scoped3A_80 : memref<!tpu.dma_semaphore, #tpu.memory_space<semaphore_mem>>) {add = true}
        %dma_wait3A_87 = arith.constant 0 : i32
        %dma_wait3A_88 = tpu.memref_slice %arg8[%mul3A_52, %run_scoped3A, %dma_wait3A_87] : memref<40x1x125xi32, #tpu.memory_space<vmem>> -> memref<1x1x125xi32, #tpu.memory_space<vmem>>
        %dma_wait3A_89 = tpu.memref_squeeze %dma_wait3A_88 : memref<1x1x125xi32, #tpu.memory_space<vmem>> -> memref<125xi32, #tpu.memory_space<vmem>>
        %dma_wait3A_90 = arith.constant 0 : i32
        %dma_wait3A_91 = arith.constant 0 : i32
        %dma_wait3A_92 = tpu.memref_slice %arg11[%dma_wait3A_90, %dma_wait3A_91] : memref<10240x128xf32, #tpu.memory_space<vmem_shared>> -> memref<10240x128xf32, #tpu.memory_space<vmem_shared>>
        tpu.wait_indirect_dma semaphore(%run_scoped3A_80 : memref<!tpu.dma_semaphore, #tpu.memory_space<semaphore_mem>>) src(%arg9 : memref<125x128xf32, #tpu.memory_space<vmem>>) dst(%dma_wait3A_92 : memref<10240x128xf32, #tpu.memory_space<vmem_shared>>)
        tpu.yield
      }) : () -> ()
      %add3A_68 = arith.constant 1 : i32
      %add3A_69 = arith.addi %scan3A_50, %add3A_68 : i32
      %lt3A = arith.constant 20 : i32
      %lt3A_70 = arith.cmpi slt, %add3A_69, %lt3A : i32
      %convert_element_type3A = arith.extui %lt3A_70 : i1 to i32
      %cond3A = arith.constant 0 : i32
      %cond3A_71 = arith.cmpi ne, %convert_element_type3A, %cond3A : i32
      scf.if %cond3A_71 {
        %add3A_80 = arith.constant 2 : i32
        %add3A_81 = arith.addi %mul3A_52, %add3A_80 : i32
        %dma_start3A_82 = arith.constant 0 : i32
        %dma_start3A_83 = arith.constant 0 : i32
        %dma_start3A_84 = tpu.memref_slice %arg7[%add3A_81, %dma_start3A_82, %dma_start3A_83] : memref<40x1x125xi32, #tpu.memory_space<vmem>> -> memref<1x1x125xi32, #tpu.memory_space<vmem>>
        %dma_start3A_85 = tpu.memref_squeeze %dma_start3A_84 : memref<1x1x125xi32, #tpu.memory_space<vmem>> -> memref<125xi32, #tpu.memory_space<vmem>>
        %dma_start3A_86 = arith.constant 0 : i32
        %dma_start3A_87 = arith.constant 0 : i32
        %dma_start3A_88 = tpu.memref_slice %arg2[%dma_start3A_86, %dma_start3A_87] : memref<10240x128xf32, #tpu.memory_space<hbm>> -> memref<10240x128xf32, #tpu.memory_space<hbm>>
        tpu.enqueue_indirect_dma source(%dma_start3A_88 : memref<10240x128xf32, #tpu.memory_space<hbm>>) target(%arg9 : memref<125x128xf32, #tpu.memory_space<vmem>>) offsets(%dma_start3A_85 : memref<125xi32, #tpu.memory_space<vmem>>) semaphore(%arg12 : memref<!tpu.dma_semaphore, #tpu.memory_space<semaphore_mem>>)
      } else {
      }
      %dma_wait3A_72 = arith.constant 0 : i32
      %dma_wait3A_73 = arith.constant 0 : i32
      %dma_wait3A_74 = tpu.memref_slice %arg7[%add3A_54, %dma_wait3A_72, %dma_wait3A_73] : memref<40x1x125xi32, #tpu.memory_space<vmem>> -> memref<1x1x125xi32, #tpu.memory_space<vmem>>
      %dma_wait3A_75 = tpu.memref_squeeze %dma_wait3A_74 : memref<1x1x125xi32, #tpu.memory_space<vmem>> -> memref<125xi32, #tpu.memory_space<vmem>>
      %dma_wait3A_76 = arith.constant 0 : i32
      %dma_wait3A_77 = arith.constant 0 : i32
      %dma_wait3A_78 = tpu.memref_slice %arg2[%dma_wait3A_76, %dma_wait3A_77] : memref<10240x128xf32, #tpu.memory_space<hbm>> -> memref<10240x128xf32, #tpu.memory_space<hbm>>
      tpu.wait_indirect_dma semaphore(%arg13 : memref<!tpu.dma_semaphore, #tpu.memory_space<semaphore_mem>>) src(%dma_wait3A_78 : memref<10240x128xf32, #tpu.memory_space<hbm>>) dst(%arg10 : memref<125x128xf32, #tpu.memory_space<vmem>>)
      %run_scoped3A_79 = arith.constant 0 : i32
      "tpu.region"() ({
        %run_scoped3A_80 = tpu.sem_alloc : memref<!tpu.dma_semaphore, #tpu.memory_space<semaphore_mem>>
        %dma_start3A_81 = arith.constant 0 : i32
        %dma_start3A_82 = tpu.memref_slice %arg8[%add3A_54, %run_scoped3A_79, %dma_start3A_81] : memref<40x1x125xi32, #tpu.memory_space<vmem>> -> memref<1x1x125xi32, #tpu.memory_space<vmem>>
        %dma_start3A_83 = tpu.memref_squeeze %dma_start3A_82 : memref<1x1x125xi32, #tpu.memory_space<vmem>> -> memref<125xi32, #tpu.memory_space<vmem>>
        %dma_start3A_84 = arith.constant 0 : i32
        %dma_start3A_85 = arith.constant 0 : i32
        %dma_start3A_86 = tpu.memref_slice %arg11[%dma_start3A_84, %dma_start3A_85] : memref<10240x128xf32, #tpu.memory_space<vmem_shared>> -> memref<10240x128xf32, #tpu.memory_space<vmem_shared>>
        tpu.enqueue_indirect_dma source(%arg10 : memref<125x128xf32, #tpu.memory_space<vmem>>) target(%dma_start3A_86 : memref<10240x128xf32, #tpu.memory_space<vmem_shared>>) offsets(%dma_start3A_83 : memref<125xi32, #tpu.memory_space<vmem>>) semaphore(%run_scoped3A_80 : memref<!tpu.dma_semaphore, #tpu.memory_space<semaphore_mem>>) {add = true}
        %dma_wait3A_87 = arith.constant 0 : i32
        %dma_wait3A_88 = tpu.memref_slice %arg8[%add3A_54, %run_scoped3A_79, %dma_wait3A_87] : memref<40x1x125xi32, #tpu.memory_space<vmem>> -> memref<1x1x125xi32, #tpu.memory_space<vmem>>
        %dma_wait3A_89 = tpu.memref_squeeze %dma_wait3A_88 : memref<1x1x125xi32, #tpu.memory_space<vmem>> -> memref<125xi32, #tpu.memory_space<vmem>>
        %dma_wait3A_90 = arith.constant 0 : i32
        %dma_wait3A_91 = arith.constant 0 : i32
        %dma_wait3A_92 = tpu.memref_slice %arg11[%dma_wait3A_90, %dma_wait3A_91] : memref<10240x128xf32, #tpu.memory_space<vmem_shared>> -> memref<10240x128xf32, #tpu.memory_space<vmem_shared>>
        tpu.wait_indirect_dma semaphore(%run_scoped3A_80 : memref<!tpu.dma_semaphore, #tpu.memory_space<semaphore_mem>>) src(%arg10 : memref<125x128xf32, #tpu.memory_space<vmem>>) dst(%dma_wait3A_92 : memref<10240x128xf32, #tpu.memory_space<vmem_shared>>)
        tpu.yield
      }) : () -> ()
    }
    %scan3A_22 = arith.constant 20 : i32
    %mul3A_23 = arith.constant 80 : i32
    %mul3A_24 = arith.muli %add3A, %mul3A_23 : i32
    %add3A_25 = arith.constant 40 : i32
    %add3A_26 = arith.addi %mul3A_24, %add3A_25 : i32
    "tpu.region"() ({
      %run_scoped3A = tpu.sem_alloc : memref<!tpu.dma_semaphore, #tpu.memory_space<semaphore_mem>>
      %dma_start3A_50 = arith.constant 0 : i32
      %dma_start3A_51 = arith.constant 0 : i32
      %dma_start3A_52 = tpu.memref_slice %arg3[%add3A_26, %dma_start3A_50, %dma_start3A_51] : memref<2560x1x125xi32, #tpu.memory_space<hbm>> -> memref<40x1x125xi32, #tpu.memory_space<hbm>>
      %dma_start3A_53 = arith.constant 0 : i32
      %dma_start3A_54 = arith.constant 0 : i32
      %dma_start3A_55 = tpu.memref_slice %arg3[%add3A_26, %dma_start3A_53, %dma_start3A_54] : memref<2560x1x125xi32, #tpu.memory_space<hbm>> -> memref<40x1x125xi32, #tpu.memory_space<hbm>>
      tpu.enqueue_dma source(%dma_start3A_55 : memref<40x1x125xi32, #tpu.memory_space<hbm>>) target(%arg7 : memref<40x1x125xi32, #tpu.memory_space<vmem>>) target_semaphore(%run_scoped3A : memref<!tpu.dma_semaphore, #tpu.memory_space<semaphore_mem>>)
      %dma_wait3A = arith.constant 0 : i32
      %dma_wait3A_56 = arith.constant 0 : i32
      %dma_wait3A_57 = tpu.memref_slice %arg3[%add3A_26, %dma_wait3A, %dma_wait3A_56] : memref<2560x1x125xi32, #tpu.memory_space<hbm>> -> memref<40x1x125xi32, #tpu.memory_space<hbm>>
      %dma_wait3A_58 = arith.constant 0 : i32
      %dma_wait3A_59 = arith.constant 0 : i32
      %dma_wait3A_60 = tpu.memref_slice %arg3[%add3A_26, %dma_wait3A_58, %dma_wait3A_59] : memref<2560x1x125xi32, #tpu.memory_space<hbm>> -> memref<40x1x125xi32, #tpu.memory_space<hbm>>
      tpu.wait_dma2 semaphore(%run_scoped3A : memref<!tpu.dma_semaphore, #tpu.memory_space<semaphore_mem>>) src(%dma_wait3A_60 : memref<40x1x125xi32, #tpu.memory_space<hbm>>) dst(%arg7 : memref<40x1x125xi32, #tpu.memory_space<vmem>>)
      tpu.yield
    }) : () -> ()
    %mul3A_27 = arith.constant 80 : i32
    %mul3A_28 = arith.muli %add3A, %mul3A_27 : i32
    %add3A_29 = arith.constant 40 : i32
    %add3A_30 = arith.addi %mul3A_28, %add3A_29 : i32
    "tpu.region"() ({
      %run_scoped3A = tpu.sem_alloc : memref<!tpu.dma_semaphore, #tpu.memory_space<semaphore_mem>>
      %dma_start3A_50 = arith.constant 0 : i32
      %dma_start3A_51 = arith.constant 0 : i32
      %dma_start3A_52 = tpu.memref_slice %arg4[%add3A_30, %dma_start3A_50, %dma_start3A_51] : memref<2560x1x125xi32, #tpu.memory_space<hbm>> -> memref<40x1x125xi32, #tpu.memory_space<hbm>>
      %dma_start3A_53 = arith.constant 0 : i32
      %dma_start3A_54 = arith.constant 0 : i32
      %dma_start3A_55 = tpu.memref_slice %arg4[%add3A_30, %dma_start3A_53, %dma_start3A_54] : memref<2560x1x125xi32, #tpu.memory_space<hbm>> -> memref<40x1x125xi32, #tpu.memory_space<hbm>>
      tpu.enqueue_dma source(%dma_start3A_55 : memref<40x1x125xi32, #tpu.memory_space<hbm>>) target(%arg8 : memref<40x1x125xi32, #tpu.memory_space<vmem>>) target_semaphore(%run_scoped3A : memref<!tpu.dma_semaphore, #tpu.memory_space<semaphore_mem>>)
      %dma_wait3A = arith.constant 0 : i32
      %dma_wait3A_56 = arith.constant 0 : i32
      %dma_wait3A_57 = tpu.memref_slice %arg4[%add3A_30, %dma_wait3A, %dma_wait3A_56] : memref<2560x1x125xi32, #tpu.memory_space<hbm>> -> memref<40x1x125xi32, #tpu.memory_space<hbm>>
      %dma_wait3A_58 = arith.constant 0 : i32
      %dma_wait3A_59 = arith.constant 0 : i32
      %dma_wait3A_60 = tpu.memref_slice %arg4[%add3A_30, %dma_wait3A_58, %dma_wait3A_59] : memref<2560x1x125xi32, #tpu.memory_space<hbm>> -> memref<40x1x125xi32, #tpu.memory_space<hbm>>
      tpu.wait_dma2 semaphore(%run_scoped3A : memref<!tpu.dma_semaphore, #tpu.memory_space<semaphore_mem>>) src(%dma_wait3A_60 : memref<40x1x125xi32, #tpu.memory_space<hbm>>) dst(%arg8 : memref<40x1x125xi32, #tpu.memory_space<vmem>>)
      tpu.yield
    }) : () -> ()
    %dma_start3A_31 = arith.constant 0 : i32
    %dma_start3A_32 = arith.constant 0 : i32
    %dma_start3A_33 = arith.constant 0 : i32
    %dma_start3A_34 = tpu.memref_slice %arg7[%dma_start3A_31, %dma_start3A_32, %dma_start3A_33] : memref<40x1x125xi32, #tpu.memory_space<vmem>> -> memref<1x1x125xi32, #tpu.memory_space<vmem>>
    %dma_start3A_35 = tpu.memref_squeeze %dma_start3A_34 : memref<1x1x125xi32, #tpu.memory_space<vmem>> -> memref<125xi32, #tpu.memory_space<vmem>>
    %dma_start3A_36 = arith.constant 0 : i32
    %dma_start3A_37 = arith.constant 0 : i32
    %dma_start3A_38 = tpu.memref_slice %arg2[%dma_start3A_36, %dma_start3A_37] : memref<10240x128xf32, #tpu.memory_space<hbm>> -> memref<10240x128xf32, #tpu.memory_space<hbm>>
    tpu.enqueue_indirect_dma source(%dma_start3A_38 : memref<10240x128xf32, #tpu.memory_space<hbm>>) target(%arg9 : memref<125x128xf32, #tpu.memory_space<vmem>>) offsets(%dma_start3A_35 : memref<125xi32, #tpu.memory_space<vmem>>) semaphore(%arg12 : memref<!tpu.dma_semaphore, #tpu.memory_space<semaphore_mem>>)
    %scan3A_39 = arith.constant 0 : i32
    %scan3A_40 = arith.constant 0 : i32
    %scan3A_41 = arith.constant 20 : i32
    %scan3A_42 = arith.addi %scan3A_40, %scan3A_41 : i32
    %scan3A_43 = arith.constant 1 : i32
    scf.for %scan3A_50 = %scan3A_40 to %scan3A_42 step %scan3A_43  : i32 {
      %mul3A_51 = arith.constant 2 : i32
      %mul3A_52 = arith.muli %mul3A_51, %scan3A_50 : i32
      %add3A_53 = arith.constant 1 : i32
      %add3A_54 = arith.addi %mul3A_52, %add3A_53 : i32
      %dma_start3A_55 = arith.constant 0 : i32
      %dma_start3A_56 = arith.constant 0 : i32
      %dma_start3A_57 = tpu.memref_slice %arg7[%add3A_54, %dma_start3A_55, %dma_start3A_56] : memref<40x1x125xi32, #tpu.memory_space<vmem>> -> memref<1x1x125xi32, #tpu.memory_space<vmem>>
      %dma_start3A_58 = tpu.memref_squeeze %dma_start3A_57 : memref<1x1x125xi32, #tpu.memory_space<vmem>> -> memref<125xi32, #tpu.memory_space<vmem>>
      %dma_start3A_59 = arith.constant 0 : i32
      %dma_start3A_60 = arith.constant 0 : i32
      %dma_start3A_61 = tpu.memref_slice %arg2[%dma_start3A_59, %dma_start3A_60] : memref<10240x128xf32, #tpu.memory_space<hbm>> -> memref<10240x128xf32, #tpu.memory_space<hbm>>
      tpu.enqueue_indirect_dma source(%dma_start3A_61 : memref<10240x128xf32, #tpu.memory_space<hbm>>) target(%arg10 : memref<125x128xf32, #tpu.memory_space<vmem>>) offsets(%dma_start3A_58 : memref<125xi32, #tpu.memory_space<vmem>>) semaphore(%arg13 : memref<!tpu.dma_semaphore, #tpu.memory_space<semaphore_mem>>)
      %dma_wait3A = arith.constant 0 : i32
      %dma_wait3A_62 = arith.constant 0 : i32
      %dma_wait3A_63 = tpu.memref_slice %arg7[%mul3A_52, %dma_wait3A, %dma_wait3A_62] : memref<40x1x125xi32, #tpu.memory_space<vmem>> -> memref<1x1x125xi32, #tpu.memory_space<vmem>>
      %dma_wait3A_64 = tpu.memref_squeeze %dma_wait3A_63 : memref<1x1x125xi32, #tpu.memory_space<vmem>> -> memref<125xi32, #tpu.memory_space<vmem>>
      %dma_wait3A_65 = arith.constant 0 : i32
      %dma_wait3A_66 = arith.constant 0 : i32
      %dma_wait3A_67 = tpu.memref_slice %arg2[%dma_wait3A_65, %dma_wait3A_66] : memref<10240x128xf32, #tpu.memory_space<hbm>> -> memref<10240x128xf32, #tpu.memory_space<hbm>>
      tpu.wait_indirect_dma semaphore(%arg12 : memref<!tpu.dma_semaphore, #tpu.memory_space<semaphore_mem>>) src(%dma_wait3A_67 : memref<10240x128xf32, #tpu.memory_space<hbm>>) dst(%arg9 : memref<125x128xf32, #tpu.memory_space<vmem>>)
      %run_scoped3A = arith.constant 0 : i32
      "tpu.region"() ({
        %run_scoped3A_80 = tpu.sem_alloc : memref<!tpu.dma_semaphore, #tpu.memory_space<semaphore_mem>>
        %dma_start3A_81 = arith.constant 0 : i32
        %dma_start3A_82 = tpu.memref_slice %arg8[%mul3A_52, %run_scoped3A, %dma_start3A_81] : memref<40x1x125xi32, #tpu.memory_space<vmem>> -> memref<1x1x125xi32, #tpu.memory_space<vmem>>
        %dma_start3A_83 = tpu.memref_squeeze %dma_start3A_82 : memref<1x1x125xi32, #tpu.memory_space<vmem>> -> memref<125xi32, #tpu.memory_space<vmem>>
        %dma_start3A_84 = arith.constant 0 : i32
        %dma_start3A_85 = arith.constant 0 : i32
        %dma_start3A_86 = tpu.memref_slice %arg11[%dma_start3A_84, %dma_start3A_85] : memref<10240x128xf32, #tpu.memory_space<vmem_shared>> -> memref<10240x128xf32, #tpu.memory_space<vmem_shared>>
        tpu.enqueue_indirect_dma source(%arg9 : memref<125x128xf32, #tpu.memory_space<vmem>>) target(%dma_start3A_86 : memref<10240x128xf32, #tpu.memory_space<vmem_shared>>) offsets(%dma_start3A_83 : memref<125xi32, #tpu.memory_space<vmem>>) semaphore(%run_scoped3A_80 : memref<!tpu.dma_semaphore, #tpu.memory_space<semaphore_mem>>) {add = true}
        %dma_wait3A_87 = arith.constant 0 : i32
        %dma_wait3A_88 = tpu.memref_slice %arg8[%mul3A_52, %run_scoped3A, %dma_wait3A_87] : memref<40x1x125xi32, #tpu.memory_space<vmem>> -> memref<1x1x125xi32, #tpu.memory_space<vmem>>
        %dma_wait3A_89 = tpu.memref_squeeze %dma_wait3A_88 : memref<1x1x125xi32, #tpu.memory_space<vmem>> -> memref<125xi32, #tpu.memory_space<vmem>>
        %dma_wait3A_90 = arith.constant 0 : i32
        %dma_wait3A_91 = arith.constant 0 : i32
        %dma_wait3A_92 = tpu.memref_slice %arg11[%dma_wait3A_90, %dma_wait3A_91] : memref<10240x128xf32, #tpu.memory_space<vmem_shared>> -> memref<10240x128xf32, #tpu.memory_space<vmem_shared>>
        tpu.wait_indirect_dma semaphore(%run_scoped3A_80 : memref<!tpu.dma_semaphore, #tpu.memory_space<semaphore_mem>>) src(%arg9 : memref<125x128xf32, #tpu.memory_space<vmem>>) dst(%dma_wait3A_92 : memref<10240x128xf32, #tpu.memory_space<vmem_shared>>)
        tpu.yield
      }) : () -> ()
      %add3A_68 = arith.constant 1 : i32
      %add3A_69 = arith.addi %scan3A_50, %add3A_68 : i32
      %lt3A = arith.constant 20 : i32
      %lt3A_70 = arith.cmpi slt, %add3A_69, %lt3A : i32
      %convert_element_type3A = arith.extui %lt3A_70 : i1 to i32
      %cond3A = arith.constant 0 : i32
      %cond3A_71 = arith.cmpi ne, %convert_element_type3A, %cond3A : i32
      scf.if %cond3A_71 {
        %add3A_80 = arith.constant 2 : i32
        %add3A_81 = arith.addi %mul3A_52, %add3A_80 : i32
        %dma_start3A_82 = arith.constant 0 : i32
        %dma_start3A_83 = arith.constant 0 : i32
        %dma_start3A_84 = tpu.memref_slice %arg7[%add3A_81, %dma_start3A_82, %dma_start3A_83] : memref<40x1x125xi32, #tpu.memory_space<vmem>> -> memref<1x1x125xi32, #tpu.memory_space<vmem>>
        %dma_start3A_85 = tpu.memref_squeeze %dma_start3A_84 : memref<1x1x125xi32, #tpu.memory_space<vmem>> -> memref<125xi32, #tpu.memory_space<vmem>>
        %dma_start3A_86 = arith.constant 0 : i32
        %dma_start3A_87 = arith.constant 0 : i32
        %dma_start3A_88 = tpu.memref_slice %arg2[%dma_start3A_86, %dma_start3A_87] : memref<10240x128xf32, #tpu.memory_space<hbm>> -> memref<10240x128xf32, #tpu.memory_space<hbm>>
        tpu.enqueue_indirect_dma source(%dma_start3A_88 : memref<10240x128xf32, #tpu.memory_space<hbm>>) target(%arg9 : memref<125x128xf32, #tpu.memory_space<vmem>>) offsets(%dma_start3A_85 : memref<125xi32, #tpu.memory_space<vmem>>) semaphore(%arg12 : memref<!tpu.dma_semaphore, #tpu.memory_space<semaphore_mem>>)
      } else {
      }
      %dma_wait3A_72 = arith.constant 0 : i32
      %dma_wait3A_73 = arith.constant 0 : i32
      %dma_wait3A_74 = tpu.memref_slice %arg7[%add3A_54, %dma_wait3A_72, %dma_wait3A_73] : memref<40x1x125xi32, #tpu.memory_space<vmem>> -> memref<1x1x125xi32, #tpu.memory_space<vmem>>
      %dma_wait3A_75 = tpu.memref_squeeze %dma_wait3A_74 : memref<1x1x125xi32, #tpu.memory_space<vmem>> -> memref<125xi32, #tpu.memory_space<vmem>>
      %dma_wait3A_76 = arith.constant 0 : i32
      %dma_wait3A_77 = arith.constant 0 : i32
      %dma_wait3A_78 = tpu.memref_slice %arg2[%dma_wait3A_76, %dma_wait3A_77] : memref<10240x128xf32, #tpu.memory_space<hbm>> -> memref<10240x128xf32, #tpu.memory_space<hbm>>
      tpu.wait_indirect_dma semaphore(%arg13 : memref<!tpu.dma_semaphore, #tpu.memory_space<semaphore_mem>>) src(%dma_wait3A_78 : memref<10240x128xf32, #tpu.memory_space<hbm>>) dst(%arg10 : memref<125x128xf32, #tpu.memory_space<vmem>>)
      %run_scoped3A_79 = arith.constant 0 : i32
      "tpu.region"() ({
        %run_scoped3A_80 = tpu.sem_alloc : memref<!tpu.dma_semaphore, #tpu.memory_space<semaphore_mem>>
        %dma_start3A_81 = arith.constant 0 : i32
        %dma_start3A_82 = tpu.memref_slice %arg8[%add3A_54, %run_scoped3A_79, %dma_start3A_81] : memref<40x1x125xi32, #tpu.memory_space<vmem>> -> memref<1x1x125xi32, #tpu.memory_space<vmem>>
        %dma_start3A_83 = tpu.memref_squeeze %dma_start3A_82 : memref<1x1x125xi32, #tpu.memory_space<vmem>> -> memref<125xi32, #tpu.memory_space<vmem>>
        %dma_start3A_84 = arith.constant 0 : i32
        %dma_start3A_85 = arith.constant 0 : i32
        %dma_start3A_86 = tpu.memref_slice %arg11[%dma_start3A_84, %dma_start3A_85] : memref<10240x128xf32, #tpu.memory_space<vmem_shared>> -> memref<10240x128xf32, #tpu.memory_space<vmem_shared>>
        tpu.enqueue_indirect_dma source(%arg10 : memref<125x128xf32, #tpu.memory_space<vmem>>) target(%dma_start3A_86 : memref<10240x128xf32, #tpu.memory_space<vmem_shared>>) offsets(%dma_start3A_83 : memref<125xi32, #tpu.memory_space<vmem>>) semaphore(%run_scoped3A_80 : memref<!tpu.dma_semaphore, #tpu.memory_space<semaphore_mem>>) {add = true}
        %dma_wait3A_87 = arith.constant 0 : i32
        %dma_wait3A_88 = tpu.memref_slice %arg8[%add3A_54, %run_scoped3A_79, %dma_wait3A_87] : memref<40x1x125xi32, #tpu.memory_space<vmem>> -> memref<1x1x125xi32, #tpu.memory_space<vmem>>
        %dma_wait3A_89 = tpu.memref_squeeze %dma_wait3A_88 : memref<1x1x125xi32, #tpu.memory_space<vmem>> -> memref<125xi32, #tpu.memory_space<vmem>>
        %dma_wait3A_90 = arith.constant 0 : i32
        %dma_wait3A_91 = arith.constant 0 : i32
        %dma_wait3A_92 = tpu.memref_slice %arg11[%dma_wait3A_90, %dma_wait3A_91] : memref<10240x128xf32, #tpu.memory_space<vmem_shared>> -> memref<10240x128xf32, #tpu.memory_space<vmem_shared>>
        tpu.wait_indirect_dma semaphore(%run_scoped3A_80 : memref<!tpu.dma_semaphore, #tpu.memory_space<semaphore_mem>>) src(%arg10 : memref<125x128xf32, #tpu.memory_space<vmem>>) dst(%dma_wait3A_92 : memref<10240x128xf32, #tpu.memory_space<vmem_shared>>)
        tpu.yield
      }) : () -> ()
    }
    %scan3A_44 = arith.constant 20 : i32
    %barrier3A_45 = arith.constant 0 : index
    tpu.barrier barrier_id(%barrier3A_45)
    %mul3A_46 = arith.constant 640 : i32
    %mul3A_47 = arith.muli %arg1, %mul3A_46 : i32
    %mul3A_48 = arith.constant 640 : i32
    %mul3A_49 = arith.muli %arg1, %mul3A_48 : i32
    "tpu.region"() ({
      %run_scoped3A = tpu.sem_alloc : memref<!tpu.dma_semaphore, #tpu.memory_space<semaphore_mem>>
      %dma_start3A_50 = arith.constant 0 : i32
      %dma_start3A_51 = tpu.memref_slice %arg6[%arg0, %mul3A_49, %dma_start3A_50] : memref<2x10240x128xf32, #tpu.memory_space<hbm>> -> memref<1x640x128xf32, #tpu.memory_space<hbm>>
      %dma_start3A_52 = tpu.memref_squeeze %dma_start3A_51 : memref<1x640x128xf32, #tpu.memory_space<hbm>> -> memref<640x128xf32, #tpu.memory_space<hbm>>
      %dma_start3A_53 = arith.constant 0 : i32
      %dma_start3A_54 = tpu.memref_slice %arg11[%mul3A_47, %dma_start3A_53] : memref<10240x128xf32, #tpu.memory_space<vmem_shared>> -> memref<640x128xf32, #tpu.memory_space<vmem_shared>>
      tpu.enqueue_dma source(%dma_start3A_54 : memref<640x128xf32, #tpu.memory_space<vmem_shared>>) target(%dma_start3A_52 : memref<640x128xf32, #tpu.memory_space<hbm>>) target_semaphore(%run_scoped3A : memref<!tpu.dma_semaphore, #tpu.memory_space<semaphore_mem>>)
      %dma_wait3A = arith.constant 0 : i32
      %dma_wait3A_55 = tpu.memref_slice %arg6[%arg0, %mul3A_49, %dma_wait3A] : memref<2x10240x128xf32, #tpu.memory_space<hbm>> -> memref<1x640x128xf32, #tpu.memory_space<hbm>>
      %dma_wait3A_56 = tpu.memref_squeeze %dma_wait3A_55 : memref<1x640x128xf32, #tpu.memory_space<hbm>> -> memref<640x128xf32, #tpu.memory_space<hbm>>
      %dma_wait3A_57 = arith.constant 0 : i32
      %dma_wait3A_58 = tpu.memref_slice %arg11[%mul3A_47, %dma_wait3A_57] : memref<10240x128xf32, #tpu.memory_space<vmem_shared>> -> memref<640x128xf32, #tpu.memory_space<vmem_shared>>
      tpu.wait_dma2 semaphore(%run_scoped3A : memref<!tpu.dma_semaphore, #tpu.memory_space<semaphore_mem>>) src(%dma_wait3A_58 : memref<640x128xf32, #tpu.memory_space<vmem_shared>>) dst(%dma_wait3A_56 : memref<640x128xf32, #tpu.memory_space<hbm>>)
      tpu.yield
    }) : () -> ()
    return
  }
}

#map = affine_map<(d0, d1) -> (0, 0)>
#map1 = affine_map<(d0, d1) -> (0, 0, 0)>
module attributes {stable_mosaic.version = 14 : i64} {
  func.func @_s2_pass_kernel(%arg0: i32, %arg1: i32, %arg2: memref<10240x128xf32, #tpu.memory_space<hbm>>, %arg3: memref<10240x128xf32, #tpu.memory_space<hbm>>, %arg4: memref<2560x1x125xi32, #tpu.memory_space<hbm>>, %arg5: memref<2560x1x125xi32, #tpu.memory_space<hbm>>, %arg6: memref<640x128xf32, #tpu.memory_space<hbm>>, %arg7: memref<2x10240x128xf32, #tpu.memory_space<hbm>>, %arg8: memref<2x10240x128xf32, #tpu.memory_space<hbm>>, %arg9: memref<40x1x125xi32, #tpu.memory_space<vmem>>, %arg10: memref<40x1x125xi32, #tpu.memory_space<vmem>>, %arg11: memref<125x128xf32, #tpu.memory_space<vmem>>, %arg12: memref<125x128xf32, #tpu.memory_space<vmem>>, %arg13: memref<10240x128xf32, #tpu.memory_space<vmem_shared>>, %arg14: memref<!tpu.dma_semaphore, #tpu.memory_space<semaphore_mem>>, %arg15: memref<!tpu.dma_semaphore, #tpu.memory_space<semaphore_mem>>) attributes {dimension_semantics = [#tpu.dimension_semantics<core_parallel>, #tpu.dimension_semantics<subcore_parallel>], iteration_bounds = array<i64: 2, 16>, scalar_prefetch = 0 : i64, scratch_operands = 7 : i64, tpu.core_type = #tpu.core_type<sc_vector_subcore>, window_params = [{transform_indices = #map}, {transform_indices = #map}, {transform_indices = #map1}, {transform_indices = #map1}, {transform_indices = #map}, {transform_indices = #map1}, {transform_indices = #map1}]} {
    %mul3A = arith.constant 16 : i32
    %mul3A_0 = arith.muli %arg0, %mul3A : i32
    %add3A = arith.addi %mul3A_0, %arg1 : i32
    %mul3A_1 = arith.constant 640 : i32
    %mul3A_2 = arith.muli %arg1, %mul3A_1 : i32
    "tpu.region"() ({
      %run_scoped3A = tpu.sem_alloc : memref<!tpu.dma_semaphore, #tpu.memory_space<semaphore_mem>>
      %dma_start3A_102 = arith.constant 0 : i32
      %dma_start3A_103 = tpu.memref_slice %arg13[%mul3A_2, %dma_start3A_102] : memref<10240x128xf32, #tpu.memory_space<vmem_shared>> -> memref<640x128xf32, #tpu.memory_space<vmem_shared>>
      tpu.enqueue_dma source(%arg6 : memref<640x128xf32, #tpu.memory_space<hbm>>) target(%dma_start3A_103 : memref<640x128xf32, #tpu.memory_space<vmem_shared>>) target_semaphore(%run_scoped3A : memref<!tpu.dma_semaphore, #tpu.memory_space<semaphore_mem>>)
      %dma_wait3A = arith.constant 0 : i32
      %dma_wait3A_104 = tpu.memref_slice %arg13[%mul3A_2, %dma_wait3A] : memref<10240x128xf32, #tpu.memory_space<vmem_shared>> -> memref<640x128xf32, #tpu.memory_space<vmem_shared>>
      tpu.wait_dma2 semaphore(%run_scoped3A : memref<!tpu.dma_semaphore, #tpu.memory_space<semaphore_mem>>) src(%arg6 : memref<640x128xf32, #tpu.memory_space<hbm>>) dst(%dma_wait3A_104 : memref<640x128xf32, #tpu.memory_space<vmem_shared>>)
      tpu.yield
    }) : () -> ()
    %barrier3A = arith.constant 0 : index
    tpu.barrier barrier_id(%barrier3A)
    %mul3A_3 = arith.constant 80 : i32
    %mul3A_4 = arith.muli %add3A, %mul3A_3 : i32
    %add3A_5 = arith.constant 0 : i32
    %add3A_6 = arith.addi %mul3A_4, %add3A_5 : i32
    "tpu.region"() ({
      %run_scoped3A = tpu.sem_alloc : memref<!tpu.dma_semaphore, #tpu.memory_space<semaphore_mem>>
      %dma_start3A_102 = arith.constant 0 : i32
      %dma_start3A_103 = arith.constant 0 : i32
      %dma_start3A_104 = tpu.memref_slice %arg4[%add3A_6, %dma_start3A_102, %dma_start3A_103] : memref<2560x1x125xi32, #tpu.memory_space<hbm>> -> memref<40x1x125xi32, #tpu.memory_space<hbm>>
      %dma_start3A_105 = arith.constant 0 : i32
      %dma_start3A_106 = arith.constant 0 : i32
      %dma_start3A_107 = tpu.memref_slice %arg4[%add3A_6, %dma_start3A_105, %dma_start3A_106] : memref<2560x1x125xi32, #tpu.memory_space<hbm>> -> memref<40x1x125xi32, #tpu.memory_space<hbm>>
      tpu.enqueue_dma source(%dma_start3A_107 : memref<40x1x125xi32, #tpu.memory_space<hbm>>) target(%arg9 : memref<40x1x125xi32, #tpu.memory_space<vmem>>) target_semaphore(%run_scoped3A : memref<!tpu.dma_semaphore, #tpu.memory_space<semaphore_mem>>)
      %dma_wait3A = arith.constant 0 : i32
      %dma_wait3A_108 = arith.constant 0 : i32
      %dma_wait3A_109 = tpu.memref_slice %arg4[%add3A_6, %dma_wait3A, %dma_wait3A_108] : memref<2560x1x125xi32, #tpu.memory_space<hbm>> -> memref<40x1x125xi32, #tpu.memory_space<hbm>>
      %dma_wait3A_110 = arith.constant 0 : i32
      %dma_wait3A_111 = arith.constant 0 : i32
      %dma_wait3A_112 = tpu.memref_slice %arg4[%add3A_6, %dma_wait3A_110, %dma_wait3A_111] : memref<2560x1x125xi32, #tpu.memory_space<hbm>> -> memref<40x1x125xi32, #tpu.memory_space<hbm>>
      tpu.wait_dma2 semaphore(%run_scoped3A : memref<!tpu.dma_semaphore, #tpu.memory_space<semaphore_mem>>) src(%dma_wait3A_112 : memref<40x1x125xi32, #tpu.memory_space<hbm>>) dst(%arg9 : memref<40x1x125xi32, #tpu.memory_space<vmem>>)
      tpu.yield
    }) : () -> ()
    %mul3A_7 = arith.constant 80 : i32
    %mul3A_8 = arith.muli %add3A, %mul3A_7 : i32
    %add3A_9 = arith.constant 0 : i32
    %add3A_10 = arith.addi %mul3A_8, %add3A_9 : i32
    "tpu.region"() ({
      %run_scoped3A = tpu.sem_alloc : memref<!tpu.dma_semaphore, #tpu.memory_space<semaphore_mem>>
      %dma_start3A_102 = arith.constant 0 : i32
      %dma_start3A_103 = arith.constant 0 : i32
      %dma_start3A_104 = tpu.memref_slice %arg5[%add3A_10, %dma_start3A_102, %dma_start3A_103] : memref<2560x1x125xi32, #tpu.memory_space<hbm>> -> memref<40x1x125xi32, #tpu.memory_space<hbm>>
      %dma_start3A_105 = arith.constant 0 : i32
      %dma_start3A_106 = arith.constant 0 : i32
      %dma_start3A_107 = tpu.memref_slice %arg5[%add3A_10, %dma_start3A_105, %dma_start3A_106] : memref<2560x1x125xi32, #tpu.memory_space<hbm>> -> memref<40x1x125xi32, #tpu.memory_space<hbm>>
      tpu.enqueue_dma source(%dma_start3A_107 : memref<40x1x125xi32, #tpu.memory_space<hbm>>) target(%arg10 : memref<40x1x125xi32, #tpu.memory_space<vmem>>) target_semaphore(%run_scoped3A : memref<!tpu.dma_semaphore, #tpu.memory_space<semaphore_mem>>)
      %dma_wait3A = arith.constant 0 : i32
      %dma_wait3A_108 = arith.constant 0 : i32
      %dma_wait3A_109 = tpu.memref_slice %arg5[%add3A_10, %dma_wait3A, %dma_wait3A_108] : memref<2560x1x125xi32, #tpu.memory_space<hbm>> -> memref<40x1x125xi32, #tpu.memory_space<hbm>>
      %dma_wait3A_110 = arith.constant 0 : i32
      %dma_wait3A_111 = arith.constant 0 : i32
      %dma_wait3A_112 = tpu.memref_slice %arg5[%add3A_10, %dma_wait3A_110, %dma_wait3A_111] : memref<2560x1x125xi32, #tpu.memory_space<hbm>> -> memref<40x1x125xi32, #tpu.memory_space<hbm>>
      tpu.wait_dma2 semaphore(%run_scoped3A : memref<!tpu.dma_semaphore, #tpu.memory_space<semaphore_mem>>) src(%dma_wait3A_112 : memref<40x1x125xi32, #tpu.memory_space<hbm>>) dst(%arg10 : memref<40x1x125xi32, #tpu.memory_space<vmem>>)
      tpu.yield
    }) : () -> ()
    %dma_start3A = arith.constant 0 : i32
    %dma_start3A_11 = arith.constant 0 : i32
    %dma_start3A_12 = arith.constant 0 : i32
    %dma_start3A_13 = tpu.memref_slice %arg9[%dma_start3A, %dma_start3A_11, %dma_start3A_12] : memref<40x1x125xi32, #tpu.memory_space<vmem>> -> memref<1x1x125xi32, #tpu.memory_space<vmem>>
    %dma_start3A_14 = tpu.memref_squeeze %dma_start3A_13 : memref<1x1x125xi32, #tpu.memory_space<vmem>> -> memref<125xi32, #tpu.memory_space<vmem>>
    %dma_start3A_15 = arith.constant 0 : i32
    %dma_start3A_16 = arith.constant 0 : i32
    %dma_start3A_17 = tpu.memref_slice %arg2[%dma_start3A_15, %dma_start3A_16] : memref<10240x128xf32, #tpu.memory_space<hbm>> -> memref<10240x128xf32, #tpu.memory_space<hbm>>
    tpu.enqueue_indirect_dma source(%dma_start3A_17 : memref<10240x128xf32, #tpu.memory_space<hbm>>) target(%arg11 : memref<125x128xf32, #tpu.memory_space<vmem>>) offsets(%dma_start3A_14 : memref<125xi32, #tpu.memory_space<vmem>>) semaphore(%arg14 : memref<!tpu.dma_semaphore, #tpu.memory_space<semaphore_mem>>)
    %scan3A = arith.constant 0 : i32
    %scan3A_18 = arith.constant 0 : i32
    %scan3A_19 = arith.constant 20 : i32
    %scan3A_20 = arith.addi %scan3A_18, %scan3A_19 : i32
    %scan3A_21 = arith.constant 1 : i32
    scf.for %scan3A_102 = %scan3A_18 to %scan3A_20 step %scan3A_21  : i32 {
      %mul3A_103 = arith.constant 2 : i32
      %mul3A_104 = arith.muli %mul3A_103, %scan3A_102 : i32
      %add3A_105 = arith.constant 1 : i32
      %add3A_106 = arith.addi %mul3A_104, %add3A_105 : i32
      %dma_start3A_107 = arith.constant 0 : i32
      %dma_start3A_108 = arith.constant 0 : i32
      %dma_start3A_109 = tpu.memref_slice %arg9[%add3A_106, %dma_start3A_107, %dma_start3A_108] : memref<40x1x125xi32, #tpu.memory_space<vmem>> -> memref<1x1x125xi32, #tpu.memory_space<vmem>>
      %dma_start3A_110 = tpu.memref_squeeze %dma_start3A_109 : memref<1x1x125xi32, #tpu.memory_space<vmem>> -> memref<125xi32, #tpu.memory_space<vmem>>
      %dma_start3A_111 = arith.constant 0 : i32
      %dma_start3A_112 = arith.constant 0 : i32
      %dma_start3A_113 = tpu.memref_slice %arg2[%dma_start3A_111, %dma_start3A_112] : memref<10240x128xf32, #tpu.memory_space<hbm>> -> memref<10240x128xf32, #tpu.memory_space<hbm>>
      tpu.enqueue_indirect_dma source(%dma_start3A_113 : memref<10240x128xf32, #tpu.memory_space<hbm>>) target(%arg12 : memref<125x128xf32, #tpu.memory_space<vmem>>) offsets(%dma_start3A_110 : memref<125xi32, #tpu.memory_space<vmem>>) semaphore(%arg15 : memref<!tpu.dma_semaphore, #tpu.memory_space<semaphore_mem>>)
      %dma_wait3A = arith.constant 0 : i32
      %dma_wait3A_114 = arith.constant 0 : i32
      %dma_wait3A_115 = tpu.memref_slice %arg9[%mul3A_104, %dma_wait3A, %dma_wait3A_114] : memref<40x1x125xi32, #tpu.memory_space<vmem>> -> memref<1x1x125xi32, #tpu.memory_space<vmem>>
      %dma_wait3A_116 = tpu.memref_squeeze %dma_wait3A_115 : memref<1x1x125xi32, #tpu.memory_space<vmem>> -> memref<125xi32, #tpu.memory_space<vmem>>
      %dma_wait3A_117 = arith.constant 0 : i32
      %dma_wait3A_118 = arith.constant 0 : i32
      %dma_wait3A_119 = tpu.memref_slice %arg2[%dma_wait3A_117, %dma_wait3A_118] : memref<10240x128xf32, #tpu.memory_space<hbm>> -> memref<10240x128xf32, #tpu.memory_space<hbm>>
      tpu.wait_indirect_dma semaphore(%arg14 : memref<!tpu.dma_semaphore, #tpu.memory_space<semaphore_mem>>) src(%dma_wait3A_119 : memref<10240x128xf32, #tpu.memory_space<hbm>>) dst(%arg11 : memref<125x128xf32, #tpu.memory_space<vmem>>)
      %run_scoped3A = arith.constant 0 : i32
      "tpu.region"() ({
        %run_scoped3A_132 = tpu.sem_alloc : memref<!tpu.dma_semaphore, #tpu.memory_space<semaphore_mem>>
        %dma_start3A_133 = arith.constant 0 : i32
        %dma_start3A_134 = tpu.memref_slice %arg10[%mul3A_104, %run_scoped3A, %dma_start3A_133] : memref<40x1x125xi32, #tpu.memory_space<vmem>> -> memref<1x1x125xi32, #tpu.memory_space<vmem>>
        %dma_start3A_135 = tpu.memref_squeeze %dma_start3A_134 : memref<1x1x125xi32, #tpu.memory_space<vmem>> -> memref<125xi32, #tpu.memory_space<vmem>>
        %dma_start3A_136 = arith.constant 0 : i32
        %dma_start3A_137 = arith.constant 0 : i32
        %dma_start3A_138 = tpu.memref_slice %arg13[%dma_start3A_136, %dma_start3A_137] : memref<10240x128xf32, #tpu.memory_space<vmem_shared>> -> memref<10240x128xf32, #tpu.memory_space<vmem_shared>>
        tpu.enqueue_indirect_dma source(%arg11 : memref<125x128xf32, #tpu.memory_space<vmem>>) target(%dma_start3A_138 : memref<10240x128xf32, #tpu.memory_space<vmem_shared>>) offsets(%dma_start3A_135 : memref<125xi32, #tpu.memory_space<vmem>>) semaphore(%run_scoped3A_132 : memref<!tpu.dma_semaphore, #tpu.memory_space<semaphore_mem>>) {add = true}
        %dma_wait3A_139 = arith.constant 0 : i32
        %dma_wait3A_140 = tpu.memref_slice %arg10[%mul3A_104, %run_scoped3A, %dma_wait3A_139] : memref<40x1x125xi32, #tpu.memory_space<vmem>> -> memref<1x1x125xi32, #tpu.memory_space<vmem>>
        %dma_wait3A_141 = tpu.memref_squeeze %dma_wait3A_140 : memref<1x1x125xi32, #tpu.memory_space<vmem>> -> memref<125xi32, #tpu.memory_space<vmem>>
        %dma_wait3A_142 = arith.constant 0 : i32
        %dma_wait3A_143 = arith.constant 0 : i32
        %dma_wait3A_144 = tpu.memref_slice %arg13[%dma_wait3A_142, %dma_wait3A_143] : memref<10240x128xf32, #tpu.memory_space<vmem_shared>> -> memref<10240x128xf32, #tpu.memory_space<vmem_shared>>
        tpu.wait_indirect_dma semaphore(%run_scoped3A_132 : memref<!tpu.dma_semaphore, #tpu.memory_space<semaphore_mem>>) src(%arg11 : memref<125x128xf32, #tpu.memory_space<vmem>>) dst(%dma_wait3A_144 : memref<10240x128xf32, #tpu.memory_space<vmem_shared>>)
        tpu.yield
      }) : () -> ()
      %add3A_120 = arith.constant 1 : i32
      %add3A_121 = arith.addi %scan3A_102, %add3A_120 : i32
      %lt3A = arith.constant 20 : i32
      %lt3A_122 = arith.cmpi slt, %add3A_121, %lt3A : i32
      %convert_element_type3A = arith.extui %lt3A_122 : i1 to i32
      %cond3A = arith.constant 0 : i32
      %cond3A_123 = arith.cmpi ne, %convert_element_type3A, %cond3A : i32
      scf.if %cond3A_123 {
        %add3A_132 = arith.constant 2 : i32
        %add3A_133 = arith.addi %mul3A_104, %add3A_132 : i32
        %dma_start3A_134 = arith.constant 0 : i32
        %dma_start3A_135 = arith.constant 0 : i32
        %dma_start3A_136 = tpu.memref_slice %arg9[%add3A_133, %dma_start3A_134, %dma_start3A_135] : memref<40x1x125xi32, #tpu.memory_space<vmem>> -> memref<1x1x125xi32, #tpu.memory_space<vmem>>
        %dma_start3A_137 = tpu.memref_squeeze %dma_start3A_136 : memref<1x1x125xi32, #tpu.memory_space<vmem>> -> memref<125xi32, #tpu.memory_space<vmem>>
        %dma_start3A_138 = arith.constant 0 : i32
        %dma_start3A_139 = arith.constant 0 : i32
        %dma_start3A_140 = tpu.memref_slice %arg2[%dma_start3A_138, %dma_start3A_139] : memref<10240x128xf32, #tpu.memory_space<hbm>> -> memref<10240x128xf32, #tpu.memory_space<hbm>>
        tpu.enqueue_indirect_dma source(%dma_start3A_140 : memref<10240x128xf32, #tpu.memory_space<hbm>>) target(%arg11 : memref<125x128xf32, #tpu.memory_space<vmem>>) offsets(%dma_start3A_137 : memref<125xi32, #tpu.memory_space<vmem>>) semaphore(%arg14 : memref<!tpu.dma_semaphore, #tpu.memory_space<semaphore_mem>>)
      } else {
      }
      %dma_wait3A_124 = arith.constant 0 : i32
      %dma_wait3A_125 = arith.constant 0 : i32
      %dma_wait3A_126 = tpu.memref_slice %arg9[%add3A_106, %dma_wait3A_124, %dma_wait3A_125] : memref<40x1x125xi32, #tpu.memory_space<vmem>> -> memref<1x1x125xi32, #tpu.memory_space<vmem>>
      %dma_wait3A_127 = tpu.memref_squeeze %dma_wait3A_126 : memref<1x1x125xi32, #tpu.memory_space<vmem>> -> memref<125xi32, #tpu.memory_space<vmem>>
      %dma_wait3A_128 = arith.constant 0 : i32
      %dma_wait3A_129 = arith.constant 0 : i32
      %dma_wait3A_130 = tpu.memref_slice %arg2[%dma_wait3A_128, %dma_wait3A_129] : memref<10240x128xf32, #tpu.memory_space<hbm>> -> memref<10240x128xf32, #tpu.memory_space<hbm>>
      tpu.wait_indirect_dma semaphore(%arg15 : memref<!tpu.dma_semaphore, #tpu.memory_space<semaphore_mem>>) src(%dma_wait3A_130 : memref<10240x128xf32, #tpu.memory_space<hbm>>) dst(%arg12 : memref<125x128xf32, #tpu.memory_space<vmem>>)
      %run_scoped3A_131 = arith.constant 0 : i32
      "tpu.region"() ({
        %run_scoped3A_132 = tpu.sem_alloc : memref<!tpu.dma_semaphore, #tpu.memory_space<semaphore_mem>>
        %dma_start3A_133 = arith.constant 0 : i32
        %dma_start3A_134 = tpu.memref_slice %arg10[%add3A_106, %run_scoped3A_131, %dma_start3A_133] : memref<40x1x125xi32, #tpu.memory_space<vmem>> -> memref<1x1x125xi32, #tpu.memory_space<vmem>>
        %dma_start3A_135 = tpu.memref_squeeze %dma_start3A_134 : memref<1x1x125xi32, #tpu.memory_space<vmem>> -> memref<125xi32, #tpu.memory_space<vmem>>
        %dma_start3A_136 = arith.constant 0 : i32
        %dma_start3A_137 = arith.constant 0 : i32
        %dma_start3A_138 = tpu.memref_slice %arg13[%dma_start3A_136, %dma_start3A_137] : memref<10240x128xf32, #tpu.memory_space<vmem_shared>> -> memref<10240x128xf32, #tpu.memory_space<vmem_shared>>
        tpu.enqueue_indirect_dma source(%arg12 : memref<125x128xf32, #tpu.memory_space<vmem>>) target(%dma_start3A_138 : memref<10240x128xf32, #tpu.memory_space<vmem_shared>>) offsets(%dma_start3A_135 : memref<125xi32, #tpu.memory_space<vmem>>) semaphore(%run_scoped3A_132 : memref<!tpu.dma_semaphore, #tpu.memory_space<semaphore_mem>>) {add = true}
        %dma_wait3A_139 = arith.constant 0 : i32
        %dma_wait3A_140 = tpu.memref_slice %arg10[%add3A_106, %run_scoped3A_131, %dma_wait3A_139] : memref<40x1x125xi32, #tpu.memory_space<vmem>> -> memref<1x1x125xi32, #tpu.memory_space<vmem>>
        %dma_wait3A_141 = tpu.memref_squeeze %dma_wait3A_140 : memref<1x1x125xi32, #tpu.memory_space<vmem>> -> memref<125xi32, #tpu.memory_space<vmem>>
        %dma_wait3A_142 = arith.constant 0 : i32
        %dma_wait3A_143 = arith.constant 0 : i32
        %dma_wait3A_144 = tpu.memref_slice %arg13[%dma_wait3A_142, %dma_wait3A_143] : memref<10240x128xf32, #tpu.memory_space<vmem_shared>> -> memref<10240x128xf32, #tpu.memory_space<vmem_shared>>
        tpu.wait_indirect_dma semaphore(%run_scoped3A_132 : memref<!tpu.dma_semaphore, #tpu.memory_space<semaphore_mem>>) src(%arg12 : memref<125x128xf32, #tpu.memory_space<vmem>>) dst(%dma_wait3A_144 : memref<10240x128xf32, #tpu.memory_space<vmem_shared>>)
        tpu.yield
      }) : () -> ()
    }
    %scan3A_22 = arith.constant 20 : i32
    %mul3A_23 = arith.constant 80 : i32
    %mul3A_24 = arith.muli %add3A, %mul3A_23 : i32
    %add3A_25 = arith.constant 40 : i32
    %add3A_26 = arith.addi %mul3A_24, %add3A_25 : i32
    "tpu.region"() ({
      %run_scoped3A = tpu.sem_alloc : memref<!tpu.dma_semaphore, #tpu.memory_space<semaphore_mem>>
      %dma_start3A_102 = arith.constant 0 : i32
      %dma_start3A_103 = arith.constant 0 : i32
      %dma_start3A_104 = tpu.memref_slice %arg4[%add3A_26, %dma_start3A_102, %dma_start3A_103] : memref<2560x1x125xi32, #tpu.memory_space<hbm>> -> memref<40x1x125xi32, #tpu.memory_space<hbm>>
      %dma_start3A_105 = arith.constant 0 : i32
      %dma_start3A_106 = arith.constant 0 : i32
      %dma_start3A_107 = tpu.memref_slice %arg4[%add3A_26, %dma_start3A_105, %dma_start3A_106] : memref<2560x1x125xi32, #tpu.memory_space<hbm>> -> memref<40x1x125xi32, #tpu.memory_space<hbm>>
      tpu.enqueue_dma source(%dma_start3A_107 : memref<40x1x125xi32, #tpu.memory_space<hbm>>) target(%arg9 : memref<40x1x125xi32, #tpu.memory_space<vmem>>) target_semaphore(%run_scoped3A : memref<!tpu.dma_semaphore, #tpu.memory_space<semaphore_mem>>)
      %dma_wait3A = arith.constant 0 : i32
      %dma_wait3A_108 = arith.constant 0 : i32
      %dma_wait3A_109 = tpu.memref_slice %arg4[%add3A_26, %dma_wait3A, %dma_wait3A_108] : memref<2560x1x125xi32, #tpu.memory_space<hbm>> -> memref<40x1x125xi32, #tpu.memory_space<hbm>>
      %dma_wait3A_110 = arith.constant 0 : i32
      %dma_wait3A_111 = arith.constant 0 : i32
      %dma_wait3A_112 = tpu.memref_slice %arg4[%add3A_26, %dma_wait3A_110, %dma_wait3A_111] : memref<2560x1x125xi32, #tpu.memory_space<hbm>> -> memref<40x1x125xi32, #tpu.memory_space<hbm>>
      tpu.wait_dma2 semaphore(%run_scoped3A : memref<!tpu.dma_semaphore, #tpu.memory_space<semaphore_mem>>) src(%dma_wait3A_112 : memref<40x1x125xi32, #tpu.memory_space<hbm>>) dst(%arg9 : memref<40x1x125xi32, #tpu.memory_space<vmem>>)
      tpu.yield
    }) : () -> ()
    %mul3A_27 = arith.constant 80 : i32
    %mul3A_28 = arith.muli %add3A, %mul3A_27 : i32
    %add3A_29 = arith.constant 40 : i32
    %add3A_30 = arith.addi %mul3A_28, %add3A_29 : i32
    "tpu.region"() ({
      %run_scoped3A = tpu.sem_alloc : memref<!tpu.dma_semaphore, #tpu.memory_space<semaphore_mem>>
      %dma_start3A_102 = arith.constant 0 : i32
      %dma_start3A_103 = arith.constant 0 : i32
      %dma_start3A_104 = tpu.memref_slice %arg5[%add3A_30, %dma_start3A_102, %dma_start3A_103] : memref<2560x1x125xi32, #tpu.memory_space<hbm>> -> memref<40x1x125xi32, #tpu.memory_space<hbm>>
      %dma_start3A_105 = arith.constant 0 : i32
      %dma_start3A_106 = arith.constant 0 : i32
      %dma_start3A_107 = tpu.memref_slice %arg5[%add3A_30, %dma_start3A_105, %dma_start3A_106] : memref<2560x1x125xi32, #tpu.memory_space<hbm>> -> memref<40x1x125xi32, #tpu.memory_space<hbm>>
      tpu.enqueue_dma source(%dma_start3A_107 : memref<40x1x125xi32, #tpu.memory_space<hbm>>) target(%arg10 : memref<40x1x125xi32, #tpu.memory_space<vmem>>) target_semaphore(%run_scoped3A : memref<!tpu.dma_semaphore, #tpu.memory_space<semaphore_mem>>)
      %dma_wait3A = arith.constant 0 : i32
      %dma_wait3A_108 = arith.constant 0 : i32
      %dma_wait3A_109 = tpu.memref_slice %arg5[%add3A_30, %dma_wait3A, %dma_wait3A_108] : memref<2560x1x125xi32, #tpu.memory_space<hbm>> -> memref<40x1x125xi32, #tpu.memory_space<hbm>>
      %dma_wait3A_110 = arith.constant 0 : i32
      %dma_wait3A_111 = arith.constant 0 : i32
      %dma_wait3A_112 = tpu.memref_slice %arg5[%add3A_30, %dma_wait3A_110, %dma_wait3A_111] : memref<2560x1x125xi32, #tpu.memory_space<hbm>> -> memref<40x1x125xi32, #tpu.memory_space<hbm>>
      tpu.wait_dma2 semaphore(%run_scoped3A : memref<!tpu.dma_semaphore, #tpu.memory_space<semaphore_mem>>) src(%dma_wait3A_112 : memref<40x1x125xi32, #tpu.memory_space<hbm>>) dst(%arg10 : memref<40x1x125xi32, #tpu.memory_space<vmem>>)
      tpu.yield
    }) : () -> ()
    %dma_start3A_31 = arith.constant 0 : i32
    %dma_start3A_32 = arith.constant 0 : i32
    %dma_start3A_33 = arith.constant 0 : i32
    %dma_start3A_34 = tpu.memref_slice %arg9[%dma_start3A_31, %dma_start3A_32, %dma_start3A_33] : memref<40x1x125xi32, #tpu.memory_space<vmem>> -> memref<1x1x125xi32, #tpu.memory_space<vmem>>
    %dma_start3A_35 = tpu.memref_squeeze %dma_start3A_34 : memref<1x1x125xi32, #tpu.memory_space<vmem>> -> memref<125xi32, #tpu.memory_space<vmem>>
    %dma_start3A_36 = arith.constant 0 : i32
    %dma_start3A_37 = arith.constant 0 : i32
    %dma_start3A_38 = tpu.memref_slice %arg2[%dma_start3A_36, %dma_start3A_37] : memref<10240x128xf32, #tpu.memory_space<hbm>> -> memref<10240x128xf32, #tpu.memory_space<hbm>>
    tpu.enqueue_indirect_dma source(%dma_start3A_38 : memref<10240x128xf32, #tpu.memory_space<hbm>>) target(%arg11 : memref<125x128xf32, #tpu.memory_space<vmem>>) offsets(%dma_start3A_35 : memref<125xi32, #tpu.memory_space<vmem>>) semaphore(%arg14 : memref<!tpu.dma_semaphore, #tpu.memory_space<semaphore_mem>>)
    %scan3A_39 = arith.constant 0 : i32
    %scan3A_40 = arith.constant 0 : i32
    %scan3A_41 = arith.constant 20 : i32
    %scan3A_42 = arith.addi %scan3A_40, %scan3A_41 : i32
    %scan3A_43 = arith.constant 1 : i32
    scf.for %scan3A_102 = %scan3A_40 to %scan3A_42 step %scan3A_43  : i32 {
      %mul3A_103 = arith.constant 2 : i32
      %mul3A_104 = arith.muli %mul3A_103, %scan3A_102 : i32
      %add3A_105 = arith.constant 1 : i32
      %add3A_106 = arith.addi %mul3A_104, %add3A_105 : i32
      %dma_start3A_107 = arith.constant 0 : i32
      %dma_start3A_108 = arith.constant 0 : i32
      %dma_start3A_109 = tpu.memref_slice %arg9[%add3A_106, %dma_start3A_107, %dma_start3A_108] : memref<40x1x125xi32, #tpu.memory_space<vmem>> -> memref<1x1x125xi32, #tpu.memory_space<vmem>>
      %dma_start3A_110 = tpu.memref_squeeze %dma_start3A_109 : memref<1x1x125xi32, #tpu.memory_space<vmem>> -> memref<125xi32, #tpu.memory_space<vmem>>
      %dma_start3A_111 = arith.constant 0 : i32
      %dma_start3A_112 = arith.constant 0 : i32
      %dma_start3A_113 = tpu.memref_slice %arg2[%dma_start3A_111, %dma_start3A_112] : memref<10240x128xf32, #tpu.memory_space<hbm>> -> memref<10240x128xf32, #tpu.memory_space<hbm>>
      tpu.enqueue_indirect_dma source(%dma_start3A_113 : memref<10240x128xf32, #tpu.memory_space<hbm>>) target(%arg12 : memref<125x128xf32, #tpu.memory_space<vmem>>) offsets(%dma_start3A_110 : memref<125xi32, #tpu.memory_space<vmem>>) semaphore(%arg15 : memref<!tpu.dma_semaphore, #tpu.memory_space<semaphore_mem>>)
      %dma_wait3A = arith.constant 0 : i32
      %dma_wait3A_114 = arith.constant 0 : i32
      %dma_wait3A_115 = tpu.memref_slice %arg9[%mul3A_104, %dma_wait3A, %dma_wait3A_114] : memref<40x1x125xi32, #tpu.memory_space<vmem>> -> memref<1x1x125xi32, #tpu.memory_space<vmem>>
      %dma_wait3A_116 = tpu.memref_squeeze %dma_wait3A_115 : memref<1x1x125xi32, #tpu.memory_space<vmem>> -> memref<125xi32, #tpu.memory_space<vmem>>
      %dma_wait3A_117 = arith.constant 0 : i32
      %dma_wait3A_118 = arith.constant 0 : i32
      %dma_wait3A_119 = tpu.memref_slice %arg2[%dma_wait3A_117, %dma_wait3A_118] : memref<10240x128xf32, #tpu.memory_space<hbm>> -> memref<10240x128xf32, #tpu.memory_space<hbm>>
      tpu.wait_indirect_dma semaphore(%arg14 : memref<!tpu.dma_semaphore, #tpu.memory_space<semaphore_mem>>) src(%dma_wait3A_119 : memref<10240x128xf32, #tpu.memory_space<hbm>>) dst(%arg11 : memref<125x128xf32, #tpu.memory_space<vmem>>)
      %run_scoped3A = arith.constant 0 : i32
      "tpu.region"() ({
        %run_scoped3A_132 = tpu.sem_alloc : memref<!tpu.dma_semaphore, #tpu.memory_space<semaphore_mem>>
        %dma_start3A_133 = arith.constant 0 : i32
        %dma_start3A_134 = tpu.memref_slice %arg10[%mul3A_104, %run_scoped3A, %dma_start3A_133] : memref<40x1x125xi32, #tpu.memory_space<vmem>> -> memref<1x1x125xi32, #tpu.memory_space<vmem>>
        %dma_start3A_135 = tpu.memref_squeeze %dma_start3A_134 : memref<1x1x125xi32, #tpu.memory_space<vmem>> -> memref<125xi32, #tpu.memory_space<vmem>>
        %dma_start3A_136 = arith.constant 0 : i32
        %dma_start3A_137 = arith.constant 0 : i32
        %dma_start3A_138 = tpu.memref_slice %arg13[%dma_start3A_136, %dma_start3A_137] : memref<10240x128xf32, #tpu.memory_space<vmem_shared>> -> memref<10240x128xf32, #tpu.memory_space<vmem_shared>>
        tpu.enqueue_indirect_dma source(%arg11 : memref<125x128xf32, #tpu.memory_space<vmem>>) target(%dma_start3A_138 : memref<10240x128xf32, #tpu.memory_space<vmem_shared>>) offsets(%dma_start3A_135 : memref<125xi32, #tpu.memory_space<vmem>>) semaphore(%run_scoped3A_132 : memref<!tpu.dma_semaphore, #tpu.memory_space<semaphore_mem>>) {add = true}
        %dma_wait3A_139 = arith.constant 0 : i32
        %dma_wait3A_140 = tpu.memref_slice %arg10[%mul3A_104, %run_scoped3A, %dma_wait3A_139] : memref<40x1x125xi32, #tpu.memory_space<vmem>> -> memref<1x1x125xi32, #tpu.memory_space<vmem>>
        %dma_wait3A_141 = tpu.memref_squeeze %dma_wait3A_140 : memref<1x1x125xi32, #tpu.memory_space<vmem>> -> memref<125xi32, #tpu.memory_space<vmem>>
        %dma_wait3A_142 = arith.constant 0 : i32
        %dma_wait3A_143 = arith.constant 0 : i32
        %dma_wait3A_144 = tpu.memref_slice %arg13[%dma_wait3A_142, %dma_wait3A_143] : memref<10240x128xf32, #tpu.memory_space<vmem_shared>> -> memref<10240x128xf32, #tpu.memory_space<vmem_shared>>
        tpu.wait_indirect_dma semaphore(%run_scoped3A_132 : memref<!tpu.dma_semaphore, #tpu.memory_space<semaphore_mem>>) src(%arg11 : memref<125x128xf32, #tpu.memory_space<vmem>>) dst(%dma_wait3A_144 : memref<10240x128xf32, #tpu.memory_space<vmem_shared>>)
        tpu.yield
      }) : () -> ()
      %add3A_120 = arith.constant 1 : i32
      %add3A_121 = arith.addi %scan3A_102, %add3A_120 : i32
      %lt3A = arith.constant 20 : i32
      %lt3A_122 = arith.cmpi slt, %add3A_121, %lt3A : i32
      %convert_element_type3A = arith.extui %lt3A_122 : i1 to i32
      %cond3A = arith.constant 0 : i32
      %cond3A_123 = arith.cmpi ne, %convert_element_type3A, %cond3A : i32
      scf.if %cond3A_123 {
        %add3A_132 = arith.constant 2 : i32
        %add3A_133 = arith.addi %mul3A_104, %add3A_132 : i32
        %dma_start3A_134 = arith.constant 0 : i32
        %dma_start3A_135 = arith.constant 0 : i32
        %dma_start3A_136 = tpu.memref_slice %arg9[%add3A_133, %dma_start3A_134, %dma_start3A_135] : memref<40x1x125xi32, #tpu.memory_space<vmem>> -> memref<1x1x125xi32, #tpu.memory_space<vmem>>
        %dma_start3A_137 = tpu.memref_squeeze %dma_start3A_136 : memref<1x1x125xi32, #tpu.memory_space<vmem>> -> memref<125xi32, #tpu.memory_space<vmem>>
        %dma_start3A_138 = arith.constant 0 : i32
        %dma_start3A_139 = arith.constant 0 : i32
        %dma_start3A_140 = tpu.memref_slice %arg2[%dma_start3A_138, %dma_start3A_139] : memref<10240x128xf32, #tpu.memory_space<hbm>> -> memref<10240x128xf32, #tpu.memory_space<hbm>>
        tpu.enqueue_indirect_dma source(%dma_start3A_140 : memref<10240x128xf32, #tpu.memory_space<hbm>>) target(%arg11 : memref<125x128xf32, #tpu.memory_space<vmem>>) offsets(%dma_start3A_137 : memref<125xi32, #tpu.memory_space<vmem>>) semaphore(%arg14 : memref<!tpu.dma_semaphore, #tpu.memory_space<semaphore_mem>>)
      } else {
      }
      %dma_wait3A_124 = arith.constant 0 : i32
      %dma_wait3A_125 = arith.constant 0 : i32
      %dma_wait3A_126 = tpu.memref_slice %arg9[%add3A_106, %dma_wait3A_124, %dma_wait3A_125] : memref<40x1x125xi32, #tpu.memory_space<vmem>> -> memref<1x1x125xi32, #tpu.memory_space<vmem>>
      %dma_wait3A_127 = tpu.memref_squeeze %dma_wait3A_126 : memref<1x1x125xi32, #tpu.memory_space<vmem>> -> memref<125xi32, #tpu.memory_space<vmem>>
      %dma_wait3A_128 = arith.constant 0 : i32
      %dma_wait3A_129 = arith.constant 0 : i32
      %dma_wait3A_130 = tpu.memref_slice %arg2[%dma_wait3A_128, %dma_wait3A_129] : memref<10240x128xf32, #tpu.memory_space<hbm>> -> memref<10240x128xf32, #tpu.memory_space<hbm>>
      tpu.wait_indirect_dma semaphore(%arg15 : memref<!tpu.dma_semaphore, #tpu.memory_space<semaphore_mem>>) src(%dma_wait3A_130 : memref<10240x128xf32, #tpu.memory_space<hbm>>) dst(%arg12 : memref<125x128xf32, #tpu.memory_space<vmem>>)
      %run_scoped3A_131 = arith.constant 0 : i32
      "tpu.region"() ({
        %run_scoped3A_132 = tpu.sem_alloc : memref<!tpu.dma_semaphore, #tpu.memory_space<semaphore_mem>>
        %dma_start3A_133 = arith.constant 0 : i32
        %dma_start3A_134 = tpu.memref_slice %arg10[%add3A_106, %run_scoped3A_131, %dma_start3A_133] : memref<40x1x125xi32, #tpu.memory_space<vmem>> -> memref<1x1x125xi32, #tpu.memory_space<vmem>>
        %dma_start3A_135 = tpu.memref_squeeze %dma_start3A_134 : memref<1x1x125xi32, #tpu.memory_space<vmem>> -> memref<125xi32, #tpu.memory_space<vmem>>
        %dma_start3A_136 = arith.constant 0 : i32
        %dma_start3A_137 = arith.constant 0 : i32
        %dma_start3A_138 = tpu.memref_slice %arg13[%dma_start3A_136, %dma_start3A_137] : memref<10240x128xf32, #tpu.memory_space<vmem_shared>> -> memref<10240x128xf32, #tpu.memory_space<vmem_shared>>
        tpu.enqueue_indirect_dma source(%arg12 : memref<125x128xf32, #tpu.memory_space<vmem>>) target(%dma_start3A_138 : memref<10240x128xf32, #tpu.memory_space<vmem_shared>>) offsets(%dma_start3A_135 : memref<125xi32, #tpu.memory_space<vmem>>) semaphore(%run_scoped3A_132 : memref<!tpu.dma_semaphore, #tpu.memory_space<semaphore_mem>>) {add = true}
        %dma_wait3A_139 = arith.constant 0 : i32
        %dma_wait3A_140 = tpu.memref_slice %arg10[%add3A_106, %run_scoped3A_131, %dma_wait3A_139] : memref<40x1x125xi32, #tpu.memory_space<vmem>> -> memref<1x1x125xi32, #tpu.memory_space<vmem>>
        %dma_wait3A_141 = tpu.memref_squeeze %dma_wait3A_140 : memref<1x1x125xi32, #tpu.memory_space<vmem>> -> memref<125xi32, #tpu.memory_space<vmem>>
        %dma_wait3A_142 = arith.constant 0 : i32
        %dma_wait3A_143 = arith.constant 0 : i32
        %dma_wait3A_144 = tpu.memref_slice %arg13[%dma_wait3A_142, %dma_wait3A_143] : memref<10240x128xf32, #tpu.memory_space<vmem_shared>> -> memref<10240x128xf32, #tpu.memory_space<vmem_shared>>
        tpu.wait_indirect_dma semaphore(%run_scoped3A_132 : memref<!tpu.dma_semaphore, #tpu.memory_space<semaphore_mem>>) src(%arg12 : memref<125x128xf32, #tpu.memory_space<vmem>>) dst(%dma_wait3A_144 : memref<10240x128xf32, #tpu.memory_space<vmem_shared>>)
        tpu.yield
      }) : () -> ()
    }
    %scan3A_44 = arith.constant 20 : i32
    %barrier3A_45 = arith.constant 0 : index
    tpu.barrier barrier_id(%barrier3A_45)
    %mul3A_46 = arith.constant 640 : i32
    %mul3A_47 = arith.muli %arg1, %mul3A_46 : i32
    %mul3A_48 = arith.constant 640 : i32
    %mul3A_49 = arith.muli %arg1, %mul3A_48 : i32
    "tpu.region"() ({
      %run_scoped3A = tpu.sem_alloc : memref<!tpu.dma_semaphore, #tpu.memory_space<semaphore_mem>>
      %dma_start3A_102 = arith.constant 0 : i32
      %dma_start3A_103 = tpu.memref_slice %arg7[%arg0, %mul3A_49, %dma_start3A_102] : memref<2x10240x128xf32, #tpu.memory_space<hbm>> -> memref<1x640x128xf32, #tpu.memory_space<hbm>>
      %dma_start3A_104 = tpu.memref_squeeze %dma_start3A_103 : memref<1x640x128xf32, #tpu.memory_space<hbm>> -> memref<640x128xf32, #tpu.memory_space<hbm>>
      %dma_start3A_105 = arith.constant 0 : i32
      %dma_start3A_106 = tpu.memref_slice %arg13[%mul3A_47, %dma_start3A_105] : memref<10240x128xf32, #tpu.memory_space<vmem_shared>> -> memref<640x128xf32, #tpu.memory_space<vmem_shared>>
      tpu.enqueue_dma source(%dma_start3A_106 : memref<640x128xf32, #tpu.memory_space<vmem_shared>>) target(%dma_start3A_104 : memref<640x128xf32, #tpu.memory_space<hbm>>) target_semaphore(%run_scoped3A : memref<!tpu.dma_semaphore, #tpu.memory_space<semaphore_mem>>)
      %dma_wait3A = arith.constant 0 : i32
      %dma_wait3A_107 = tpu.memref_slice %arg7[%arg0, %mul3A_49, %dma_wait3A] : memref<2x10240x128xf32, #tpu.memory_space<hbm>> -> memref<1x640x128xf32, #tpu.memory_space<hbm>>
      %dma_wait3A_108 = tpu.memref_squeeze %dma_wait3A_107 : memref<1x640x128xf32, #tpu.memory_space<hbm>> -> memref<640x128xf32, #tpu.memory_space<hbm>>
      %dma_wait3A_109 = arith.constant 0 : i32
      %dma_wait3A_110 = tpu.memref_slice %arg13[%mul3A_47, %dma_wait3A_109] : memref<10240x128xf32, #tpu.memory_space<vmem_shared>> -> memref<640x128xf32, #tpu.memory_space<vmem_shared>>
      tpu.wait_dma2 semaphore(%run_scoped3A : memref<!tpu.dma_semaphore, #tpu.memory_space<semaphore_mem>>) src(%dma_wait3A_110 : memref<640x128xf32, #tpu.memory_space<vmem_shared>>) dst(%dma_wait3A_108 : memref<640x128xf32, #tpu.memory_space<hbm>>)
      tpu.yield
    }) : () -> ()
    %mul3A_50 = arith.constant 640 : i32
    %mul3A_51 = arith.muli %arg1, %mul3A_50 : i32
    "tpu.region"() ({
      %run_scoped3A = tpu.sem_alloc : memref<!tpu.dma_semaphore, #tpu.memory_space<semaphore_mem>>
      %dma_start3A_102 = arith.constant 0 : i32
      %dma_start3A_103 = tpu.memref_slice %arg13[%mul3A_51, %dma_start3A_102] : memref<10240x128xf32, #tpu.memory_space<vmem_shared>> -> memref<640x128xf32, #tpu.memory_space<vmem_shared>>
      tpu.enqueue_dma source(%arg6 : memref<640x128xf32, #tpu.memory_space<hbm>>) target(%dma_start3A_103 : memref<640x128xf32, #tpu.memory_space<vmem_shared>>) target_semaphore(%run_scoped3A : memref<!tpu.dma_semaphore, #tpu.memory_space<semaphore_mem>>)
      %dma_wait3A = arith.constant 0 : i32
      %dma_wait3A_104 = tpu.memref_slice %arg13[%mul3A_51, %dma_wait3A] : memref<10240x128xf32, #tpu.memory_space<vmem_shared>> -> memref<640x128xf32, #tpu.memory_space<vmem_shared>>
      tpu.wait_dma2 semaphore(%run_scoped3A : memref<!tpu.dma_semaphore, #tpu.memory_space<semaphore_mem>>) src(%arg6 : memref<640x128xf32, #tpu.memory_space<hbm>>) dst(%dma_wait3A_104 : memref<640x128xf32, #tpu.memory_space<vmem_shared>>)
      tpu.yield
    }) : () -> ()
    %barrier3A_52 = arith.constant 0 : index
    tpu.barrier barrier_id(%barrier3A_52)
    %mul3A_53 = arith.constant 80 : i32
    %mul3A_54 = arith.muli %add3A, %mul3A_53 : i32
    %add3A_55 = arith.constant 0 : i32
    %add3A_56 = arith.addi %mul3A_54, %add3A_55 : i32
    "tpu.region"() ({
      %run_scoped3A = tpu.sem_alloc : memref<!tpu.dma_semaphore, #tpu.memory_space<semaphore_mem>>
      %dma_start3A_102 = arith.constant 0 : i32
      %dma_start3A_103 = arith.constant 0 : i32
      %dma_start3A_104 = tpu.memref_slice %arg4[%add3A_56, %dma_start3A_102, %dma_start3A_103] : memref<2560x1x125xi32, #tpu.memory_space<hbm>> -> memref<40x1x125xi32, #tpu.memory_space<hbm>>
      %dma_start3A_105 = arith.constant 0 : i32
      %dma_start3A_106 = arith.constant 0 : i32
      %dma_start3A_107 = tpu.memref_slice %arg4[%add3A_56, %dma_start3A_105, %dma_start3A_106] : memref<2560x1x125xi32, #tpu.memory_space<hbm>> -> memref<40x1x125xi32, #tpu.memory_space<hbm>>
      tpu.enqueue_dma source(%dma_start3A_107 : memref<40x1x125xi32, #tpu.memory_space<hbm>>) target(%arg9 : memref<40x1x125xi32, #tpu.memory_space<vmem>>) target_semaphore(%run_scoped3A : memref<!tpu.dma_semaphore, #tpu.memory_space<semaphore_mem>>)
      %dma_wait3A = arith.constant 0 : i32
      %dma_wait3A_108 = arith.constant 0 : i32
      %dma_wait3A_109 = tpu.memref_slice %arg4[%add3A_56, %dma_wait3A, %dma_wait3A_108] : memref<2560x1x125xi32, #tpu.memory_space<hbm>> -> memref<40x1x125xi32, #tpu.memory_space<hbm>>
      %dma_wait3A_110 = arith.constant 0 : i32
      %dma_wait3A_111 = arith.constant 0 : i32
      %dma_wait3A_112 = tpu.memref_slice %arg4[%add3A_56, %dma_wait3A_110, %dma_wait3A_111] : memref<2560x1x125xi32, #tpu.memory_space<hbm>> -> memref<40x1x125xi32, #tpu.memory_space<hbm>>
      tpu.wait_dma2 semaphore(%run_scoped3A : memref<!tpu.dma_semaphore, #tpu.memory_space<semaphore_mem>>) src(%dma_wait3A_112 : memref<40x1x125xi32, #tpu.memory_space<hbm>>) dst(%arg9 : memref<40x1x125xi32, #tpu.memory_space<vmem>>)
      tpu.yield
    }) : () -> ()
    %mul3A_57 = arith.constant 80 : i32
    %mul3A_58 = arith.muli %add3A, %mul3A_57 : i32
    %add3A_59 = arith.constant 0 : i32
    %add3A_60 = arith.addi %mul3A_58, %add3A_59 : i32
    "tpu.region"() ({
      %run_scoped3A = tpu.sem_alloc : memref<!tpu.dma_semaphore, #tpu.memory_space<semaphore_mem>>
      %dma_start3A_102 = arith.constant 0 : i32
      %dma_start3A_103 = arith.constant 0 : i32
      %dma_start3A_104 = tpu.memref_slice %arg5[%add3A_60, %dma_start3A_102, %dma_start3A_103] : memref<2560x1x125xi32, #tpu.memory_space<hbm>> -> memref<40x1x125xi32, #tpu.memory_space<hbm>>
      %dma_start3A_105 = arith.constant 0 : i32
      %dma_start3A_106 = arith.constant 0 : i32
      %dma_start3A_107 = tpu.memref_slice %arg5[%add3A_60, %dma_start3A_105, %dma_start3A_106] : memref<2560x1x125xi32, #tpu.memory_space<hbm>> -> memref<40x1x125xi32, #tpu.memory_space<hbm>>
      tpu.enqueue_dma source(%dma_start3A_107 : memref<40x1x125xi32, #tpu.memory_space<hbm>>) target(%arg10 : memref<40x1x125xi32, #tpu.memory_space<vmem>>) target_semaphore(%run_scoped3A : memref<!tpu.dma_semaphore, #tpu.memory_space<semaphore_mem>>)
      %dma_wait3A = arith.constant 0 : i32
      %dma_wait3A_108 = arith.constant 0 : i32
      %dma_wait3A_109 = tpu.memref_slice %arg5[%add3A_60, %dma_wait3A, %dma_wait3A_108] : memref<2560x1x125xi32, #tpu.memory_space<hbm>> -> memref<40x1x125xi32, #tpu.memory_space<hbm>>
      %dma_wait3A_110 = arith.constant 0 : i32
      %dma_wait3A_111 = arith.constant 0 : i32
      %dma_wait3A_112 = tpu.memref_slice %arg5[%add3A_60, %dma_wait3A_110, %dma_wait3A_111] : memref<2560x1x125xi32, #tpu.memory_space<hbm>> -> memref<40x1x125xi32, #tpu.memory_space<hbm>>
      tpu.wait_dma2 semaphore(%run_scoped3A : memref<!tpu.dma_semaphore, #tpu.memory_space<semaphore_mem>>) src(%dma_wait3A_112 : memref<40x1x125xi32, #tpu.memory_space<hbm>>) dst(%arg10 : memref<40x1x125xi32, #tpu.memory_space<vmem>>)
      tpu.yield
    }) : () -> ()
    %dma_start3A_61 = arith.constant 0 : i32
    %dma_start3A_62 = arith.constant 0 : i32
    %dma_start3A_63 = arith.constant 0 : i32
    %dma_start3A_64 = tpu.memref_slice %arg9[%dma_start3A_61, %dma_start3A_62, %dma_start3A_63] : memref<40x1x125xi32, #tpu.memory_space<vmem>> -> memref<1x1x125xi32, #tpu.memory_space<vmem>>
    %dma_start3A_65 = tpu.memref_squeeze %dma_start3A_64 : memref<1x1x125xi32, #tpu.memory_space<vmem>> -> memref<125xi32, #tpu.memory_space<vmem>>
    %dma_start3A_66 = arith.constant 0 : i32
    %dma_start3A_67 = arith.constant 0 : i32
    %dma_start3A_68 = tpu.memref_slice %arg3[%dma_start3A_66, %dma_start3A_67] : memref<10240x128xf32, #tpu.memory_space<hbm>> -> memref<10240x128xf32, #tpu.memory_space<hbm>>
    tpu.enqueue_indirect_dma source(%dma_start3A_68 : memref<10240x128xf32, #tpu.memory_space<hbm>>) target(%arg11 : memref<125x128xf32, #tpu.memory_space<vmem>>) offsets(%dma_start3A_65 : memref<125xi32, #tpu.memory_space<vmem>>) semaphore(%arg14 : memref<!tpu.dma_semaphore, #tpu.memory_space<semaphore_mem>>)
    %scan3A_69 = arith.constant 0 : i32
    %scan3A_70 = arith.constant 0 : i32
    %scan3A_71 = arith.constant 20 : i32
    %scan3A_72 = arith.addi %scan3A_70, %scan3A_71 : i32
    %scan3A_73 = arith.constant 1 : i32
    scf.for %scan3A_102 = %scan3A_70 to %scan3A_72 step %scan3A_73  : i32 {
      %mul3A_103 = arith.constant 2 : i32
      %mul3A_104 = arith.muli %mul3A_103, %scan3A_102 : i32
      %add3A_105 = arith.constant 1 : i32
      %add3A_106 = arith.addi %mul3A_104, %add3A_105 : i32
      %dma_start3A_107 = arith.constant 0 : i32
      %dma_start3A_108 = arith.constant 0 : i32
      %dma_start3A_109 = tpu.memref_slice %arg9[%add3A_106, %dma_start3A_107, %dma_start3A_108] : memref<40x1x125xi32, #tpu.memory_space<vmem>> -> memref<1x1x125xi32, #tpu.memory_space<vmem>>
      %dma_start3A_110 = tpu.memref_squeeze %dma_start3A_109 : memref<1x1x125xi32, #tpu.memory_space<vmem>> -> memref<125xi32, #tpu.memory_space<vmem>>
      %dma_start3A_111 = arith.constant 0 : i32
      %dma_start3A_112 = arith.constant 0 : i32
      %dma_start3A_113 = tpu.memref_slice %arg3[%dma_start3A_111, %dma_start3A_112] : memref<10240x128xf32, #tpu.memory_space<hbm>> -> memref<10240x128xf32, #tpu.memory_space<hbm>>
      tpu.enqueue_indirect_dma source(%dma_start3A_113 : memref<10240x128xf32, #tpu.memory_space<hbm>>) target(%arg12 : memref<125x128xf32, #tpu.memory_space<vmem>>) offsets(%dma_start3A_110 : memref<125xi32, #tpu.memory_space<vmem>>) semaphore(%arg15 : memref<!tpu.dma_semaphore, #tpu.memory_space<semaphore_mem>>)
      %dma_wait3A = arith.constant 0 : i32
      %dma_wait3A_114 = arith.constant 0 : i32
      %dma_wait3A_115 = tpu.memref_slice %arg9[%mul3A_104, %dma_wait3A, %dma_wait3A_114] : memref<40x1x125xi32, #tpu.memory_space<vmem>> -> memref<1x1x125xi32, #tpu.memory_space<vmem>>
      %dma_wait3A_116 = tpu.memref_squeeze %dma_wait3A_115 : memref<1x1x125xi32, #tpu.memory_space<vmem>> -> memref<125xi32, #tpu.memory_space<vmem>>
      %dma_wait3A_117 = arith.constant 0 : i32
      %dma_wait3A_118 = arith.constant 0 : i32
      %dma_wait3A_119 = tpu.memref_slice %arg3[%dma_wait3A_117, %dma_wait3A_118] : memref<10240x128xf32, #tpu.memory_space<hbm>> -> memref<10240x128xf32, #tpu.memory_space<hbm>>
      tpu.wait_indirect_dma semaphore(%arg14 : memref<!tpu.dma_semaphore, #tpu.memory_space<semaphore_mem>>) src(%dma_wait3A_119 : memref<10240x128xf32, #tpu.memory_space<hbm>>) dst(%arg11 : memref<125x128xf32, #tpu.memory_space<vmem>>)
      %run_scoped3A = arith.constant 0 : i32
      "tpu.region"() ({
        %run_scoped3A_132 = tpu.sem_alloc : memref<!tpu.dma_semaphore, #tpu.memory_space<semaphore_mem>>
        %dma_start3A_133 = arith.constant 0 : i32
        %dma_start3A_134 = tpu.memref_slice %arg10[%mul3A_104, %run_scoped3A, %dma_start3A_133] : memref<40x1x125xi32, #tpu.memory_space<vmem>> -> memref<1x1x125xi32, #tpu.memory_space<vmem>>
        %dma_start3A_135 = tpu.memref_squeeze %dma_start3A_134 : memref<1x1x125xi32, #tpu.memory_space<vmem>> -> memref<125xi32, #tpu.memory_space<vmem>>
        %dma_start3A_136 = arith.constant 0 : i32
        %dma_start3A_137 = arith.constant 0 : i32
        %dma_start3A_138 = tpu.memref_slice %arg13[%dma_start3A_136, %dma_start3A_137] : memref<10240x128xf32, #tpu.memory_space<vmem_shared>> -> memref<10240x128xf32, #tpu.memory_space<vmem_shared>>
        tpu.enqueue_indirect_dma source(%arg11 : memref<125x128xf32, #tpu.memory_space<vmem>>) target(%dma_start3A_138 : memref<10240x128xf32, #tpu.memory_space<vmem_shared>>) offsets(%dma_start3A_135 : memref<125xi32, #tpu.memory_space<vmem>>) semaphore(%run_scoped3A_132 : memref<!tpu.dma_semaphore, #tpu.memory_space<semaphore_mem>>) {add = true}
        %dma_wait3A_139 = arith.constant 0 : i32
        %dma_wait3A_140 = tpu.memref_slice %arg10[%mul3A_104, %run_scoped3A, %dma_wait3A_139] : memref<40x1x125xi32, #tpu.memory_space<vmem>> -> memref<1x1x125xi32, #tpu.memory_space<vmem>>
        %dma_wait3A_141 = tpu.memref_squeeze %dma_wait3A_140 : memref<1x1x125xi32, #tpu.memory_space<vmem>> -> memref<125xi32, #tpu.memory_space<vmem>>
        %dma_wait3A_142 = arith.constant 0 : i32
        %dma_wait3A_143 = arith.constant 0 : i32
        %dma_wait3A_144 = tpu.memref_slice %arg13[%dma_wait3A_142, %dma_wait3A_143] : memref<10240x128xf32, #tpu.memory_space<vmem_shared>> -> memref<10240x128xf32, #tpu.memory_space<vmem_shared>>
        tpu.wait_indirect_dma semaphore(%run_scoped3A_132 : memref<!tpu.dma_semaphore, #tpu.memory_space<semaphore_mem>>) src(%arg11 : memref<125x128xf32, #tpu.memory_space<vmem>>) dst(%dma_wait3A_144 : memref<10240x128xf32, #tpu.memory_space<vmem_shared>>)
        tpu.yield
      }) : () -> ()
      %add3A_120 = arith.constant 1 : i32
      %add3A_121 = arith.addi %scan3A_102, %add3A_120 : i32
      %lt3A = arith.constant 20 : i32
      %lt3A_122 = arith.cmpi slt, %add3A_121, %lt3A : i32
      %convert_element_type3A = arith.extui %lt3A_122 : i1 to i32
      %cond3A = arith.constant 0 : i32
      %cond3A_123 = arith.cmpi ne, %convert_element_type3A, %cond3A : i32
      scf.if %cond3A_123 {
        %add3A_132 = arith.constant 2 : i32
        %add3A_133 = arith.addi %mul3A_104, %add3A_132 : i32
        %dma_start3A_134 = arith.constant 0 : i32
        %dma_start3A_135 = arith.constant 0 : i32
        %dma_start3A_136 = tpu.memref_slice %arg9[%add3A_133, %dma_start3A_134, %dma_start3A_135] : memref<40x1x125xi32, #tpu.memory_space<vmem>> -> memref<1x1x125xi32, #tpu.memory_space<vmem>>
        %dma_start3A_137 = tpu.memref_squeeze %dma_start3A_136 : memref<1x1x125xi32, #tpu.memory_space<vmem>> -> memref<125xi32, #tpu.memory_space<vmem>>
        %dma_start3A_138 = arith.constant 0 : i32
        %dma_start3A_139 = arith.constant 0 : i32
        %dma_start3A_140 = tpu.memref_slice %arg3[%dma_start3A_138, %dma_start3A_139] : memref<10240x128xf32, #tpu.memory_space<hbm>> -> memref<10240x128xf32, #tpu.memory_space<hbm>>
        tpu.enqueue_indirect_dma source(%dma_start3A_140 : memref<10240x128xf32, #tpu.memory_space<hbm>>) target(%arg11 : memref<125x128xf32, #tpu.memory_space<vmem>>) offsets(%dma_start3A_137 : memref<125xi32, #tpu.memory_space<vmem>>) semaphore(%arg14 : memref<!tpu.dma_semaphore, #tpu.memory_space<semaphore_mem>>)
      } else {
      }
      %dma_wait3A_124 = arith.constant 0 : i32
      %dma_wait3A_125 = arith.constant 0 : i32
      %dma_wait3A_126 = tpu.memref_slice %arg9[%add3A_106, %dma_wait3A_124, %dma_wait3A_125] : memref<40x1x125xi32, #tpu.memory_space<vmem>> -> memref<1x1x125xi32, #tpu.memory_space<vmem>>
      %dma_wait3A_127 = tpu.memref_squeeze %dma_wait3A_126 : memref<1x1x125xi32, #tpu.memory_space<vmem>> -> memref<125xi32, #tpu.memory_space<vmem>>
      %dma_wait3A_128 = arith.constant 0 : i32
      %dma_wait3A_129 = arith.constant 0 : i32
      %dma_wait3A_130 = tpu.memref_slice %arg3[%dma_wait3A_128, %dma_wait3A_129] : memref<10240x128xf32, #tpu.memory_space<hbm>> -> memref<10240x128xf32, #tpu.memory_space<hbm>>
      tpu.wait_indirect_dma semaphore(%arg15 : memref<!tpu.dma_semaphore, #tpu.memory_space<semaphore_mem>>) src(%dma_wait3A_130 : memref<10240x128xf32, #tpu.memory_space<hbm>>) dst(%arg12 : memref<125x128xf32, #tpu.memory_space<vmem>>)
      %run_scoped3A_131 = arith.constant 0 : i32
      "tpu.region"() ({
        %run_scoped3A_132 = tpu.sem_alloc : memref<!tpu.dma_semaphore, #tpu.memory_space<semaphore_mem>>
        %dma_start3A_133 = arith.constant 0 : i32
        %dma_start3A_134 = tpu.memref_slice %arg10[%add3A_106, %run_scoped3A_131, %dma_start3A_133] : memref<40x1x125xi32, #tpu.memory_space<vmem>> -> memref<1x1x125xi32, #tpu.memory_space<vmem>>
        %dma_start3A_135 = tpu.memref_squeeze %dma_start3A_134 : memref<1x1x125xi32, #tpu.memory_space<vmem>> -> memref<125xi32, #tpu.memory_space<vmem>>
        %dma_start3A_136 = arith.constant 0 : i32
        %dma_start3A_137 = arith.constant 0 : i32
        %dma_start3A_138 = tpu.memref_slice %arg13[%dma_start3A_136, %dma_start3A_137] : memref<10240x128xf32, #tpu.memory_space<vmem_shared>> -> memref<10240x128xf32, #tpu.memory_space<vmem_shared>>
        tpu.enqueue_indirect_dma source(%arg12 : memref<125x128xf32, #tpu.memory_space<vmem>>) target(%dma_start3A_138 : memref<10240x128xf32, #tpu.memory_space<vmem_shared>>) offsets(%dma_start3A_135 : memref<125xi32, #tpu.memory_space<vmem>>) semaphore(%run_scoped3A_132 : memref<!tpu.dma_semaphore, #tpu.memory_space<semaphore_mem>>) {add = true}
        %dma_wait3A_139 = arith.constant 0 : i32
        %dma_wait3A_140 = tpu.memref_slice %arg10[%add3A_106, %run_scoped3A_131, %dma_wait3A_139] : memref<40x1x125xi32, #tpu.memory_space<vmem>> -> memref<1x1x125xi32, #tpu.memory_space<vmem>>
        %dma_wait3A_141 = tpu.memref_squeeze %dma_wait3A_140 : memref<1x1x125xi32, #tpu.memory_space<vmem>> -> memref<125xi32, #tpu.memory_space<vmem>>
        %dma_wait3A_142 = arith.constant 0 : i32
        %dma_wait3A_143 = arith.constant 0 : i32
        %dma_wait3A_144 = tpu.memref_slice %arg13[%dma_wait3A_142, %dma_wait3A_143] : memref<10240x128xf32, #tpu.memory_space<vmem_shared>> -> memref<10240x128xf32, #tpu.memory_space<vmem_shared>>
        tpu.wait_indirect_dma semaphore(%run_scoped3A_132 : memref<!tpu.dma_semaphore, #tpu.memory_space<semaphore_mem>>) src(%arg12 : memref<125x128xf32, #tpu.memory_space<vmem>>) dst(%dma_wait3A_144 : memref<10240x128xf32, #tpu.memory_space<vmem_shared>>)
        tpu.yield
      }) : () -> ()
    }
    %scan3A_74 = arith.constant 20 : i32
    %mul3A_75 = arith.constant 80 : i32
    %mul3A_76 = arith.muli %add3A, %mul3A_75 : i32
    %add3A_77 = arith.constant 40 : i32
    %add3A_78 = arith.addi %mul3A_76, %add3A_77 : i32
    "tpu.region"() ({
      %run_scoped3A = tpu.sem_alloc : memref<!tpu.dma_semaphore, #tpu.memory_space<semaphore_mem>>
      %dma_start3A_102 = arith.constant 0 : i32
      %dma_start3A_103 = arith.constant 0 : i32
      %dma_start3A_104 = tpu.memref_slice %arg4[%add3A_78, %dma_start3A_102, %dma_start3A_103] : memref<2560x1x125xi32, #tpu.memory_space<hbm>> -> memref<40x1x125xi32, #tpu.memory_space<hbm>>
      %dma_start3A_105 = arith.constant 0 : i32
      %dma_start3A_106 = arith.constant 0 : i32
      %dma_start3A_107 = tpu.memref_slice %arg4[%add3A_78, %dma_start3A_105, %dma_start3A_106] : memref<2560x1x125xi32, #tpu.memory_space<hbm>> -> memref<40x1x125xi32, #tpu.memory_space<hbm>>
      tpu.enqueue_dma source(%dma_start3A_107 : memref<40x1x125xi32, #tpu.memory_space<hbm>>) target(%arg9 : memref<40x1x125xi32, #tpu.memory_space<vmem>>) target_semaphore(%run_scoped3A : memref<!tpu.dma_semaphore, #tpu.memory_space<semaphore_mem>>)
      %dma_wait3A = arith.constant 0 : i32
      %dma_wait3A_108 = arith.constant 0 : i32
      %dma_wait3A_109 = tpu.memref_slice %arg4[%add3A_78, %dma_wait3A, %dma_wait3A_108] : memref<2560x1x125xi32, #tpu.memory_space<hbm>> -> memref<40x1x125xi32, #tpu.memory_space<hbm>>
      %dma_wait3A_110 = arith.constant 0 : i32
      %dma_wait3A_111 = arith.constant 0 : i32
      %dma_wait3A_112 = tpu.memref_slice %arg4[%add3A_78, %dma_wait3A_110, %dma_wait3A_111] : memref<2560x1x125xi32, #tpu.memory_space<hbm>> -> memref<40x1x125xi32, #tpu.memory_space<hbm>>
      tpu.wait_dma2 semaphore(%run_scoped3A : memref<!tpu.dma_semaphore, #tpu.memory_space<semaphore_mem>>) src(%dma_wait3A_112 : memref<40x1x125xi32, #tpu.memory_space<hbm>>) dst(%arg9 : memref<40x1x125xi32, #tpu.memory_space<vmem>>)
      tpu.yield
    }) : () -> ()
    %mul3A_79 = arith.constant 80 : i32
    %mul3A_80 = arith.muli %add3A, %mul3A_79 : i32
    %add3A_81 = arith.constant 40 : i32
    %add3A_82 = arith.addi %mul3A_80, %add3A_81 : i32
    "tpu.region"() ({
      %run_scoped3A = tpu.sem_alloc : memref<!tpu.dma_semaphore, #tpu.memory_space<semaphore_mem>>
      %dma_start3A_102 = arith.constant 0 : i32
      %dma_start3A_103 = arith.constant 0 : i32
      %dma_start3A_104 = tpu.memref_slice %arg5[%add3A_82, %dma_start3A_102, %dma_start3A_103] : memref<2560x1x125xi32, #tpu.memory_space<hbm>> -> memref<40x1x125xi32, #tpu.memory_space<hbm>>
      %dma_start3A_105 = arith.constant 0 : i32
      %dma_start3A_106 = arith.constant 0 : i32
      %dma_start3A_107 = tpu.memref_slice %arg5[%add3A_82, %dma_start3A_105, %dma_start3A_106] : memref<2560x1x125xi32, #tpu.memory_space<hbm>> -> memref<40x1x125xi32, #tpu.memory_space<hbm>>
      tpu.enqueue_dma source(%dma_start3A_107 : memref<40x1x125xi32, #tpu.memory_space<hbm>>) target(%arg10 : memref<40x1x125xi32, #tpu.memory_space<vmem>>) target_semaphore(%run_scoped3A : memref<!tpu.dma_semaphore, #tpu.memory_space<semaphore_mem>>)
      %dma_wait3A = arith.constant 0 : i32
      %dma_wait3A_108 = arith.constant 0 : i32
      %dma_wait3A_109 = tpu.memref_slice %arg5[%add3A_82, %dma_wait3A, %dma_wait3A_108] : memref<2560x1x125xi32, #tpu.memory_space<hbm>> -> memref<40x1x125xi32, #tpu.memory_space<hbm>>
      %dma_wait3A_110 = arith.constant 0 : i32
      %dma_wait3A_111 = arith.constant 0 : i32
      %dma_wait3A_112 = tpu.memref_slice %arg5[%add3A_82, %dma_wait3A_110, %dma_wait3A_111] : memref<2560x1x125xi32, #tpu.memory_space<hbm>> -> memref<40x1x125xi32, #tpu.memory_space<hbm>>
      tpu.wait_dma2 semaphore(%run_scoped3A : memref<!tpu.dma_semaphore, #tpu.memory_space<semaphore_mem>>) src(%dma_wait3A_112 : memref<40x1x125xi32, #tpu.memory_space<hbm>>) dst(%arg10 : memref<40x1x125xi32, #tpu.memory_space<vmem>>)
      tpu.yield
    }) : () -> ()
    %dma_start3A_83 = arith.constant 0 : i32
    %dma_start3A_84 = arith.constant 0 : i32
    %dma_start3A_85 = arith.constant 0 : i32
    %dma_start3A_86 = tpu.memref_slice %arg9[%dma_start3A_83, %dma_start3A_84, %dma_start3A_85] : memref<40x1x125xi32, #tpu.memory_space<vmem>> -> memref<1x1x125xi32, #tpu.memory_space<vmem>>
    %dma_start3A_87 = tpu.memref_squeeze %dma_start3A_86 : memref<1x1x125xi32, #tpu.memory_space<vmem>> -> memref<125xi32, #tpu.memory_space<vmem>>
    %dma_start3A_88 = arith.constant 0 : i32
    %dma_start3A_89 = arith.constant 0 : i32
    %dma_start3A_90 = tpu.memref_slice %arg3[%dma_start3A_88, %dma_start3A_89] : memref<10240x128xf32, #tpu.memory_space<hbm>> -> memref<10240x128xf32, #tpu.memory_space<hbm>>
    tpu.enqueue_indirect_dma source(%dma_start3A_90 : memref<10240x128xf32, #tpu.memory_space<hbm>>) target(%arg11 : memref<125x128xf32, #tpu.memory_space<vmem>>) offsets(%dma_start3A_87 : memref<125xi32, #tpu.memory_space<vmem>>) semaphore(%arg14 : memref<!tpu.dma_semaphore, #tpu.memory_space<semaphore_mem>>)
    %scan3A_91 = arith.constant 0 : i32
    %scan3A_92 = arith.constant 0 : i32
    %scan3A_93 = arith.constant 20 : i32
    %scan3A_94 = arith.addi %scan3A_92, %scan3A_93 : i32
    %scan3A_95 = arith.constant 1 : i32
    scf.for %scan3A_102 = %scan3A_92 to %scan3A_94 step %scan3A_95  : i32 {
      %mul3A_103 = arith.constant 2 : i32
      %mul3A_104 = arith.muli %mul3A_103, %scan3A_102 : i32
      %add3A_105 = arith.constant 1 : i32
      %add3A_106 = arith.addi %mul3A_104, %add3A_105 : i32
      %dma_start3A_107 = arith.constant 0 : i32
      %dma_start3A_108 = arith.constant 0 : i32
      %dma_start3A_109 = tpu.memref_slice %arg9[%add3A_106, %dma_start3A_107, %dma_start3A_108] : memref<40x1x125xi32, #tpu.memory_space<vmem>> -> memref<1x1x125xi32, #tpu.memory_space<vmem>>
      %dma_start3A_110 = tpu.memref_squeeze %dma_start3A_109 : memref<1x1x125xi32, #tpu.memory_space<vmem>> -> memref<125xi32, #tpu.memory_space<vmem>>
      %dma_start3A_111 = arith.constant 0 : i32
      %dma_start3A_112 = arith.constant 0 : i32
      %dma_start3A_113 = tpu.memref_slice %arg3[%dma_start3A_111, %dma_start3A_112] : memref<10240x128xf32, #tpu.memory_space<hbm>> -> memref<10240x128xf32, #tpu.memory_space<hbm>>
      tpu.enqueue_indirect_dma source(%dma_start3A_113 : memref<10240x128xf32, #tpu.memory_space<hbm>>) target(%arg12 : memref<125x128xf32, #tpu.memory_space<vmem>>) offsets(%dma_start3A_110 : memref<125xi32, #tpu.memory_space<vmem>>) semaphore(%arg15 : memref<!tpu.dma_semaphore, #tpu.memory_space<semaphore_mem>>)
      %dma_wait3A = arith.constant 0 : i32
      %dma_wait3A_114 = arith.constant 0 : i32
      %dma_wait3A_115 = tpu.memref_slice %arg9[%mul3A_104, %dma_wait3A, %dma_wait3A_114] : memref<40x1x125xi32, #tpu.memory_space<vmem>> -> memref<1x1x125xi32, #tpu.memory_space<vmem>>
      %dma_wait3A_116 = tpu.memref_squeeze %dma_wait3A_115 : memref<1x1x125xi32, #tpu.memory_space<vmem>> -> memref<125xi32, #tpu.memory_space<vmem>>
      %dma_wait3A_117 = arith.constant 0 : i32
      %dma_wait3A_118 = arith.constant 0 : i32
      %dma_wait3A_119 = tpu.memref_slice %arg3[%dma_wait3A_117, %dma_wait3A_118] : memref<10240x128xf32, #tpu.memory_space<hbm>> -> memref<10240x128xf32, #tpu.memory_space<hbm>>
      tpu.wait_indirect_dma semaphore(%arg14 : memref<!tpu.dma_semaphore, #tpu.memory_space<semaphore_mem>>) src(%dma_wait3A_119 : memref<10240x128xf32, #tpu.memory_space<hbm>>) dst(%arg11 : memref<125x128xf32, #tpu.memory_space<vmem>>)
      %run_scoped3A = arith.constant 0 : i32
      "tpu.region"() ({
        %run_scoped3A_132 = tpu.sem_alloc : memref<!tpu.dma_semaphore, #tpu.memory_space<semaphore_mem>>
        %dma_start3A_133 = arith.constant 0 : i32
        %dma_start3A_134 = tpu.memref_slice %arg10[%mul3A_104, %run_scoped3A, %dma_start3A_133] : memref<40x1x125xi32, #tpu.memory_space<vmem>> -> memref<1x1x125xi32, #tpu.memory_space<vmem>>
        %dma_start3A_135 = tpu.memref_squeeze %dma_start3A_134 : memref<1x1x125xi32, #tpu.memory_space<vmem>> -> memref<125xi32, #tpu.memory_space<vmem>>
        %dma_start3A_136 = arith.constant 0 : i32
        %dma_start3A_137 = arith.constant 0 : i32
        %dma_start3A_138 = tpu.memref_slice %arg13[%dma_start3A_136, %dma_start3A_137] : memref<10240x128xf32, #tpu.memory_space<vmem_shared>> -> memref<10240x128xf32, #tpu.memory_space<vmem_shared>>
        tpu.enqueue_indirect_dma source(%arg11 : memref<125x128xf32, #tpu.memory_space<vmem>>) target(%dma_start3A_138 : memref<10240x128xf32, #tpu.memory_space<vmem_shared>>) offsets(%dma_start3A_135 : memref<125xi32, #tpu.memory_space<vmem>>) semaphore(%run_scoped3A_132 : memref<!tpu.dma_semaphore, #tpu.memory_space<semaphore_mem>>) {add = true}
        %dma_wait3A_139 = arith.constant 0 : i32
        %dma_wait3A_140 = tpu.memref_slice %arg10[%mul3A_104, %run_scoped3A, %dma_wait3A_139] : memref<40x1x125xi32, #tpu.memory_space<vmem>> -> memref<1x1x125xi32, #tpu.memory_space<vmem>>
        %dma_wait3A_141 = tpu.memref_squeeze %dma_wait3A_140 : memref<1x1x125xi32, #tpu.memory_space<vmem>> -> memref<125xi32, #tpu.memory_space<vmem>>
        %dma_wait3A_142 = arith.constant 0 : i32
        %dma_wait3A_143 = arith.constant 0 : i32
        %dma_wait3A_144 = tpu.memref_slice %arg13[%dma_wait3A_142, %dma_wait3A_143] : memref<10240x128xf32, #tpu.memory_space<vmem_shared>> -> memref<10240x128xf32, #tpu.memory_space<vmem_shared>>
        tpu.wait_indirect_dma semaphore(%run_scoped3A_132 : memref<!tpu.dma_semaphore, #tpu.memory_space<semaphore_mem>>) src(%arg11 : memref<125x128xf32, #tpu.memory_space<vmem>>) dst(%dma_wait3A_144 : memref<10240x128xf32, #tpu.memory_space<vmem_shared>>)
        tpu.yield
      }) : () -> ()
      %add3A_120 = arith.constant 1 : i32
      %add3A_121 = arith.addi %scan3A_102, %add3A_120 : i32
      %lt3A = arith.constant 20 : i32
      %lt3A_122 = arith.cmpi slt, %add3A_121, %lt3A : i32
      %convert_element_type3A = arith.extui %lt3A_122 : i1 to i32
      %cond3A = arith.constant 0 : i32
      %cond3A_123 = arith.cmpi ne, %convert_element_type3A, %cond3A : i32
      scf.if %cond3A_123 {
        %add3A_132 = arith.constant 2 : i32
        %add3A_133 = arith.addi %mul3A_104, %add3A_132 : i32
        %dma_start3A_134 = arith.constant 0 : i32
        %dma_start3A_135 = arith.constant 0 : i32
        %dma_start3A_136 = tpu.memref_slice %arg9[%add3A_133, %dma_start3A_134, %dma_start3A_135] : memref<40x1x125xi32, #tpu.memory_space<vmem>> -> memref<1x1x125xi32, #tpu.memory_space<vmem>>
        %dma_start3A_137 = tpu.memref_squeeze %dma_start3A_136 : memref<1x1x125xi32, #tpu.memory_space<vmem>> -> memref<125xi32, #tpu.memory_space<vmem>>
        %dma_start3A_138 = arith.constant 0 : i32
        %dma_start3A_139 = arith.constant 0 : i32
        %dma_start3A_140 = tpu.memref_slice %arg3[%dma_start3A_138, %dma_start3A_139] : memref<10240x128xf32, #tpu.memory_space<hbm>> -> memref<10240x128xf32, #tpu.memory_space<hbm>>
        tpu.enqueue_indirect_dma source(%dma_start3A_140 : memref<10240x128xf32, #tpu.memory_space<hbm>>) target(%arg11 : memref<125x128xf32, #tpu.memory_space<vmem>>) offsets(%dma_start3A_137 : memref<125xi32, #tpu.memory_space<vmem>>) semaphore(%arg14 : memref<!tpu.dma_semaphore, #tpu.memory_space<semaphore_mem>>)
      } else {
      }
      %dma_wait3A_124 = arith.constant 0 : i32
      %dma_wait3A_125 = arith.constant 0 : i32
      %dma_wait3A_126 = tpu.memref_slice %arg9[%add3A_106, %dma_wait3A_124, %dma_wait3A_125] : memref<40x1x125xi32, #tpu.memory_space<vmem>> -> memref<1x1x125xi32, #tpu.memory_space<vmem>>
      %dma_wait3A_127 = tpu.memref_squeeze %dma_wait3A_126 : memref<1x1x125xi32, #tpu.memory_space<vmem>> -> memref<125xi32, #tpu.memory_space<vmem>>
      %dma_wait3A_128 = arith.constant 0 : i32
      %dma_wait3A_129 = arith.constant 0 : i32
      %dma_wait3A_130 = tpu.memref_slice %arg3[%dma_wait3A_128, %dma_wait3A_129] : memref<10240x128xf32, #tpu.memory_space<hbm>> -> memref<10240x128xf32, #tpu.memory_space<hbm>>
      tpu.wait_indirect_dma semaphore(%arg15 : memref<!tpu.dma_semaphore, #tpu.memory_space<semaphore_mem>>) src(%dma_wait3A_130 : memref<10240x128xf32, #tpu.memory_space<hbm>>) dst(%arg12 : memref<125x128xf32, #tpu.memory_space<vmem>>)
      %run_scoped3A_131 = arith.constant 0 : i32
      "tpu.region"() ({
        %run_scoped3A_132 = tpu.sem_alloc : memref<!tpu.dma_semaphore, #tpu.memory_space<semaphore_mem>>
        %dma_start3A_133 = arith.constant 0 : i32
        %dma_start3A_134 = tpu.memref_slice %arg10[%add3A_106, %run_scoped3A_131, %dma_start3A_133] : memref<40x1x125xi32, #tpu.memory_space<vmem>> -> memref<1x1x125xi32, #tpu.memory_space<vmem>>
        %dma_start3A_135 = tpu.memref_squeeze %dma_start3A_134 : memref<1x1x125xi32, #tpu.memory_space<vmem>> -> memref<125xi32, #tpu.memory_space<vmem>>
        %dma_start3A_136 = arith.constant 0 : i32
        %dma_start3A_137 = arith.constant 0 : i32
        %dma_start3A_138 = tpu.memref_slice %arg13[%dma_start3A_136, %dma_start3A_137] : memref<10240x128xf32, #tpu.memory_space<vmem_shared>> -> memref<10240x128xf32, #tpu.memory_space<vmem_shared>>
        tpu.enqueue_indirect_dma source(%arg12 : memref<125x128xf32, #tpu.memory_space<vmem>>) target(%dma_start3A_138 : memref<10240x128xf32, #tpu.memory_space<vmem_shared>>) offsets(%dma_start3A_135 : memref<125xi32, #tpu.memory_space<vmem>>) semaphore(%run_scoped3A_132 : memref<!tpu.dma_semaphore, #tpu.memory_space<semaphore_mem>>) {add = true}
        %dma_wait3A_139 = arith.constant 0 : i32
        %dma_wait3A_140 = tpu.memref_slice %arg10[%add3A_106, %run_scoped3A_131, %dma_wait3A_139] : memref<40x1x125xi32, #tpu.memory_space<vmem>> -> memref<1x1x125xi32, #tpu.memory_space<vmem>>
        %dma_wait3A_141 = tpu.memref_squeeze %dma_wait3A_140 : memref<1x1x125xi32, #tpu.memory_space<vmem>> -> memref<125xi32, #tpu.memory_space<vmem>>
        %dma_wait3A_142 = arith.constant 0 : i32
        %dma_wait3A_143 = arith.constant 0 : i32
        %dma_wait3A_144 = tpu.memref_slice %arg13[%dma_wait3A_142, %dma_wait3A_143] : memref<10240x128xf32, #tpu.memory_space<vmem_shared>> -> memref<10240x128xf32, #tpu.memory_space<vmem_shared>>
        tpu.wait_indirect_dma semaphore(%run_scoped3A_132 : memref<!tpu.dma_semaphore, #tpu.memory_space<semaphore_mem>>) src(%arg12 : memref<125x128xf32, #tpu.memory_space<vmem>>) dst(%dma_wait3A_144 : memref<10240x128xf32, #tpu.memory_space<vmem_shared>>)
        tpu.yield
      }) : () -> ()
    }
    %scan3A_96 = arith.constant 20 : i32
    %barrier3A_97 = arith.constant 0 : index
    tpu.barrier barrier_id(%barrier3A_97)
    %mul3A_98 = arith.constant 640 : i32
    %mul3A_99 = arith.muli %arg1, %mul3A_98 : i32
    %mul3A_100 = arith.constant 640 : i32
    %mul3A_101 = arith.muli %arg1, %mul3A_100 : i32
    "tpu.region"() ({
      %run_scoped3A = tpu.sem_alloc : memref<!tpu.dma_semaphore, #tpu.memory_space<semaphore_mem>>
      %dma_start3A_102 = arith.constant 0 : i32
      %dma_start3A_103 = tpu.memref_slice %arg8[%arg0, %mul3A_101, %dma_start3A_102] : memref<2x10240x128xf32, #tpu.memory_space<hbm>> -> memref<1x640x128xf32, #tpu.memory_space<hbm>>
      %dma_start3A_104 = tpu.memref_squeeze %dma_start3A_103 : memref<1x640x128xf32, #tpu.memory_space<hbm>> -> memref<640x128xf32, #tpu.memory_space<hbm>>
      %dma_start3A_105 = arith.constant 0 : i32
      %dma_start3A_106 = tpu.memref_slice %arg13[%mul3A_99, %dma_start3A_105] : memref<10240x128xf32, #tpu.memory_space<vmem_shared>> -> memref<640x128xf32, #tpu.memory_space<vmem_shared>>
      tpu.enqueue_dma source(%dma_start3A_106 : memref<640x128xf32, #tpu.memory_space<vmem_shared>>) target(%dma_start3A_104 : memref<640x128xf32, #tpu.memory_space<hbm>>) target_semaphore(%run_scoped3A : memref<!tpu.dma_semaphore, #tpu.memory_space<semaphore_mem>>)
      %dma_wait3A = arith.constant 0 : i32
      %dma_wait3A_107 = tpu.memref_slice %arg8[%arg0, %mul3A_101, %dma_wait3A] : memref<2x10240x128xf32, #tpu.memory_space<hbm>> -> memref<1x640x128xf32, #tpu.memory_space<hbm>>
      %dma_wait3A_108 = tpu.memref_squeeze %dma_wait3A_107 : memref<1x640x128xf32, #tpu.memory_space<hbm>> -> memref<640x128xf32, #tpu.memory_space<hbm>>
      %dma_wait3A_109 = arith.constant 0 : i32
      %dma_wait3A_110 = tpu.memref_slice %arg13[%mul3A_99, %dma_wait3A_109] : memref<10240x128xf32, #tpu.memory_space<vmem_shared>> -> memref<640x128xf32, #tpu.memory_space<vmem_shared>>
      tpu.wait_dma2 semaphore(%run_scoped3A : memref<!tpu.dma_semaphore, #tpu.memory_space<semaphore_mem>>) src(%dma_wait3A_110 : memref<640x128xf32, #tpu.memory_space<vmem_shared>>) dst(%dma_wait3A_108 : memref<640x128xf32, #tpu.memory_space<hbm>>)
      tpu.yield
    }) : () -> ()
    return
  }
}

#map = affine_map<(d0, d1) -> (0, 0)>
#map1 = affine_map<(d0, d1) -> (0, 0, 0)>
module attributes {stable_mosaic.version = 14 : i64} {
  func.func @_s_pass_kernel(%arg0: i32, %arg1: i32, %arg2: memref<10240x128xf32, #tpu.memory_space<hbm>>, %arg3: memref<2560x1x125xi32, #tpu.memory_space<hbm>>, %arg4: memref<2560x1x125xi32, #tpu.memory_space<hbm>>, %arg5: memref<640x128xf32, #tpu.memory_space<hbm>>, %arg6: memref<2x10240x128xf32, #tpu.memory_space<hbm>>, %arg7: memref<40x1x125xi32, #tpu.memory_space<vmem>>, %arg8: memref<40x1x125xi32, #tpu.memory_space<vmem>>, %arg9: memref<125x128xf32, #tpu.memory_space<vmem>>, %arg10: memref<125x128xf32, #tpu.memory_space<vmem>>, %arg11: memref<10240x128xf32, #tpu.memory_space<vmem_shared>>, %arg12: memref<!tpu.dma_semaphore, #tpu.memory_space<semaphore_mem>>, %arg13: memref<!tpu.dma_semaphore, #tpu.memory_space<semaphore_mem>>) attributes {dimension_semantics = [#tpu.dimension_semantics<core_parallel>, #tpu.dimension_semantics<subcore_parallel>], iteration_bounds = array<i64: 2, 16>, scalar_prefetch = 0 : i64, scratch_operands = 7 : i64, tpu.core_type = #tpu.core_type<sc_vector_subcore>, window_params = [{transform_indices = #map}, {transform_indices = #map1}, {transform_indices = #map1}, {transform_indices = #map}, {transform_indices = #map1}]} {
    %mul3A = arith.constant 16 : i32
    %mul3A_0 = arith.muli %arg0, %mul3A : i32
    %add3A = arith.addi %mul3A_0, %arg1 : i32
    %mul3A_1 = arith.constant 640 : i32
    %mul3A_2 = arith.muli %arg1, %mul3A_1 : i32
    "tpu.region"() ({
      %run_scoped3A = tpu.sem_alloc : memref<!tpu.dma_semaphore, #tpu.memory_space<semaphore_mem>>
      %dma_start3A_50 = arith.constant 0 : i32
      %dma_start3A_51 = tpu.memref_slice %arg11[%mul3A_2, %dma_start3A_50] : memref<10240x128xf32, #tpu.memory_space<vmem_shared>> -> memref<640x128xf32, #tpu.memory_space<vmem_shared>>
      tpu.enqueue_dma source(%arg5 : memref<640x128xf32, #tpu.memory_space<hbm>>) target(%dma_start3A_51 : memref<640x128xf32, #tpu.memory_space<vmem_shared>>) target_semaphore(%run_scoped3A : memref<!tpu.dma_semaphore, #tpu.memory_space<semaphore_mem>>)
      %dma_wait3A = arith.constant 0 : i32
      %dma_wait3A_52 = tpu.memref_slice %arg11[%mul3A_2, %dma_wait3A] : memref<10240x128xf32, #tpu.memory_space<vmem_shared>> -> memref<640x128xf32, #tpu.memory_space<vmem_shared>>
      tpu.wait_dma2 semaphore(%run_scoped3A : memref<!tpu.dma_semaphore, #tpu.memory_space<semaphore_mem>>) src(%arg5 : memref<640x128xf32, #tpu.memory_space<hbm>>) dst(%dma_wait3A_52 : memref<640x128xf32, #tpu.memory_space<vmem_shared>>)
      tpu.yield
    }) : () -> ()
    %barrier3A = arith.constant 0 : index
    tpu.barrier barrier_id(%barrier3A)
    %mul3A_3 = arith.constant 80 : i32
    %mul3A_4 = arith.muli %add3A, %mul3A_3 : i32
    %add3A_5 = arith.constant 0 : i32
    %add3A_6 = arith.addi %mul3A_4, %add3A_5 : i32
    "tpu.region"() ({
      %run_scoped3A = tpu.sem_alloc : memref<!tpu.dma_semaphore, #tpu.memory_space<semaphore_mem>>
      %dma_start3A_50 = arith.constant 0 : i32
      %dma_start3A_51 = arith.constant 0 : i32
      %dma_start3A_52 = tpu.memref_slice %arg3[%add3A_6, %dma_start3A_50, %dma_start3A_51] : memref<2560x1x125xi32, #tpu.memory_space<hbm>> -> memref<40x1x125xi32, #tpu.memory_space<hbm>>
      %dma_start3A_53 = arith.constant 0 : i32
      %dma_start3A_54 = arith.constant 0 : i32
      %dma_start3A_55 = tpu.memref_slice %arg3[%add3A_6, %dma_start3A_53, %dma_start3A_54] : memref<2560x1x125xi32, #tpu.memory_space<hbm>> -> memref<40x1x125xi32, #tpu.memory_space<hbm>>
      tpu.enqueue_dma source(%dma_start3A_55 : memref<40x1x125xi32, #tpu.memory_space<hbm>>) target(%arg7 : memref<40x1x125xi32, #tpu.memory_space<vmem>>) target_semaphore(%run_scoped3A : memref<!tpu.dma_semaphore, #tpu.memory_space<semaphore_mem>>)
      %dma_wait3A = arith.constant 0 : i32
      %dma_wait3A_56 = arith.constant 0 : i32
      %dma_wait3A_57 = tpu.memref_slice %arg3[%add3A_6, %dma_wait3A, %dma_wait3A_56] : memref<2560x1x125xi32, #tpu.memory_space<hbm>> -> memref<40x1x125xi32, #tpu.memory_space<hbm>>
      %dma_wait3A_58 = arith.constant 0 : i32
      %dma_wait3A_59 = arith.constant 0 : i32
      %dma_wait3A_60 = tpu.memref_slice %arg3[%add3A_6, %dma_wait3A_58, %dma_wait3A_59] : memref<2560x1x125xi32, #tpu.memory_space<hbm>> -> memref<40x1x125xi32, #tpu.memory_space<hbm>>
      tpu.wait_dma2 semaphore(%run_scoped3A : memref<!tpu.dma_semaphore, #tpu.memory_space<semaphore_mem>>) src(%dma_wait3A_60 : memref<40x1x125xi32, #tpu.memory_space<hbm>>) dst(%arg7 : memref<40x1x125xi32, #tpu.memory_space<vmem>>)
      tpu.yield
    }) : () -> ()
    %mul3A_7 = arith.constant 80 : i32
    %mul3A_8 = arith.muli %add3A, %mul3A_7 : i32
    %add3A_9 = arith.constant 0 : i32
    %add3A_10 = arith.addi %mul3A_8, %add3A_9 : i32
    "tpu.region"() ({
      %run_scoped3A = tpu.sem_alloc : memref<!tpu.dma_semaphore, #tpu.memory_space<semaphore_mem>>
      %dma_start3A_50 = arith.constant 0 : i32
      %dma_start3A_51 = arith.constant 0 : i32
      %dma_start3A_52 = tpu.memref_slice %arg4[%add3A_10, %dma_start3A_50, %dma_start3A_51] : memref<2560x1x125xi32, #tpu.memory_space<hbm>> -> memref<40x1x125xi32, #tpu.memory_space<hbm>>
      %dma_start3A_53 = arith.constant 0 : i32
      %dma_start3A_54 = arith.constant 0 : i32
      %dma_start3A_55 = tpu.memref_slice %arg4[%add3A_10, %dma_start3A_53, %dma_start3A_54] : memref<2560x1x125xi32, #tpu.memory_space<hbm>> -> memref<40x1x125xi32, #tpu.memory_space<hbm>>
      tpu.enqueue_dma source(%dma_start3A_55 : memref<40x1x125xi32, #tpu.memory_space<hbm>>) target(%arg8 : memref<40x1x125xi32, #tpu.memory_space<vmem>>) target_semaphore(%run_scoped3A : memref<!tpu.dma_semaphore, #tpu.memory_space<semaphore_mem>>)
      %dma_wait3A = arith.constant 0 : i32
      %dma_wait3A_56 = arith.constant 0 : i32
      %dma_wait3A_57 = tpu.memref_slice %arg4[%add3A_10, %dma_wait3A, %dma_wait3A_56] : memref<2560x1x125xi32, #tpu.memory_space<hbm>> -> memref<40x1x125xi32, #tpu.memory_space<hbm>>
      %dma_wait3A_58 = arith.constant 0 : i32
      %dma_wait3A_59 = arith.constant 0 : i32
      %dma_wait3A_60 = tpu.memref_slice %arg4[%add3A_10, %dma_wait3A_58, %dma_wait3A_59] : memref<2560x1x125xi32, #tpu.memory_space<hbm>> -> memref<40x1x125xi32, #tpu.memory_space<hbm>>
      tpu.wait_dma2 semaphore(%run_scoped3A : memref<!tpu.dma_semaphore, #tpu.memory_space<semaphore_mem>>) src(%dma_wait3A_60 : memref<40x1x125xi32, #tpu.memory_space<hbm>>) dst(%arg8 : memref<40x1x125xi32, #tpu.memory_space<vmem>>)
      tpu.yield
    }) : () -> ()
    %dma_start3A = arith.constant 0 : i32
    %dma_start3A_11 = arith.constant 0 : i32
    %dma_start3A_12 = arith.constant 0 : i32
    %dma_start3A_13 = tpu.memref_slice %arg7[%dma_start3A, %dma_start3A_11, %dma_start3A_12] : memref<40x1x125xi32, #tpu.memory_space<vmem>> -> memref<1x1x125xi32, #tpu.memory_space<vmem>>
    %dma_start3A_14 = tpu.memref_squeeze %dma_start3A_13 : memref<1x1x125xi32, #tpu.memory_space<vmem>> -> memref<125xi32, #tpu.memory_space<vmem>>
    %dma_start3A_15 = arith.constant 0 : i32
    %dma_start3A_16 = arith.constant 0 : i32
    %dma_start3A_17 = tpu.memref_slice %arg2[%dma_start3A_15, %dma_start3A_16] : memref<10240x128xf32, #tpu.memory_space<hbm>> -> memref<10240x128xf32, #tpu.memory_space<hbm>>
    tpu.enqueue_indirect_dma source(%dma_start3A_17 : memref<10240x128xf32, #tpu.memory_space<hbm>>) target(%arg9 : memref<125x128xf32, #tpu.memory_space<vmem>>) offsets(%dma_start3A_14 : memref<125xi32, #tpu.memory_space<vmem>>) semaphore(%arg12 : memref<!tpu.dma_semaphore, #tpu.memory_space<semaphore_mem>>)
    %scan3A = arith.constant 0 : i32
    %scan3A_18 = arith.constant 0 : i32
    %scan3A_19 = arith.constant 20 : i32
    %scan3A_20 = arith.addi %scan3A_18, %scan3A_19 : i32
    %scan3A_21 = arith.constant 1 : i32
    scf.for %scan3A_50 = %scan3A_18 to %scan3A_20 step %scan3A_21  : i32 {
      %mul3A_51 = arith.constant 2 : i32
      %mul3A_52 = arith.muli %mul3A_51, %scan3A_50 : i32
      %add3A_53 = arith.constant 1 : i32
      %add3A_54 = arith.addi %mul3A_52, %add3A_53 : i32
      %dma_start3A_55 = arith.constant 0 : i32
      %dma_start3A_56 = arith.constant 0 : i32
      %dma_start3A_57 = tpu.memref_slice %arg7[%add3A_54, %dma_start3A_55, %dma_start3A_56] : memref<40x1x125xi32, #tpu.memory_space<vmem>> -> memref<1x1x125xi32, #tpu.memory_space<vmem>>
      %dma_start3A_58 = tpu.memref_squeeze %dma_start3A_57 : memref<1x1x125xi32, #tpu.memory_space<vmem>> -> memref<125xi32, #tpu.memory_space<vmem>>
      %dma_start3A_59 = arith.constant 0 : i32
      %dma_start3A_60 = arith.constant 0 : i32
      %dma_start3A_61 = tpu.memref_slice %arg2[%dma_start3A_59, %dma_start3A_60] : memref<10240x128xf32, #tpu.memory_space<hbm>> -> memref<10240x128xf32, #tpu.memory_space<hbm>>
      tpu.enqueue_indirect_dma source(%dma_start3A_61 : memref<10240x128xf32, #tpu.memory_space<hbm>>) target(%arg10 : memref<125x128xf32, #tpu.memory_space<vmem>>) offsets(%dma_start3A_58 : memref<125xi32, #tpu.memory_space<vmem>>) semaphore(%arg13 : memref<!tpu.dma_semaphore, #tpu.memory_space<semaphore_mem>>)
      %dma_wait3A = arith.constant 0 : i32
      %dma_wait3A_62 = arith.constant 0 : i32
      %dma_wait3A_63 = tpu.memref_slice %arg7[%mul3A_52, %dma_wait3A, %dma_wait3A_62] : memref<40x1x125xi32, #tpu.memory_space<vmem>> -> memref<1x1x125xi32, #tpu.memory_space<vmem>>
      %dma_wait3A_64 = tpu.memref_squeeze %dma_wait3A_63 : memref<1x1x125xi32, #tpu.memory_space<vmem>> -> memref<125xi32, #tpu.memory_space<vmem>>
      %dma_wait3A_65 = arith.constant 0 : i32
      %dma_wait3A_66 = arith.constant 0 : i32
      %dma_wait3A_67 = tpu.memref_slice %arg2[%dma_wait3A_65, %dma_wait3A_66] : memref<10240x128xf32, #tpu.memory_space<hbm>> -> memref<10240x128xf32, #tpu.memory_space<hbm>>
      tpu.wait_indirect_dma semaphore(%arg12 : memref<!tpu.dma_semaphore, #tpu.memory_space<semaphore_mem>>) src(%dma_wait3A_67 : memref<10240x128xf32, #tpu.memory_space<hbm>>) dst(%arg9 : memref<125x128xf32, #tpu.memory_space<vmem>>)
      %run_scoped3A = arith.constant 0 : i32
      "tpu.region"() ({
        %run_scoped3A_80 = tpu.sem_alloc : memref<!tpu.dma_semaphore, #tpu.memory_space<semaphore_mem>>
        %dma_start3A_81 = arith.constant 0 : i32
        %dma_start3A_82 = tpu.memref_slice %arg8[%mul3A_52, %run_scoped3A, %dma_start3A_81] : memref<40x1x125xi32, #tpu.memory_space<vmem>> -> memref<1x1x125xi32, #tpu.memory_space<vmem>>
        %dma_start3A_83 = tpu.memref_squeeze %dma_start3A_82 : memref<1x1x125xi32, #tpu.memory_space<vmem>> -> memref<125xi32, #tpu.memory_space<vmem>>
        %dma_start3A_84 = arith.constant 0 : i32
        %dma_start3A_85 = arith.constant 0 : i32
        %dma_start3A_86 = tpu.memref_slice %arg11[%dma_start3A_84, %dma_start3A_85] : memref<10240x128xf32, #tpu.memory_space<vmem_shared>> -> memref<10240x128xf32, #tpu.memory_space<vmem_shared>>
        tpu.enqueue_indirect_dma source(%arg9 : memref<125x128xf32, #tpu.memory_space<vmem>>) target(%dma_start3A_86 : memref<10240x128xf32, #tpu.memory_space<vmem_shared>>) offsets(%dma_start3A_83 : memref<125xi32, #tpu.memory_space<vmem>>) semaphore(%run_scoped3A_80 : memref<!tpu.dma_semaphore, #tpu.memory_space<semaphore_mem>>) {add = true}
        %dma_wait3A_87 = arith.constant 0 : i32
        %dma_wait3A_88 = tpu.memref_slice %arg8[%mul3A_52, %run_scoped3A, %dma_wait3A_87] : memref<40x1x125xi32, #tpu.memory_space<vmem>> -> memref<1x1x125xi32, #tpu.memory_space<vmem>>
        %dma_wait3A_89 = tpu.memref_squeeze %dma_wait3A_88 : memref<1x1x125xi32, #tpu.memory_space<vmem>> -> memref<125xi32, #tpu.memory_space<vmem>>
        %dma_wait3A_90 = arith.constant 0 : i32
        %dma_wait3A_91 = arith.constant 0 : i32
        %dma_wait3A_92 = tpu.memref_slice %arg11[%dma_wait3A_90, %dma_wait3A_91] : memref<10240x128xf32, #tpu.memory_space<vmem_shared>> -> memref<10240x128xf32, #tpu.memory_space<vmem_shared>>
        tpu.wait_indirect_dma semaphore(%run_scoped3A_80 : memref<!tpu.dma_semaphore, #tpu.memory_space<semaphore_mem>>) src(%arg9 : memref<125x128xf32, #tpu.memory_space<vmem>>) dst(%dma_wait3A_92 : memref<10240x128xf32, #tpu.memory_space<vmem_shared>>)
        tpu.yield
      }) : () -> ()
      %add3A_68 = arith.constant 1 : i32
      %add3A_69 = arith.addi %scan3A_50, %add3A_68 : i32
      %lt3A = arith.constant 20 : i32
      %lt3A_70 = arith.cmpi slt, %add3A_69, %lt3A : i32
      %convert_element_type3A = arith.extui %lt3A_70 : i1 to i32
      %cond3A = arith.constant 0 : i32
      %cond3A_71 = arith.cmpi ne, %convert_element_type3A, %cond3A : i32
      scf.if %cond3A_71 {
        %add3A_80 = arith.constant 2 : i32
        %add3A_81 = arith.addi %mul3A_52, %add3A_80 : i32
        %dma_start3A_82 = arith.constant 0 : i32
        %dma_start3A_83 = arith.constant 0 : i32
        %dma_start3A_84 = tpu.memref_slice %arg7[%add3A_81, %dma_start3A_82, %dma_start3A_83] : memref<40x1x125xi32, #tpu.memory_space<vmem>> -> memref<1x1x125xi32, #tpu.memory_space<vmem>>
        %dma_start3A_85 = tpu.memref_squeeze %dma_start3A_84 : memref<1x1x125xi32, #tpu.memory_space<vmem>> -> memref<125xi32, #tpu.memory_space<vmem>>
        %dma_start3A_86 = arith.constant 0 : i32
        %dma_start3A_87 = arith.constant 0 : i32
        %dma_start3A_88 = tpu.memref_slice %arg2[%dma_start3A_86, %dma_start3A_87] : memref<10240x128xf32, #tpu.memory_space<hbm>> -> memref<10240x128xf32, #tpu.memory_space<hbm>>
        tpu.enqueue_indirect_dma source(%dma_start3A_88 : memref<10240x128xf32, #tpu.memory_space<hbm>>) target(%arg9 : memref<125x128xf32, #tpu.memory_space<vmem>>) offsets(%dma_start3A_85 : memref<125xi32, #tpu.memory_space<vmem>>) semaphore(%arg12 : memref<!tpu.dma_semaphore, #tpu.memory_space<semaphore_mem>>)
      } else {
      }
      %dma_wait3A_72 = arith.constant 0 : i32
      %dma_wait3A_73 = arith.constant 0 : i32
      %dma_wait3A_74 = tpu.memref_slice %arg7[%add3A_54, %dma_wait3A_72, %dma_wait3A_73] : memref<40x1x125xi32, #tpu.memory_space<vmem>> -> memref<1x1x125xi32, #tpu.memory_space<vmem>>
      %dma_wait3A_75 = tpu.memref_squeeze %dma_wait3A_74 : memref<1x1x125xi32, #tpu.memory_space<vmem>> -> memref<125xi32, #tpu.memory_space<vmem>>
      %dma_wait3A_76 = arith.constant 0 : i32
      %dma_wait3A_77 = arith.constant 0 : i32
      %dma_wait3A_78 = tpu.memref_slice %arg2[%dma_wait3A_76, %dma_wait3A_77] : memref<10240x128xf32, #tpu.memory_space<hbm>> -> memref<10240x128xf32, #tpu.memory_space<hbm>>
      tpu.wait_indirect_dma semaphore(%arg13 : memref<!tpu.dma_semaphore, #tpu.memory_space<semaphore_mem>>) src(%dma_wait3A_78 : memref<10240x128xf32, #tpu.memory_space<hbm>>) dst(%arg10 : memref<125x128xf32, #tpu.memory_space<vmem>>)
      %run_scoped3A_79 = arith.constant 0 : i32
      "tpu.region"() ({
        %run_scoped3A_80 = tpu.sem_alloc : memref<!tpu.dma_semaphore, #tpu.memory_space<semaphore_mem>>
        %dma_start3A_81 = arith.constant 0 : i32
        %dma_start3A_82 = tpu.memref_slice %arg8[%add3A_54, %run_scoped3A_79, %dma_start3A_81] : memref<40x1x125xi32, #tpu.memory_space<vmem>> -> memref<1x1x125xi32, #tpu.memory_space<vmem>>
        %dma_start3A_83 = tpu.memref_squeeze %dma_start3A_82 : memref<1x1x125xi32, #tpu.memory_space<vmem>> -> memref<125xi32, #tpu.memory_space<vmem>>
        %dma_start3A_84 = arith.constant 0 : i32
        %dma_start3A_85 = arith.constant 0 : i32
        %dma_start3A_86 = tpu.memref_slice %arg11[%dma_start3A_84, %dma_start3A_85] : memref<10240x128xf32, #tpu.memory_space<vmem_shared>> -> memref<10240x128xf32, #tpu.memory_space<vmem_shared>>
        tpu.enqueue_indirect_dma source(%arg10 : memref<125x128xf32, #tpu.memory_space<vmem>>) target(%dma_start3A_86 : memref<10240x128xf32, #tpu.memory_space<vmem_shared>>) offsets(%dma_start3A_83 : memref<125xi32, #tpu.memory_space<vmem>>) semaphore(%run_scoped3A_80 : memref<!tpu.dma_semaphore, #tpu.memory_space<semaphore_mem>>) {add = true}
        %dma_wait3A_87 = arith.constant 0 : i32
        %dma_wait3A_88 = tpu.memref_slice %arg8[%add3A_54, %run_scoped3A_79, %dma_wait3A_87] : memref<40x1x125xi32, #tpu.memory_space<vmem>> -> memref<1x1x125xi32, #tpu.memory_space<vmem>>
        %dma_wait3A_89 = tpu.memref_squeeze %dma_wait3A_88 : memref<1x1x125xi32, #tpu.memory_space<vmem>> -> memref<125xi32, #tpu.memory_space<vmem>>
        %dma_wait3A_90 = arith.constant 0 : i32
        %dma_wait3A_91 = arith.constant 0 : i32
        %dma_wait3A_92 = tpu.memref_slice %arg11[%dma_wait3A_90, %dma_wait3A_91] : memref<10240x128xf32, #tpu.memory_space<vmem_shared>> -> memref<10240x128xf32, #tpu.memory_space<vmem_shared>>
        tpu.wait_indirect_dma semaphore(%run_scoped3A_80 : memref<!tpu.dma_semaphore, #tpu.memory_space<semaphore_mem>>) src(%arg10 : memref<125x128xf32, #tpu.memory_space<vmem>>) dst(%dma_wait3A_92 : memref<10240x128xf32, #tpu.memory_space<vmem_shared>>)
        tpu.yield
      }) : () -> ()
    }
    %scan3A_22 = arith.constant 20 : i32
    %mul3A_23 = arith.constant 80 : i32
    %mul3A_24 = arith.muli %add3A, %mul3A_23 : i32
    %add3A_25 = arith.constant 40 : i32
    %add3A_26 = arith.addi %mul3A_24, %add3A_25 : i32
    "tpu.region"() ({
      %run_scoped3A = tpu.sem_alloc : memref<!tpu.dma_semaphore, #tpu.memory_space<semaphore_mem>>
      %dma_start3A_50 = arith.constant 0 : i32
      %dma_start3A_51 = arith.constant 0 : i32
      %dma_start3A_52 = tpu.memref_slice %arg3[%add3A_26, %dma_start3A_50, %dma_start3A_51] : memref<2560x1x125xi32, #tpu.memory_space<hbm>> -> memref<40x1x125xi32, #tpu.memory_space<hbm>>
      %dma_start3A_53 = arith.constant 0 : i32
      %dma_start3A_54 = arith.constant 0 : i32
      %dma_start3A_55 = tpu.memref_slice %arg3[%add3A_26, %dma_start3A_53, %dma_start3A_54] : memref<2560x1x125xi32, #tpu.memory_space<hbm>> -> memref<40x1x125xi32, #tpu.memory_space<hbm>>
      tpu.enqueue_dma source(%dma_start3A_55 : memref<40x1x125xi32, #tpu.memory_space<hbm>>) target(%arg7 : memref<40x1x125xi32, #tpu.memory_space<vmem>>) target_semaphore(%run_scoped3A : memref<!tpu.dma_semaphore, #tpu.memory_space<semaphore_mem>>)
      %dma_wait3A = arith.constant 0 : i32
      %dma_wait3A_56 = arith.constant 0 : i32
      %dma_wait3A_57 = tpu.memref_slice %arg3[%add3A_26, %dma_wait3A, %dma_wait3A_56] : memref<2560x1x125xi32, #tpu.memory_space<hbm>> -> memref<40x1x125xi32, #tpu.memory_space<hbm>>
      %dma_wait3A_58 = arith.constant 0 : i32
      %dma_wait3A_59 = arith.constant 0 : i32
      %dma_wait3A_60 = tpu.memref_slice %arg3[%add3A_26, %dma_wait3A_58, %dma_wait3A_59] : memref<2560x1x125xi32, #tpu.memory_space<hbm>> -> memref<40x1x125xi32, #tpu.memory_space<hbm>>
      tpu.wait_dma2 semaphore(%run_scoped3A : memref<!tpu.dma_semaphore, #tpu.memory_space<semaphore_mem>>) src(%dma_wait3A_60 : memref<40x1x125xi32, #tpu.memory_space<hbm>>) dst(%arg7 : memref<40x1x125xi32, #tpu.memory_space<vmem>>)
      tpu.yield
    }) : () -> ()
    %mul3A_27 = arith.constant 80 : i32
    %mul3A_28 = arith.muli %add3A, %mul3A_27 : i32
    %add3A_29 = arith.constant 40 : i32
    %add3A_30 = arith.addi %mul3A_28, %add3A_29 : i32
    "tpu.region"() ({
      %run_scoped3A = tpu.sem_alloc : memref<!tpu.dma_semaphore, #tpu.memory_space<semaphore_mem>>
      %dma_start3A_50 = arith.constant 0 : i32
      %dma_start3A_51 = arith.constant 0 : i32
      %dma_start3A_52 = tpu.memref_slice %arg4[%add3A_30, %dma_start3A_50, %dma_start3A_51] : memref<2560x1x125xi32, #tpu.memory_space<hbm>> -> memref<40x1x125xi32, #tpu.memory_space<hbm>>
      %dma_start3A_53 = arith.constant 0 : i32
      %dma_start3A_54 = arith.constant 0 : i32
      %dma_start3A_55 = tpu.memref_slice %arg4[%add3A_30, %dma_start3A_53, %dma_start3A_54] : memref<2560x1x125xi32, #tpu.memory_space<hbm>> -> memref<40x1x125xi32, #tpu.memory_space<hbm>>
      tpu.enqueue_dma source(%dma_start3A_55 : memref<40x1x125xi32, #tpu.memory_space<hbm>>) target(%arg8 : memref<40x1x125xi32, #tpu.memory_space<vmem>>) target_semaphore(%run_scoped3A : memref<!tpu.dma_semaphore, #tpu.memory_space<semaphore_mem>>)
      %dma_wait3A = arith.constant 0 : i32
      %dma_wait3A_56 = arith.constant 0 : i32
      %dma_wait3A_57 = tpu.memref_slice %arg4[%add3A_30, %dma_wait3A, %dma_wait3A_56] : memref<2560x1x125xi32, #tpu.memory_space<hbm>> -> memref<40x1x125xi32, #tpu.memory_space<hbm>>
      %dma_wait3A_58 = arith.constant 0 : i32
      %dma_wait3A_59 = arith.constant 0 : i32
      %dma_wait3A_60 = tpu.memref_slice %arg4[%add3A_30, %dma_wait3A_58, %dma_wait3A_59] : memref<2560x1x125xi32, #tpu.memory_space<hbm>> -> memref<40x1x125xi32, #tpu.memory_space<hbm>>
      tpu.wait_dma2 semaphore(%run_scoped3A : memref<!tpu.dma_semaphore, #tpu.memory_space<semaphore_mem>>) src(%dma_wait3A_60 : memref<40x1x125xi32, #tpu.memory_space<hbm>>) dst(%arg8 : memref<40x1x125xi32, #tpu.memory_space<vmem>>)
      tpu.yield
    }) : () -> ()
    %dma_start3A_31 = arith.constant 0 : i32
    %dma_start3A_32 = arith.constant 0 : i32
    %dma_start3A_33 = arith.constant 0 : i32
    %dma_start3A_34 = tpu.memref_slice %arg7[%dma_start3A_31, %dma_start3A_32, %dma_start3A_33] : memref<40x1x125xi32, #tpu.memory_space<vmem>> -> memref<1x1x125xi32, #tpu.memory_space<vmem>>
    %dma_start3A_35 = tpu.memref_squeeze %dma_start3A_34 : memref<1x1x125xi32, #tpu.memory_space<vmem>> -> memref<125xi32, #tpu.memory_space<vmem>>
    %dma_start3A_36 = arith.constant 0 : i32
    %dma_start3A_37 = arith.constant 0 : i32
    %dma_start3A_38 = tpu.memref_slice %arg2[%dma_start3A_36, %dma_start3A_37] : memref<10240x128xf32, #tpu.memory_space<hbm>> -> memref<10240x128xf32, #tpu.memory_space<hbm>>
    tpu.enqueue_indirect_dma source(%dma_start3A_38 : memref<10240x128xf32, #tpu.memory_space<hbm>>) target(%arg9 : memref<125x128xf32, #tpu.memory_space<vmem>>) offsets(%dma_start3A_35 : memref<125xi32, #tpu.memory_space<vmem>>) semaphore(%arg12 : memref<!tpu.dma_semaphore, #tpu.memory_space<semaphore_mem>>)
    %scan3A_39 = arith.constant 0 : i32
    %scan3A_40 = arith.constant 0 : i32
    %scan3A_41 = arith.constant 20 : i32
    %scan3A_42 = arith.addi %scan3A_40, %scan3A_41 : i32
    %scan3A_43 = arith.constant 1 : i32
    scf.for %scan3A_50 = %scan3A_40 to %scan3A_42 step %scan3A_43  : i32 {
      %mul3A_51 = arith.constant 2 : i32
      %mul3A_52 = arith.muli %mul3A_51, %scan3A_50 : i32
      %add3A_53 = arith.constant 1 : i32
      %add3A_54 = arith.addi %mul3A_52, %add3A_53 : i32
      %dma_start3A_55 = arith.constant 0 : i32
      %dma_start3A_56 = arith.constant 0 : i32
      %dma_start3A_57 = tpu.memref_slice %arg7[%add3A_54, %dma_start3A_55, %dma_start3A_56] : memref<40x1x125xi32, #tpu.memory_space<vmem>> -> memref<1x1x125xi32, #tpu.memory_space<vmem>>
      %dma_start3A_58 = tpu.memref_squeeze %dma_start3A_57 : memref<1x1x125xi32, #tpu.memory_space<vmem>> -> memref<125xi32, #tpu.memory_space<vmem>>
      %dma_start3A_59 = arith.constant 0 : i32
      %dma_start3A_60 = arith.constant 0 : i32
      %dma_start3A_61 = tpu.memref_slice %arg2[%dma_start3A_59, %dma_start3A_60] : memref<10240x128xf32, #tpu.memory_space<hbm>> -> memref<10240x128xf32, #tpu.memory_space<hbm>>
      tpu.enqueue_indirect_dma source(%dma_start3A_61 : memref<10240x128xf32, #tpu.memory_space<hbm>>) target(%arg10 : memref<125x128xf32, #tpu.memory_space<vmem>>) offsets(%dma_start3A_58 : memref<125xi32, #tpu.memory_space<vmem>>) semaphore(%arg13 : memref<!tpu.dma_semaphore, #tpu.memory_space<semaphore_mem>>)
      %dma_wait3A = arith.constant 0 : i32
      %dma_wait3A_62 = arith.constant 0 : i32
      %dma_wait3A_63 = tpu.memref_slice %arg7[%mul3A_52, %dma_wait3A, %dma_wait3A_62] : memref<40x1x125xi32, #tpu.memory_space<vmem>> -> memref<1x1x125xi32, #tpu.memory_space<vmem>>
      %dma_wait3A_64 = tpu.memref_squeeze %dma_wait3A_63 : memref<1x1x125xi32, #tpu.memory_space<vmem>> -> memref<125xi32, #tpu.memory_space<vmem>>
      %dma_wait3A_65 = arith.constant 0 : i32
      %dma_wait3A_66 = arith.constant 0 : i32
      %dma_wait3A_67 = tpu.memref_slice %arg2[%dma_wait3A_65, %dma_wait3A_66] : memref<10240x128xf32, #tpu.memory_space<hbm>> -> memref<10240x128xf32, #tpu.memory_space<hbm>>
      tpu.wait_indirect_dma semaphore(%arg12 : memref<!tpu.dma_semaphore, #tpu.memory_space<semaphore_mem>>) src(%dma_wait3A_67 : memref<10240x128xf32, #tpu.memory_space<hbm>>) dst(%arg9 : memref<125x128xf32, #tpu.memory_space<vmem>>)
      %run_scoped3A = arith.constant 0 : i32
      "tpu.region"() ({
        %run_scoped3A_80 = tpu.sem_alloc : memref<!tpu.dma_semaphore, #tpu.memory_space<semaphore_mem>>
        %dma_start3A_81 = arith.constant 0 : i32
        %dma_start3A_82 = tpu.memref_slice %arg8[%mul3A_52, %run_scoped3A, %dma_start3A_81] : memref<40x1x125xi32, #tpu.memory_space<vmem>> -> memref<1x1x125xi32, #tpu.memory_space<vmem>>
        %dma_start3A_83 = tpu.memref_squeeze %dma_start3A_82 : memref<1x1x125xi32, #tpu.memory_space<vmem>> -> memref<125xi32, #tpu.memory_space<vmem>>
        %dma_start3A_84 = arith.constant 0 : i32
        %dma_start3A_85 = arith.constant 0 : i32
        %dma_start3A_86 = tpu.memref_slice %arg11[%dma_start3A_84, %dma_start3A_85] : memref<10240x128xf32, #tpu.memory_space<vmem_shared>> -> memref<10240x128xf32, #tpu.memory_space<vmem_shared>>
        tpu.enqueue_indirect_dma source(%arg9 : memref<125x128xf32, #tpu.memory_space<vmem>>) target(%dma_start3A_86 : memref<10240x128xf32, #tpu.memory_space<vmem_shared>>) offsets(%dma_start3A_83 : memref<125xi32, #tpu.memory_space<vmem>>) semaphore(%run_scoped3A_80 : memref<!tpu.dma_semaphore, #tpu.memory_space<semaphore_mem>>) {add = true}
        %dma_wait3A_87 = arith.constant 0 : i32
        %dma_wait3A_88 = tpu.memref_slice %arg8[%mul3A_52, %run_scoped3A, %dma_wait3A_87] : memref<40x1x125xi32, #tpu.memory_space<vmem>> -> memref<1x1x125xi32, #tpu.memory_space<vmem>>
        %dma_wait3A_89 = tpu.memref_squeeze %dma_wait3A_88 : memref<1x1x125xi32, #tpu.memory_space<vmem>> -> memref<125xi32, #tpu.memory_space<vmem>>
        %dma_wait3A_90 = arith.constant 0 : i32
        %dma_wait3A_91 = arith.constant 0 : i32
        %dma_wait3A_92 = tpu.memref_slice %arg11[%dma_wait3A_90, %dma_wait3A_91] : memref<10240x128xf32, #tpu.memory_space<vmem_shared>> -> memref<10240x128xf32, #tpu.memory_space<vmem_shared>>
        tpu.wait_indirect_dma semaphore(%run_scoped3A_80 : memref<!tpu.dma_semaphore, #tpu.memory_space<semaphore_mem>>) src(%arg9 : memref<125x128xf32, #tpu.memory_space<vmem>>) dst(%dma_wait3A_92 : memref<10240x128xf32, #tpu.memory_space<vmem_shared>>)
        tpu.yield
      }) : () -> ()
      %add3A_68 = arith.constant 1 : i32
      %add3A_69 = arith.addi %scan3A_50, %add3A_68 : i32
      %lt3A = arith.constant 20 : i32
      %lt3A_70 = arith.cmpi slt, %add3A_69, %lt3A : i32
      %convert_element_type3A = arith.extui %lt3A_70 : i1 to i32
      %cond3A = arith.constant 0 : i32
      %cond3A_71 = arith.cmpi ne, %convert_element_type3A, %cond3A : i32
      scf.if %cond3A_71 {
        %add3A_80 = arith.constant 2 : i32
        %add3A_81 = arith.addi %mul3A_52, %add3A_80 : i32
        %dma_start3A_82 = arith.constant 0 : i32
        %dma_start3A_83 = arith.constant 0 : i32
        %dma_start3A_84 = tpu.memref_slice %arg7[%add3A_81, %dma_start3A_82, %dma_start3A_83] : memref<40x1x125xi32, #tpu.memory_space<vmem>> -> memref<1x1x125xi32, #tpu.memory_space<vmem>>
        %dma_start3A_85 = tpu.memref_squeeze %dma_start3A_84 : memref<1x1x125xi32, #tpu.memory_space<vmem>> -> memref<125xi32, #tpu.memory_space<vmem>>
        %dma_start3A_86 = arith.constant 0 : i32
        %dma_start3A_87 = arith.constant 0 : i32
        %dma_start3A_88 = tpu.memref_slice %arg2[%dma_start3A_86, %dma_start3A_87] : memref<10240x128xf32, #tpu.memory_space<hbm>> -> memref<10240x128xf32, #tpu.memory_space<hbm>>
        tpu.enqueue_indirect_dma source(%dma_start3A_88 : memref<10240x128xf32, #tpu.memory_space<hbm>>) target(%arg9 : memref<125x128xf32, #tpu.memory_space<vmem>>) offsets(%dma_start3A_85 : memref<125xi32, #tpu.memory_space<vmem>>) semaphore(%arg12 : memref<!tpu.dma_semaphore, #tpu.memory_space<semaphore_mem>>)
      } else {
      }
      %dma_wait3A_72 = arith.constant 0 : i32
      %dma_wait3A_73 = arith.constant 0 : i32
      %dma_wait3A_74 = tpu.memref_slice %arg7[%add3A_54, %dma_wait3A_72, %dma_wait3A_73] : memref<40x1x125xi32, #tpu.memory_space<vmem>> -> memref<1x1x125xi32, #tpu.memory_space<vmem>>
      %dma_wait3A_75 = tpu.memref_squeeze %dma_wait3A_74 : memref<1x1x125xi32, #tpu.memory_space<vmem>> -> memref<125xi32, #tpu.memory_space<vmem>>
      %dma_wait3A_76 = arith.constant 0 : i32
      %dma_wait3A_77 = arith.constant 0 : i32
      %dma_wait3A_78 = tpu.memref_slice %arg2[%dma_wait3A_76, %dma_wait3A_77] : memref<10240x128xf32, #tpu.memory_space<hbm>> -> memref<10240x128xf32, #tpu.memory_space<hbm>>
      tpu.wait_indirect_dma semaphore(%arg13 : memref<!tpu.dma_semaphore, #tpu.memory_space<semaphore_mem>>) src(%dma_wait3A_78 : memref<10240x128xf32, #tpu.memory_space<hbm>>) dst(%arg10 : memref<125x128xf32, #tpu.memory_space<vmem>>)
      %run_scoped3A_79 = arith.constant 0 : i32
      "tpu.region"() ({
        %run_scoped3A_80 = tpu.sem_alloc : memref<!tpu.dma_semaphore, #tpu.memory_space<semaphore_mem>>
        %dma_start3A_81 = arith.constant 0 : i32
        %dma_start3A_82 = tpu.memref_slice %arg8[%add3A_54, %run_scoped3A_79, %dma_start3A_81] : memref<40x1x125xi32, #tpu.memory_space<vmem>> -> memref<1x1x125xi32, #tpu.memory_space<vmem>>
        %dma_start3A_83 = tpu.memref_squeeze %dma_start3A_82 : memref<1x1x125xi32, #tpu.memory_space<vmem>> -> memref<125xi32, #tpu.memory_space<vmem>>
        %dma_start3A_84 = arith.constant 0 : i32
        %dma_start3A_85 = arith.constant 0 : i32
        %dma_start3A_86 = tpu.memref_slice %arg11[%dma_start3A_84, %dma_start3A_85] : memref<10240x128xf32, #tpu.memory_space<vmem_shared>> -> memref<10240x128xf32, #tpu.memory_space<vmem_shared>>
        tpu.enqueue_indirect_dma source(%arg10 : memref<125x128xf32, #tpu.memory_space<vmem>>) target(%dma_start3A_86 : memref<10240x128xf32, #tpu.memory_space<vmem_shared>>) offsets(%dma_start3A_83 : memref<125xi32, #tpu.memory_space<vmem>>) semaphore(%run_scoped3A_80 : memref<!tpu.dma_semaphore, #tpu.memory_space<semaphore_mem>>) {add = true}
        %dma_wait3A_87 = arith.constant 0 : i32
        %dma_wait3A_88 = tpu.memref_slice %arg8[%add3A_54, %run_scoped3A_79, %dma_wait3A_87] : memref<40x1x125xi32, #tpu.memory_space<vmem>> -> memref<1x1x125xi32, #tpu.memory_space<vmem>>
        %dma_wait3A_89 = tpu.memref_squeeze %dma_wait3A_88 : memref<1x1x125xi32, #tpu.memory_space<vmem>> -> memref<125xi32, #tpu.memory_space<vmem>>
        %dma_wait3A_90 = arith.constant 0 : i32
        %dma_wait3A_91 = arith.constant 0 : i32
        %dma_wait3A_92 = tpu.memref_slice %arg11[%dma_wait3A_90, %dma_wait3A_91] : memref<10240x128xf32, #tpu.memory_space<vmem_shared>> -> memref<10240x128xf32, #tpu.memory_space<vmem_shared>>
        tpu.wait_indirect_dma semaphore(%run_scoped3A_80 : memref<!tpu.dma_semaphore, #tpu.memory_space<semaphore_mem>>) src(%arg10 : memref<125x128xf32, #tpu.memory_space<vmem>>) dst(%dma_wait3A_92 : memref<10240x128xf32, #tpu.memory_space<vmem_shared>>)
        tpu.yield
      }) : () -> ()
    }
    %scan3A_44 = arith.constant 20 : i32
    %barrier3A_45 = arith.constant 0 : index
    tpu.barrier barrier_id(%barrier3A_45)
    %mul3A_46 = arith.constant 640 : i32
    %mul3A_47 = arith.muli %arg1, %mul3A_46 : i32
    %mul3A_48 = arith.constant 640 : i32
    %mul3A_49 = arith.muli %arg1, %mul3A_48 : i32
    "tpu.region"() ({
      %run_scoped3A = tpu.sem_alloc : memref<!tpu.dma_semaphore, #tpu.memory_space<semaphore_mem>>
      %dma_start3A_50 = arith.constant 0 : i32
      %dma_start3A_51 = tpu.memref_slice %arg6[%arg0, %mul3A_49, %dma_start3A_50] : memref<2x10240x128xf32, #tpu.memory_space<hbm>> -> memref<1x640x128xf32, #tpu.memory_space<hbm>>
      %dma_start3A_52 = tpu.memref_squeeze %dma_start3A_51 : memref<1x640x128xf32, #tpu.memory_space<hbm>> -> memref<640x128xf32, #tpu.memory_space<hbm>>
      %dma_start3A_53 = arith.constant 0 : i32
      %dma_start3A_54 = tpu.memref_slice %arg11[%mul3A_47, %dma_start3A_53] : memref<10240x128xf32, #tpu.memory_space<vmem_shared>> -> memref<640x128xf32, #tpu.memory_space<vmem_shared>>
      tpu.enqueue_dma source(%dma_start3A_54 : memref<640x128xf32, #tpu.memory_space<vmem_shared>>) target(%dma_start3A_52 : memref<640x128xf32, #tpu.memory_space<hbm>>) target_semaphore(%run_scoped3A : memref<!tpu.dma_semaphore, #tpu.memory_space<semaphore_mem>>)
      %dma_wait3A = arith.constant 0 : i32
      %dma_wait3A_55 = tpu.memref_slice %arg6[%arg0, %mul3A_49, %dma_wait3A] : memref<2x10240x128xf32, #tpu.memory_space<hbm>> -> memref<1x640x128xf32, #tpu.memory_space<hbm>>
      %dma_wait3A_56 = tpu.memref_squeeze %dma_wait3A_55 : memref<1x640x128xf32, #tpu.memory_space<hbm>> -> memref<640x128xf32, #tpu.memory_space<hbm>>
      %dma_wait3A_57 = arith.constant 0 : i32
      %dma_wait3A_58 = tpu.memref_slice %arg11[%mul3A_47, %dma_wait3A_57] : memref<10240x128xf32, #tpu.memory_space<vmem_shared>> -> memref<640x128xf32, #tpu.memory_space<vmem_shared>>
      tpu.wait_dma2 semaphore(%run_scoped3A : memref<!tpu.dma_semaphore, #tpu.memory_space<semaphore_mem>>) src(%dma_wait3A_58 : memref<640x128xf32, #tpu.memory_space<vmem_shared>>) dst(%dma_wait3A_56 : memref<640x128xf32, #tpu.memory_space<hbm>>)
      tpu.yield
    }) : () -> ()
    return
  }
}

module attributes {stable_mosaic.version = 14 : i64} {
  func.func @_norm_body(%arg0: memref<2x80x128xf32, #tpu.memory_space<vmem>>, %arg1: memref<2x80x128xf32, #tpu.memory_space<vmem>>, %arg2: memref<80x128xf32, #tpu.memory_space<vmem>>, %arg3: memref<80x128xf32, #tpu.memory_space<vmem>>) attributes {dimension_semantics = [], scalar_prefetch = 0 : i64, scratch_operands = 0 : i64, tpu.core_type = #tpu.core_type<tc>} {
    %get3A = arith.constant 0 : index
    %get3A_0 = arith.constant 0 : index
    %get3A_1 = arith.constant 0 : index
    %get3A_2 = vector.load %arg0[%get3A, %get3A_0, %get3A_1] : memref<2x80x128xf32, #tpu.memory_space<vmem>>, vector<1x80x128xf32>
    %get3A_3 = vector.shape_cast %get3A_2 : vector<1x80x128xf32> to vector<80x128xf32>
    %get3A_4 = arith.constant 1 : index
    %get3A_5 = arith.constant 0 : index
    %get3A_6 = arith.constant 0 : index
    %get3A_7 = vector.load %arg0[%get3A_4, %get3A_5, %get3A_6] : memref<2x80x128xf32, #tpu.memory_space<vmem>>, vector<1x80x128xf32>
    %get3A_8 = vector.shape_cast %get3A_7 : vector<1x80x128xf32> to vector<80x128xf32>
    %add3A = arith.addf %get3A_3, %get3A_8 : vector<80x128xf32>
    %get3A_9 = arith.constant 0 : index
    %get3A_10 = arith.constant 0 : index
    %get3A_11 = arith.constant 0 : index
    %get3A_12 = vector.load %arg1[%get3A_9, %get3A_10, %get3A_11] : memref<2x80x128xf32, #tpu.memory_space<vmem>>, vector<1x80x128xf32>
    %get3A_13 = vector.shape_cast %get3A_12 : vector<1x80x128xf32> to vector<80x128xf32>
    %get3A_14 = arith.constant 1 : index
    %get3A_15 = arith.constant 0 : index
    %get3A_16 = arith.constant 0 : index
    %get3A_17 = vector.load %arg1[%get3A_14, %get3A_15, %get3A_16] : memref<2x80x128xf32, #tpu.memory_space<vmem>>, vector<1x80x128xf32>
    %get3A_18 = vector.shape_cast %get3A_17 : vector<1x80x128xf32> to vector<80x128xf32>
    %add3A_19 = arith.addf %get3A_13, %get3A_18 : vector<80x128xf32>
    %max3A = arith.constant 1.000000e+00 : f32
    %max3A_20 = vector.broadcast %max3A : f32 to vector<80x128xf32>
    %max3A_21 = arith.maximumf %add3A, %max3A_20 : vector<80x128xf32>
    %rsqrt3A = math.rsqrt %max3A_21 : vector<80x128xf32>
    %swap3A = arith.constant 0 : index
    %swap3A_22 = arith.constant 0 : index
    %swap3A_23 = vector.load %arg2[%swap3A, %swap3A_22] : memref<80x128xf32, #tpu.memory_space<vmem>>, vector<80x128xf32>
    tpu.vector_store %arg2[%swap3A, %swap3A_22], %rsqrt3A {strides = array<i32>} : memref<80x128xf32, #tpu.memory_space<vmem>>, vector<80x128xf32>,
    %max3A_24 = arith.constant 1.000000e+00 : f32
    %max3A_25 = vector.broadcast %max3A_24 : f32 to vector<80x128xf32>
    %max3A_26 = arith.maximumf %add3A_19, %max3A_25 : vector<80x128xf32>
    %rsqrt3A_27 = math.rsqrt %max3A_26 : vector<80x128xf32>
    %swap3A_28 = arith.constant 0 : index
    %swap3A_29 = arith.constant 0 : index
    %swap3A_30 = vector.load %arg3[%swap3A_28, %swap3A_29] : memref<80x128xf32, #tpu.memory_space<vmem>>, vector<80x128xf32>
    tpu.vector_store %arg3[%swap3A_28, %swap3A_29], %rsqrt3A_27 {strides = array<i32>} : memref<80x128xf32, #tpu.memory_space<vmem>>, vector<80x128xf32>,
    return
  }
}

module attributes {stable_mosaic.version = 14 : i64} {
  func.func @_scale_body(%arg0: i32, %arg1: memref<2048x1xf32, #tpu.memory_space<vmem>>, %arg2: memref<2048x128xf32, #tpu.memory_space<vmem>>, %arg3: memref<2048x128xf32, #tpu.memory_space<vmem>>, %arg4: memref<2048x128xf32, #tpu.memory_space<vmem>>, %arg5: memref<2048x128xf32, #tpu.memory_space<vmem>>, %arg6: memref<2048x128xf32, #tpu.memory_space<vmem>>, %arg7: memref<2048x128xf32, #tpu.memory_space<vmem>>) attributes {dimension_semantics = [#tpu.dimension_semantics<arbitrary>], iteration_bounds = array<i64: 5>, scalar_prefetch = 0 : i64, scratch_operands = 0 : i64, tpu.core_type = #tpu.core_type<tc>, window_params = [{transform_indices = @transform_0, window_bounds = array<i64: 2048, 1>}, {transform_indices = @transform_1, window_bounds = array<i64: 2048, 128>}, {transform_indices = @transform_2, window_bounds = array<i64: 2048, 128>}, {transform_indices = @transform_3, window_bounds = array<i64: 2048, 128>}, {transform_indices = @transform_4, window_bounds = array<i64: 2048, 128>}, {transform_indices = @transform_5, window_bounds = array<i64: 2048, 128>}, {transform_indices = @transform_6, window_bounds = array<i64: 2048, 128>}]} {
    %get3A = arith.constant 0 : index
    %get3A_0 = arith.constant 0 : index
    %get3A_1 = vector.load %arg1[%get3A, %get3A_0] : memref<2048x1xf32, #tpu.memory_space<vmem>>, vector<2048x1xf32>
    %get3A_2 = arith.constant 0 : index
    %get3A_3 = arith.constant 0 : index
    %get3A_4 = vector.load %arg2[%get3A_2, %get3A_3] : memref<2048x128xf32, #tpu.memory_space<vmem>>, vector<2048x128xf32>
    %mul3A = vector.broadcast %get3A_1 : vector<2048x1xf32> to vector<2048x128xf32>
    %mul3A_5 = arith.mulf %get3A_4, %mul3A : vector<2048x128xf32>
    %swap3A = arith.constant 0 : index
    %swap3A_6 = arith.constant 0 : index
    %swap3A_7 = vector.load %arg5[%swap3A, %swap3A_6] : memref<2048x128xf32, #tpu.memory_space<vmem>>, vector<2048x128xf32>
    tpu.vector_store %arg5[%swap3A, %swap3A_6], %mul3A_5 {strides = array<i32>} : memref<2048x128xf32, #tpu.memory_space<vmem>>, vector<2048x128xf32>,
    %get3A_8 = arith.constant 0 : index
    %get3A_9 = arith.constant 0 : index
    %get3A_10 = vector.load %arg3[%get3A_8, %get3A_9] : memref<2048x128xf32, #tpu.memory_space<vmem>>, vector<2048x128xf32>
    %mul3A_11 = vector.broadcast %get3A_1 : vector<2048x1xf32> to vector<2048x128xf32>
    %mul3A_12 = arith.mulf %get3A_10, %mul3A_11 : vector<2048x128xf32>
    %swap3A_13 = arith.constant 0 : index
    %swap3A_14 = arith.constant 0 : index
    %swap3A_15 = vector.load %arg6[%swap3A_13, %swap3A_14] : memref<2048x128xf32, #tpu.memory_space<vmem>>, vector<2048x128xf32>
    tpu.vector_store %arg6[%swap3A_13, %swap3A_14], %mul3A_12 {strides = array<i32>} : memref<2048x128xf32, #tpu.memory_space<vmem>>, vector<2048x128xf32>,
    %get3A_16 = arith.constant 0 : index
    %get3A_17 = arith.constant 0 : index
    %get3A_18 = vector.load %arg4[%get3A_16, %get3A_17] : memref<2048x128xf32, #tpu.memory_space<vmem>>, vector<2048x128xf32>
    %mul3A_19 = vector.broadcast %get3A_1 : vector<2048x1xf32> to vector<2048x128xf32>
    %mul3A_20 = arith.mulf %get3A_18, %mul3A_19 : vector<2048x128xf32>
    %swap3A_21 = arith.constant 0 : index
    %swap3A_22 = arith.constant 0 : index
    %swap3A_23 = vector.load %arg7[%swap3A_21, %swap3A_22] : memref<2048x128xf32, #tpu.memory_space<vmem>>, vector<2048x128xf32>
    tpu.vector_store %arg7[%swap3A_21, %swap3A_22], %mul3A_20 {strides = array<i32>} : memref<2048x128xf32, #tpu.memory_space<vmem>>, vector<2048x128xf32>,
    return
  }
  func.func @transform_0(%arg0: i32) -> (i32, i32) {
    %c0_i32 = arith.constant 0 : i32
    %c0_i32_0 = arith.constant 0 : i32
    return %arg0, %c0_i32 : i32, i32
  }
  func.func @transform_1(%arg0: i32) -> (i32, i32) {
    %c0_i32 = arith.constant 0 : i32
    %c0_i32_0 = arith.constant 0 : i32
    return %arg0, %c0_i32 : i32, i32
  }
  func.func @transform_2(%arg0: i32) -> (i32, i32) {
    %c0_i32 = arith.constant 0 : i32
    %c0_i32_0 = arith.constant 0 : i32
    return %arg0, %c0_i32 : i32, i32
  }
  func.func @transform_3(%arg0: i32) -> (i32, i32) {
    %c0_i32 = arith.constant 0 : i32
    %c0_i32_0 = arith.constant 0 : i32
    return %arg0, %c0_i32 : i32, i32
  }
  func.func @transform_4(%arg0: i32) -> (i32, i32) {
    %c0_i32 = arith.constant 0 : i32
    %c0_i32_0 = arith.constant 0 : i32
    return %arg0, %c0_i32 : i32, i32
  }
  func.func @transform_5(%arg0: i32) -> (i32, i32) {
    %c0_i32 = arith.constant 0 : i32
    %c0_i32_0 = arith.constant 0 : i32
    return %arg0, %c0_i32 : i32, i32
  }
  func.func @transform_6(%arg0: i32) -> (i32, i32) {
    %c0_i32 = arith.constant 0 : i32
    %c0_i32_0 = arith.constant 0 : i32
    return %arg0, %c0_i32 : i32, i32
  }
}

module attributes {stable_mosaic.version = 14 : i64} {
  func.func @_gates_body(%arg0: i32, %arg1: memref<2x2048x128xf32, #tpu.memory_space<vmem>>, %arg2: memref<2x2048x128xf32, #tpu.memory_space<vmem>>, %arg3: memref<2048x1xf32, #tpu.memory_space<vmem>>, %arg4: memref<2048x128xf32, #tpu.memory_space<vmem>>, %arg5: memref<128x128xf32, #tpu.memory_space<vmem>>, %arg6: memref<128x128xf32, #tpu.memory_space<vmem>>, %arg7: memref<128x128xf32, #tpu.memory_space<vmem>>, %arg8: memref<128x128xf32, #tpu.memory_space<vmem>>, %arg9: memref<128x128xf32, #tpu.memory_space<vmem>>, %arg10: memref<1x128xf32, #tpu.memory_space<vmem>>, %arg11: memref<1x128xf32, #tpu.memory_space<vmem>>, %arg12: memref<2048x128xf32, #tpu.memory_space<vmem>>, %arg13: memref<2048x128xf32, #tpu.memory_space<vmem>>, %arg14: memref<2048x128xf32, #tpu.memory_space<vmem>>) attributes {dimension_semantics = [#tpu.dimension_semantics<arbitrary>], iteration_bounds = array<i64: 5>, scalar_prefetch = 0 : i64, scratch_operands = 0 : i64, tpu.core_type = #tpu.core_type<tc>, window_params = [{transform_indices = @transform_0, window_bounds = array<i64: 2, 2048, 128>}, {transform_indices = @transform_1, window_bounds = array<i64: 2, 2048, 128>}, {transform_indices = @transform_2, window_bounds = array<i64: 2048, 1>}, {transform_indices = @transform_3, window_bounds = array<i64: 2048, 128>}, {pipeline_mode = #tpu.pipeline_mode<synchronous>, transform_indices = @transform_4, window_bounds = array<i64: 128, 128>}, {pipeline_mode = #tpu.pipeline_mode<synchronous>, transform_indices = @transform_5, window_bounds = array<i64: 128, 128>}, {pipeline_mode = #tpu.pipeline_mode<synchronous>, transform_indices = @transform_6, window_bounds = array<i64: 128, 128>}, {pipeline_mode = #tpu.pipeline_mode<synchronous>, transform_indices = @transform_7, window_bounds = array<i64: 128, 128>}, {pipeline_mode = #tpu.pipeline_mode<synchronous>, transform_indices = @transform_8, window_bounds = array<i64: 128, 128>}, {pipeline_mode = #tpu.pipeline_mode<synchronous>, transform_indices = @transform_9, window_bounds = array<i64: 1, 128>}, {pipeline_mode = #tpu.pipeline_mode<synchronous>, transform_indices = @transform_10, window_bounds = array<i64: 1, 128>}, {transform_indices = @transform_11, window_bounds = array<i64: 2048, 128>}, {transform_indices = @transform_12, window_bounds = array<i64: 2048, 128>}, {transform_indices = @transform_13, window_bounds = array<i64: 2048, 128>}]} {
    %get3A = arith.constant 0 : index
    %get3A_0 = arith.constant 0 : index
    %get3A_1 = vector.load %arg3[%get3A, %get3A_0] : memref<2048x1xf32, #tpu.memory_space<vmem>>, vector<2048x1xf32>
    %get3A_2 = arith.constant 0 : index
    %get3A_3 = arith.constant 0 : index
    %get3A_4 = arith.constant 0 : index
    %get3A_5 = vector.load %arg1[%get3A_2, %get3A_3, %get3A_4] : memref<2x2048x128xf32, #tpu.memory_space<vmem>>, vector<1x2048x128xf32>
    %get3A_6 = vector.shape_cast %get3A_5 : vector<1x2048x128xf32> to vector<2048x128xf32>
    %get3A_7 = arith.constant 1 : index
    %get3A_8 = arith.constant 0 : index
    %get3A_9 = arith.constant 0 : index
    %get3A_10 = vector.load %arg1[%get3A_7, %get3A_8, %get3A_9] : memref<2x2048x128xf32, #tpu.memory_space<vmem>>, vector<1x2048x128xf32>
    %get3A_11 = vector.shape_cast %get3A_10 : vector<1x2048x128xf32> to vector<2048x128xf32>
    %add3A = arith.addf %get3A_6, %get3A_11 : vector<2048x128xf32>
    %mul3A = vector.broadcast %get3A_1 : vector<2048x1xf32> to vector<2048x128xf32>
    %mul3A_12 = arith.mulf %add3A, %mul3A : vector<2048x128xf32>
    %get3A_13 = arith.constant 0 : index
    %get3A_14 = arith.constant 0 : index
    %get3A_15 = arith.constant 0 : index
    %get3A_16 = vector.load %arg2[%get3A_13, %get3A_14, %get3A_15] : memref<2x2048x128xf32, #tpu.memory_space<vmem>>, vector<1x2048x128xf32>
    %get3A_17 = vector.shape_cast %get3A_16 : vector<1x2048x128xf32> to vector<2048x128xf32>
    %get3A_18 = arith.constant 1 : index
    %get3A_19 = arith.constant 0 : index
    %get3A_20 = arith.constant 0 : index
    %get3A_21 = vector.load %arg2[%get3A_18, %get3A_19, %get3A_20] : memref<2x2048x128xf32, #tpu.memory_space<vmem>>, vector<1x2048x128xf32>
    %get3A_22 = vector.shape_cast %get3A_21 : vector<1x2048x128xf32> to vector<2048x128xf32>
    %add3A_23 = arith.addf %get3A_17, %get3A_22 : vector<2048x128xf32>
    %mul3A_24 = vector.broadcast %get3A_1 : vector<2048x1xf32> to vector<2048x128xf32>
    %mul3A_25 = arith.mulf %add3A_23, %mul3A_24 : vector<2048x128xf32>
    %get3A_26 = arith.constant 0 : index
    %get3A_27 = arith.constant 0 : index
    %get3A_28 = vector.load %arg5[%get3A_26, %get3A_27] : memref<128x128xf32, #tpu.memory_space<vmem>>, vector<128x128xf32>
    %dot_general3A = arith.constant dense<0.000000e+00> : vector<2048x128xf32>
    %dot_general3A_29 = tpu.matmul %mul3A_12, %get3A_28, %dot_general3A {dimension_numbers = #tpu.dot_dimension_numbers<[1], [0], [0], [1], [0, 0, 1, 1], [], []>, transpose_lhs_hint = false} : vector<2048x128xf32>, vector<128x128xf32>, vector<2048x128xf32> -> vector<2048x128xf32>
    %get3A_30 = arith.constant 0 : index
    %get3A_31 = arith.constant 0 : index
    %get3A_32 = vector.load %arg6[%get3A_30, %get3A_31] : memref<128x128xf32, #tpu.memory_space<vmem>>, vector<128x128xf32>
    %dot_general3A_33 = arith.constant dense<0.000000e+00> : vector<2048x128xf32>
    %dot_general3A_34 = tpu.matmul %mul3A_25, %get3A_32, %dot_general3A_33 {dimension_numbers = #tpu.dot_dimension_numbers<[1], [0], [0], [1], [0, 0, 1, 1], [], []>, transpose_lhs_hint = false} : vector<2048x128xf32>, vector<128x128xf32>, vector<2048x128xf32> -> vector<2048x128xf32>
    %add3A_35 = arith.addf %dot_general3A_29, %dot_general3A_34 : vector<2048x128xf32>
    %get3A_36 = arith.constant 0 : index
    %get3A_37 = arith.constant 0 : index
    %get3A_38 = vector.load %arg10[%get3A_36, %get3A_37] : memref<1x128xf32, #tpu.memory_space<vmem>>, vector<1x128xf32>
    %add3A_39 = vector.broadcast %get3A_38 : vector<1x128xf32> to vector<2048x128xf32>
    %add3A_40 = arith.addf %add3A_35, %add3A_39 : vector<2048x128xf32>
    %logistic3A = arith.negf %add3A_40 : vector<2048x128xf32>
    %logistic3A_41 = math.exp %logistic3A : vector<2048x128xf32>
    %logistic3A_42 = arith.constant 1.000000e+00 : f32
    %logistic3A_43 = vector.broadcast %logistic3A_42 : f32 to vector<2048x128xf32>
    %logistic3A_44 = arith.addf %logistic3A_43, %logistic3A_41 : vector<2048x128xf32>
    %logistic3A_45 = arith.divf %logistic3A_43, %logistic3A_44 : vector<2048x128xf32>
    %get3A_46 = arith.constant 0 : index
    %get3A_47 = arith.constant 0 : index
    %get3A_48 = vector.load %arg7[%get3A_46, %get3A_47] : memref<128x128xf32, #tpu.memory_space<vmem>>, vector<128x128xf32>
    %dot_general3A_49 = arith.constant dense<0.000000e+00> : vector<2048x128xf32>
    %dot_general3A_50 = tpu.matmul %mul3A_12, %get3A_48, %dot_general3A_49 {dimension_numbers = #tpu.dot_dimension_numbers<[1], [0], [0], [1], [0, 0, 1, 1], [], []>, transpose_lhs_hint = false} : vector<2048x128xf32>, vector<128x128xf32>, vector<2048x128xf32> -> vector<2048x128xf32>
    %get3A_51 = arith.constant 0 : index
    %get3A_52 = arith.constant 0 : index
    %get3A_53 = vector.load %arg8[%get3A_51, %get3A_52] : memref<128x128xf32, #tpu.memory_space<vmem>>, vector<128x128xf32>
    %dot_general3A_54 = arith.constant dense<0.000000e+00> : vector<2048x128xf32>
    %dot_general3A_55 = tpu.matmul %mul3A_25, %get3A_53, %dot_general3A_54 {dimension_numbers = #tpu.dot_dimension_numbers<[1], [0], [0], [1], [0, 0, 1, 1], [], []>, transpose_lhs_hint = false} : vector<2048x128xf32>, vector<128x128xf32>, vector<2048x128xf32> -> vector<2048x128xf32>
    %add3A_56 = arith.addf %dot_general3A_50, %dot_general3A_55 : vector<2048x128xf32>
    %get3A_57 = arith.constant 0 : index
    %get3A_58 = arith.constant 0 : index
    %get3A_59 = vector.load %arg11[%get3A_57, %get3A_58] : memref<1x128xf32, #tpu.memory_space<vmem>>, vector<1x128xf32>
    %add3A_60 = vector.broadcast %get3A_59 : vector<1x128xf32> to vector<2048x128xf32>
    %add3A_61 = arith.addf %add3A_56, %add3A_60 : vector<2048x128xf32>
    %logistic3A_62 = arith.negf %add3A_61 : vector<2048x128xf32>
    %logistic3A_63 = math.exp %logistic3A_62 : vector<2048x128xf32>
    %logistic3A_64 = arith.constant 1.000000e+00 : f32
    %logistic3A_65 = vector.broadcast %logistic3A_64 : f32 to vector<2048x128xf32>
    %logistic3A_66 = arith.addf %logistic3A_65, %logistic3A_63 : vector<2048x128xf32>
    %logistic3A_67 = arith.divf %logistic3A_65, %logistic3A_66 : vector<2048x128xf32>
    %get3A_68 = arith.constant 0 : index
    %get3A_69 = arith.constant 0 : index
    %get3A_70 = vector.load %arg4[%get3A_68, %get3A_69] : memref<2048x128xf32, #tpu.memory_space<vmem>>, vector<2048x128xf32>
    %mul3A_71 = arith.mulf %logistic3A_45, %get3A_70 : vector<2048x128xf32>
    %swap3A = arith.constant 0 : index
    %swap3A_72 = arith.constant 0 : index
    %swap3A_73 = vector.load %arg12[%swap3A, %swap3A_72] : memref<2048x128xf32, #tpu.memory_space<vmem>>, vector<2048x128xf32>
    tpu.vector_store %arg12[%swap3A, %swap3A_72], %mul3A_71 {strides = array<i32>} : memref<2048x128xf32, #tpu.memory_space<vmem>>, vector<2048x128xf32>,
    %swap3A_74 = arith.constant 0 : index
    %swap3A_75 = arith.constant 0 : index
    %swap3A_76 = vector.load %arg13[%swap3A_74, %swap3A_75] : memref<2048x128xf32, #tpu.memory_space<vmem>>, vector<2048x128xf32>
    tpu.vector_store %arg13[%swap3A_74, %swap3A_75], %logistic3A_67 {strides = array<i32>} : memref<2048x128xf32, #tpu.memory_space<vmem>>, vector<2048x128xf32>,
    %get3A_77 = arith.constant 0 : index
    %get3A_78 = arith.constant 0 : index
    %get3A_79 = vector.load %arg9[%get3A_77, %get3A_78] : memref<128x128xf32, #tpu.memory_space<vmem>>, vector<128x128xf32>
    %dot_general3A_80 = arith.constant dense<0.000000e+00> : vector<2048x128xf32>
    %dot_general3A_81 = tpu.matmul %mul3A_12, %get3A_79, %dot_general3A_80 {dimension_numbers = #tpu.dot_dimension_numbers<[1], [0], [0], [1], [0, 0, 1, 1], [], []>, transpose_lhs_hint = false} : vector<2048x128xf32>, vector<128x128xf32>, vector<2048x128xf32> -> vector<2048x128xf32>
    %swap3A_82 = arith.constant 0 : index
    %swap3A_83 = arith.constant 0 : index
    %swap3A_84 = vector.load %arg14[%swap3A_82, %swap3A_83] : memref<2048x128xf32, #tpu.memory_space<vmem>>, vector<2048x128xf32>
    tpu.vector_store %arg14[%swap3A_82, %swap3A_83], %dot_general3A_81 {strides = array<i32>} : memref<2048x128xf32, #tpu.memory_space<vmem>>, vector<2048x128xf32>,
    return
  }
  func.func @transform_0(%arg0: i32) -> (i32, i32, i32) {
    %c0_i32 = arith.constant 0 : i32
    %c0_i32_0 = arith.constant 0 : i32
    %c0_i32_1 = arith.constant 0 : i32
    return %c0_i32, %arg0, %c0_i32_0 : i32, i32, i32
  }
  func.func @transform_1(%arg0: i32) -> (i32, i32, i32) {
    %c0_i32 = arith.constant 0 : i32
    %c0_i32_0 = arith.constant 0 : i32
    %c0_i32_1 = arith.constant 0 : i32
    return %c0_i32, %arg0, %c0_i32_0 : i32, i32, i32
  }
  func.func @transform_2(%arg0: i32) -> (i32, i32) {
    %c0_i32 = arith.constant 0 : i32
    %c0_i32_0 = arith.constant 0 : i32
    return %arg0, %c0_i32 : i32, i32
  }
  func.func @transform_3(%arg0: i32) -> (i32, i32) {
    %c0_i32 = arith.constant 0 : i32
    %c0_i32_0 = arith.constant 0 : i32
    return %arg0, %c0_i32 : i32, i32
  }
  func.func @transform_4(%arg0: i32) -> (i32, i32) {
    %c0_i32 = arith.constant 0 : i32
    %c0_i32_0 = arith.constant 0 : i32
    %c0_i32_1 = arith.constant 0 : i32
    return %c0_i32, %c0_i32_0 : i32, i32
  }
  func.func @transform_5(%arg0: i32) -> (i32, i32) {
    %c0_i32 = arith.constant 0 : i32
    %c0_i32_0 = arith.constant 0 : i32
    %c0_i32_1 = arith.constant 0 : i32
    return %c0_i32, %c0_i32_0 : i32, i32
  }
  func.func @transform_6(%arg0: i32) -> (i32, i32) {
    %c0_i32 = arith.constant 0 : i32
    %c0_i32_0 = arith.constant 0 : i32
    %c0_i32_1 = arith.constant 0 : i32
    return %c0_i32, %c0_i32_0 : i32, i32
  }
  func.func @transform_7(%arg0: i32) -> (i32, i32) {
    %c0_i32 = arith.constant 0 : i32
    %c0_i32_0 = arith.constant 0 : i32
    %c0_i32_1 = arith.constant 0 : i32
    return %c0_i32, %c0_i32_0 : i32, i32
  }
  func.func @transform_8(%arg0: i32) -> (i32, i32) {
    %c0_i32 = arith.constant 0 : i32
    %c0_i32_0 = arith.constant 0 : i32
    %c0_i32_1 = arith.constant 0 : i32
    return %c0_i32, %c0_i32_0 : i32, i32
  }
  func.func @transform_9(%arg0: i32) -> (i32, i32) {
    %c0_i32 = arith.constant 0 : i32
    %c0_i32_0 = arith.constant 0 : i32
    %c0_i32_1 = arith.constant 0 : i32
    return %c0_i32, %c0_i32_0 : i32, i32
  }
  func.func @transform_10(%arg0: i32) -> (i32, i32) {
    %c0_i32 = arith.constant 0 : i32
    %c0_i32_0 = arith.constant 0 : i32
    %c0_i32_1 = arith.constant 0 : i32
    return %c0_i32, %c0_i32_0 : i32, i32
  }
  func.func @transform_11(%arg0: i32) -> (i32, i32) {
    %c0_i32 = arith.constant 0 : i32
    %c0_i32_0 = arith.constant 0 : i32
    return %arg0, %c0_i32 : i32, i32
  }
  func.func @transform_12(%arg0: i32) -> (i32, i32) {
    %c0_i32 = arith.constant 0 : i32
    %c0_i32_0 = arith.constant 0 : i32
    return %arg0, %c0_i32 : i32, i32
  }
  func.func @transform_13(%arg0: i32) -> (i32, i32) {
    %c0_i32 = arith.constant 0 : i32
    %c0_i32_0 = arith.constant 0 : i32
    return %arg0, %c0_i32 : i32, i32
  }
}

module attributes {stable_mosaic.version = 14 : i64} {
  func.func @_update_body(%arg0: i32, %arg1: memref<2x2048x128xf32, #tpu.memory_space<vmem>>, %arg2: memref<2048x1xf32, #tpu.memory_space<vmem>>, %arg3: memref<2048x1xf32, #tpu.memory_space<vmem>>, %arg4: memref<2048x128xf32, #tpu.memory_space<vmem>>, %arg5: memref<2048x128xf32, #tpu.memory_space<vmem>>, %arg6: memref<2048x128xf32, #tpu.memory_space<vmem>>, %arg7: memref<128x128xf32, #tpu.memory_space<vmem>>, %arg8: memref<1x128xf32, #tpu.memory_space<vmem>>, %arg9: memref<2048x128xf32, #tpu.memory_space<vmem>>, %arg10: memref<2048x128xf32, #tpu.memory_space<vmem>>) attributes {dimension_semantics = [#tpu.dimension_semantics<arbitrary>], iteration_bounds = array<i64: 5>, scalar_prefetch = 0 : i64, scratch_operands = 0 : i64, tpu.core_type = #tpu.core_type<tc>, window_params = [{transform_indices = @transform_0, window_bounds = array<i64: 2, 2048, 128>}, {transform_indices = @transform_1, window_bounds = array<i64: 2048, 1>}, {transform_indices = @transform_2, window_bounds = array<i64: 2048, 1>}, {transform_indices = @transform_3, window_bounds = array<i64: 2048, 128>}, {transform_indices = @transform_4, window_bounds = array<i64: 2048, 128>}, {transform_indices = @transform_5, window_bounds = array<i64: 2048, 128>}, {pipeline_mode = #tpu.pipeline_mode<synchronous>, transform_indices = @transform_6, window_bounds = array<i64: 128, 128>}, {pipeline_mode = #tpu.pipeline_mode<synchronous>, transform_indices = @transform_7, window_bounds = array<i64: 1, 128>}, {transform_indices = @transform_8, window_bounds = array<i64: 2048, 128>}, {transform_indices = @transform_9, window_bounds = array<i64: 2048, 128>}]} {
    %get3A = arith.constant 0 : index
    %get3A_0 = arith.constant 0 : index
    %get3A_1 = vector.load %arg2[%get3A, %get3A_0] : memref<2048x1xf32, #tpu.memory_space<vmem>>, vector<2048x1xf32>
    %get3A_2 = arith.constant 0 : index
    %get3A_3 = arith.constant 0 : index
    %get3A_4 = arith.constant 0 : index
    %get3A_5 = vector.load %arg1[%get3A_2, %get3A_3, %get3A_4] : memref<2x2048x128xf32, #tpu.memory_space<vmem>>, vector<1x2048x128xf32>
    %get3A_6 = vector.shape_cast %get3A_5 : vector<1x2048x128xf32> to vector<2048x128xf32>
    %get3A_7 = arith.constant 1 : index
    %get3A_8 = arith.constant 0 : index
    %get3A_9 = arith.constant 0 : index
    %get3A_10 = vector.load %arg1[%get3A_7, %get3A_8, %get3A_9] : memref<2x2048x128xf32, #tpu.memory_space<vmem>>, vector<1x2048x128xf32>
    %get3A_11 = vector.shape_cast %get3A_10 : vector<1x2048x128xf32> to vector<2048x128xf32>
    %add3A = arith.addf %get3A_6, %get3A_11 : vector<2048x128xf32>
    %mul3A = vector.broadcast %get3A_1 : vector<2048x1xf32> to vector<2048x128xf32>
    %mul3A_12 = arith.mulf %add3A, %mul3A : vector<2048x128xf32>
    %get3A_13 = arith.constant 0 : index
    %get3A_14 = arith.constant 0 : index
    %get3A_15 = vector.load %arg4[%get3A_13, %get3A_14] : memref<2048x128xf32, #tpu.memory_space<vmem>>, vector<2048x128xf32>
    %get3A_16 = arith.constant 0 : index
    %get3A_17 = arith.constant 0 : index
    %get3A_18 = vector.load %arg7[%get3A_16, %get3A_17] : memref<128x128xf32, #tpu.memory_space<vmem>>, vector<128x128xf32>
    %dot_general3A = arith.constant dense<0.000000e+00> : vector<2048x128xf32>
    %dot_general3A_19 = tpu.matmul %mul3A_12, %get3A_18, %dot_general3A {dimension_numbers = #tpu.dot_dimension_numbers<[1], [0], [0], [1], [0, 0, 1, 1], [], []>, transpose_lhs_hint = false} : vector<2048x128xf32>, vector<128x128xf32>, vector<2048x128xf32> -> vector<2048x128xf32>
    %add3A_20 = arith.addf %get3A_15, %dot_general3A_19 : vector<2048x128xf32>
    %get3A_21 = arith.constant 0 : index
    %get3A_22 = arith.constant 0 : index
    %get3A_23 = vector.load %arg8[%get3A_21, %get3A_22] : memref<1x128xf32, #tpu.memory_space<vmem>>, vector<1x128xf32>
    %add3A_24 = vector.broadcast %get3A_23 : vector<1x128xf32> to vector<2048x128xf32>
    %add3A_25 = arith.addf %add3A_20, %add3A_24 : vector<2048x128xf32>
    %tanh3A = math.tanh %add3A_25 : vector<2048x128xf32>
    %get3A_26 = arith.constant 0 : index
    %get3A_27 = arith.constant 0 : index
    %get3A_28 = vector.load %arg5[%get3A_26, %get3A_27] : memref<2048x128xf32, #tpu.memory_space<vmem>>, vector<2048x128xf32>
    %get3A_29 = arith.constant 0 : index
    %get3A_30 = arith.constant 0 : index
    %get3A_31 = vector.load %arg6[%get3A_29, %get3A_30] : memref<2048x128xf32, #tpu.memory_space<vmem>>, vector<2048x128xf32>
    %mul3A_32 = arith.mulf %get3A_28, %get3A_31 : vector<2048x128xf32>
    %sub3A = arith.constant 1.000000e+00 : f32
    %sub3A_33 = vector.broadcast %sub3A : f32 to vector<2048x128xf32>
    %sub3A_34 = arith.subf %sub3A_33, %get3A_28 : vector<2048x128xf32>
    %mul3A_35 = arith.mulf %sub3A_34, %tanh3A : vector<2048x128xf32>
    %add3A_36 = arith.addf %mul3A_32, %mul3A_35 : vector<2048x128xf32>
    %swap3A = arith.constant 0 : index
    %swap3A_37 = arith.constant 0 : index
    %swap3A_38 = vector.load %arg9[%swap3A, %swap3A_37] : memref<2048x128xf32, #tpu.memory_space<vmem>>, vector<2048x128xf32>
    tpu.vector_store %arg9[%swap3A, %swap3A_37], %add3A_36 {strides = array<i32>} : memref<2048x128xf32, #tpu.memory_space<vmem>>, vector<2048x128xf32>,
    %get3A_39 = arith.constant 0 : index
    %get3A_40 = arith.constant 0 : index
    %get3A_41 = vector.load %arg3[%get3A_39, %get3A_40] : memref<2048x1xf32, #tpu.memory_space<vmem>>, vector<2048x1xf32>
    %mul3A_42 = vector.broadcast %get3A_41 : vector<2048x1xf32> to vector<2048x128xf32>
    %mul3A_43 = arith.mulf %add3A_36, %mul3A_42 : vector<2048x128xf32>
    %swap3A_44 = arith.constant 0 : index
    %swap3A_45 = arith.constant 0 : index
    %swap3A_46 = vector.load %arg10[%swap3A_44, %swap3A_45] : memref<2048x128xf32, #tpu.memory_space<vmem>>, vector<2048x128xf32>
    tpu.vector_store %arg10[%swap3A_44, %swap3A_45], %mul3A_43 {strides = array<i32>} : memref<2048x128xf32, #tpu.memory_space<vmem>>, vector<2048x128xf32>,
    return
  }
  func.func @transform_0(%arg0: i32) -> (i32, i32, i32) {
    %c0_i32 = arith.constant 0 : i32
    %c0_i32_0 = arith.constant 0 : i32
    %c0_i32_1 = arith.constant 0 : i32
    return %c0_i32, %arg0, %c0_i32_0 : i32, i32, i32
  }
  func.func @transform_1(%arg0: i32) -> (i32, i32) {
    %c0_i32 = arith.constant 0 : i32
    %c0_i32_0 = arith.constant 0 : i32
    return %arg0, %c0_i32 : i32, i32
  }
  func.func @transform_2(%arg0: i32) -> (i32, i32) {
    %c0_i32 = arith.constant 0 : i32
    %c0_i32_0 = arith.constant 0 : i32
    return %arg0, %c0_i32 : i32, i32
  }
  func.func @transform_3(%arg0: i32) -> (i32, i32) {
    %c0_i32 = arith.constant 0 : i32
    %c0_i32_0 = arith.constant 0 : i32
    return %arg0, %c0_i32 : i32, i32
  }
  func.func @transform_4(%arg0: i32) -> (i32, i32) {
    %c0_i32 = arith.constant 0 : i32
    %c0_i32_0 = arith.constant 0 : i32
    return %arg0, %c0_i32 : i32, i32
  }
  func.func @transform_5(%arg0: i32) -> (i32, i32) {
    %c0_i32 = arith.constant 0 : i32
    %c0_i32_0 = arith.constant 0 : i32
    return %arg0, %c0_i32 : i32, i32
  }
  func.func @transform_6(%arg0: i32) -> (i32, i32) {
    %c0_i32 = arith.constant 0 : i32
    %c0_i32_0 = arith.constant 0 : i32
    %c0_i32_1 = arith.constant 0 : i32
    return %c0_i32, %c0_i32_0 : i32, i32
  }
  func.func @transform_7(%arg0: i32) -> (i32, i32) {
    %c0_i32 = arith.constant 0 : i32
    %c0_i32_0 = arith.constant 0 : i32
    %c0_i32_1 = arith.constant 0 : i32
    return %c0_i32, %c0_i32_0 : i32, i32
  }
  func.func @transform_8(%arg0: i32) -> (i32, i32) {
    %c0_i32 = arith.constant 0 : i32
    %c0_i32_0 = arith.constant 0 : i32
    return %arg0, %c0_i32 : i32, i32
  }
  func.func @transform_9(%arg0: i32) -> (i32, i32) {
    %c0_i32 = arith.constant 0 : i32
    %c0_i32_0 = arith.constant 0 : i32
    return %arg0, %c0_i32 : i32, i32
  }
}

module attributes {stable_mosaic.version = 14 : i64} {
  func.func @_update_body(%arg0: i32, %arg1: memref<2x2048x128xf32, #tpu.memory_space<vmem>>, %arg2: memref<2048x1xf32, #tpu.memory_space<vmem>>, %arg3: memref<2048x1xf32, #tpu.memory_space<vmem>>, %arg4: memref<2048x128xf32, #tpu.memory_space<vmem>>, %arg5: memref<2048x128xf32, #tpu.memory_space<vmem>>, %arg6: memref<2048x128xf32, #tpu.memory_space<vmem>>, %arg7: memref<128x128xf32, #tpu.memory_space<vmem>>, %arg8: memref<1x128xf32, #tpu.memory_space<vmem>>, %arg9: memref<2048x128xf32, #tpu.memory_space<vmem>>, %arg10: memref<2048x128xf32, #tpu.memory_space<vmem>>) attributes {dimension_semantics = [#tpu.dimension_semantics<arbitrary>], iteration_bounds = array<i64: 5>, scalar_prefetch = 0 : i64, scratch_operands = 0 : i64, tpu.core_type = #tpu.core_type<tc>, window_params = [{transform_indices = @transform_0, window_bounds = array<i64: 2, 2048, 128>}, {transform_indices = @transform_1, window_bounds = array<i64: 2048, 1>}, {transform_indices = @transform_2, window_bounds = array<i64: 2048, 1>}, {transform_indices = @transform_3, window_bounds = array<i64: 2048, 128>}, {transform_indices = @transform_4, window_bounds = array<i64: 2048, 128>}, {transform_indices = @transform_5, window_bounds = array<i64: 2048, 128>}, {pipeline_mode = #tpu.pipeline_mode<synchronous>, transform_indices = @transform_6, window_bounds = array<i64: 128, 128>}, {pipeline_mode = #tpu.pipeline_mode<synchronous>, transform_indices = @transform_7, window_bounds = array<i64: 1, 128>}, {transform_indices = @transform_8, window_bounds = array<i64: 2048, 128>}, {transform_indices = @transform_9, window_bounds = array<i64: 2048, 128>}]} {
    %get3A = arith.constant 0 : index
    %get3A_0 = arith.constant 0 : index
    %get3A_1 = vector.load %arg2[%get3A, %get3A_0] : memref<2048x1xf32, #tpu.memory_space<vmem>>, vector<2048x1xf32>
    %get3A_2 = arith.constant 0 : index
    %get3A_3 = arith.constant 0 : index
    %get3A_4 = arith.constant 0 : index
    %get3A_5 = vector.load %arg1[%get3A_2, %get3A_3, %get3A_4] : memref<2x2048x128xf32, #tpu.memory_space<vmem>>, vector<1x2048x128xf32>
    %get3A_6 = vector.shape_cast %get3A_5 : vector<1x2048x128xf32> to vector<2048x128xf32>
    %get3A_7 = arith.constant 1 : index
    %get3A_8 = arith.constant 0 : index
    %get3A_9 = arith.constant 0 : index
    %get3A_10 = vector.load %arg1[%get3A_7, %get3A_8, %get3A_9] : memref<2x2048x128xf32, #tpu.memory_space<vmem>>, vector<1x2048x128xf32>
    %get3A_11 = vector.shape_cast %get3A_10 : vector<1x2048x128xf32> to vector<2048x128xf32>
    %add3A = arith.addf %get3A_6, %get3A_11 : vector<2048x128xf32>
    %mul3A = vector.broadcast %get3A_1 : vector<2048x1xf32> to vector<2048x128xf32>
    %mul3A_12 = arith.mulf %add3A, %mul3A : vector<2048x128xf32>
    %get3A_13 = arith.constant 0 : index
    %get3A_14 = arith.constant 0 : index
    %get3A_15 = vector.load %arg4[%get3A_13, %get3A_14] : memref<2048x128xf32, #tpu.memory_space<vmem>>, vector<2048x128xf32>
    %get3A_16 = arith.constant 0 : index
    %get3A_17 = arith.constant 0 : index
    %get3A_18 = vector.load %arg7[%get3A_16, %get3A_17] : memref<128x128xf32, #tpu.memory_space<vmem>>, vector<128x128xf32>
    %dot_general3A = arith.constant dense<0.000000e+00> : vector<2048x128xf32>
    %dot_general3A_19 = tpu.matmul %mul3A_12, %get3A_18, %dot_general3A {dimension_numbers = #tpu.dot_dimension_numbers<[1], [0], [0], [1], [0, 0, 1, 1], [], []>, transpose_lhs_hint = false} : vector<2048x128xf32>, vector<128x128xf32>, vector<2048x128xf32> -> vector<2048x128xf32>
    %add3A_20 = arith.addf %get3A_15, %dot_general3A_19 : vector<2048x128xf32>
    %get3A_21 = arith.constant 0 : index
    %get3A_22 = arith.constant 0 : index
    %get3A_23 = vector.load %arg8[%get3A_21, %get3A_22] : memref<1x128xf32, #tpu.memory_space<vmem>>, vector<1x128xf32>
    %add3A_24 = vector.broadcast %get3A_23 : vector<1x128xf32> to vector<2048x128xf32>
    %add3A_25 = arith.addf %add3A_20, %add3A_24 : vector<2048x128xf32>
    %tanh3A = math.tanh %add3A_25 : vector<2048x128xf32>
    %get3A_26 = arith.constant 0 : index
    %get3A_27 = arith.constant 0 : index
    %get3A_28 = vector.load %arg5[%get3A_26, %get3A_27] : memref<2048x128xf32, #tpu.memory_space<vmem>>, vector<2048x128xf32>
    %get3A_29 = arith.constant 0 : index
    %get3A_30 = arith.constant 0 : index
    %get3A_31 = vector.load %arg6[%get3A_29, %get3A_30] : memref<2048x128xf32, #tpu.memory_space<vmem>>, vector<2048x128xf32>
    %mul3A_32 = arith.mulf %get3A_28, %get3A_31 : vector<2048x128xf32>
    %sub3A = arith.constant 1.000000e+00 : f32
    %sub3A_33 = vector.broadcast %sub3A : f32 to vector<2048x128xf32>
    %sub3A_34 = arith.subf %sub3A_33, %get3A_28 : vector<2048x128xf32>
    %mul3A_35 = arith.mulf %sub3A_34, %tanh3A : vector<2048x128xf32>
    %add3A_36 = arith.addf %mul3A_32, %mul3A_35 : vector<2048x128xf32>
    %swap3A = arith.constant 0 : index
    %swap3A_37 = arith.constant 0 : index
    %swap3A_38 = vector.load %arg9[%swap3A, %swap3A_37] : memref<2048x128xf32, #tpu.memory_space<vmem>>, vector<2048x128xf32>
    tpu.vector_store %arg9[%swap3A, %swap3A_37], %add3A_36 {strides = array<i32>} : memref<2048x128xf32, #tpu.memory_space<vmem>>, vector<2048x128xf32>,
    %get3A_39 = arith.constant 0 : index
    %get3A_40 = arith.constant 0 : index
    %get3A_41 = vector.load %arg3[%get3A_39, %get3A_40] : memref<2048x1xf32, #tpu.memory_space<vmem>>, vector<2048x1xf32>
    %mul3A_42 = vector.broadcast %get3A_41 : vector<2048x1xf32> to vector<2048x128xf32>
    %mul3A_43 = arith.mulf %add3A_36, %mul3A_42 : vector<2048x128xf32>
    %swap3A_44 = arith.constant 0 : index
    %swap3A_45 = arith.constant 0 : index
    %swap3A_46 = vector.load %arg10[%swap3A_44, %swap3A_45] : memref<2048x128xf32, #tpu.memory_space<vmem>>, vector<2048x128xf32>
    tpu.vector_store %arg10[%swap3A_44, %swap3A_45], %mul3A_43 {strides = array<i32>} : memref<2048x128xf32, #tpu.memory_space<vmem>>, vector<2048x128xf32>,
    return
  }
  func.func @transform_0(%arg0: i32) -> (i32, i32, i32) {
    %c0_i32 = arith.constant 0 : i32
    %c0_i32_0 = arith.constant 0 : i32
    %c0_i32_1 = arith.constant 0 : i32
    return %c0_i32, %arg0, %c0_i32_0 : i32, i32, i32
  }
  func.func @transform_1(%arg0: i32) -> (i32, i32) {
    %c0_i32 = arith.constant 0 : i32
    %c0_i32_0 = arith.constant 0 : i32
    return %arg0, %c0_i32 : i32, i32
  }
  func.func @transform_2(%arg0: i32) -> (i32, i32) {
    %c0_i32 = arith.constant 0 : i32
    %c0_i32_0 = arith.constant 0 : i32
    return %arg0, %c0_i32 : i32, i32
  }
  func.func @transform_3(%arg0: i32) -> (i32, i32) {
    %c0_i32 = arith.constant 0 : i32
    %c0_i32_0 = arith.constant 0 : i32
    return %arg0, %c0_i32 : i32, i32
  }
  func.func @transform_4(%arg0: i32) -> (i32, i32) {
    %c0_i32 = arith.constant 0 : i32
    %c0_i32_0 = arith.constant 0 : i32
    return %arg0, %c0_i32 : i32, i32
  }
  func.func @transform_5(%arg0: i32) -> (i32, i32) {
    %c0_i32 = arith.constant 0 : i32
    %c0_i32_0 = arith.constant 0 : i32
    return %arg0, %c0_i32 : i32, i32
  }
  func.func @transform_6(%arg0: i32) -> (i32, i32) {
    %c0_i32 = arith.constant 0 : i32
    %c0_i32_0 = arith.constant 0 : i32
    %c0_i32_1 = arith.constant 0 : i32
    return %c0_i32, %c0_i32_0 : i32, i32
  }
  func.func @transform_7(%arg0: i32) -> (i32, i32) {
    %c0_i32 = arith.constant 0 : i32
    %c0_i32_0 = arith.constant 0 : i32
    %c0_i32_1 = arith.constant 0 : i32
    return %c0_i32, %c0_i32_0 : i32, i32
  }
  func.func @transform_8(%arg0: i32) -> (i32, i32) {
    %c0_i32 = arith.constant 0 : i32
    %c0_i32_0 = arith.constant 0 : i32
    return %arg0, %c0_i32 : i32, i32
  }
  func.func @transform_9(%arg0: i32) -> (i32, i32) {
    %c0_i32 = arith.constant 0 : i32
    %c0_i32_0 = arith.constant 0 : i32
    return %arg0, %c0_i32 : i32, i32
  }
}

</mosaic_0001>

<sc_bundles>
// kernel: kernel.13.cloned.1.call-start
scs
__scs_entry_jumppad:
0x0: {  	(pc) =	sbr.rel $0x88, $3  }
0x1: {  	(tag) =	ssettag $0x0;
	lr =	simm.s32 $0x1  }
0x2: {  	[smem:$0x3F98] =	sst lr;
	_ =	strace $0xD0000000  }
0x3: {  	_ = 	snop  }
0x4: {  	_ = 	snop  }
0x5: {  	_ = 	snop  }
0x6: {  	_ = 	snop  }
0x7: {  	_ = 	snop  }
__scs_overlays_trampoline_lowered:
0x8: {  	[smem:$0x3FA7] =	sst s0  }
0x9: {  	[smem:$0x3FA8] =	sst s1  }
0xa: {  	[smem:$0x3FA9] =	sst s2  }
0xb: {  	[smem:$0x3FAA] =	sst s3  }
0xc: {  	[smem:$0x3FAB] =	sst s4  }
0xd: {  	[smem:$0x3FAC] =	sst s5  }
0xe: {  	[smem:$0x3FAD] =	sst s6  }
0xf: {  	[smem:$0x3FAE] =	sst s7  }
0x10: {  	[smem:$0x3FAF] =	sst s8  }
0x11: {  	[smem:$0x3FB0] =	sst s9;
	s0 =	simm.s32 @!p0 $0x0  }
0x12: {  	s1 =	sld [smem:$0x3F96];
	s0 =	simm.s32 @p0 $0x1  }
0x13: {  	[smem:$0x3FB1] =	sst s0;
	s0 =	simm.s32 @!p1 $0x0  }
0x14: {  	s2 =	sld [smem:$0x3F95];
	s0 =	simm.s32 @p1 $0x1  }
0x15: {  	[smem:$0x3FB2] =	sst s0;
	s0 =	simm.s32 @!p2 $0x0  }
0x16: {  	s3 =	sld [smem:$0x3FDB];
	s0 =	simm.s32 @p2 $0x1  }
0x17: {  	s4 =	simm.s32 $0x1BF5;
	[smem:$0x3FB4] =	sst s0  }
0x18: {  	s0 =	sld [smem:$0x3F97];
	_ =	swait.ge [sflag:s4], $0x0  }
0x19: {  	s7 =	sld [smem:$0x3F98]  }
0x1a: {  	s8 =	sadd.s32 $0xFFFFE003, lr  }
0x1b: {  	s9 =	sadd.s32 $0xFFFFFEF7, lr;
	s5 =	simm.s32 $0xFFFFFFFF;
	p2 =	slt.u32 s8, $0xFFFFF086  }
0x1c: {  	p1 =	slt.u32 s9, $0xF7A;
	s5 =	simm.s32 @!p2 $0x0  }
0x1d: {  	s5 =	simm.s32 @p1 $0x1;
	p0 =	seq.s32 s7, s2  }
0x1e: {  	s7 =	smul.u32 @!p0 $0xF7A, s2;
	p2 =	seq.s32 @!p0 s5, $0x0  }
0x1f: {  	s9 =	smul.u32 $0xF7A, s1;
	s8 =	simm.s32 @!p0 $0x1BF5;
	p2 =	por !p2, p0  }
0x20: {  	[sflag:s8] =	ssyncset.s32 @!p0 $0xFFFFF086;
	s6 =	sadd.s32 @!p0 s3, s7;
	s7 =	simm.s32 @!p0 $0x108  }
0x21: {  	s3 =	sadd.s32 s3, s9;
	s6 =	sadd.s32 @!p0 $0x88, s6;
	s7 =	simm.s32 @p2 $0x1082  }
0x22: {  	[simem:s7], [sflag:s8] =	dma.local @!p0 [hbm:s6], $0xF7A  }
0x23: {  	s9 =	sor.u32 $0xD0000000, s2;
	s6 =	simm.s32 $0x108;
	_ =	swait.ge @!p0 [sflag:s8], $0x0  }
0x24: {  	s3 =	sadd.s32 $0x88, s3;
	s6 =	simm.s32 @!p1 $0x1082;
	[sflag:s4] =	ssyncset.s32 $0xFFFFF086  }
0x25: {  	[simem:s6], [sflag:s4] =	dma.local [hbm:s3], $0xF7A  }
0x26: {  	[smem:$0x3F98] =	sst s1;
	(tag) =	ssettag s2;
	_ =	strace s9  }
0x27: {  	s1 =	sld [smem:$0x3FA8]  }
0x28: {  	s2 =	sld [smem:$0x3FA9]  }
0x29: {  	s4 =	sld [smem:$0x3FAB]  }
0x2a: {  	p0 =	seq.s32 s5, $0x0;
	s5 =	sld [smem:$0x3FAC]  }
0x2b: {  	s6 =	sld [smem:$0x3FAD]  }
0x2c: {  	s7 =	sld [smem:$0x3FAE]  }
0x2d: {  	s3 =	simm.s32 $0x108;
	s8 =	sld [smem:$0x3FAF]  }
0x2e: {  	s3 =	simm.s32 @!p0 $0x1082;
	s9 =	sld [smem:$0x3FB0]  }
0x2f: {  	lr =	sadd.s32 s0, s3;
	s0 =	sld [smem:$0x3FA7]  }
0x30: {  	s3 =	sld [smem:$0x3FAA]  }
0x31: {  	[smem:$0x3FB3] =	sst s10  }
0x32: {  	s10 =	sld [smem:$0x3FB1];
	_ =	sdelay $0x3  }
0x33: {  	p0 =	seq.s32 s10, $0x1;
	s10 =	sld [smem:$0x3FB3];
	_ =	sdelay $0x3  }
0x34: {  	[smem:$0x3FB3] =	sst s10  }
0x35: {  	s10 =	sld [smem:$0x3FB2];
	_ =	sdelay $0x3  }
0x36: {  	p1 =	seq.s32 s10, $0x1;
	s10 =	sld [smem:$0x3FB3];
	_ =	sdelay $0x3  }
0x37: {  	[smem:$0x3FB3] =	sst s10  }
0x38: {  	s10 =	sld [smem:$0x3FB4]  }
0x39: {  	_ = 	snop;
	(pc) =	sbr.ind lr, $3  }
0x3a: {  	_ = 	snop  }
0x3b: {  	_ = 	snop  }
0x3c: {  	p2 =	seq.s32 s10, $0x1;
	s10 =	sld [smem:$0x3FB3]  }
0x3d: {  	_ =	shalt  }
0x3e: {  	_ =	shalt  }
0x3f: {  	_ =	shalt  }
0x40: {  	_ =	shalt  }
0x41: {  	_ =	shalt  }
0x42: {  	_ =	shalt  }
0x43: {  	_ =	shalt  }
0x44: {  	_ =	shalt  }
0x45: {  	_ =	shalt  }
0x46: {  	_ =	shalt  }
0x47: {  	_ =	shalt  }
0x48: {  	_ =	shalt  }
0x49: {  	_ =	shalt  }
0x4a: {  	_ =	shalt  }
0x4b: {  	_ =	shalt  }
0x4c: {  	_ =	shalt  }
0x4d: {  	_ =	shalt  }
0x4e: {  	_ =	shalt  }
0x4f: {  	_ =	shalt  }
0x50: {  	_ =	shalt  }
0x51: {  	_ =	shalt  }
0x52: {  	_ =	shalt  }
0x53: {  	_ =	shalt  }
0x54: {  	_ =	shalt  }
0x55: {  	_ =	shalt  }
0x56: {  	_ =	shalt  }
0x57: {  	_ =	shalt  }
0x58: {  	_ =	shalt  }
0x59: {  	_ =	shalt  }
0x5a: {  	_ =	shalt  }
0x5b: {  	_ =	shalt  }
0x5c: {  	_ =	shalt  }
0x5d: {  	_ =	shalt  }
0x5e: {  	_ =	shalt  }
0x5f: {  	_ =	shalt  }
0x60: {  	_ =	shalt  }
0x61: {  	_ =	shalt  }
0x62: {  	_ =	shalt  }
0x63: {  	_ =	shalt  }
0x64: {  	_ =	shalt  }
0x65: {  	_ =	shalt  }
0x66: {  	_ =	shalt  }
0x67: {  	_ =	shalt  }
0x68: {  	_ =	shalt  }
0x69: {  	_ =	shalt  }
0x6a: {  	_ =	shalt  }
0x6b: {  	_ =	shalt  }
0x6c: {  	_ =	shalt  }
0x6d: {  	_ =	shalt  }
0x6e: {  	_ =	shalt  }
0x6f: {  	_ =	shalt  }
0x70: {  	_ =	shalt  }
0x71: {  	_ =	shalt  }
0x72: {  	_ =	shalt  }
0x73: {  	_ =	shalt  }
0x74: {  	_ =	shalt  }
0x75: {  	_ =	shalt  }
0x76: {  	_ =	shalt  }
0x77: {  	_ =	shalt  }
0x78: {  	_ =	shalt  }
0x79: {  	_ =	shalt  }
0x7a: {  	_ =	shalt  }
0x7b: {  	_ =	shalt  }
0x7c: {  	_ =	shalt  }
0x7d: {  	_ =	shalt  }
0x7e: {  	_ =	shalt  }
0x7f: {  	_ =	shalt  }
0x80: {  	_ =	shalt  }
0x81: {  	_ =	shalt  }
0x82: {  	_ =	shalt  }
0x83: {  	_ =	shalt  }
0x84: {  	_ =	shalt  }
0x85: {  	_ =	shalt  }
0x86: {  	_ =	shalt  }
0x87: {  	_ =	shalt  }
.Lfunc_end0:
.L_simem_size_0:
called_computation_lowered:
.L_overlay_start_0:
0x88: {  	s2 =	sld [smem:$0x3FD9]  }
0x89: {  	s3 =	sld [smem:$0x3FFE];
	_ =	sdelay $0x1  }
0x8a: {  	s1 =	srdreg.scid  }
0x8b: {  	s0 =	sand.u32 $0x1, s1  }
0x8c: {  	s14 =	sshll.u32 s0, $0xA;
	s2 =	sadd.s32 s3, s2  }
0x8d: {  	s2 =	sadd.s32 s2, s14  }
0x8e: {  	[smem:$0x3FBF] =	sst s2  }
0x8f: {  	_ = 	snop  }
0x90: {  	s2 =	sld [smem:$0x3FD0];
	_ =	sdelay $0x2  }
0x91: {  	s15 =	simm.s32 $0xA;
	s4 =	simm.s32 $0x10  }
0x92: {  	[smem:s4], [sflag:s15] =	dma.local [hbm:s2], $0x1  }
0x93: {  	_ =	swait.eq [sflag:s15], $0x1  }
0x94: {  	[sflag:s15] =	ssyncset.done $0x0  }
0x95: {  	[sflag:s15] =	ssyncadd.s32 $0xFFFFFFFF  }
0x96: {  	s16 =	sld [smem:$0x10];
	(tm) =	ssettm $0x1  }
0x97: {  	s17 =	sld [smem:$0x3FFB];
	_ =	sdelay $0x3  }
0x98: {  	_ =	strace s17  }
0x99: {  	s3 =	sld [smem:$0x3FFC];
	_ =	sdelay $0x3  }
0x9a: {  	_ =	strace s3  }
0x9b: {  	s3 =	sld [smem:$0x3FFD];
	_ =	sdelay $0x3  }
0x9c: {  	_ =	strace s3  }
0x9d: {  	_ =	strace $0x8FFFFFFF  }
0x9e: {  	s18 =	sld [smem:$0x3FDB];
	_ =	sdelay $0x1  }
0x9f: {  	s19 =	simm.s32 $_scs_section_size  }
0xa0: {  	s5 =	simm.s32 $_size__tile_overlayer_lowered;
	s6 =	simm.s32 $_tile_overlayer_lowered  }
0xa1: {  	s22 =	simm.s32 $0x1BFF;
	s21 =	sshll.u32 s6, $0x1;
	s3 =	sadd.s32 s19, s18  }
0xa2: {  	s7 =	simm.s32 $0x0;
	s20 =	sshll.u32 s5, $0x1;
	s5 =	sadd.s32 s21, s3  }
0xa3: {  	[timem:s7], [sflag:s22] =	dma.local [hbm:s5], s20  }
0xa4: {  	_ =	swait.ge [sflag:s22], s20  }
0xa5: {  	s4 =	ssub.s32 $0x0, s20;
	[sflag:s22] =	ssyncset.done $0x0  }
0xa6: {  	[sflag:s22] =	ssyncadd.s32 s4;
	_ =	sdelay $0x1  }
0xa7: {  	s23 =	simm.s32 $0x1B8B  }
0xa8: {  	_ =	swait.ge [sflag:s23], $0x1  }
0xa9: {  	[sflag:s23] =	ssyncset.done $0x0  }
0xaa: {  	s25 =	simm.s32 $0x1B8E;
	s24 =	sld [smem:$0x3FFE];
	[sflag:s23] =	ssyncadd.s32 $0xFFFFFFFF  }
0xab: {  	s26 =	simm.s32 $execute0_lowered;
	[smem:$0x3FD2] =	sst s25  }
0xac: {  	s5 =	sshll.u32 s26, $0x1;
	_ =	strace $0x80000046;
	[dreg:$0x1] =	wrdreg $0xFFFFFFFF  }
0xad: {  	s28 =	simm.s32 $_size_execute0_lowered;
	s3 =	sadd.s32 s3, s5;
	[dreg:$0x0] =	wrdreg $0x0  }
0xae: {  	s5 =	sshll.u32 s28, $0x1;
	[dreg:$0x2] =	wrdreg s3  }
0xaf: {  	[dreg:$0x3] =	wrdreg s5  }
0xb0: {  	[dreg:$0x4] =	wrdreg $0xC0  }
0xb1: {  	_ =	task [dreg:s7], $0x5FFFF  }
0xb2: {  	[dreg:$0x1] =	wrdreg $0xFFFFFFFF  }
0xb3: {  	[dreg:$0x0] =	wrdreg $0x60  }
0xb4: {  	[dreg:$0x2] =	wrdreg s16  }
0xb5: {  	[dreg:$0x3] =	wrdreg s24  }
0xb6: {  	[dreg:$0x4] =	wrdreg $0x50800  }
0xb7: {  	[dreg:$0x5] =	wrdreg $0x53000  }
0xb8: {  	[dreg:$0x6] =	wrdreg $0x9  }
0xb9: {  	_ =	task.clear_ibuf [dreg:s7], $0x7FFFF;
	_ =	strace $0x90000046  }
0xba: {  	s29 =	simm.s32 $0x9;
	_ =	strace $0x80000048  }
0xbb: {  	_ =	swait.ge [sflag:s29], $0x1  }
0xbc: {  	[sflag:s29] =	ssyncadd.s32 $0xFFFFFFFF  }
0xbd: {  	_ =	strace $0x90000048  }
0xbe: {  	_ =	sfence  }
0xbf: {  	s30 =	sld [smem:$0x0];
	_ =	sdelay $0x2  }
0xc0: {  	s31 =	sshll.u32 s1, $0xD;
	s1 =	sshrl.u32 s1, $0x2  }
0xc1: {  	s3 =	sand.u32 $0x4000, s31;
	s1 =	sadd.s32 s1, s30  }
0xc2: {  	s0 =	sor.u32 s3, s0;
	s1 =	sshll.u32 s1, $0x11  }
0xc3: {  	s0 =	sor.u32 s1, s0  }
0xc4: {  	s0 =	sadd.s32 $0x8F2B, s0  }
0xc5: {  	[sflag:s0] =	ssyncadd.remote.s32 $0x1  }
0xc6: {  	_ =	sfence.sel $0xFFFF  }
0xc7: {  	[dreg:$0x0] =	wrdreg $0xFFFFFFFF;
	(pc) =	sbr.abs _section_cstart, $3  }
0xc8: {  	[dreg:$0x1] =	wrdreg $0xFFFFFFFF  }
0xc9: {  	_ =	task.clear_ibuf [dreg:s7], $0x2FFFF;
	_ =	strace $0x9FFFFFFF  }
0xca: {  	(tm) =	ssettm $0x7FFFFFFF  }
0xcb: {  	_ =	shalt  }
tec
execute0_lowered:
.L_overlay_start_1:
0x0: {  	(tag) =	ssettag $0x1  }
0x1: {  	s5 =	rddreg [dreg:$0x0]  }
0x2: {  	s7 =	rddreg [dreg:$0x1]  }
0x3: {  	s2 =	rddreg [dreg:$0x2]  }
0x4: {  	s0 =	srdreg.scid;
	s3 =	rddreg [dreg:$0x3];
	s4 =	simm.s32 $0x0  }
0x5: {  	s16 =	simm.s32 $0x7D;
	s17 =	simm.s32 $0x5000;
	s18 =	simm.s32 $0x20  }
0x6: {  	s19 =	simm.s32 $0x10;
	s6 =	sand.u32 $0x1, s0;
	s0 =	stileid.u32  }
0x7: {  	s20 =	simm.s32 $0x0;
	[smem:$0x7FF] =	sst s4;
	s9 =	smul.u32 $0x280, s0  }
0x8: {  	s1 =	sshll.u32 s6, $0x4;
	s10 =	smul.u32 $0x500, s0;
	s12 =	sshll.u32 s6, $0x7  }
0x9: {  	s6 =	ssub.s32 $0x2, s6;
	s31 =	sshll.u32 s0, $0x6;
	s1 =	sor.u32 s0, s1  }
0xa: {  	s30 =	sshrl.u32 s6, $0x1;
	s8 =	smul.u32 $0x500, s1;
	s1 =	rddreg [dreg:$0x4]  }
0xb: {  	_ =	strace $0x80000047;
	s13 =	sshrl.u32 s9, $0x3;
	s10 =	sor.u32 s12, s10  }
0xc: {  	s14 =	sadd.s32 s9, s2;
	s15 =	sadd.s32 s9, s3;
	s12 =	simm.s32 $0x2800  }
0xd: {  	s29 =	sadd.s32 s13, s7;
	s10 =	sshrl.u32 s10, $0x3;
	s13 =	ssub.s32 s6, s30  }
0xe: {  	s14 =	sshrl.u32 s14, $0x3;
	s15 =	sshrl.u32 s15, $0x3;
	s11 =	sadd.s32 s8, s7  }
0xf: {  	s10 =	sadd.s32 s10, s7;
	s5 =	sadd.s32 s5, s8;
	s7 =	sadd.s32 $0xFA00, s29  }
0x10: {  	s6 =	sadd.s32 $0x5A00, s11;
	s8 =	sadd.s32 $0x10000, s10;
	s9 =	sadd.s32 $0x10A00, s10  }
0x11: {  	v0 =	vimm.f32 $1.000000000e+00;
	s10 =	smax.u32 s13, $0x1;
	s11 =	simm.s32 $0x1;
	s13 =	sor.u32 $0x1C01, s31  }
.LBB2_1:
0x12: {  	[tilespmem:s4], [sflag:$0x1] =	stream.linear.gather [hbm4b:s5+s4], $0x2800, $0x38;
	[tilespmem:$0x5580] =	vst v63  }
0x13: {  	_ =	swait.ge [sflag:s11], $0x2800  }
0x14: {  	[sflag:s11] =	ssyncset.done $0x0  }
0x15: {  	[sflag:s11] =	ssyncadd.s32 $0xFFFFD800  }
0x16: {  	[tilespmem:s12], [sflag:$0x1] =	stream.linear.gather [hbm4b:s6+s4], $0x2800, $0x38;
	[tilespmem:$0x5580] =	vst v63  }
0x17: {  	_ =	swait.ge [sflag:s11], $0x2800  }
0x18: {  	[sflag:s11] =	ssyncset.done $0x0  }
0x19: {  	[sflag:s11] =	ssyncadd.s32 $0xFFFFD800  }
0x1a: {  	[tilespmem:$0x5000] =	vst v0  }
0x1b: {  	[tilespmem:$0x5010] =	vst v0  }
0x1c: {  	[tilespmem:$0x5020] =	vst v0  }
0x1d: {  	[tilespmem:$0x5030] =	vst v0  }
0x1e: {  	[tilespmem:$0x5040] =	vst v0  }
0x1f: {  	[tilespmem:$0x5050] =	vst v0  }
0x20: {  	[tilespmem:$0x5060] =	vst v0  }
0x21: {  	[tilespmem:$0x5070] =	vst v0  }
0x22: {  	[spmem:s14], [sflag:s13] =	dma.local [hbm:s7], $0x50  }
0x23: {  	_ =	swait.ge [sflag:s11], $0x50  }
0x24: {  	[sflag:s11] =	ssyncset.done $0x0  }
0x25: {  	[sflag:s11] =	ssyncadd.s32 $0xFFFFFFB0  }
0x26: {  	[spmem:s15], [sflag:s13] =	dma.local [hbm:s7], $0x50  }
0x27: {  	_ =	swait.ge [sflag:s11], $0x50  }
0x28: {  	[sflag:s11] =	ssyncset.done $0x0  }
0x29: {  	[sflag:s11] =	ssyncadd.s32 $0xFFFFFFB0  }
0x2a: {  	s21 =	simm.s32 $0x0;
	[bflag:$0x0] =	sbarrier.arrive $0xFFFF  }
0x2b: {  	[spmem:s2] =	stream.indirect.scatter.add.f32 [tilespmem:s17], [sflag:$0x1], $0x1, s21, s16, $0xb8;
	[tilespmem:$0x5580] =	vst v63  }
0x2c: {  	_ =	swait.ge [sflag:s11], $0x7D  }
0x2d: {  	[sflag:s11] =	ssyncset.done $0x0  }
0x2e: {  	s31 =	simm.s32 $0x2800;
	[sflag:s11] =	ssyncadd.s32 $0xFFFFFF83  }
0x2f: {  	[spmem:s3] =	stream.indirect.scatter.add.f32 [tilespmem:s17], [sflag:$0x1], $0x1, s31, s16, $0xb8;
	[tilespmem:$0x5580] =	vst v63  }
0x30: {  	_ =	swait.ge [sflag:s11], $0x7D  }
0x31: {  	s22 =	simm.s32 $0x400;
	s21 =	simm.s32 $0x200;
	[sflag:s11] =	ssyncset.done $0x0  }
.LBB2_2:
0x32: {  	s23 =	sshra.s32 s21, $0x2  }
0x33: {  	[sflag:s11] =	ssyncadd.s32 $0xFFFFFF83;
	s21 =	smov.u32 s22;
	s24 =	sadd.s32 $0x200, s22  }
0x34: {  	[spmem:s2] =	stream.indirect.scatter.add.f32 [tilespmem:s17], [sflag:$0x1], $0x1, s23, s16, $0xb8;
	[tilespmem:$0x5580] =	vst v63  }
0x35: {  	p0 =	sne.s32 s22, $0x9E00;
	_ =	swait.ge [sflag:s11], $0x7D  }
.Ltmp0:
0x36: {  	[sflag:s11] =	ssyncset.done $0x0;
	(pc) =	sbr.rel @p0 .LBB2_2-.Ltmp0, $4  }
0x37: {  	s22 =	sadd.s32 $0x2800, s23;
	[sflag:s11] =	ssyncadd.s32 $0xFFFFFF83  }
0x38: {  	[spmem:s3] =	stream.indirect.scatter.add.f32 [tilespmem:s17], [sflag:$0x1], $0x1, s22, s16, $0xb8;
	[tilespmem:$0x5580] =	vst v63  }
0x39: {  	_ =	swait.ge [sflag:s11], $0x7D  }
0x3a: {  	s22 =	smov.u32 s24;
	[sflag:s11] =	ssyncset.done $0x0  }
0x3b: {  	s21 =	sshra.s32 s21, $0x2;
	[sflag:s11] =	ssyncadd.s32 $0xFFFFFF83  }
0x3c: {  	[spmem:s2] =	stream.indirect.scatter.add.f32 [tilespmem:s17], [sflag:$0x1], $0x1, s21, s16, $0xb8;
	[tilespmem:$0x5580] =	vst v63  }
0x3d: {  	_ =	swait.ge [sflag:s11], $0x7D  }
0x3e: {  	[sflag:s11] =	ssyncset.done $0x0  }
0x3f: {  	s21 =	sadd.s32 $0x2800, s21;
	[sflag:s11] =	ssyncadd.s32 $0xFFFFFF83  }
0x40: {  	[spmem:s3] =	stream.indirect.scatter.add.f32 [tilespmem:s17], [sflag:$0x1], $0x1, s21, s16, $0xb8;
	[tilespmem:$0x5580] =	vst v63  }
0x41: {  	_ =	swait.ge [sflag:s11], $0x7D  }
0x42: {  	[sflag:s11] =	ssyncset.done $0x0  }
0x43: {  	[sflag:s11] =	ssyncadd.s32 $0xFFFFFF83  }
0x44: {  	[bflag:$0x0] =	sbarrier.arrive $0xFFFF  }
0x45: {  	[hbm:s8@s18], [sflag:s13] =	dma.strided [spmem:s14@s19], $0x50, s11, $0x10   }
0x46: {  	s20 =	sadd.s32 $0x1, s20;
	_ =	swait.ge [sflag:s11], $0x50  }
0x47: {  	p0 =	sne.s32 s20, s10;
	[sflag:s11] =	ssyncset.done $0x0  }
.Ltmp1:
0x48: {  	[sflag:s11] =	ssyncadd.s32 $0xFFFFFFB0;
	(pc) =	sbr.rel @p0 .LBB2_1-.Ltmp1, $4  }
0x49: {  	[hbm:s9@s18], [sflag:s13] =	dma.strided [spmem:s15@s19], $0x50, s11, $0x10   }
0x4a: {  	_ =	swait.ge [sflag:s11], $0x50  }
0x4b: {  	[sflag:s11] =	ssyncset.done $0x0  }
0x4c: {  	[sflag:s11] =	ssyncadd.s32 $0xFFFFFFB0  }
0x4d: {  	_ =	sfence.sel $0x180000  }
0x4e: {  	[bflag:$0x0] =	sbarrier.arrive $0xFFFF  }
0x4f: {  	p0 =	sne.s32 s0, $0x0;
	_ =	strace $0x90000047  }
0x50: {  	s0 =	sadd.s32 @!p0 $0x100000, s1;
	[bflag:$0x2] =	sbarrier.arrive $0xFFFF  }
0x51: {  	[sflag:s0] =	ssyncadd.tile.s32 @!p0 $0x1;
	_ =	shalt  }
.Lfunc_end2:
_tile_overlayer_lowered:
.L_overlay_start_2:
0x52: {  	(tag) =	ssettag $0x2  }
0x53: {  	s0 =	rddreg [dreg:$0x0];
	s2 =	stileid.u32  }
0x54: {  	s1 =	rddreg [dreg:$0x1];
	p0 =	sne.s32 s2, $0x0  }
0x55: {  	s3 =	rddreg [dreg:$0x2];
	[bflag:$0x3] =	sbarrier.arrive $0xFFFF;
	s2 =	simm.s32 @!p0 $0x1C01  }
0x56: {  	[timem:s3], [sflag:s2] =	dma.local @!p0 [hbm:s0], s1  }
0x57: {  	s0 =	simm.s32 @!p0 $0x1  }
0x58: {  	_ =	swait.ge @!p0 [sflag:s0], s1  }
0x59: {  	s1 =	ssub.s32 @!p0 $0x0, s1;
	[sflag:s0] =	ssyncset.done @!p0 $0x0  }
0x5a: {  	[sflag:s0] =	ssyncadd.s32 @!p0 s1  }
0x5b: {  	[bflag:$0x3] =	sbarrier.arrive $0xFFFF  }
0x5c: {  	_ =	shalt  }

// kernel: kernel.16.cloned.1.call-start
scs
__scs_entry_jumppad:
0x0: {  	(pc) =	sbr.rel $0x88, $3  }
0x1: {  	(tag) =	ssettag $0x0;
	lr =	simm.s32 $0x1  }
0x2: {  	[smem:$0x3F98] =	sst lr;
	_ =	strace $0xD0000000  }
0x3: {  	_ = 	snop  }
0x4: {  	_ = 	snop  }
0x5: {  	_ = 	snop  }
0x6: {  	_ = 	snop  }
0x7: {  	_ = 	snop  }
__scs_overlays_trampoline_lowered:
0x8: {  	[smem:$0x3FA7] =	sst s0  }
0x9: {  	[smem:$0x3FA8] =	sst s1  }
0xa: {  	[smem:$0x3FA9] =	sst s2  }
0xb: {  	[smem:$0x3FAA] =	sst s3  }
0xc: {  	[smem:$0x3FAB] =	sst s4  }
0xd: {  	[smem:$0x3FAC] =	sst s5  }
0xe: {  	[smem:$0x3FAD] =	sst s6  }
0xf: {  	[smem:$0x3FAE] =	sst s7  }
0x10: {  	[smem:$0x3FAF] =	sst s8  }
0x11: {  	[smem:$0x3FB0] =	sst s9;
	s0 =	simm.s32 @!p0 $0x0  }
0x12: {  	s1 =	sld [smem:$0x3F96];
	s0 =	simm.s32 @p0 $0x1  }
0x13: {  	[smem:$0x3FB1] =	sst s0;
	s0 =	simm.s32 @!p1 $0x0  }
0x14: {  	s2 =	sld [smem:$0x3F95];
	s0 =	simm.s32 @p1 $0x1  }
0x15: {  	[smem:$0x3FB2] =	sst s0;
	s0 =	simm.s32 @!p2 $0x0  }
0x16: {  	s3 =	sld [smem:$0x3FDB];
	s0 =	simm.s32 @p2 $0x1  }
0x17: {  	s4 =	simm.s32 $0x1BF5;
	[smem:$0x3FB4] =	sst s0  }
0x18: {  	s0 =	sld [smem:$0x3F97];
	_ =	swait.ge [sflag:s4], $0x0  }
0x19: {  	s7 =	sld [smem:$0x3F98]  }
0x1a: {  	s8 =	sadd.s32 $0xFFFFE003, lr  }
0x1b: {  	s9 =	sadd.s32 $0xFFFFFEF7, lr;
	s5 =	simm.s32 $0xFFFFFFFF;
	p2 =	slt.u32 s8, $0xFFFFF086  }
0x1c: {  	p1 =	slt.u32 s9, $0xF7A;
	s5 =	simm.s32 @!p2 $0x0  }
0x1d: {  	s5 =	simm.s32 @p1 $0x1;
	p0 =	seq.s32 s7, s2  }
0x1e: {  	s7 =	smul.u32 @!p0 $0xF7A, s2;
	p2 =	seq.s32 @!p0 s5, $0x0  }
0x1f: {  	s9 =	smul.u32 $0xF7A, s1;
	s8 =	simm.s32 @!p0 $0x1BF5;
	p2 =	por !p2, p0  }
0x20: {  	[sflag:s8] =	ssyncset.s32 @!p0 $0xFFFFF086;
	s6 =	sadd.s32 @!p0 s3, s7;
	s7 =	simm.s32 @!p0 $0x108  }
0x21: {  	s3 =	sadd.s32 s3, s9;
	s6 =	sadd.s32 @!p0 $0x88, s6;
	s7 =	simm.s32 @p2 $0x1082  }
0x22: {  	[simem:s7], [sflag:s8] =	dma.local @!p0 [hbm:s6], $0xF7A  }
0x23: {  	s9 =	sor.u32 $0xD0000000, s2;
	s6 =	simm.s32 $0x108;
	_ =	swait.ge @!p0 [sflag:s8], $0x0  }
0x24: {  	s3 =	sadd.s32 $0x88, s3;
	s6 =	simm.s32 @!p1 $0x1082;
	[sflag:s4] =	ssyncset.s32 $0xFFFFF086  }
0x25: {  	[simem:s6], [sflag:s4] =	dma.local [hbm:s3], $0xF7A  }
0x26: {  	[smem:$0x3F98] =	sst s1;
	(tag) =	ssettag s2;
	_ =	strace s9  }
0x27: {  	s1 =	sld [smem:$0x3FA8]  }
0x28: {  	s2 =	sld [smem:$0x3FA9]  }
0x29: {  	s4 =	sld [smem:$0x3FAB]  }
0x2a: {  	p0 =	seq.s32 s5, $0x0;
	s5 =	sld [smem:$0x3FAC]  }
0x2b: {  	s6 =	sld [smem:$0x3FAD]  }
0x2c: {  	s7 =	sld [smem:$0x3FAE]  }
0x2d: {  	s3 =	simm.s32 $0x108;
	s8 =	sld [smem:$0x3FAF]  }
0x2e: {  	s3 =	simm.s32 @!p0 $0x1082;
	s9 =	sld [smem:$0x3FB0]  }
0x2f: {  	lr =	sadd.s32 s0, s3;
	s0 =	sld [smem:$0x3FA7]  }
0x30: {  	s3 =	sld [smem:$0x3FAA]  }
0x31: {  	[smem:$0x3FB3] =	sst s10  }
0x32: {  	s10 =	sld [smem:$0x3FB1];
	_ =	sdelay $0x3  }
0x33: {  	p0 =	seq.s32 s10, $0x1;
	s10 =	sld [smem:$0x3FB3];
	_ =	sdelay $0x3  }
0x34: {  	[smem:$0x3FB3] =	sst s10  }
0x35: {  	s10 =	sld [smem:$0x3FB2];
	_ =	sdelay $0x3  }
0x36: {  	p1 =	seq.s32 s10, $0x1;
	s10 =	sld [smem:$0x3FB3];
	_ =	sdelay $0x3  }
0x37: {  	[smem:$0x3FB3] =	sst s10  }
0x38: {  	s10 =	sld [smem:$0x3FB4]  }
0x39: {  	_ = 	snop;
	(pc) =	sbr.ind lr, $3  }
0x3a: {  	_ = 	snop  }
0x3b: {  	_ = 	snop  }
0x3c: {  	p2 =	seq.s32 s10, $0x1;
	s10 =	sld [smem:$0x3FB3]  }
0x3d: {  	_ =	shalt  }
0x3e: {  	_ =	shalt  }
0x3f: {  	_ =	shalt  }
0x40: {  	_ =	shalt  }
0x41: {  	_ =	shalt  }
0x42: {  	_ =	shalt  }
0x43: {  	_ =	shalt  }
0x44: {  	_ =	shalt  }
0x45: {  	_ =	shalt  }
0x46: {  	_ =	shalt  }
0x47: {  	_ =	shalt  }
0x48: {  	_ =	shalt  }
0x49: {  	_ =	shalt  }
0x4a: {  	_ =	shalt  }
0x4b: {  	_ =	shalt  }
0x4c: {  	_ =	shalt  }
0x4d: {  	_ =	shalt  }
0x4e: {  	_ =	shalt  }
0x4f: {  	_ =	shalt  }
0x50: {  	_ =	shalt  }
0x51: {  	_ =	shalt  }
0x52: {  	_ =	shalt  }
0x53: {  	_ =	shalt  }
0x54: {  	_ =	shalt  }
0x55: {  	_ =	shalt  }
0x56: {  	_ =	shalt  }
0x57: {  	_ =	shalt  }
0x58: {  	_ =	shalt  }
0x59: {  	_ =	shalt  }
0x5a: {  	_ =	shalt  }
0x5b: {  	_ =	shalt  }
0x5c: {  	_ =	shalt  }
0x5d: {  	_ =	shalt  }
0x5e: {  	_ =	shalt  }
0x5f: {  	_ =	shalt  }
0x60: {  	_ =	shalt  }
0x61: {  	_ =	shalt  }
0x62: {  	_ =	shalt  }
0x63: {  	_ =	shalt  }
0x64: {  	_ =	shalt  }
0x65: {  	_ =	shalt  }
0x66: {  	_ =	shalt  }
0x67: {  	_ =	shalt  }
0x68: {  	_ =	shalt  }
0x69: {  	_ =	shalt  }
0x6a: {  	_ =	shalt  }
0x6b: {  	_ =	shalt  }
0x6c: {  	_ =	shalt  }
0x6d: {  	_ =	shalt  }
0x6e: {  	_ =	shalt  }
0x6f: {  	_ =	shalt  }
0x70: {  	_ =	shalt  }
0x71: {  	_ =	shalt  }
0x72: {  	_ =	shalt  }
0x73: {  	_ =	shalt  }
0x74: {  	_ =	shalt  }
0x75: {  	_ =	shalt  }
0x76: {  	_ =	shalt  }
0x77: {  	_ =	shalt  }
0x78: {  	_ =	shalt  }
0x79: {  	_ =	shalt  }
0x7a: {  	_ =	shalt  }
0x7b: {  	_ =	shalt  }
0x7c: {  	_ =	shalt  }
0x7d: {  	_ =	shalt  }
0x7e: {  	_ =	shalt  }
0x7f: {  	_ =	shalt  }
0x80: {  	_ =	shalt  }
0x81: {  	_ =	shalt  }
0x82: {  	_ =	shalt  }
0x83: {  	_ =	shalt  }
0x84: {  	_ =	shalt  }
0x85: {  	_ =	shalt  }
0x86: {  	_ =	shalt  }
0x87: {  	_ =	shalt  }
.Lfunc_end0:
.L_simem_size_0:
called_computation.1_lowered:
.L_overlay_start_0:
0x88: {  	s2 =	sld [smem:$0x3FD9]  }
0x89: {  	s3 =	sld [smem:$0x3FFE];
	_ =	sdelay $0x1  }
0x8a: {  	s1 =	srdreg.scid  }
0x8b: {  	s0 =	sand.u32 $0x1, s1  }
0x8c: {  	s14 =	sshll.u32 s0, $0xA;
	s2 =	sadd.s32 s3, s2  }
0x8d: {  	s2 =	sadd.s32 s2, s14  }
0x8e: {  	[smem:$0x3FBF] =	sst s2  }
0x8f: {  	_ = 	snop  }
0x90: {  	s2 =	sld [smem:$0x3FD0];
	_ =	sdelay $0x2  }
0x91: {  	s15 =	simm.s32 $0xA;
	s4 =	simm.s32 $0x10  }
0x92: {  	[smem:s4], [sflag:s15] =	dma.local [hbm:s2], $0x1  }
0x93: {  	_ =	swait.eq [sflag:s15], $0x1  }
0x94: {  	[sflag:s15] =	ssyncset.done $0x0  }
0x95: {  	s16 =	sld [smem:$0x10];
	[sflag:s15] =	ssyncadd.s32 $0xFFFFFFFF  }
0x96: {  	s17 =	sld [smem:$0x11];
	(tm) =	ssettm $0x1  }
0x97: {  	s18 =	sld [smem:$0x3FFB];
	_ =	sdelay $0x3  }
0x98: {  	_ =	strace s18  }
0x99: {  	s4 =	sld [smem:$0x3FFC];
	_ =	sdelay $0x3  }
0x9a: {  	_ =	strace s4  }
0x9b: {  	s4 =	sld [smem:$0x3FFD];
	_ =	sdelay $0x3  }
0x9c: {  	_ =	strace s4  }
0x9d: {  	_ =	strace $0x8FFFFFFF  }
0x9e: {  	s19 =	sld [smem:$0x3FDB];
	_ =	sdelay $0x1  }
0x9f: {  	s5 =	simm.s32 $_scs_section_size  }
0xa0: {  	s6 =	simm.s32 $_size__tile_overlayer_lowered;
	s7 =	simm.s32 $_tile_overlayer_lowered  }
0xa1: {  	s22 =	simm.s32 $0x1BFF;
	s21 =	sshll.u32 s7, $0x1;
	s4 =	sadd.s32 s5, s19  }
0xa2: {  	s8 =	simm.s32 $0x0;
	s20 =	sshll.u32 s6, $0x1;
	s6 =	sadd.s32 s21, s4  }
0xa3: {  	[timem:s8], [sflag:s22] =	dma.local [hbm:s6], s20  }
0xa4: {  	_ =	swait.ge [sflag:s22], s20  }
0xa5: {  	s5 =	ssub.s32 $0x0, s20;
	[sflag:s22] =	ssyncset.done $0x0  }
0xa6: {  	[sflag:s22] =	ssyncadd.s32 s5;
	_ =	sdelay $0x1  }
0xa7: {  	s23 =	simm.s32 $0x1B8B  }
0xa8: {  	_ =	swait.ge [sflag:s23], $0x1  }
0xa9: {  	[sflag:s23] =	ssyncset.done $0x0  }
0xaa: {  	s25 =	simm.s32 $0x1B8E;
	s24 =	sld [smem:$0x3FFE];
	[sflag:s23] =	ssyncadd.s32 $0xFFFFFFFF  }
0xab: {  	s26 =	simm.s32 $execute0_lowered;
	[smem:$0x3FD2] =	sst s25  }
0xac: {  	s6 =	sshll.u32 s26, $0x1;
	_ =	strace $0x80000049;
	[dreg:$0x1] =	wrdreg $0xFFFFFFFF  }
0xad: {  	s28 =	simm.s32 $_size_execute0_lowered;
	s4 =	sadd.s32 s4, s6;
	[dreg:$0x0] =	wrdreg $0x0  }
0xae: {  	s6 =	sshll.u32 s28, $0x1;
	[dreg:$0x2] =	wrdreg s4  }
0xaf: {  	[dreg:$0x3] =	wrdreg s6  }
0xb0: {  	[dreg:$0x4] =	wrdreg $0xC0  }
0xb1: {  	_ =	task [dreg:s8], $0x5FFFF  }
0xb2: {  	[dreg:$0x1] =	wrdreg $0xFFFFFFFF  }
0xb3: {  	[dreg:$0x0] =	wrdreg $0x60  }
0xb4: {  	[dreg:$0x2] =	wrdreg s17  }
0xb5: {  	[dreg:$0x3] =	wrdreg s24  }
0xb6: {  	[dreg:$0x4] =	wrdreg s16  }
0xb7: {  	[dreg:$0x5] =	wrdreg $0xA8000  }
0xb8: {  	[dreg:$0x6] =	wrdreg $0x9  }
0xb9: {  	_ =	task.clear_ibuf [dreg:s8], $0x7FFFF;
	_ =	strace $0x90000049  }
0xba: {  	s29 =	simm.s32 $0x9;
	_ =	strace $0x8000004B  }
0xbb: {  	_ =	swait.ge [sflag:s29], $0x1  }
0xbc: {  	[sflag:s29] =	ssyncadd.s32 $0xFFFFFFFF  }
0xbd: {  	_ =	strace $0x9000004B  }
0xbe: {  	_ =	sfence  }
0xbf: {  	s30 =	sld [smem:$0x0];
	_ =	sdelay $0x2  }
0xc0: {  	s31 =	sshll.u32 s1, $0xD;
	s1 =	sshrl.u32 s1, $0x2  }
0xc1: {  	s3 =	sand.u32 $0x4000, s31;
	s1 =	sadd.s32 s1, s30  }
0xc2: {  	s0 =	sor.u32 s3, s0;
	s1 =	sshll.u32 s1, $0x11  }
0xc3: {  	s0 =	sor.u32 s1, s0  }
0xc4: {  	s0 =	sadd.s32 $0x8F2B, s0  }
0xc5: {  	[sflag:s0] =	ssyncadd.remote.s32 $0x1  }
0xc6: {  	_ =	sfence.sel $0xFFFF  }
0xc7: {  	[dreg:$0x0] =	wrdreg $0xFFFFFFFF;
	(pc) =	sbr.abs _section_cstart, $3  }
0xc8: {  	[dreg:$0x1] =	wrdreg $0xFFFFFFFF  }
0xc9: {  	_ =	task.clear_ibuf [dreg:s8], $0x2FFFF;
	_ =	strace $0x9FFFFFFF  }
0xca: {  	(tm) =	ssettm $0x7FFFFFFF  }
0xcb: {  	_ =	shalt  }
tec
execute0_lowered:
.L_overlay_start_1:
0x0: {  	(tag) =	ssettag $0x1  }
0x1: {  	s1 =	rddreg [dreg:$0x0]  }
0x2: {  	s7 =	rddreg [dreg:$0x1]  }
0x3: {  	s10 =	rddreg [dreg:$0x2]  }
0x4: {  	s2 =	rddreg [dreg:$0x3];
	s3 =	srdreg.scid;
	s4 =	simm.s32 $0x0  }
0x5: {  	s17 =	simm.s32 $0x1400;
	s18 =	simm.s32 $0x7D;
	s19 =	simm.s32 $0x2800  }
0x6: {  	s20 =	simm.s32 $0x6800;
	s21 =	simm.s32 $0x1;
	s22 =	simm.s32 $0x2  }
0x7: {  	s23 =	simm.s32 $0x1380;
	s24 =	simm.s32 $0x2700;
	s25 =	simm.s32 $0x2780  }
0x8: {  	s8 =	sand.u32 $0x1, s3;
	s3 =	stileid.u32;
	[smem:$0x7FF] =	sst s4  }
0x9: {  	s5 =	sadd.s32 $0x61400, s7;
	s11 =	sadd.s32 $0x5A00, s7;
	s6 =	smul.u32 $0x140000, s8  }
0xa: {  	s9 =	smul.u32 $0x14000, s3;
	_ =	strace $0x8000004A;
	s12 =	sshll.u32 s8, $0x4  }
0xb: {  	s8 =	ssub.s32 $0x2, s8;
	s13 =	smul.u32 $0x50000, s3;
	s30 =	sshll.u32 s3, $0x6  }
0xc: {  	s12 =	sor.u32 s3, s12;
	s26 =	sshrl.u32 s8, $0x1;
	s9 =	sadd.s32 s9, s6  }
0xd: {  	s6 =	sadd.s32 $0xB1400, s7;
	s28 =	smul.u32 $0x2800, s12;
	s15 =	ssub.s32 s8, s26  }
0xe: {  	s29 =	sshrl.u32 s13, $0x2;
	s12 =	smul.u32 $0x500, s12;
	s9 =	sshrl.u32 s9, $0x3  }
0xf: {  	s26 =	simm.s32 $0x0;
	s16 =	sadd.s32 s29, s2;
	s14 =	sadd.s32 s9, s7  }
0x10: {  	s9 =	sshrl.u32 s28, $0x3;
	s7 =	sor.u32 $0x1C03, s30;
	s8 =	sadd.s32 s10, s12  }
0x11: {  	s31 =	sadd.s32 $0x280, s9;
	s9 =	sadd.s32 s11, s12;
	s12 =	sadd.s32 $0xB3C00, s14  }
0x12: {  	s13 =	sadd.s32 $0x103C00, s14;
	s14 =	smax.u32 s15, $0x1;
	s15 =	sshrl.u32 s16, $0x3  }
0x13: {  	s16 =	simm.s32 $0x3;
	s10 =	sadd.s32 s10, s31;
	s11 =	sadd.s32 s11, s31  }
.LBB2_1:
0x14: {  	[spmem:s15], [sflag:s7] =	dma.local [hbm:s6], $0x2800  }
0x15: {  	_ =	swait.ge [sflag:s16], $0x2800  }
0x16: {  	[sflag:s16] =	ssyncset.done $0x0  }
0x17: {  	[sflag:s16] =	ssyncadd.s32 $0xFFFFD800  }
0x18: {  	[bflag:$0x0] =	sbarrier.arrive $0xFFFF  }
0x19: {  	[tilespmem:s4], [sflag:$0x3] =	stream.linear.gather [hbm4b:s8+s4], $0x1400, $0x38;
	[tilespmem:$0x1E800] =	vst v63  }
0x1a: {  	_ =	swait.ge [sflag:s16], $0x1400  }
0x1b: {  	[sflag:s16] =	ssyncset.done $0x0  }
0x1c: {  	[sflag:s16] =	ssyncadd.s32 $0xFFFFEC00  }
0x1d: {  	[tilespmem:s17], [sflag:$0x3] =	stream.linear.gather [hbm4b:s9+s4], $0x1400, $0x38;
	[tilespmem:$0x1E800] =	vst v63  }
0x1e: {  	_ =	swait.ge [sflag:s16], $0x1400  }
0x1f: {  	[sflag:s16] =	ssyncset.done $0x0  }
0x20: {  	[sflag:s16] =	ssyncadd.s32 $0xFFFFEC00  }
0x21: {  	[tilespmem:s19], [sflag:$0x1] =	stream.indirect.gather [hbm4b:s1+s18], $0x80, s4, s18, $0xb8;
	[tilespmem:$0x1E800] =	vst v63  }
0x22: {  	s28 =	simm.s32 $0x80  }
0x23: {  	[tilespmem:s20], [sflag:$0x2] =	stream.indirect.gather [hbm4b:s1+s18], $0x80, s28, s18, $0xb8;
	[tilespmem:$0x1E800] =	vst v63  }
0x24: {  	_ =	swait.ge [sflag:s21], $0x3E80  }
0x25: {  	[sflag:s21] =	ssyncset.done $0x0  }
0x26: {  	s28 =	simm.s32 $0x1400;
	[sflag:s21] =	ssyncadd.s32 $0xFFFFC180  }
0x27: {  	[spmem:s2] =	stream.indirect.scatter.add.f32 [tilespmem:s19], [sflag:$0x3], $0x80, s28, s18, $0xb8;
	[tilespmem:$0x1E800] =	vst v63  }
0x28: {  	_ =	swait.ge [sflag:s16], $0x3E80  }
0x29: {  	[sflag:s16] =	ssyncset.done $0x0  }
0x2a: {  	s28 =	simm.s32 $0x100;
	[sflag:s16] =	ssyncadd.s32 $0xFFFFC180  }
0x2b: {  	[tilespmem:s19], [sflag:$0x1] =	stream.indirect.gather [hbm4b:s1+s18], $0x80, s28, s18, $0xb8;
	[tilespmem:$0x1E800] =	vst v63  }
0x2c: {  	_ =	swait.ge [sflag:s22], $0x3E80  }
0x2d: {  	[sflag:s22] =	ssyncset.done $0x0  }
0x2e: {  	s28 =	simm.s32 $0x1480;
	[sflag:s22] =	ssyncadd.s32 $0xFFFFC180  }
0x2f: {  	[spmem:s2] =	stream.indirect.scatter.add.f32 [tilespmem:s20], [sflag:$0x3], $0x80, s28, s18, $0xb8;
	[tilespmem:$0x1E800] =	vst v63  }
0x30: {  	_ =	swait.ge [sflag:s16], $0x3E80  }
0x31: {  	s29 =	simm.s32 $0x800;
	s28 =	simm.s32 $0x100;
	[sflag:s16] =	ssyncset.done $0x0  }
.LBB2_2:
0x32: {  	s30 =	sadd.s32 $0x80, s28  }
0x33: {  	[sflag:s16] =	ssyncadd.s32 $0xFFFFC180;
	s31 =	smov.u32 s29;
	s0 =	sadd.s32 $0x400, s29  }
0x34: {  	[tilespmem:s20], [sflag:$0x2] =	stream.indirect.gather [hbm4b:s1+s18], $0x80, s30, s18, $0xb8;
	[tilespmem:$0x1E800] =	vst v63  }
0x35: {  	p0 =	sne.s32 s29, $0x4800;
	_ =	swait.ge [sflag:s21], $0x3E80  }
0x36: {  	[sflag:s21] =	ssyncset.done $0x0  }
0x37: {  	s29 =	sadd.s32 $0x1400, s28;
	[sflag:s21] =	ssyncadd.s32 $0xFFFFC180  }
0x38: {  	[spmem:s2] =	stream.indirect.scatter.add.f32 [tilespmem:s19], [sflag:$0x3], $0x80, s29, s18, $0xb8;
	[tilespmem:$0x1E800] =	vst v63  }
0x39: {  	_ =	swait.ge [sflag:s16], $0x3E80  }
0x3a: {  	[sflag:s16] =	ssyncset.done $0x0  }
0x3b: {  	s29 =	sadd.s32 $0x100, s28;
	[sflag:s16] =	ssyncadd.s32 $0xFFFFC180  }
0x3c: {  	[tilespmem:s19], [sflag:$0x1] =	stream.indirect.gather [hbm4b:s1+s18], $0x80, s29, s18, $0xb8;
	[tilespmem:$0x1E800] =	vst v63  }
0x3d: {  	_ =	swait.ge [sflag:s22], $0x3E80  }
.Ltmp0:
0x3e: {  	[sflag:s22] =	ssyncset.done $0x0;
	(pc) =	sbr.rel @p0 .LBB2_2-.Ltmp0, $4  }
0x3f: {  	s28 =	sadd.s32 $0x1480, s28;
	[sflag:s22] =	ssyncadd.s32 $0xFFFFC180  }
0x40: {  	[spmem:s2] =	stream.indirect.scatter.add.f32 [tilespmem:s20], [sflag:$0x3], $0x80, s28, s18, $0xb8;
	[tilespmem:$0x1E800] =	vst v63  }
0x41: {  	_ =	swait.ge [sflag:s16], $0x3E80  }
0x42: {  	s29 =	smov.u32 s0;
	s28 =	sshra.s32 s31, $0x2;
	[sflag:s16] =	ssyncset.done $0x0  }
0x43: {  	s0 =	sadd.s32 $0x80, s28;
	[sflag:s16] =	ssyncadd.s32 $0xFFFFC180  }
0x44: {  	[tilespmem:s20], [sflag:$0x2] =	stream.indirect.gather [hbm4b:s1+s18], $0x80, s0, s18, $0xb8;
	[tilespmem:$0x1E800] =	vst v63  }
0x45: {  	_ =	swait.ge [sflag:s21], $0x3E80  }
0x46: {  	[sflag:s21] =	ssyncset.done $0x0  }
0x47: {  	s30 =	sadd.s32 $0x1400, s28;
	[sflag:s21] =	ssyncadd.s32 $0xFFFFC180  }
0x48: {  	[spmem:s2] =	stream.indirect.scatter.add.f32 [tilespmem:s19], [sflag:$0x3], $0x80, s30, s18, $0xb8;
	[tilespmem:$0x1E800] =	vst v63  }
0x49: {  	_ =	swait.ge [sflag:s16], $0x3E80  }
0x4a: {  	[sflag:s16] =	ssyncset.done $0x0  }
0x4b: {  	s31 =	sadd.s32 $0x100, s28;
	[sflag:s16] =	ssyncadd.s32 $0xFFFFC180  }
0x4c: {  	[tilespmem:s19], [sflag:$0x1] =	stream.indirect.gather [hbm4b:s1+s18], $0x80, s31, s18, $0xb8;
	[tilespmem:$0x1E800] =	vst v63  }
0x4d: {  	_ =	swait.ge [sflag:s22], $0x3E80  }
0x4e: {  	[sflag:s22] =	ssyncset.done $0x0  }
0x4f: {  	s30 =	sadd.s32 $0x1480, s28;
	[sflag:s22] =	ssyncadd.s32 $0xFFFFC180  }
0x50: {  	[spmem:s2] =	stream.indirect.scatter.add.f32 [tilespmem:s20], [sflag:$0x3], $0x80, s30, s18, $0xb8;
	[tilespmem:$0x1E800] =	vst v63  }
0x51: {  	_ =	swait.ge [sflag:s16], $0x3E80  }
0x52: {  	[sflag:s16] =	ssyncset.done $0x0  }
0x53: {  	[sflag:s16] =	ssyncadd.s32 $0xFFFFC180  }
0x54: {  	[tilespmem:s20], [sflag:$0x2] =	stream.indirect.gather [hbm4b:s1+s18], $0x80, s23, s18, $0xb8;
	[tilespmem:$0x1E800] =	vst v63  }
0x55: {  	_ =	swait.ge [sflag:s21], $0x3E80  }
0x56: {  	[sflag:s21] =	ssyncset.done $0x0  }
0x57: {  	[sflag:s21] =	ssyncadd.s32 $0xFFFFC180  }
0x58: {  	[spmem:s2] =	stream.indirect.scatter.add.f32 [tilespmem:s19], [sflag:$0x3], $0x80, s24, s18, $0xb8;
	[tilespmem:$0x1E800] =	vst v63  }
0x59: {  	_ =	swait.ge [sflag:s16], $0x3E80  }
0x5a: {  	[sflag:s16] =	ssyncset.done $0x0  }
0x5b: {  	[sflag:s16] =	ssyncadd.s32 $0xFFFFC180  }
0x5c: {  	_ =	swait.ge [sflag:s22], $0x3E80  }
0x5d: {  	[sflag:s22] =	ssyncset.done $0x0  }
0x5e: {  	[sflag:s22] =	ssyncadd.s32 $0xFFFFC180  }
0x5f: {  	[spmem:s2] =	stream.indirect.scatter.add.f32 [tilespmem:s20], [sflag:$0x3], $0x80, s25, s18, $0xb8;
	[tilespmem:$0x1E800] =	vst v63  }
0x60: {  	_ =	swait.ge [sflag:s16], $0x3E80  }
0x61: {  	[sflag:s16] =	ssyncset.done $0x0  }
0x62: {  	s31 =	simm.s32 $0x0;
	[sflag:s16] =	ssyncadd.s32 $0xFFFFC180  }
0x63: {  	[tilespmem:s31], [sflag:$0x3] =	stream.linear.gather [hbm4b:s10+s31], $0x1400, $0x38;
	[tilespmem:$0x1E800] =	vst v63  }
0x64: {  	_ =	swait.ge [sflag:s16], $0x1400  }
0x65: {  	[sflag:s16] =	ssyncset.done $0x0  }
0x66: {  	[sflag:s16] =	ssyncadd.s32 $0xFFFFEC00  }
0x67: {  	[tilespmem:s17], [sflag:$0x3] =	stream.linear.gather [hbm4b:s11+s31], $0x1400, $0x38;
	[tilespmem:$0x1E800] =	vst v63  }
0x68: {  	_ =	swait.ge [sflag:s16], $0x1400  }
0x69: {  	[sflag:s16] =	ssyncset.done $0x0  }
0x6a: {  	[sflag:s16] =	ssyncadd.s32 $0xFFFFEC00  }
0x6b: {  	[tilespmem:s19], [sflag:$0x1] =	stream.indirect.gather [hbm4b:s1+s18], $0x80, s31, s18, $0xb8;
	[tilespmem:$0x1E800] =	vst v63  }
0x6c: {  	s30 =	simm.s32 $0x80  }
0x6d: {  	[tilespmem:s20], [sflag:$0x2] =	stream.indirect.gather [hbm4b:s1+s18], $0x80, s30, s18, $0xb8;
	[tilespmem:$0x1E800] =	vst v63  }
0x6e: {  	_ =	swait.ge [sflag:s21], $0x3E80  }
0x6f: {  	[sflag:s21] =	ssyncset.done $0x0  }
0x70: {  	s31 =	simm.s32 $0x1400;
	[sflag:s21] =	ssyncadd.s32 $0xFFFFC180  }
0x71: {  	[spmem:s2] =	stream.indirect.scatter.add.f32 [tilespmem:s19], [sflag:$0x3], $0x80, s31, s18, $0xb8;
	[tilespmem:$0x1E800] =	vst v63  }
0x72: {  	_ =	swait.ge [sflag:s16], $0x3E80  }
0x73: {  	[sflag:s16] =	ssyncset.done $0x0  }
0x74: {  	s30 =	simm.s32 $0x100;
	[sflag:s16] =	ssyncadd.s32 $0xFFFFC180  }
0x75: {  	[tilespmem:s19], [sflag:$0x1] =	stream.indirect.gather [hbm4b:s1+s18], $0x80, s30, s18, $0xb8;
	[tilespmem:$0x1E800] =	vst v63  }
0x76: {  	_ =	swait.ge [sflag:s22], $0x3E80  }
0x77: {  	[sflag:s22] =	ssyncset.done $0x0  }
0x78: {  	s31 =	simm.s32 $0x1480;
	[sflag:s22] =	ssyncadd.s32 $0xFFFFC180  }
0x79: {  	[spmem:s2] =	stream.indirect.scatter.add.f32 [tilespmem:s20], [sflag:$0x3], $0x80, s31, s18, $0xb8;
	[tilespmem:$0x1E800] =	vst v63  }
0x7a: {  	_ =	swait.ge [sflag:s16], $0x3E80  }
0x7b: {  	s29 =	simm.s32 $0x800;
	s28 =	simm.s32 $0x100;
	[sflag:s16] =	ssyncset.done $0x0  }
.LBB2_4:
0x7c: {  	s0 =	sadd.s32 $0x80, s28  }
0x7d: {  	[sflag:s16] =	ssyncadd.s32 $0xFFFFC180;
	s30 =	smov.u32 s29;
	s31 =	sadd.s32 $0x400, s29  }
0x7e: {  	[tilespmem:s20], [sflag:$0x2] =	stream.indirect.gather [hbm4b:s1+s18], $0x80, s0, s18, $0xb8;
	[tilespmem:$0x1E800] =	vst v63  }
0x7f: {  	p0 =	sne.s32 s29, $0x4800;
	_ =	swait.ge [sflag:s21], $0x3E80  }
0x80: {  	[sflag:s21] =	ssyncset.done $0x0  }
0x81: {  	s0 =	sadd.s32 $0x1400, s28;
	[sflag:s21] =	ssyncadd.s32 $0xFFFFC180  }
0x82: {  	[spmem:s2] =	stream.indirect.scatter.add.f32 [tilespmem:s19], [sflag:$0x3], $0x80, s0, s18, $0xb8;
	[tilespmem:$0x1E800] =	vst v63  }
0x83: {  	_ =	swait.ge [sflag:s16], $0x3E80  }
0x84: {  	[sflag:s16] =	ssyncset.done $0x0  }
0x85: {  	s0 =	sadd.s32 $0x100, s28;
	[sflag:s16] =	ssyncadd.s32 $0xFFFFC180  }
0x86: {  	[tilespmem:s19], [sflag:$0x1] =	stream.indirect.gather [hbm4b:s1+s18], $0x80, s0, s18, $0xb8;
	[tilespmem:$0x1E800] =	vst v63  }
0x87: {  	_ =	swait.ge [sflag:s22], $0x3E80  }
.Ltmp1:
0x88: {  	[sflag:s22] =	ssyncset.done $0x0;
	(pc) =	sbr.rel @p0 .LBB2_4-.Ltmp1, $4  }
0x89: {  	s0 =	sadd.s32 $0x1480, s28;
	[sflag:s22] =	ssyncadd.s32 $0xFFFFC180  }
0x8a: {  	[spmem:s2] =	stream.indirect.scatter.add.f32 [tilespmem:s20], [sflag:$0x3], $0x80, s0, s18, $0xb8;
	[tilespmem:$0x1E800] =	vst v63  }
0x8b: {  	_ =	swait.ge [sflag:s16], $0x3E80  }
0x8c: {  	s29 =	smov.u32 s31;
	s28 =	sshra.s32 s30, $0x2;
	[sflag:s16] =	ssyncset.done $0x0  }
0x8d: {  	s0 =	sadd.s32 $0x80, s28;
	[sflag:s16] =	ssyncadd.s32 $0xFFFFC180  }
0x8e: {  	[tilespmem:s20], [sflag:$0x2] =	stream.indirect.gather [hbm4b:s1+s18], $0x80, s0, s18, $0xb8;
	[tilespmem:$0x1E800] =	vst v63  }
0x8f: {  	_ =	swait.ge [sflag:s21], $0x3E80  }
0x90: {  	[sflag:s21] =	ssyncset.done $0x0  }
0x91: {  	s30 =	sadd.s32 $0x1400, s28;
	[sflag:s21] =	ssyncadd.s32 $0xFFFFC180  }
0x92: {  	[spmem:s2] =	stream.indirect.scatter.add.f32 [tilespmem:s19], [sflag:$0x3], $0x80, s30, s18, $0xb8;
	[tilespmem:$0x1E800] =	vst v63  }
0x93: {  	_ =	swait.ge [sflag:s16], $0x3E80  }
0x94: {  	[sflag:s16] =	ssyncset.done $0x0  }
0x95: {  	s31 =	sadd.s32 $0x100, s28;
	[sflag:s16] =	ssyncadd.s32 $0xFFFFC180  }
0x96: {  	[tilespmem:s19], [sflag:$0x1] =	stream.indirect.gather [hbm4b:s1+s18], $0x80, s31, s18, $0xb8;
	[tilespmem:$0x1E800] =	vst v63  }
0x97: {  	_ =	swait.ge [sflag:s22], $0x3E80  }
0x98: {  	[sflag:s22] =	ssyncset.done $0x0  }
0x99: {  	s30 =	sadd.s32 $0x1480, s28;
	[sflag:s22] =	ssyncadd.s32 $0xFFFFC180  }
0x9a: {  	[spmem:s2] =	stream.indirect.scatter.add.f32 [tilespmem:s20], [sflag:$0x3], $0x80, s30, s18, $0xb8;
	[tilespmem:$0x1E800] =	vst v63  }
0x9b: {  	_ =	swait.ge [sflag:s16], $0x3E80  }
0x9c: {  	[sflag:s16] =	ssyncset.done $0x0  }
0x9d: {  	[sflag:s16] =	ssyncadd.s32 $0xFFFFC180  }
0x9e: {  	[tilespmem:s20], [sflag:$0x2] =	stream.indirect.gather [hbm4b:s1+s18], $0x80, s23, s18, $0xb8;
	[tilespmem:$0x1E800] =	vst v63  }
0x9f: {  	_ =	swait.ge [sflag:s21], $0x3E80  }
0xa0: {  	[sflag:s21] =	ssyncset.done $0x0  }
0xa1: {  	[sflag:s21] =	ssyncadd.s32 $0xFFFFC180  }
0xa2: {  	[spmem:s2] =	stream.indirect.scatter.add.f32 [tilespmem:s19], [sflag:$0x3], $0x80, s24, s18, $0xb8;
	[tilespmem:$0x1E800] =	vst v63  }
0xa3: {  	_ =	swait.ge [sflag:s16], $0x3E80  }
0xa4: {  	[sflag:s16] =	ssyncset.done $0x0  }
0xa5: {  	[sflag:s16] =	ssyncadd.s32 $0xFFFFC180  }
0xa6: {  	_ =	swait.ge [sflag:s22], $0x3E80  }
0xa7: {  	[sflag:s22] =	ssyncset.done $0x0  }
0xa8: {  	[sflag:s22] =	ssyncadd.s32 $0xFFFFC180  }
0xa9: {  	[spmem:s2] =	stream.indirect.scatter.add.f32 [tilespmem:s20], [sflag:$0x3], $0x80, s25, s18, $0xb8;
	[tilespmem:$0x1E800] =	vst v63  }
0xaa: {  	_ =	swait.ge [sflag:s16], $0x3E80  }
0xab: {  	[sflag:s16] =	ssyncset.done $0x0  }
0xac: {  	[sflag:s16] =	ssyncadd.s32 $0xFFFFC180  }
0xad: {  	[bflag:$0x0] =	sbarrier.arrive $0xFFFF  }
0xae: {  	[hbm:s12], [sflag:s7] =	dma.local [spmem:s15], $0x2800  }
0xaf: {  	_ =	swait.ge [sflag:s16], $0x2800  }
0xb0: {  	[sflag:s16] =	ssyncset.done $0x0  }
0xb1: {  	[sflag:s16] =	ssyncadd.s32 $0xFFFFD800  }
0xb2: {  	[spmem:s15], [sflag:s7] =	dma.local [hbm:s6], $0x2800  }
0xb3: {  	_ =	swait.ge [sflag:s16], $0x2800  }
0xb4: {  	[sflag:s16] =	ssyncset.done $0x0  }
0xb5: {  	[sflag:s16] =	ssyncadd.s32 $0xFFFFD800  }
0xb6: {  	s31 =	simm.s32 $0x0;
	[bflag:$0x0] =	sbarrier.arrive $0xFFFF  }
0xb7: {  	[tilespmem:s31], [sflag:$0x3] =	stream.linear.gather [hbm4b:s8+s31], $0x1400, $0x38;
	[tilespmem:$0x1E800] =	vst v63  }
0xb8: {  	_ =	swait.ge [sflag:s16], $0x1400  }
0xb9: {  	[sflag:s16] =	ssyncset.done $0x0  }
0xba: {  	[sflag:s16] =	ssyncadd.s32 $0xFFFFEC00  }
0xbb: {  	[tilespmem:s17], [sflag:$0x3] =	stream.linear.gather [hbm4b:s9+s31], $0x1400, $0x38;
	[tilespmem:$0x1E800] =	vst v63  }
0xbc: {  	_ =	swait.ge [sflag:s16], $0x1400  }
0xbd: {  	[sflag:s16] =	ssyncset.done $0x0  }
0xbe: {  	[sflag:s16] =	ssyncadd.s32 $0xFFFFEC00  }
0xbf: {  	[tilespmem:s19], [sflag:$0x1] =	stream.indirect.gather [hbm4b:s5+s18], $0x80, s31, s18, $0xb8;
	[tilespmem:$0x1E800] =	vst v63  }
0xc0: {  	s30 =	simm.s32 $0x80  }
0xc1: {  	[tilespmem:s20], [sflag:$0x2] =	stream.indirect.gather [hbm4b:s5+s18], $0x80, s30, s18, $0xb8;
	[tilespmem:$0x1E800] =	vst v63  }
0xc2: {  	_ =	swait.ge [sflag:s21], $0x3E80  }
0xc3: {  	[sflag:s21] =	ssyncset.done $0x0  }
0xc4: {  	s31 =	simm.s32 $0x1400;
	[sflag:s21] =	ssyncadd.s32 $0xFFFFC180  }
0xc5: {  	[spmem:s2] =	stream.indirect.scatter.add.f32 [tilespmem:s19], [sflag:$0x3], $0x80, s31, s18, $0xb8;
	[tilespmem:$0x1E800] =	vst v63  }
0xc6: {  	_ =	swait.ge [sflag:s16], $0x3E80  }
0xc7: {  	[sflag:s16] =	ssyncset.done $0x0  }
0xc8: {  	s30 =	simm.s32 $0x100;
	[sflag:s16] =	ssyncadd.s32 $0xFFFFC180  }
0xc9: {  	[tilespmem:s19], [sflag:$0x1] =	stream.indirect.gather [hbm4b:s5+s18], $0x80, s30, s18, $0xb8;
	[tilespmem:$0x1E800] =	vst v63  }
0xca: {  	_ =	swait.ge [sflag:s22], $0x3E80  }
0xcb: {  	[sflag:s22] =	ssyncset.done $0x0  }
0xcc: {  	s31 =	simm.s32 $0x1480;
	[sflag:s22] =	ssyncadd.s32 $0xFFFFC180  }
0xcd: {  	[spmem:s2] =	stream.indirect.scatter.add.f32 [tilespmem:s20], [sflag:$0x3], $0x80, s31, s18, $0xb8;
	[tilespmem:$0x1E800] =	vst v63  }
0xce: {  	_ =	swait.ge [sflag:s16], $0x3E80  }
0xcf: {  	s29 =	simm.s32 $0x800;
	s28 =	simm.s32 $0x100;
	[sflag:s16] =	ssyncset.done $0x0  }
.LBB2_6:
0xd0: {  	s0 =	sadd.s32 $0x80, s28  }
0xd1: {  	[sflag:s16] =	ssyncadd.s32 $0xFFFFC180;
	s30 =	smov.u32 s29;
	s31 =	sadd.s32 $0x400, s29  }
0xd2: {  	[tilespmem:s20], [sflag:$0x2] =	stream.indirect.gather [hbm4b:s5+s18], $0x80, s0, s18, $0xb8;
	[tilespmem:$0x1E800] =	vst v63  }
0xd3: {  	p0 =	sne.s32 s29, $0x4800;
	_ =	swait.ge [sflag:s21], $0x3E80  }
0xd4: {  	[sflag:s21] =	ssyncset.done $0x0  }
0xd5: {  	s0 =	sadd.s32 $0x1400, s28;
	[sflag:s21] =	ssyncadd.s32 $0xFFFFC180  }
0xd6: {  	[spmem:s2] =	stream.indirect.scatter.add.f32 [tilespmem:s19], [sflag:$0x3], $0x80, s0, s18, $0xb8;
	[tilespmem:$0x1E800] =	vst v63  }
0xd7: {  	_ =	swait.ge [sflag:s16], $0x3E80  }
0xd8: {  	[sflag:s16] =	ssyncset.done $0x0  }
0xd9: {  	s0 =	sadd.s32 $0x100, s28;
	[sflag:s16] =	ssyncadd.s32 $0xFFFFC180  }
0xda: {  	[tilespmem:s19], [sflag:$0x1] =	stream.indirect.gather [hbm4b:s5+s18], $0x80, s0, s18, $0xb8;
	[tilespmem:$0x1E800] =	vst v63  }
0xdb: {  	_ =	swait.ge [sflag:s22], $0x3E80  }
.Ltmp2:
0xdc: {  	[sflag:s22] =	ssyncset.done $0x0;
	(pc) =	sbr.rel @p0 .LBB2_6-.Ltmp2, $4  }
0xdd: {  	s0 =	sadd.s32 $0x1480, s28;
	[sflag:s22] =	ssyncadd.s32 $0xFFFFC180  }
0xde: {  	[spmem:s2] =	stream.indirect.scatter.add.f32 [tilespmem:s20], [sflag:$0x3], $0x80, s0, s18, $0xb8;
	[tilespmem:$0x1E800] =	vst v63  }
0xdf: {  	_ =	swait.ge [sflag:s16], $0x3E80  }
0xe0: {  	s29 =	smov.u32 s31;
	s28 =	sshra.s32 s30, $0x2;
	[sflag:s16] =	ssyncset.done $0x0  }
0xe1: {  	s0 =	sadd.s32 $0x80, s28;
	[sflag:s16] =	ssyncadd.s32 $0xFFFFC180  }
0xe2: {  	[tilespmem:s20], [sflag:$0x2] =	stream.indirect.gather [hbm4b:s5+s18], $0x80, s0, s18, $0xb8;
	[tilespmem:$0x1E800] =	vst v63  }
0xe3: {  	_ =	swait.ge [sflag:s21], $0x3E80  }
0xe4: {  	[sflag:s21] =	ssyncset.done $0x0  }
0xe5: {  	s30 =	sadd.s32 $0x1400, s28;
	[sflag:s21] =	ssyncadd.s32 $0xFFFFC180  }
0xe6: {  	[spmem:s2] =	stream.indirect.scatter.add.f32 [tilespmem:s19], [sflag:$0x3], $0x80, s30, s18, $0xb8;
	[tilespmem:$0x1E800] =	vst v63  }
0xe7: {  	_ =	swait.ge [sflag:s16], $0x3E80  }
0xe8: {  	[sflag:s16] =	ssyncset.done $0x0  }
0xe9: {  	s31 =	sadd.s32 $0x100, s28;
	[sflag:s16] =	ssyncadd.s32 $0xFFFFC180  }
0xea: {  	[tilespmem:s19], [sflag:$0x1] =	stream.indirect.gather [hbm4b:s5+s18], $0x80, s31, s18, $0xb8;
	[tilespmem:$0x1E800] =	vst v63  }
0xeb: {  	_ =	swait.ge [sflag:s22], $0x3E80  }
0xec: {  	[sflag:s22] =	ssyncset.done $0x0  }
0xed: {  	s30 =	sadd.s32 $0x1480, s28;
	[sflag:s22] =	ssyncadd.s32 $0xFFFFC180  }
0xee: {  	[spmem:s2] =	stream.indirect.scatter.add.f32 [tilespmem:s20], [sflag:$0x3], $0x80, s30, s18, $0xb8;
	[tilespmem:$0x1E800] =	vst v63  }
0xef: {  	_ =	swait.ge [sflag:s16], $0x3E80  }
0xf0: {  	[sflag:s16] =	ssyncset.done $0x0  }
0xf1: {  	[sflag:s16] =	ssyncadd.s32 $0xFFFFC180  }
0xf2: {  	[tilespmem:s20], [sflag:$0x2] =	stream.indirect.gather [hbm4b:s5+s18], $0x80, s23, s18, $0xb8;
	[tilespmem:$0x1E800] =	vst v63  }
0xf3: {  	_ =	swait.ge [sflag:s21], $0x3E80  }
0xf4: {  	[sflag:s21] =	ssyncset.done $0x0  }
0xf5: {  	[sflag:s21] =	ssyncadd.s32 $0xFFFFC180  }
0xf6: {  	[spmem:s2] =	stream.indirect.scatter.add.f32 [tilespmem:s19], [sflag:$0x3], $0x80, s24, s18, $0xb8;
	[tilespmem:$0x1E800] =	vst v63  }
0xf7: {  	_ =	swait.ge [sflag:s16], $0x3E80  }
0xf8: {  	[sflag:s16] =	ssyncset.done $0x0  }
0xf9: {  	[sflag:s16] =	ssyncadd.s32 $0xFFFFC180  }
0xfa: {  	_ =	swait.ge [sflag:s22], $0x3E80  }
0xfb: {  	[sflag:s22] =	ssyncset.done $0x0  }
0xfc: {  	[sflag:s22] =	ssyncadd.s32 $0xFFFFC180  }
0xfd: {  	[spmem:s2] =	stream.indirect.scatter.add.f32 [tilespmem:s20], [sflag:$0x3], $0x80, s25, s18, $0xb8;
	[tilespmem:$0x1E800] =	vst v63  }
0xfe: {  	_ =	swait.ge [sflag:s16], $0x3E80  }
0xff: {  	[sflag:s16] =	ssyncset.done $0x0  }
0x100: {  	s31 =	simm.s32 $0x0;
	[sflag:s16] =	ssyncadd.s32 $0xFFFFC180  }
0x101: {  	[tilespmem:s31], [sflag:$0x3] =	stream.linear.gather [hbm4b:s10+s31], $0x1400, $0x38;
	[tilespmem:$0x1E800] =	vst v63  }
0x102: {  	_ =	swait.ge [sflag:s16], $0x1400  }
0x103: {  	[sflag:s16] =	ssyncset.done $0x0  }
0x104: {  	[sflag:s16] =	ssyncadd.s32 $0xFFFFEC00  }
0x105: {  	[tilespmem:s17], [sflag:$0x3] =	stream.linear.gather [hbm4b:s11+s31], $0x1400, $0x38;
	[tilespmem:$0x1E800] =	vst v63  }
0x106: {  	_ =	swait.ge [sflag:s16], $0x1400  }
0x107: {  	[sflag:s16] =	ssyncset.done $0x0  }
0x108: {  	[sflag:s16] =	ssyncadd.s32 $0xFFFFEC00  }
0x109: {  	[tilespmem:s19], [sflag:$0x1] =	stream.indirect.gather [hbm4b:s5+s18], $0x80, s31, s18, $0xb8;
	[tilespmem:$0x1E800] =	vst v63  }
0x10a: {  	s30 =	simm.s32 $0x80  }
0x10b: {  	[tilespmem:s20], [sflag:$0x2] =	stream.indirect.gather [hbm4b:s5+s18], $0x80, s30, s18, $0xb8;
	[tilespmem:$0x1E800] =	vst v63  }
0x10c: {  	_ =	swait.ge [sflag:s21], $0x3E80  }
0x10d: {  	[sflag:s21] =	ssyncset.done $0x0  }
0x10e: {  	s31 =	simm.s32 $0x1400;
	[sflag:s21] =	ssyncadd.s32 $0xFFFFC180  }
0x10f: {  	[spmem:s2] =	stream.indirect.scatter.add.f32 [tilespmem:s19], [sflag:$0x3], $0x80, s31, s18, $0xb8;
	[tilespmem:$0x1E800] =	vst v63  }
0x110: {  	_ =	swait.ge [sflag:s16], $0x3E80  }
0x111: {  	[sflag:s16] =	ssyncset.done $0x0  }
0x112: {  	s30 =	simm.s32 $0x100;
	[sflag:s16] =	ssyncadd.s32 $0xFFFFC180  }
0x113: {  	[tilespmem:s19], [sflag:$0x1] =	stream.indirect.gather [hbm4b:s5+s18], $0x80, s30, s18, $0xb8;
	[tilespmem:$0x1E800] =	vst v63  }
0x114: {  	_ =	swait.ge [sflag:s22], $0x3E80  }
0x115: {  	[sflag:s22] =	ssyncset.done $0x0  }
0x116: {  	s31 =	simm.s32 $0x1480;
	[sflag:s22] =	ssyncadd.s32 $0xFFFFC180  }
0x117: {  	[spmem:s2] =	stream.indirect.scatter.add.f32 [tilespmem:s20], [sflag:$0x3], $0x80, s31, s18, $0xb8;
	[tilespmem:$0x1E800] =	vst v63  }
0x118: {  	_ =	swait.ge [sflag:s16], $0x3E80  }
0x119: {  	s29 =	simm.s32 $0x800;
	s28 =	simm.s32 $0x100;
	[sflag:s16] =	ssyncset.done $0x0  }
.LBB2_8:
0x11a: {  	s0 =	sadd.s32 $0x80, s28  }
0x11b: {  	[sflag:s16] =	ssyncadd.s32 $0xFFFFC180;
	s30 =	smov.u32 s29;
	s31 =	sadd.s32 $0x400, s29  }
0x11c: {  	[tilespmem:s20], [sflag:$0x2] =	stream.indirect.gather [hbm4b:s5+s18], $0x80, s0, s18, $0xb8;
	[tilespmem:$0x1E800] =	vst v63  }
0x11d: {  	p0 =	sne.s32 s29, $0x4800;
	_ =	swait.ge [sflag:s21], $0x3E80  }
0x11e: {  	[sflag:s21] =	ssyncset.done $0x0  }
0x11f: {  	s0 =	sadd.s32 $0x1400, s28;
	[sflag:s21] =	ssyncadd.s32 $0xFFFFC180  }
0x120: {  	[spmem:s2] =	stream.indirect.scatter.add.f32 [tilespmem:s19], [sflag:$0x3], $0x80, s0, s18, $0xb8;
	[tilespmem:$0x1E800] =	vst v63  }
0x121: {  	_ =	swait.ge [sflag:s16], $0x3E80  }
0x122: {  	[sflag:s16] =	ssyncset.done $0x0  }
0x123: {  	s0 =	sadd.s32 $0x100, s28;
	[sflag:s16] =	ssyncadd.s32 $0xFFFFC180  }
0x124: {  	[tilespmem:s19], [sflag:$0x1] =	stream.indirect.gather [hbm4b:s5+s18], $0x80, s0, s18, $0xb8;
	[tilespmem:$0x1E800] =	vst v63  }
0x125: {  	_ =	swait.ge [sflag:s22], $0x3E80  }
.Ltmp3:
0x126: {  	[sflag:s22] =	ssyncset.done $0x0;
	(pc) =	sbr.rel @p0 .LBB2_8-.Ltmp3, $4  }
0x127: {  	s0 =	sadd.s32 $0x1480, s28;
	[sflag:s22] =	ssyncadd.s32 $0xFFFFC180  }
0x128: {  	[spmem:s2] =	stream.indirect.scatter.add.f32 [tilespmem:s20], [sflag:$0x3], $0x80, s0, s18, $0xb8;
	[tilespmem:$0x1E800] =	vst v63  }
0x129: {  	_ =	swait.ge [sflag:s16], $0x3E80  }
0x12a: {  	s29 =	smov.u32 s31;
	s28 =	sshra.s32 s30, $0x2;
	[sflag:s16] =	ssyncset.done $0x0  }
0x12b: {  	s0 =	sadd.s32 $0x80, s28;
	[sflag:s16] =	ssyncadd.s32 $0xFFFFC180  }
0x12c: {  	[tilespmem:s20], [sflag:$0x2] =	stream.indirect.gather [hbm4b:s5+s18], $0x80, s0, s18, $0xb8;
	[tilespmem:$0x1E800] =	vst v63  }
0x12d: {  	_ =	swait.ge [sflag:s21], $0x3E80  }
0x12e: {  	[sflag:s21] =	ssyncset.done $0x0  }
0x12f: {  	s29 =	sadd.s32 $0x1400, s28;
	[sflag:s21] =	ssyncadd.s32 $0xFFFFC180  }
0x130: {  	[spmem:s2] =	stream.indirect.scatter.add.f32 [tilespmem:s19], [sflag:$0x3], $0x80, s29, s18, $0xb8;
	[tilespmem:$0x1E800] =	vst v63  }
0x131: {  	_ =	swait.ge [sflag:s16], $0x3E80  }
0x132: {  	[sflag:s16] =	ssyncset.done $0x0  }
0x133: {  	s30 =	sadd.s32 $0x100, s28;
	[sflag:s16] =	ssyncadd.s32 $0xFFFFC180  }
0x134: {  	[tilespmem:s19], [sflag:$0x1] =	stream.indirect.gather [hbm4b:s5+s18], $0x80, s30, s18, $0xb8;
	[tilespmem:$0x1E800] =	vst v63  }
0x135: {  	_ =	swait.ge [sflag:s22], $0x3E80  }
0x136: {  	[sflag:s22] =	ssyncset.done $0x0  }
0x137: {  	s31 =	sadd.s32 $0x1480, s28;
	[sflag:s22] =	ssyncadd.s32 $0xFFFFC180  }
0x138: {  	[spmem:s2] =	stream.indirect.scatter.add.f32 [tilespmem:s20], [sflag:$0x3], $0x80, s31, s18, $0xb8;
	[tilespmem:$0x1E800] =	vst v63  }
0x139: {  	_ =	swait.ge [sflag:s16], $0x3E80  }
0x13a: {  	[sflag:s16] =	ssyncset.done $0x0  }
0x13b: {  	[sflag:s16] =	ssyncadd.s32 $0xFFFFC180  }
0x13c: {  	[tilespmem:s20], [sflag:$0x2] =	stream.indirect.gather [hbm4b:s5+s18], $0x80, s23, s18, $0xb8;
	[tilespmem:$0x1E800] =	vst v63  }
0x13d: {  	_ =	swait.ge [sflag:s21], $0x3E80  }
0x13e: {  	[sflag:s21] =	ssyncset.done $0x0  }
0x13f: {  	[sflag:s21] =	ssyncadd.s32 $0xFFFFC180  }
0x140: {  	[spmem:s2] =	stream.indirect.scatter.add.f32 [tilespmem:s19], [sflag:$0x3], $0x80, s24, s18, $0xb8;
	[tilespmem:$0x1E800] =	vst v63  }
0x141: {  	_ =	swait.ge [sflag:s16], $0x3E80  }
0x142: {  	[sflag:s16] =	ssyncset.done $0x0  }
0x143: {  	[sflag:s16] =	ssyncadd.s32 $0xFFFFC180  }
0x144: {  	_ =	swait.ge [sflag:s22], $0x3E80  }
0x145: {  	[sflag:s22] =	ssyncset.done $0x0  }
0x146: {  	[sflag:s22] =	ssyncadd.s32 $0xFFFFC180  }
0x147: {  	[spmem:s2] =	stream.indirect.scatter.add.f32 [tilespmem:s20], [sflag:$0x3], $0x80, s25, s18, $0xb8;
	[tilespmem:$0x1E800] =	vst v63  }
0x148: {  	_ =	swait.ge [sflag:s16], $0x3E80  }
0x149: {  	s26 =	sadd.s32 $0x1, s26;
	[sflag:s16] =	ssyncset.done $0x0  }
0x14a: {  	p0 =	sne.s32 s26, s14;
	[sflag:s16] =	ssyncadd.s32 $0xFFFFC180  }
.Ltmp4:
0x14b: {  	[bflag:$0x0] =	sbarrier.arrive $0xFFFF;
	(pc) =	sbr.rel @p0 .LBB2_1-.Ltmp4, $4  }
0x14c: {  	[hbm:s13], [sflag:s7] =	dma.local [spmem:s15], $0x2800  }
0x14d: {  	_ =	swait.ge [sflag:s16], $0x2800  }
0x14e: {  	[sflag:s16] =	ssyncset.done $0x0  }
0x14f: {  	[sflag:s16] =	ssyncadd.s32 $0xFFFFD800  }
0x150: {  	_ =	sfence.sel $0x180000  }
0x151: {  	[bflag:$0x0] =	sbarrier.arrive $0xFFFF  }
0x152: {  	_ =	strace $0x9000004A  }
0x153: {  	[bflag:$0x2] =	sbarrier.arrive $0xFFFF  }
0x154: {  	p0 =	sne.s32 s3, $0x0;
	s0 =	rddreg [dreg:$0x4]  }
0x155: {  	s0 =	sadd.s32 @!p0 $0x100000, s0  }
0x156: {  	[sflag:s0] =	ssyncadd.tile.s32 @!p0 $0x1;
	_ =	shalt  }
.Lfunc_end2:
_tile_overlayer_lowered:
.L_overlay_start_2:
0x157: {  	(tag) =	ssettag $0x2  }
0x158: {  	s0 =	rddreg [dreg:$0x0];
	s2 =	stileid.u32  }
0x159: {  	s1 =	rddreg [dreg:$0x1];
	p0 =	sne.s32 s2, $0x0  }
0x15a: {  	s3 =	rddreg [dreg:$0x2];
	[bflag:$0x3] =	sbarrier.arrive $0xFFFF;
	s2 =	simm.s32 @!p0 $0x1C03  }
0x15b: {  	[timem:s3], [sflag:s2] =	dma.local @!p0 [hbm:s0], s1  }
0x15c: {  	s0 =	simm.s32 @!p0 $0x3  }
0x15d: {  	_ =	swait.ge @!p0 [sflag:s0], s1  }
0x15e: {  	s1 =	ssub.s32 @!p0 $0x0, s1;
	[sflag:s0] =	ssyncset.done @!p0 $0x0  }
0x15f: {  	[sflag:s0] =	ssyncadd.s32 @!p0 s1  }
0x160: {  	[bflag:$0x3] =	sbarrier.arrive $0xFFFF  }
0x161: {  	_ =	shalt  }

// kernel: kernel.19.cloned.1.call-start
scs
__scs_entry_jumppad:
0x0: {  	(pc) =	sbr.rel $0x88, $3  }
0x1: {  	(tag) =	ssettag $0x0;
	lr =	simm.s32 $0x1  }
0x2: {  	[smem:$0x3F98] =	sst lr;
	_ =	strace $0xD0000000  }
0x3: {  	_ = 	snop  }
0x4: {  	_ = 	snop  }
0x5: {  	_ = 	snop  }
0x6: {  	_ = 	snop  }
0x7: {  	_ = 	snop  }
__scs_overlays_trampoline_lowered:
0x8: {  	[smem:$0x3FA7] =	sst s0  }
0x9: {  	[smem:$0x3FA8] =	sst s1  }
0xa: {  	[smem:$0x3FA9] =	sst s2  }
0xb: {  	[smem:$0x3FAA] =	sst s3  }
0xc: {  	[smem:$0x3FAB] =	sst s4  }
0xd: {  	[smem:$0x3FAC] =	sst s5  }
0xe: {  	[smem:$0x3FAD] =	sst s6  }
0xf: {  	[smem:$0x3FAE] =	sst s7  }
0x10: {  	[smem:$0x3FAF] =	sst s8  }
0x11: {  	[smem:$0x3FB0] =	sst s9;
	s0 =	simm.s32 @!p0 $0x0  }
0x12: {  	s1 =	sld [smem:$0x3F96];
	s0 =	simm.s32 @p0 $0x1  }
0x13: {  	[smem:$0x3FB1] =	sst s0;
	s0 =	simm.s32 @!p1 $0x0  }
0x14: {  	s2 =	sld [smem:$0x3F95];
	s0 =	simm.s32 @p1 $0x1  }
0x15: {  	[smem:$0x3FB2] =	sst s0;
	s0 =	simm.s32 @!p2 $0x0  }
0x16: {  	s3 =	sld [smem:$0x3FDB];
	s0 =	simm.s32 @p2 $0x1  }
0x17: {  	s4 =	simm.s32 $0x1BF5;
	[smem:$0x3FB4] =	sst s0  }
0x18: {  	s0 =	sld [smem:$0x3F97];
	_ =	swait.ge [sflag:s4], $0x0  }
0x19: {  	s7 =	sld [smem:$0x3F98]  }
0x1a: {  	s8 =	sadd.s32 $0xFFFFE003, lr  }
0x1b: {  	s9 =	sadd.s32 $0xFFFFFEF7, lr;
	s5 =	simm.s32 $0xFFFFFFFF;
	p2 =	slt.u32 s8, $0xFFFFF086  }
0x1c: {  	p1 =	slt.u32 s9, $0xF7A;
	s5 =	simm.s32 @!p2 $0x0  }
0x1d: {  	s5 =	simm.s32 @p1 $0x1;
	p0 =	seq.s32 s7, s2  }
0x1e: {  	s7 =	smul.u32 @!p0 $0xF7A, s2;
	p2 =	seq.s32 @!p0 s5, $0x0  }
0x1f: {  	s9 =	smul.u32 $0xF7A, s1;
	s8 =	simm.s32 @!p0 $0x1BF5;
	p2 =	por !p2, p0  }
0x20: {  	[sflag:s8] =	ssyncset.s32 @!p0 $0xFFFFF086;
	s6 =	sadd.s32 @!p0 s3, s7;
	s7 =	simm.s32 @!p0 $0x108  }
0x21: {  	s3 =	sadd.s32 s3, s9;
	s6 =	sadd.s32 @!p0 $0x88, s6;
	s7 =	simm.s32 @p2 $0x1082  }
0x22: {  	[simem:s7], [sflag:s8] =	dma.local @!p0 [hbm:s6], $0xF7A  }
0x23: {  	s9 =	sor.u32 $0xD0000000, s2;
	s6 =	simm.s32 $0x108;
	_ =	swait.ge @!p0 [sflag:s8], $0x0  }
0x24: {  	s3 =	sadd.s32 $0x88, s3;
	s6 =	simm.s32 @!p1 $0x1082;
	[sflag:s4] =	ssyncset.s32 $0xFFFFF086  }
0x25: {  	[simem:s6], [sflag:s4] =	dma.local [hbm:s3], $0xF7A  }
0x26: {  	[smem:$0x3F98] =	sst s1;
	(tag) =	ssettag s2;
	_ =	strace s9  }
0x27: {  	s1 =	sld [smem:$0x3FA8]  }
0x28: {  	s2 =	sld [smem:$0x3FA9]  }
0x29: {  	s4 =	sld [smem:$0x3FAB]  }
0x2a: {  	p0 =	seq.s32 s5, $0x0;
	s5 =	sld [smem:$0x3FAC]  }
0x2b: {  	s6 =	sld [smem:$0x3FAD]  }
0x2c: {  	s7 =	sld [smem:$0x3FAE]  }
0x2d: {  	s3 =	simm.s32 $0x108;
	s8 =	sld [smem:$0x3FAF]  }
0x2e: {  	s3 =	simm.s32 @!p0 $0x1082;
	s9 =	sld [smem:$0x3FB0]  }
0x2f: {  	lr =	sadd.s32 s0, s3;
	s0 =	sld [smem:$0x3FA7]  }
0x30: {  	s3 =	sld [smem:$0x3FAA]  }
0x31: {  	[smem:$0x3FB3] =	sst s10  }
0x32: {  	s10 =	sld [smem:$0x3FB1];
	_ =	sdelay $0x3  }
0x33: {  	p0 =	seq.s32 s10, $0x1;
	s10 =	sld [smem:$0x3FB3];
	_ =	sdelay $0x3  }
0x34: {  	[smem:$0x3FB3] =	sst s10  }
0x35: {  	s10 =	sld [smem:$0x3FB2];
	_ =	sdelay $0x3  }
0x36: {  	p1 =	seq.s32 s10, $0x1;
	s10 =	sld [smem:$0x3FB3];
	_ =	sdelay $0x3  }
0x37: {  	[smem:$0x3FB3] =	sst s10  }
0x38: {  	s10 =	sld [smem:$0x3FB4]  }
0x39: {  	_ = 	snop;
	(pc) =	sbr.ind lr, $3  }
0x3a: {  	_ = 	snop  }
0x3b: {  	_ = 	snop  }
0x3c: {  	p2 =	seq.s32 s10, $0x1;
	s10 =	sld [smem:$0x3FB3]  }
0x3d: {  	_ =	shalt  }
0x3e: {  	_ =	shalt  }
0x3f: {  	_ =	shalt  }
0x40: {  	_ =	shalt  }
0x41: {  	_ =	shalt  }
0x42: {  	_ =	shalt  }
0x43: {  	_ =	shalt  }
0x44: {  	_ =	shalt  }
0x45: {  	_ =	shalt  }
0x46: {  	_ =	shalt  }
0x47: {  	_ =	shalt  }
0x48: {  	_ =	shalt  }
0x49: {  	_ =	shalt  }
0x4a: {  	_ =	shalt  }
0x4b: {  	_ =	shalt  }
0x4c: {  	_ =	shalt  }
0x4d: {  	_ =	shalt  }
0x4e: {  	_ =	shalt  }
0x4f: {  	_ =	shalt  }
0x50: {  	_ =	shalt  }
0x51: {  	_ =	shalt  }
0x52: {  	_ =	shalt  }
0x53: {  	_ =	shalt  }
0x54: {  	_ =	shalt  }
0x55: {  	_ =	shalt  }
0x56: {  	_ =	shalt  }
0x57: {  	_ =	shalt  }
0x58: {  	_ =	shalt  }
0x59: {  	_ =	shalt  }
0x5a: {  	_ =	shalt  }
0x5b: {  	_ =	shalt  }
0x5c: {  	_ =	shalt  }
0x5d: {  	_ =	shalt  }
0x5e: {  	_ =	shalt  }
0x5f: {  	_ =	shalt  }
0x60: {  	_ =	shalt  }
0x61: {  	_ =	shalt  }
0x62: {  	_ =	shalt  }
0x63: {  	_ =	shalt  }
0x64: {  	_ =	shalt  }
0x65: {  	_ =	shalt  }
0x66: {  	_ =	shalt  }
0x67: {  	_ =	shalt  }
0x68: {  	_ =	shalt  }
0x69: {  	_ =	shalt  }
0x6a: {  	_ =	shalt  }
0x6b: {  	_ =	shalt  }
0x6c: {  	_ =	shalt  }
0x6d: {  	_ =	shalt  }
0x6e: {  	_ =	shalt  }
0x6f: {  	_ =	shalt  }
0x70: {  	_ =	shalt  }
0x71: {  	_ =	shalt  }
0x72: {  	_ =	shalt  }
0x73: {  	_ =	shalt  }
0x74: {  	_ =	shalt  }
0x75: {  	_ =	shalt  }
0x76: {  	_ =	shalt  }
0x77: {  	_ =	shalt  }
0x78: {  	_ =	shalt  }
0x79: {  	_ =	shalt  }
0x7a: {  	_ =	shalt  }
0x7b: {  	_ =	shalt  }
0x7c: {  	_ =	shalt  }
0x7d: {  	_ =	shalt  }
0x7e: {  	_ =	shalt  }
0x7f: {  	_ =	shalt  }
0x80: {  	_ =	shalt  }
0x81: {  	_ =	shalt  }
0x82: {  	_ =	shalt  }
0x83: {  	_ =	shalt  }
0x84: {  	_ =	shalt  }
0x85: {  	_ =	shalt  }
0x86: {  	_ =	shalt  }
0x87: {  	_ =	shalt  }
.Lfunc_end0:
.L_simem_size_0:
called_computation.2_lowered:
.L_overlay_start_0:
0x88: {  	s2 =	sld [smem:$0x3FD9]  }
0x89: {  	s3 =	sld [smem:$0x3FFE];
	_ =	sdelay $0x1  }
0x8a: {  	s1 =	srdreg.scid  }
0x8b: {  	s0 =	sand.u32 $0x1, s1  }
0x8c: {  	s14 =	sshll.u32 s0, $0xA;
	s2 =	sadd.s32 s3, s2  }
0x8d: {  	s2 =	sadd.s32 s2, s14  }
0x8e: {  	[smem:$0x3FBF] =	sst s2  }
0x8f: {  	_ = 	snop  }
0x90: {  	s2 =	sld [smem:$0x3FD0];
	_ =	sdelay $0x2  }
0x91: {  	s15 =	simm.s32 $0xA;
	s4 =	simm.s32 $0x10  }
0x92: {  	[smem:s4], [sflag:s15] =	dma.local [hbm:s2], $0x1  }
0x93: {  	_ =	swait.eq [sflag:s15], $0x1  }
0x94: {  	[sflag:s15] =	ssyncset.done $0x0  }
0x95: {  	s16 =	sld [smem:$0x10];
	[sflag:s15] =	ssyncadd.s32 $0xFFFFFFFF  }
0x96: {  	s17 =	sld [smem:$0x11];
	(tm) =	ssettm $0x1  }
0x97: {  	s18 =	sld [smem:$0x3FFB];
	_ =	sdelay $0x3  }
0x98: {  	_ =	strace s18  }
0x99: {  	s4 =	sld [smem:$0x3FFC];
	_ =	sdelay $0x3  }
0x9a: {  	_ =	strace s4  }
0x9b: {  	s4 =	sld [smem:$0x3FFD];
	_ =	sdelay $0x3  }
0x9c: {  	_ =	strace s4  }
0x9d: {  	_ =	strace $0x8FFFFFFF  }
0x9e: {  	s19 =	sld [smem:$0x3FDB];
	_ =	sdelay $0x1  }
0x9f: {  	s5 =	simm.s32 $_scs_section_size  }
0xa0: {  	s6 =	simm.s32 $_size__tile_overlayer_lowered;
	s7 =	simm.s32 $_tile_overlayer_lowered  }
0xa1: {  	s22 =	simm.s32 $0x1BFF;
	s21 =	sshll.u32 s7, $0x1;
	s4 =	sadd.s32 s5, s19  }
0xa2: {  	s8 =	simm.s32 $0x0;
	s20 =	sshll.u32 s6, $0x1;
	s6 =	sadd.s32 s21, s4  }
0xa3: {  	[timem:s8], [sflag:s22] =	dma.local [hbm:s6], s20  }
0xa4: {  	_ =	swait.ge [sflag:s22], s20  }
0xa5: {  	s5 =	ssub.s32 $0x0, s20;
	[sflag:s22] =	ssyncset.done $0x0  }
0xa6: {  	[sflag:s22] =	ssyncadd.s32 s5;
	_ =	sdelay $0x1  }
0xa7: {  	s23 =	simm.s32 $0x1B8B  }
0xa8: {  	_ =	swait.ge [sflag:s23], $0x1  }
0xa9: {  	[sflag:s23] =	ssyncset.done $0x0  }
0xaa: {  	s25 =	simm.s32 $0x1B8E;
	s24 =	sld [smem:$0x3FFE];
	[sflag:s23] =	ssyncadd.s32 $0xFFFFFFFF  }
0xab: {  	s26 =	simm.s32 $execute0_lowered;
	[smem:$0x3FD2] =	sst s25  }
0xac: {  	s6 =	sshll.u32 s26, $0x1;
	_ =	strace $0x8000004C;
	[dreg:$0x1] =	wrdreg $0xFFFFFFFF  }
0xad: {  	s28 =	simm.s32 $_size_execute0_lowered;
	s4 =	sadd.s32 s4, s6;
	[dreg:$0x0] =	wrdreg $0x0  }
0xae: {  	s6 =	sshll.u32 s28, $0x1;
	[dreg:$0x2] =	wrdreg s4  }
0xaf: {  	[dreg:$0x3] =	wrdreg s6  }
0xb0: {  	[dreg:$0x4] =	wrdreg $0xC0  }
0xb1: {  	_ =	task [dreg:s8], $0x5FFFF  }
0xb2: {  	[dreg:$0x1] =	wrdreg $0xFFFFFFFF  }
0xb3: {  	[dreg:$0x0] =	wrdreg $0x60  }
0xb4: {  	[dreg:$0x2] =	wrdreg s17  }
0xb5: {  	[dreg:$0x3] =	wrdreg s16  }
0xb6: {  	[dreg:$0x4] =	wrdreg s24  }
0xb7: {  	[dreg:$0x5] =	wrdreg $0xA8000  }
0xb8: {  	[dreg:$0x6] =	wrdreg $0x9  }
0xb9: {  	_ =	task.clear_ibuf [dreg:s8], $0x7FFFF;
	_ =	strace $0x9000004C  }
0xba: {  	s29 =	simm.s32 $0x9;
	_ =	strace $0x8000004E  }
0xbb: {  	_ =	swait.ge [sflag:s29], $0x1  }
0xbc: {  	[sflag:s29] =	ssyncadd.s32 $0xFFFFFFFF  }
0xbd: {  	_ =	strace $0x9000004E  }
0xbe: {  	_ =	sfence  }
0xbf: {  	s30 =	sld [smem:$0x0];
	_ =	sdelay $0x2  }
0xc0: {  	s31 =	sshll.u32 s1, $0xD;
	s1 =	sshrl.u32 s1, $0x2  }
0xc1: {  	s3 =	sand.u32 $0x4000, s31;
	s1 =	sadd.s32 s1, s30  }
0xc2: {  	s0 =	sor.u32 s3, s0;
	s1 =	sshll.u32 s1, $0x11  }
0xc3: {  	s0 =	sor.u32 s1, s0  }
0xc4: {  	s0 =	sadd.s32 $0x8F2B, s0  }
0xc5: {  	[sflag:s0] =	ssyncadd.remote.s32 $0x1  }
0xc6: {  	_ =	sfence.sel $0xFFFF  }
0xc7: {  	[dreg:$0x0] =	wrdreg $0xFFFFFFFF;
	(pc) =	sbr.abs _section_cstart, $3  }
0xc8: {  	[dreg:$0x1] =	wrdreg $0xFFFFFFFF  }
0xc9: {  	_ =	task.clear_ibuf [dreg:s8], $0x2FFFF;
	_ =	strace $0x9FFFFFFF  }
0xca: {  	(tm) =	ssettm $0x7FFFFFFF  }
0xcb: {  	_ =	shalt  }
tec
execute0_lowered:
.L_overlay_start_1:
0x0: {  	(tag) =	ssettag $0x1  }
0x1: {  	s1 =	rddreg [dreg:$0x0]  }
0x2: {  	s9 =	rddreg [dreg:$0x1]  }
0x3: {  	s6 =	rddreg [dreg:$0x2]  }
0x4: {  	s2 =	rddreg [dreg:$0x3];
	s3 =	srdreg.scid  }
0x5: {  	s0 =	rddreg [dreg:$0x4];
	s4 =	simm.s32 $0x0;
	s16 =	simm.s32 $0x7D  }
0x6: {  	s17 =	simm.s32 $0x2800;
	s18 =	simm.s32 $0x6800;
	s19 =	simm.s32 $0x1  }
0x7: {  	s20 =	simm.s32 $0x2;
	s21 =	simm.s32 $0x1380;
	s22 =	simm.s32 $0x2700  }
0x8: {  	s23 =	simm.s32 $0x2780;
	s7 =	sand.u32 $0x1, s3;
	s3 =	stileid.u32  }
0x9: {  	s24 =	simm.s32 $0x0;
	[smem:$0x7FF] =	sst s4;
	s8 =	smul.u32 $0x140000, s7  }
0xa: {  	s11 =	sadd.s32 $0x5A00, s6;
	s5 =	sadd.s32 $0xB1400, s6;
	s10 =	smul.u32 $0x14000, s3  }
0xb: {  	_ =	strace $0x8000004D;
	s25 =	sshll.u32 s7, $0x4;
	s7 =	ssub.s32 $0x2, s7  }
0xc: {  	s12 =	smul.u32 $0x50000, s3;
	s28 =	sshll.u32 s3, $0x6;
	s13 =	sshrl.u32 s7, $0x1  }
0xd: {  	s8 =	sadd.s32 s10, s8;
	s10 =	sor.u32 s3, s25;
	s13 =	ssub.s32 s7, s13  }
0xe: {  	s26 =	sshrl.u32 s12, $0x2;
	s8 =	sshrl.u32 s8, $0x3;
	s14 =	smul.u32 $0x2800, s10  }
0xf: {  	s29 =	smul.u32 $0x500, s10;
	s31 =	sadd.s32 s26, s2;
	s12 =	smax.u32 s13, $0x1  }
0x10: {  	s15 =	sadd.s32 s8, s6;
	s6 =	sor.u32 $0x1C03, s28;
	s30 =	sshrl.u32 s14, $0x3  }
0x11: {  	s13 =	sshrl.u32 s31, $0x3;
	s7 =	sadd.s32 s9, s29;
	s10 =	sadd.s32 $0x280, s30  }
0x12: {  	s8 =	sadd.s32 s11, s29;
	s14 =	simm.s32 $0x3;
	s9 =	sadd.s32 s9, s10  }
0x13: {  	s10 =	sadd.s32 s11, s10;
	s11 =	sadd.s32 $0xDBC00, s15;
	s15 =	simm.s32 $0x1400  }
.LBB2_1:
0x14: {  	[spmem:s13], [sflag:s6] =	dma.local [hbm:s5], $0x2800  }
0x15: {  	_ =	swait.ge [sflag:s14], $0x2800  }
0x16: {  	[sflag:s14] =	ssyncset.done $0x0  }
0x17: {  	[sflag:s14] =	ssyncadd.s32 $0xFFFFD800  }
0x18: {  	[bflag:$0x0] =	sbarrier.arrive $0xFFFF  }
0x19: {  	[tilespmem:s4], [sflag:$0x3] =	stream.linear.gather [hbm4b:s7+s4], $0x1400, $0x38;
	[tilespmem:$0x1E800] =	vst v63  }
0x1a: {  	_ =	swait.ge [sflag:s14], $0x1400  }
0x1b: {  	[sflag:s14] =	ssyncset.done $0x0  }
0x1c: {  	[sflag:s14] =	ssyncadd.s32 $0xFFFFEC00  }
0x1d: {  	[tilespmem:s15], [sflag:$0x3] =	stream.linear.gather [hbm4b:s8+s4], $0x1400, $0x38;
	[tilespmem:$0x1E800] =	vst v63  }
0x1e: {  	_ =	swait.ge [sflag:s14], $0x1400  }
0x1f: {  	[sflag:s14] =	ssyncset.done $0x0  }
0x20: {  	[sflag:s14] =	ssyncadd.s32 $0xFFFFEC00  }
0x21: {  	[tilespmem:s17], [sflag:$0x1] =	stream.indirect.gather [hbm4b:s1+s16], $0x80, s4, s16, $0xb8;
	[tilespmem:$0x1E800] =	vst v63  }
0x22: {  	s25 =	simm.s32 $0x80  }
0x23: {  	[tilespmem:s18], [sflag:$0x2] =	stream.indirect.gather [hbm4b:s1+s16], $0x80, s25, s16, $0xb8;
	[tilespmem:$0x1E800] =	vst v63  }
0x24: {  	_ =	swait.ge [sflag:s19], $0x3E80  }
0x25: {  	[sflag:s19] =	ssyncset.done $0x0  }
0x26: {  	s29 =	simm.s32 $0x1400;
	[sflag:s19] =	ssyncadd.s32 $0xFFFFC180  }
0x27: {  	[spmem:s2] =	stream.indirect.scatter.add.f32 [tilespmem:s17], [sflag:$0x3], $0x80, s29, s16, $0xb8;
	[tilespmem:$0x1E800] =	vst v63  }
0x28: {  	_ =	swait.ge [sflag:s14], $0x3E80  }
0x29: {  	[sflag:s14] =	ssyncset.done $0x0  }
0x2a: {  	s30 =	simm.s32 $0x100;
	[sflag:s14] =	ssyncadd.s32 $0xFFFFC180  }
0x2b: {  	[tilespmem:s17], [sflag:$0x1] =	stream.indirect.gather [hbm4b:s1+s16], $0x80, s30, s16, $0xb8;
	[tilespmem:$0x1E800] =	vst v63  }
0x2c: {  	_ =	swait.ge [sflag:s20], $0x3E80  }
0x2d: {  	[sflag:s20] =	ssyncset.done $0x0  }
0x2e: {  	s31 =	simm.s32 $0x1480;
	[sflag:s20] =	ssyncadd.s32 $0xFFFFC180  }
0x2f: {  	[spmem:s2] =	stream.indirect.scatter.add.f32 [tilespmem:s18], [sflag:$0x3], $0x80, s31, s16, $0xb8;
	[tilespmem:$0x1E800] =	vst v63  }
0x30: {  	_ =	swait.ge [sflag:s14], $0x3E80  }
0x31: {  	s26 =	simm.s32 $0x800;
	s25 =	simm.s32 $0x100;
	[sflag:s14] =	ssyncset.done $0x0  }
.LBB2_2:
0x32: {  	s28 =	sadd.s32 $0x80, s25  }
0x33: {  	[sflag:s14] =	ssyncadd.s32 $0xFFFFC180;
	s29 =	smov.u32 s26;
	s30 =	sadd.s32 $0x400, s26  }
0x34: {  	[tilespmem:s18], [sflag:$0x2] =	stream.indirect.gather [hbm4b:s1+s16], $0x80, s28, s16, $0xb8;
	[tilespmem:$0x1E800] =	vst v63  }
0x35: {  	p0 =	sne.s32 s26, $0x4800;
	_ =	swait.ge [sflag:s19], $0x3E80  }
0x36: {  	[sflag:s19] =	ssyncset.done $0x0  }
0x37: {  	s26 =	sadd.s32 $0x1400, s25;
	[sflag:s19] =	ssyncadd.s32 $0xFFFFC180  }
0x38: {  	[spmem:s2] =	stream.indirect.scatter.add.f32 [tilespmem:s17], [sflag:$0x3], $0x80, s26, s16, $0xb8;
	[tilespmem:$0x1E800] =	vst v63  }
0x39: {  	_ =	swait.ge [sflag:s14], $0x3E80  }
0x3a: {  	[sflag:s14] =	ssyncset.done $0x0  }
0x3b: {  	s26 =	sadd.s32 $0x100, s25;
	[sflag:s14] =	ssyncadd.s32 $0xFFFFC180  }
0x3c: {  	[tilespmem:s17], [sflag:$0x1] =	stream.indirect.gather [hbm4b:s1+s16], $0x80, s26, s16, $0xb8;
	[tilespmem:$0x1E800] =	vst v63  }
0x3d: {  	_ =	swait.ge [sflag:s20], $0x3E80  }
.Ltmp0:
0x3e: {  	[sflag:s20] =	ssyncset.done $0x0;
	(pc) =	sbr.rel @p0 .LBB2_2-.Ltmp0, $4  }
0x3f: {  	s25 =	sadd.s32 $0x1480, s25;
	[sflag:s20] =	ssyncadd.s32 $0xFFFFC180  }
0x40: {  	[spmem:s2] =	stream.indirect.scatter.add.f32 [tilespmem:s18], [sflag:$0x3], $0x80, s25, s16, $0xb8;
	[tilespmem:$0x1E800] =	vst v63  }
0x41: {  	_ =	swait.ge [sflag:s14], $0x3E80  }
0x42: {  	s26 =	smov.u32 s30;
	s25 =	sshra.s32 s29, $0x2;
	[sflag:s14] =	ssyncset.done $0x0  }
0x43: {  	s26 =	sadd.s32 $0x80, s25;
	[sflag:s14] =	ssyncadd.s32 $0xFFFFC180  }
0x44: {  	[tilespmem:s18], [sflag:$0x2] =	stream.indirect.gather [hbm4b:s1+s16], $0x80, s26, s16, $0xb8;
	[tilespmem:$0x1E800] =	vst v63  }
0x45: {  	_ =	swait.ge [sflag:s19], $0x3E80  }
0x46: {  	[sflag:s19] =	ssyncset.done $0x0  }
0x47: {  	s29 =	sadd.s32 $0x1400, s25;
	[sflag:s19] =	ssyncadd.s32 $0xFFFFC180  }
0x48: {  	[spmem:s2] =	stream.indirect.scatter.add.f32 [tilespmem:s17], [sflag:$0x3], $0x80, s29, s16, $0xb8;
	[tilespmem:$0x1E800] =	vst v63  }
0x49: {  	_ =	swait.ge [sflag:s14], $0x3E80  }
0x4a: {  	[sflag:s14] =	ssyncset.done $0x0  }
0x4b: {  	s30 =	sadd.s32 $0x100, s25;
	[sflag:s14] =	ssyncadd.s32 $0xFFFFC180  }
0x4c: {  	[tilespmem:s17], [sflag:$0x1] =	stream.indirect.gather [hbm4b:s1+s16], $0x80, s30, s16, $0xb8;
	[tilespmem:$0x1E800] =	vst v63  }
0x4d: {  	_ =	swait.ge [sflag:s20], $0x3E80  }
0x4e: {  	[sflag:s20] =	ssyncset.done $0x0  }
0x4f: {  	s31 =	sadd.s32 $0x1480, s25;
	[sflag:s20] =	ssyncadd.s32 $0xFFFFC180  }
0x50: {  	[spmem:s2] =	stream.indirect.scatter.add.f32 [tilespmem:s18], [sflag:$0x3], $0x80, s31, s16, $0xb8;
	[tilespmem:$0x1E800] =	vst v63  }
0x51: {  	_ =	swait.ge [sflag:s14], $0x3E80  }
0x52: {  	[sflag:s14] =	ssyncset.done $0x0  }
0x53: {  	[sflag:s14] =	ssyncadd.s32 $0xFFFFC180  }
0x54: {  	[tilespmem:s18], [sflag:$0x2] =	stream.indirect.gather [hbm4b:s1+s16], $0x80, s21, s16, $0xb8;
	[tilespmem:$0x1E800] =	vst v63  }
0x55: {  	_ =	swait.ge [sflag:s19], $0x3E80  }
0x56: {  	[sflag:s19] =	ssyncset.done $0x0  }
0x57: {  	[sflag:s19] =	ssyncadd.s32 $0xFFFFC180  }
0x58: {  	[spmem:s2] =	stream.indirect.scatter.add.f32 [tilespmem:s17], [sflag:$0x3], $0x80, s22, s16, $0xb8;
	[tilespmem:$0x1E800] =	vst v63  }
0x59: {  	_ =	swait.ge [sflag:s14], $0x3E80  }
0x5a: {  	[sflag:s14] =	ssyncset.done $0x0  }
0x5b: {  	[sflag:s14] =	ssyncadd.s32 $0xFFFFC180  }
0x5c: {  	_ =	swait.ge [sflag:s20], $0x3E80  }
0x5d: {  	[sflag:s20] =	ssyncset.done $0x0  }
0x5e: {  	[sflag:s20] =	ssyncadd.s32 $0xFFFFC180  }
0x5f: {  	[spmem:s2] =	stream.indirect.scatter.add.f32 [tilespmem:s18], [sflag:$0x3], $0x80, s23, s16, $0xb8;
	[tilespmem:$0x1E800] =	vst v63  }
0x60: {  	_ =	swait.ge [sflag:s14], $0x3E80  }
0x61: {  	[sflag:s14] =	ssyncset.done $0x0  }
0x62: {  	s26 =	simm.s32 $0x0;
	[sflag:s14] =	ssyncadd.s32 $0xFFFFC180  }
0x63: {  	[tilespmem:s26], [sflag:$0x3] =	stream.linear.gather [hbm4b:s9+s26], $0x1400, $0x38;
	[tilespmem:$0x1E800] =	vst v63  }
0x64: {  	_ =	swait.ge [sflag:s14], $0x1400  }
0x65: {  	[sflag:s14] =	ssyncset.done $0x0  }
0x66: {  	[sflag:s14] =	ssyncadd.s32 $0xFFFFEC00  }
0x67: {  	[tilespmem:s15], [sflag:$0x3] =	stream.linear.gather [hbm4b:s10+s26], $0x1400, $0x38;
	[tilespmem:$0x1E800] =	vst v63  }
0x68: {  	_ =	swait.ge [sflag:s14], $0x1400  }
0x69: {  	[sflag:s14] =	ssyncset.done $0x0  }
0x6a: {  	[sflag:s14] =	ssyncadd.s32 $0xFFFFEC00  }
0x6b: {  	[tilespmem:s17], [sflag:$0x1] =	stream.indirect.gather [hbm4b:s1+s16], $0x80, s26, s16, $0xb8;
	[tilespmem:$0x1E800] =	vst v63  }
0x6c: {  	s28 =	simm.s32 $0x80  }
0x6d: {  	[tilespmem:s18], [sflag:$0x2] =	stream.indirect.gather [hbm4b:s1+s16], $0x80, s28, s16, $0xb8;
	[tilespmem:$0x1E800] =	vst v63  }
0x6e: {  	_ =	swait.ge [sflag:s19], $0x3E80  }
0x6f: {  	[sflag:s19] =	ssyncset.done $0x0  }
0x70: {  	s29 =	simm.s32 $0x1400;
	[sflag:s19] =	ssyncadd.s32 $0xFFFFC180  }
0x71: {  	[spmem:s2] =	stream.indirect.scatter.add.f32 [tilespmem:s17], [sflag:$0x3], $0x80, s29, s16, $0xb8;
	[tilespmem:$0x1E800] =	vst v63  }
0x72: {  	_ =	swait.ge [sflag:s14], $0x3E80  }
0x73: {  	[sflag:s14] =	ssyncset.done $0x0  }
0x74: {  	s30 =	simm.s32 $0x100;
	[sflag:s14] =	ssyncadd.s32 $0xFFFFC180  }
0x75: {  	[tilespmem:s17], [sflag:$0x1] =	stream.indirect.gather [hbm4b:s1+s16], $0x80, s30, s16, $0xb8;
	[tilespmem:$0x1E800] =	vst v63  }
0x76: {  	_ =	swait.ge [sflag:s20], $0x3E80  }
0x77: {  	[sflag:s20] =	ssyncset.done $0x0  }
0x78: {  	s31 =	simm.s32 $0x1480;
	[sflag:s20] =	ssyncadd.s32 $0xFFFFC180  }
0x79: {  	[spmem:s2] =	stream.indirect.scatter.add.f32 [tilespmem:s18], [sflag:$0x3], $0x80, s31, s16, $0xb8;
	[tilespmem:$0x1E800] =	vst v63  }
0x7a: {  	_ =	swait.ge [sflag:s14], $0x3E80  }
0x7b: {  	s25 =	simm.s32 $0x100;
	s26 =	simm.s32 $0x800;
	[sflag:s14] =	ssyncset.done $0x0  }
.LBB2_4:
0x7c: {  	s28 =	sadd.s32 $0x80, s25  }
0x7d: {  	[sflag:s14] =	ssyncadd.s32 $0xFFFFC180;
	s29 =	smov.u32 s26;
	s30 =	sadd.s32 $0x400, s26  }
0x7e: {  	[tilespmem:s18], [sflag:$0x2] =	stream.indirect.gather [hbm4b:s1+s16], $0x80, s28, s16, $0xb8;
	[tilespmem:$0x1E800] =	vst v63  }
0x7f: {  	p0 =	sne.s32 s26, $0x4800;
	_ =	swait.ge [sflag:s19], $0x3E80  }
0x80: {  	[sflag:s19] =	ssyncset.done $0x0  }
0x81: {  	s26 =	sadd.s32 $0x1400, s25;
	[sflag:s19] =	ssyncadd.s32 $0xFFFFC180  }
0x82: {  	[spmem:s2] =	stream.indirect.scatter.add.f32 [tilespmem:s17], [sflag:$0x3], $0x80, s26, s16, $0xb8;
	[tilespmem:$0x1E800] =	vst v63  }
0x83: {  	_ =	swait.ge [sflag:s14], $0x3E80  }
0x84: {  	[sflag:s14] =	ssyncset.done $0x0  }
0x85: {  	s26 =	sadd.s32 $0x100, s25;
	[sflag:s14] =	ssyncadd.s32 $0xFFFFC180  }
0x86: {  	[tilespmem:s17], [sflag:$0x1] =	stream.indirect.gather [hbm4b:s1+s16], $0x80, s26, s16, $0xb8;
	[tilespmem:$0x1E800] =	vst v63  }
0x87: {  	_ =	swait.ge [sflag:s20], $0x3E80  }
.Ltmp1:
0x88: {  	[sflag:s20] =	ssyncset.done $0x0;
	(pc) =	sbr.rel @p0 .LBB2_4-.Ltmp1, $4  }
0x89: {  	s25 =	sadd.s32 $0x1480, s25;
	[sflag:s20] =	ssyncadd.s32 $0xFFFFC180  }
0x8a: {  	[spmem:s2] =	stream.indirect.scatter.add.f32 [tilespmem:s18], [sflag:$0x3], $0x80, s25, s16, $0xb8;
	[tilespmem:$0x1E800] =	vst v63  }
0x8b: {  	_ =	swait.ge [sflag:s14], $0x3E80  }
0x8c: {  	s26 =	smov.u32 s30;
	s25 =	sshra.s32 s29, $0x2;
	[sflag:s14] =	ssyncset.done $0x0  }
0x8d: {  	s26 =	sadd.s32 $0x80, s25;
	[sflag:s14] =	ssyncadd.s32 $0xFFFFC180  }
0x8e: {  	[tilespmem:s18], [sflag:$0x2] =	stream.indirect.gather [hbm4b:s1+s16], $0x80, s26, s16, $0xb8;
	[tilespmem:$0x1E800] =	vst v63  }
0x8f: {  	_ =	swait.ge [sflag:s19], $0x3E80  }
0x90: {  	[sflag:s19] =	ssyncset.done $0x0  }
0x91: {  	s29 =	sadd.s32 $0x1400, s25;
	[sflag:s19] =	ssyncadd.s32 $0xFFFFC180  }
0x92: {  	[spmem:s2] =	stream.indirect.scatter.add.f32 [tilespmem:s17], [sflag:$0x3], $0x80, s29, s16, $0xb8;
	[tilespmem:$0x1E800] =	vst v63  }
0x93: {  	_ =	swait.ge [sflag:s14], $0x3E80  }
0x94: {  	[sflag:s14] =	ssyncset.done $0x0  }
0x95: {  	s30 =	sadd.s32 $0x100, s25;
	[sflag:s14] =	ssyncadd.s32 $0xFFFFC180  }
0x96: {  	[tilespmem:s17], [sflag:$0x1] =	stream.indirect.gather [hbm4b:s1+s16], $0x80, s30, s16, $0xb8;
	[tilespmem:$0x1E800] =	vst v63  }
0x97: {  	_ =	swait.ge [sflag:s20], $0x3E80  }
0x98: {  	[sflag:s20] =	ssyncset.done $0x0  }
0x99: {  	s31 =	sadd.s32 $0x1480, s25;
	[sflag:s20] =	ssyncadd.s32 $0xFFFFC180  }
0x9a: {  	[spmem:s2] =	stream.indirect.scatter.add.f32 [tilespmem:s18], [sflag:$0x3], $0x80, s31, s16, $0xb8;
	[tilespmem:$0x1E800] =	vst v63  }
0x9b: {  	_ =	swait.ge [sflag:s14], $0x3E80  }
0x9c: {  	[sflag:s14] =	ssyncset.done $0x0  }
0x9d: {  	[sflag:s14] =	ssyncadd.s32 $0xFFFFC180  }
0x9e: {  	[tilespmem:s18], [sflag:$0x2] =	stream.indirect.gather [hbm4b:s1+s16], $0x80, s21, s16, $0xb8;
	[tilespmem:$0x1E800] =	vst v63  }
0x9f: {  	_ =	swait.ge [sflag:s19], $0x3E80  }
0xa0: {  	[sflag:s19] =	ssyncset.done $0x0  }
0xa1: {  	[sflag:s19] =	ssyncadd.s32 $0xFFFFC180  }
0xa2: {  	[spmem:s2] =	stream.indirect.scatter.add.f32 [tilespmem:s17], [sflag:$0x3], $0x80, s22, s16, $0xb8;
	[tilespmem:$0x1E800] =	vst v63  }
0xa3: {  	_ =	swait.ge [sflag:s14], $0x3E80  }
0xa4: {  	[sflag:s14] =	ssyncset.done $0x0  }
0xa5: {  	[sflag:s14] =	ssyncadd.s32 $0xFFFFC180  }
0xa6: {  	_ =	swait.ge [sflag:s20], $0x3E80  }
0xa7: {  	[sflag:s20] =	ssyncset.done $0x0  }
0xa8: {  	[sflag:s20] =	ssyncadd.s32 $0xFFFFC180  }
0xa9: {  	[spmem:s2] =	stream.indirect.scatter.add.f32 [tilespmem:s18], [sflag:$0x3], $0x80, s23, s16, $0xb8;
	[tilespmem:$0x1E800] =	vst v63  }
0xaa: {  	_ =	swait.ge [sflag:s14], $0x3E80  }
0xab: {  	s24 =	sadd.s32 $0x1, s24;
	[sflag:s14] =	ssyncset.done $0x0  }
0xac: {  	p0 =	sne.s32 s24, s12;
	[sflag:s14] =	ssyncadd.s32 $0xFFFFC180  }
.Ltmp2:
0xad: {  	[bflag:$0x0] =	sbarrier.arrive $0xFFFF;
	(pc) =	sbr.rel @p0 .LBB2_1-.Ltmp2, $4  }
0xae: {  	[hbm:s11], [sflag:s6] =	dma.local [spmem:s13], $0x2800  }
0xaf: {  	_ =	swait.ge [sflag:s14], $0x2800  }
0xb0: {  	[sflag:s14] =	ssyncset.done $0x0  }
0xb1: {  	[sflag:s14] =	ssyncadd.s32 $0xFFFFD800  }
0xb2: {  	_ =	sfence.sel $0x180000  }
0xb3: {  	[bflag:$0x0] =	sbarrier.arrive $0xFFFF  }
0xb4: {  	p0 =	sne.s32 s3, $0x0;
	_ =	strace $0x9000004D  }
0xb5: {  	s0 =	sadd.s32 @!p0 $0x100000, s0;
	[bflag:$0x2] =	sbarrier.arrive $0xFFFF  }
0xb6: {  	[sflag:s0] =	ssyncadd.tile.s32 @!p0 $0x1;
	_ =	shalt  }
.Lfunc_end2:
_tile_overlayer_lowered:
.L_overlay_start_2:
0xb7: {  	(tag) =	ssettag $0x2  }
0xb8: {  	s0 =	rddreg [dreg:$0x0];
	s2 =	stileid.u32  }
0xb9: {  	s1 =	rddreg [dreg:$0x1];
	p0 =	sne.s32 s2, $0x0  }
0xba: {  	s3 =	rddreg [dreg:$0x2];
	[bflag:$0x3] =	sbarrier.arrive $0xFFFF;
	s2 =	simm.s32 @!p0 $0x1C03  }
0xbb: {  	[timem:s3], [sflag:s2] =	dma.local @!p0 [hbm:s0], s1  }
0xbc: {  	s0 =	simm.s32 @!p0 $0x3  }
0xbd: {  	_ =	swait.ge @!p0 [sflag:s0], s1  }
0xbe: {  	s1 =	ssub.s32 @!p0 $0x0, s1;
	[sflag:s0] =	ssyncset.done @!p0 $0x0  }
0xbf: {  	[sflag:s0] =	ssyncadd.s32 @!p0 s1  }
0xc0: {  	[bflag:$0x3] =	sbarrier.arrive $0xFFFF  }
0xc1: {  	_ =	shalt  }

// kernel: kernel.22.cloned.1.call-start
scs
__scs_entry_jumppad:
0x0: {  	(pc) =	sbr.rel $0x88, $3  }
0x1: {  	(tag) =	ssettag $0x0;
	lr =	simm.s32 $0x1  }
0x2: {  	[smem:$0x3F98] =	sst lr;
	_ =	strace $0xD0000000  }
0x3: {  	_ = 	snop  }
0x4: {  	_ = 	snop  }
0x5: {  	_ = 	snop  }
0x6: {  	_ = 	snop  }
0x7: {  	_ = 	snop  }
__scs_overlays_trampoline_lowered:
0x8: {  	[smem:$0x3FA7] =	sst s0  }
0x9: {  	[smem:$0x3FA8] =	sst s1  }
0xa: {  	[smem:$0x3FA9] =	sst s2  }
0xb: {  	[smem:$0x3FAA] =	sst s3  }
0xc: {  	[smem:$0x3FAB] =	sst s4  }
0xd: {  	[smem:$0x3FAC] =	sst s5  }
0xe: {  	[smem:$0x3FAD] =	sst s6  }
0xf: {  	[smem:$0x3FAE] =	sst s7  }
0x10: {  	[smem:$0x3FAF] =	sst s8  }
0x11: {  	[smem:$0x3FB0] =	sst s9;
	s0 =	simm.s32 @!p0 $0x0  }
0x12: {  	s1 =	sld [smem:$0x3F96];
	s0 =	simm.s32 @p0 $0x1  }
0x13: {  	[smem:$0x3FB1] =	sst s0;
	s0 =	simm.s32 @!p1 $0x0  }
0x14: {  	s2 =	sld [smem:$0x3F95];
	s0 =	simm.s32 @p1 $0x1  }
0x15: {  	[smem:$0x3FB2] =	sst s0;
	s0 =	simm.s32 @!p2 $0x0  }
0x16: {  	s3 =	sld [smem:$0x3FDB];
	s0 =	simm.s32 @p2 $0x1  }
0x17: {  	s4 =	simm.s32 $0x1BF5;
	[smem:$0x3FB4] =	sst s0  }
0x18: {  	s0 =	sld [smem:$0x3F97];
	_ =	swait.ge [sflag:s4], $0x0  }
0x19: {  	s7 =	sld [smem:$0x3F98]  }
0x1a: {  	s8 =	sadd.s32 $0xFFFFE003, lr  }
0x1b: {  	s9 =	sadd.s32 $0xFFFFFEF7, lr;
	s5 =	simm.s32 $0xFFFFFFFF;
	p2 =	slt.u32 s8, $0xFFFFF086  }
0x1c: {  	p1 =	slt.u32 s9, $0xF7A;
	s5 =	simm.s32 @!p2 $0x0  }
0x1d: {  	s5 =	simm.s32 @p1 $0x1;
	p0 =	seq.s32 s7, s2  }
0x1e: {  	s7 =	smul.u32 @!p0 $0xF7A, s2;
	p2 =	seq.s32 @!p0 s5, $0x0  }
0x1f: {  	s9 =	smul.u32 $0xF7A, s1;
	s8 =	simm.s32 @!p0 $0x1BF5;
	p2 =	por !p2, p0  }
0x20: {  	[sflag:s8] =	ssyncset.s32 @!p0 $0xFFFFF086;
	s6 =	sadd.s32 @!p0 s3, s7;
	s7 =	simm.s32 @!p0 $0x108  }
0x21: {  	s3 =	sadd.s32 s3, s9;
	s6 =	sadd.s32 @!p0 $0x88, s6;
	s7 =	simm.s32 @p2 $0x1082  }
0x22: {  	[simem:s7], [sflag:s8] =	dma.local @!p0 [hbm:s6], $0xF7A  }
0x23: {  	s9 =	sor.u32 $0xD0000000, s2;
	s6 =	simm.s32 $0x108;
	_ =	swait.ge @!p0 [sflag:s8], $0x0  }
0x24: {  	s3 =	sadd.s32 $0x88, s3;
	s6 =	simm.s32 @!p1 $0x1082;
	[sflag:s4] =	ssyncset.s32 $0xFFFFF086  }
0x25: {  	[simem:s6], [sflag:s4] =	dma.local [hbm:s3], $0xF7A  }
0x26: {  	[smem:$0x3F98] =	sst s1;
	(tag) =	ssettag s2;
	_ =	strace s9  }
0x27: {  	s1 =	sld [smem:$0x3FA8]  }
0x28: {  	s2 =	sld [smem:$0x3FA9]  }
0x29: {  	s4 =	sld [smem:$0x3FAB]  }
0x2a: {  	p0 =	seq.s32 s5, $0x0;
	s5 =	sld [smem:$0x3FAC]  }
0x2b: {  	s6 =	sld [smem:$0x3FAD]  }
0x2c: {  	s7 =	sld [smem:$0x3FAE]  }
0x2d: {  	s3 =	simm.s32 $0x108;
	s8 =	sld [smem:$0x3FAF]  }
0x2e: {  	s3 =	simm.s32 @!p0 $0x1082;
	s9 =	sld [smem:$0x3FB0]  }
0x2f: {  	lr =	sadd.s32 s0, s3;
	s0 =	sld [smem:$0x3FA7]  }
0x30: {  	s3 =	sld [smem:$0x3FAA]  }
0x31: {  	[smem:$0x3FB3] =	sst s10  }
0x32: {  	s10 =	sld [smem:$0x3FB1];
	_ =	sdelay $0x3  }
0x33: {  	p0 =	seq.s32 s10, $0x1;
	s10 =	sld [smem:$0x3FB3];
	_ =	sdelay $0x3  }
0x34: {  	[smem:$0x3FB3] =	sst s10  }
0x35: {  	s10 =	sld [smem:$0x3FB2];
	_ =	sdelay $0x3  }
0x36: {  	p1 =	seq.s32 s10, $0x1;
	s10 =	sld [smem:$0x3FB3];
	_ =	sdelay $0x3  }
0x37: {  	[smem:$0x3FB3] =	sst s10  }
0x38: {  	s10 =	sld [smem:$0x3FB4]  }
0x39: {  	_ = 	snop;
	(pc) =	sbr.ind lr, $3  }
0x3a: {  	_ = 	snop  }
0x3b: {  	_ = 	snop  }
0x3c: {  	p2 =	seq.s32 s10, $0x1;
	s10 =	sld [smem:$0x3FB3]  }
0x3d: {  	_ =	shalt  }
0x3e: {  	_ =	shalt  }
0x3f: {  	_ =	shalt  }
0x40: {  	_ =	shalt  }
0x41: {  	_ =	shalt  }
0x42: {  	_ =	shalt  }
0x43: {  	_ =	shalt  }
0x44: {  	_ =	shalt  }
0x45: {  	_ =	shalt  }
0x46: {  	_ =	shalt  }
0x47: {  	_ =	shalt  }
0x48: {  	_ =	shalt  }
0x49: {  	_ =	shalt  }
0x4a: {  	_ =	shalt  }
0x4b: {  	_ =	shalt  }
0x4c: {  	_ =	shalt  }
0x4d: {  	_ =	shalt  }
0x4e: {  	_ =	shalt  }
0x4f: {  	_ =	shalt  }
0x50: {  	_ =	shalt  }
0x51: {  	_ =	shalt  }
0x52: {  	_ =	shalt  }
0x53: {  	_ =	shalt  }
0x54: {  	_ =	shalt  }
0x55: {  	_ =	shalt  }
0x56: {  	_ =	shalt  }
0x57: {  	_ =	shalt  }
0x58: {  	_ =	shalt  }
0x59: {  	_ =	shalt  }
0x5a: {  	_ =	shalt  }
0x5b: {  	_ =	shalt  }
0x5c: {  	_ =	shalt  }
0x5d: {  	_ =	shalt  }
0x5e: {  	_ =	shalt  }
0x5f: {  	_ =	shalt  }
0x60: {  	_ =	shalt  }
0x61: {  	_ =	shalt  }
0x62: {  	_ =	shalt  }
0x63: {  	_ =	shalt  }
0x64: {  	_ =	shalt  }
0x65: {  	_ =	shalt  }
0x66: {  	_ =	shalt  }
0x67: {  	_ =	shalt  }
0x68: {  	_ =	shalt  }
0x69: {  	_ =	shalt  }
0x6a: {  	_ =	shalt  }
0x6b: {  	_ =	shalt  }
0x6c: {  	_ =	shalt  }
0x6d: {  	_ =	shalt  }
0x6e: {  	_ =	shalt  }
0x6f: {  	_ =	shalt  }
0x70: {  	_ =	shalt  }
0x71: {  	_ =	shalt  }
0x72: {  	_ =	shalt  }
0x73: {  	_ =	shalt  }
0x74: {  	_ =	shalt  }
0x75: {  	_ =	shalt  }
0x76: {  	_ =	shalt  }
0x77: {  	_ =	shalt  }
0x78: {  	_ =	shalt  }
0x79: {  	_ =	shalt  }
0x7a: {  	_ =	shalt  }
0x7b: {  	_ =	shalt  }
0x7c: {  	_ =	shalt  }
0x7d: {  	_ =	shalt  }
0x7e: {  	_ =	shalt  }
0x7f: {  	_ =	shalt  }
0x80: {  	_ =	shalt  }
0x81: {  	_ =	shalt  }
0x82: {  	_ =	shalt  }
0x83: {  	_ =	shalt  }
0x84: {  	_ =	shalt  }
0x85: {  	_ =	shalt  }
0x86: {  	_ =	shalt  }
0x87: {  	_ =	shalt  }
.Lfunc_end0:
.L_simem_size_0:
called_computation.3_lowered:
.L_overlay_start_0:
0x88: {  	s2 =	sld [smem:$0x3FD9]  }
0x89: {  	s3 =	sld [smem:$0x3FFE];
	_ =	sdelay $0x1  }
0x8a: {  	s1 =	srdreg.scid  }
0x8b: {  	s0 =	sand.u32 $0x1, s1  }
0x8c: {  	s14 =	sshll.u32 s0, $0xA;
	s2 =	sadd.s32 s3, s2  }
0x8d: {  	s2 =	sadd.s32 s2, s14  }
0x8e: {  	[smem:$0x3FBF] =	sst s2  }
0x8f: {  	_ = 	snop  }
0x90: {  	s2 =	sld [smem:$0x3FD0];
	_ =	sdelay $0x2  }
0x91: {  	s15 =	simm.s32 $0xA;
	s4 =	simm.s32 $0x10  }
0x92: {  	[smem:s4], [sflag:s15] =	dma.local [hbm:s2], $0x1  }
0x93: {  	_ =	swait.eq [sflag:s15], $0x1  }
0x94: {  	[sflag:s15] =	ssyncset.done $0x0  }
0x95: {  	s16 =	sld [smem:$0x10];
	[sflag:s15] =	ssyncadd.s32 $0xFFFFFFFF  }
0x96: {  	s17 =	sld [smem:$0x11];
	(tm) =	ssettm $0x1  }
0x97: {  	s18 =	sld [smem:$0x3FFB];
	_ =	sdelay $0x3  }
0x98: {  	_ =	strace s18  }
0x99: {  	s4 =	sld [smem:$0x3FFC];
	_ =	sdelay $0x3  }
0x9a: {  	_ =	strace s4  }
0x9b: {  	s4 =	sld [smem:$0x3FFD];
	_ =	sdelay $0x3  }
0x9c: {  	_ =	strace s4  }
0x9d: {  	_ =	strace $0x8FFFFFFF  }
0x9e: {  	s19 =	sld [smem:$0x3FDB];
	_ =	sdelay $0x1  }
0x9f: {  	s5 =	simm.s32 $_scs_section_size  }
0xa0: {  	s6 =	simm.s32 $_size__tile_overlayer_lowered;
	s7 =	simm.s32 $_tile_overlayer_lowered  }
0xa1: {  	s22 =	simm.s32 $0x1BFF;
	s21 =	sshll.u32 s7, $0x1;
	s4 =	sadd.s32 s5, s19  }
0xa2: {  	s8 =	simm.s32 $0x0;
	s20 =	sshll.u32 s6, $0x1;
	s6 =	sadd.s32 s21, s4  }
0xa3: {  	[timem:s8], [sflag:s22] =	dma.local [hbm:s6], s20  }
0xa4: {  	_ =	swait.ge [sflag:s22], s20  }
0xa5: {  	s5 =	ssub.s32 $0x0, s20;
	[sflag:s22] =	ssyncset.done $0x0  }
0xa6: {  	[sflag:s22] =	ssyncadd.s32 s5;
	_ =	sdelay $0x1  }
0xa7: {  	s23 =	simm.s32 $0x1B8B  }
0xa8: {  	_ =	swait.ge [sflag:s23], $0x1  }
0xa9: {  	[sflag:s23] =	ssyncset.done $0x0  }
0xaa: {  	s25 =	simm.s32 $0x1B8E;
	s24 =	sld [smem:$0x3FFE];
	[sflag:s23] =	ssyncadd.s32 $0xFFFFFFFF  }
0xab: {  	s26 =	simm.s32 $execute0_lowered;
	[smem:$0x3FD2] =	sst s25  }
0xac: {  	s6 =	sshll.u32 s26, $0x1;
	_ =	strace $0x8000004F;
	[dreg:$0x1] =	wrdreg $0xFFFFFFFF  }
0xad: {  	s28 =	simm.s32 $_size_execute0_lowered;
	s4 =	sadd.s32 s4, s6;
	[dreg:$0x0] =	wrdreg $0x0  }
0xae: {  	s6 =	sshll.u32 s28, $0x1;
	[dreg:$0x2] =	wrdreg s4  }
0xaf: {  	[dreg:$0x3] =	wrdreg s6  }
0xb0: {  	[dreg:$0x4] =	wrdreg $0xC0  }
0xb1: {  	_ =	task [dreg:s8], $0x5FFFF  }
0xb2: {  	[dreg:$0x1] =	wrdreg $0xFFFFFFFF  }
0xb3: {  	[dreg:$0x0] =	wrdreg $0x60  }
0xb4: {  	[dreg:$0x2] =	wrdreg s17  }
0xb5: {  	[dreg:$0x3] =	wrdreg s24  }
0xb6: {  	[dreg:$0x4] =	wrdreg s16  }
0xb7: {  	[dreg:$0x5] =	wrdreg $0xA8000  }
0xb8: {  	[dreg:$0x6] =	wrdreg $0x9  }
0xb9: {  	_ =	task.clear_ibuf [dreg:s8], $0x7FFFF;
	_ =	strace $0x9000004F  }
0xba: {  	s29 =	simm.s32 $0x9;
	_ =	strace $0x80000051  }
0xbb: {  	_ =	swait.ge [sflag:s29], $0x1  }
0xbc: {  	[sflag:s29] =	ssyncadd.s32 $0xFFFFFFFF  }
0xbd: {  	_ =	strace $0x90000051  }
0xbe: {  	_ =	sfence  }
0xbf: {  	s30 =	sld [smem:$0x0];
	_ =	sdelay $0x2  }
0xc0: {  	s31 =	sshll.u32 s1, $0xD;
	s1 =	sshrl.u32 s1, $0x2  }
0xc1: {  	s3 =	sand.u32 $0x4000, s31;
	s1 =	sadd.s32 s1, s30  }
0xc2: {  	s0 =	sor.u32 s3, s0;
	s1 =	sshll.u32 s1, $0x11  }
0xc3: {  	s0 =	sor.u32 s1, s0  }
0xc4: {  	s0 =	sadd.s32 $0x8F2B, s0  }
0xc5: {  	[sflag:s0] =	ssyncadd.remote.s32 $0x1  }
0xc6: {  	_ =	sfence.sel $0xFFFF  }
0xc7: {  	[dreg:$0x0] =	wrdreg $0xFFFFFFFF;
	(pc) =	sbr.abs _section_cstart, $3  }
0xc8: {  	[dreg:$0x1] =	wrdreg $0xFFFFFFFF  }
0xc9: {  	_ =	task.clear_ibuf [dreg:s8], $0x2FFFF;
	_ =	strace $0x9FFFFFFF  }
0xca: {  	(tm) =	ssettm $0x7FFFFFFF  }
0xcb: {  	_ =	shalt  }
tec
execute0_lowered:
.L_overlay_start_1:
0x0: {  	(tag) =	ssettag $0x1  }
0x1: {  	s1 =	rddreg [dreg:$0x0]  }
0x2: {  	s7 =	rddreg [dreg:$0x1]  }
0x3: {  	s10 =	rddreg [dreg:$0x2]  }
0x4: {  	s2 =	rddreg [dreg:$0x3];
	s3 =	srdreg.scid;
	s4 =	simm.s32 $0x0  }
0x5: {  	s17 =	simm.s32 $0x1400;
	s18 =	simm.s32 $0x7D;
	s19 =	simm.s32 $0x2800  }
0x6: {  	s20 =	simm.s32 $0x6800;
	s21 =	simm.s32 $0x1;
	s22 =	simm.s32 $0x2  }
0x7: {  	s23 =	simm.s32 $0x1380;
	s24 =	simm.s32 $0x2700;
	s25 =	simm.s32 $0x2780  }
0x8: {  	s8 =	sand.u32 $0x1, s3;
	s3 =	stileid.u32;
	[smem:$0x7FF] =	sst s4  }
0x9: {  	s5 =	sadd.s32 $0x89400, s7;
	s11 =	sadd.s32 $0x5A00, s7;
	s6 =	smul.u32 $0x140000, s8  }
0xa: {  	s9 =	smul.u32 $0x14000, s3;
	_ =	strace $0x80000050;
	s12 =	sshll.u32 s8, $0x4  }
0xb: {  	s8 =	ssub.s32 $0x2, s8;
	s13 =	smul.u32 $0x50000, s3;
	s30 =	sshll.u32 s3, $0x6  }
0xc: {  	s12 =	sor.u32 s3, s12;
	s26 =	sshrl.u32 s8, $0x1;
	s9 =	sadd.s32 s9, s6  }
0xd: {  	s6 =	sadd.s32 $0xB1400, s7;
	s28 =	smul.u32 $0x2800, s12;
	s15 =	ssub.s32 s8, s26  }
0xe: {  	s29 =	sshrl.u32 s13, $0x2;
	s12 =	smul.u32 $0x500, s12;
	s9 =	sshrl.u32 s9, $0x3  }
0xf: {  	s26 =	simm.s32 $0x0;
	s16 =	sadd.s32 s29, s2;
	s14 =	sadd.s32 s9, s7  }
0x10: {  	s9 =	sshrl.u32 s28, $0x3;
	s7 =	sor.u32 $0x1C03, s30;
	s8 =	sadd.s32 s10, s12  }
0x11: {  	s31 =	sadd.s32 $0x280, s9;
	s9 =	sadd.s32 s11, s12;
	s12 =	sadd.s32 $0xB3C00, s14  }
0x12: {  	s13 =	sadd.s32 $0x103C00, s14;
	s14 =	smax.u32 s15, $0x1;
	s15 =	sshrl.u32 s16, $0x3  }
0x13: {  	s16 =	simm.s32 $0x3;
	s10 =	sadd.s32 s10, s31;
	s11 =	sadd.s32 s11, s31  }
.LBB2_1:
0x14: {  	[spmem:s15], [sflag:s7] =	dma.local [hbm:s6], $0x2800  }
0x15: {  	_ =	swait.ge [sflag:s16], $0x2800  }
0x16: {  	[sflag:s16] =	ssyncset.done $0x0  }
0x17: {  	[sflag:s16] =	ssyncadd.s32 $0xFFFFD800  }
0x18: {  	[bflag:$0x0] =	sbarrier.arrive $0xFFFF  }
0x19: {  	[tilespmem:s4], [sflag:$0x3] =	stream.linear.gather [hbm4b:s8+s4], $0x1400, $0x38;
	[tilespmem:$0x1E800] =	vst v63  }
0x1a: {  	_ =	swait.ge [sflag:s16], $0x1400  }
0x1b: {  	[sflag:s16] =	ssyncset.done $0x0  }
0x1c: {  	[sflag:s16] =	ssyncadd.s32 $0xFFFFEC00  }
0x1d: {  	[tilespmem:s17], [sflag:$0x3] =	stream.linear.gather [hbm4b:s9+s4], $0x1400, $0x38;
	[tilespmem:$0x1E800] =	vst v63  }
0x1e: {  	_ =	swait.ge [sflag:s16], $0x1400  }
0x1f: {  	[sflag:s16] =	ssyncset.done $0x0  }
0x20: {  	[sflag:s16] =	ssyncadd.s32 $0xFFFFEC00  }
0x21: {  	[tilespmem:s19], [sflag:$0x1] =	stream.indirect.gather [hbm4b:s1+s18], $0x80, s4, s18, $0xb8;
	[tilespmem:$0x1E800] =	vst v63  }
0x22: {  	s28 =	simm.s32 $0x80  }
0x23: {  	[tilespmem:s20], [sflag:$0x2] =	stream.indirect.gather [hbm4b:s1+s18], $0x80, s28, s18, $0xb8;
	[tilespmem:$0x1E800] =	vst v63  }
0x24: {  	_ =	swait.ge [sflag:s21], $0x3E80  }
0x25: {  	[sflag:s21] =	ssyncset.done $0x0  }
0x26: {  	s28 =	simm.s32 $0x1400;
	[sflag:s21] =	ssyncadd.s32 $0xFFFFC180  }
0x27: {  	[spmem:s2] =	stream.indirect.scatter.add.f32 [tilespmem:s19], [sflag:$0x3], $0x80, s28, s18, $0xb8;
	[tilespmem:$0x1E800] =	vst v63  }
0x28: {  	_ =	swait.ge [sflag:s16], $0x3E80  }
0x29: {  	[sflag:s16] =	ssyncset.done $0x0  }
0x2a: {  	s28 =	simm.s32 $0x100;
	[sflag:s16] =	ssyncadd.s32 $0xFFFFC180  }
0x2b: {  	[tilespmem:s19], [sflag:$0x1] =	stream.indirect.gather [hbm4b:s1+s18], $0x80, s28, s18, $0xb8;
	[tilespmem:$0x1E800] =	vst v63  }
0x2c: {  	_ =	swait.ge [sflag:s22], $0x3E80  }
0x2d: {  	[sflag:s22] =	ssyncset.done $0x0  }
0x2e: {  	s28 =	simm.s32 $0x1480;
	[sflag:s22] =	ssyncadd.s32 $0xFFFFC180  }
0x2f: {  	[spmem:s2] =	stream.indirect.scatter.add.f32 [tilespmem:s20], [sflag:$0x3], $0x80, s28, s18, $0xb8;
	[tilespmem:$0x1E800] =	vst v63  }
0x30: {  	_ =	swait.ge [sflag:s16], $0x3E80  }
0x31: {  	s29 =	simm.s32 $0x800;
	s28 =	simm.s32 $0x100;
	[sflag:s16] =	ssyncset.done $0x0  }
.LBB2_2:
0x32: {  	s30 =	sadd.s32 $0x80, s28  }
0x33: {  	[sflag:s16] =	ssyncadd.s32 $0xFFFFC180;
	s31 =	smov.u32 s29;
	s0 =	sadd.s32 $0x400, s29  }
0x34: {  	[tilespmem:s20], [sflag:$0x2] =	stream.indirect.gather [hbm4b:s1+s18], $0x80, s30, s18, $0xb8;
	[tilespmem:$0x1E800] =	vst v63  }
0x35: {  	p0 =	sne.s32 s29, $0x4800;
	_ =	swait.ge [sflag:s21], $0x3E80  }
0x36: {  	[sflag:s21] =	ssyncset.done $0x0  }
0x37: {  	s29 =	sadd.s32 $0x1400, s28;
	[sflag:s21] =	ssyncadd.s32 $0xFFFFC180  }
0x38: {  	[spmem:s2] =	stream.indirect.scatter.add.f32 [tilespmem:s19], [sflag:$0x3], $0x80, s29, s18, $0xb8;
	[tilespmem:$0x1E800] =	vst v63  }
0x39: {  	_ =	swait.ge [sflag:s16], $0x3E80  }
0x3a: {  	[sflag:s16] =	ssyncset.done $0x0  }
0x3b: {  	s29 =	sadd.s32 $0x100, s28;
	[sflag:s16] =	ssyncadd.s32 $0xFFFFC180  }
0x3c: {  	[tilespmem:s19], [sflag:$0x1] =	stream.indirect.gather [hbm4b:s1+s18], $0x80, s29, s18, $0xb8;
	[tilespmem:$0x1E800] =	vst v63  }
0x3d: {  	_ =	swait.ge [sflag:s22], $0x3E80  }
.Ltmp0:
0x3e: {  	[sflag:s22] =	ssyncset.done $0x0;
	(pc) =	sbr.rel @p0 .LBB2_2-.Ltmp0, $4  }
0x3f: {  	s28 =	sadd.s32 $0x1480, s28;
	[sflag:s22] =	ssyncadd.s32 $0xFFFFC180  }
0x40: {  	[spmem:s2] =	stream.indirect.scatter.add.f32 [tilespmem:s20], [sflag:$0x3], $0x80, s28, s18, $0xb8;
	[tilespmem:$0x1E800] =	vst v63  }
0x41: {  	_ =	swait.ge [sflag:s16], $0x3E80  }
0x42: {  	s29 =	smov.u32 s0;
	s28 =	sshra.s32 s31, $0x2;
	[sflag:s16] =	ssyncset.done $0x0  }
0x43: {  	s0 =	sadd.s32 $0x80, s28;
	[sflag:s16] =	ssyncadd.s32 $0xFFFFC180  }
0x44: {  	[tilespmem:s20], [sflag:$0x2] =	stream.indirect.gather [hbm4b:s1+s18], $0x80, s0, s18, $0xb8;
	[tilespmem:$0x1E800] =	vst v63  }
0x45: {  	_ =	swait.ge [sflag:s21], $0x3E80  }
0x46: {  	[sflag:s21] =	ssyncset.done $0x0  }
0x47: {  	s30 =	sadd.s32 $0x1400, s28;
	[sflag:s21] =	ssyncadd.s32 $0xFFFFC180  }
0x48: {  	[spmem:s2] =	stream.indirect.scatter.add.f32 [tilespmem:s19], [sflag:$0x3], $0x80, s30, s18, $0xb8;
	[tilespmem:$0x1E800] =	vst v63  }
0x49: {  	_ =	swait.ge [sflag:s16], $0x3E80  }
0x4a: {  	[sflag:s16] =	ssyncset.done $0x0  }
0x4b: {  	s31 =	sadd.s32 $0x100, s28;
	[sflag:s16] =	ssyncadd.s32 $0xFFFFC180  }
0x4c: {  	[tilespmem:s19], [sflag:$0x1] =	stream.indirect.gather [hbm4b:s1+s18], $0x80, s31, s18, $0xb8;
	[tilespmem:$0x1E800] =	vst v63  }
0x4d: {  	_ =	swait.ge [sflag:s22], $0x3E80  }
0x4e: {  	[sflag:s22] =	ssyncset.done $0x0  }
0x4f: {  	s30 =	sadd.s32 $0x1480, s28;
	[sflag:s22] =	ssyncadd.s32 $0xFFFFC180  }
0x50: {  	[spmem:s2] =	stream.indirect.scatter.add.f32 [tilespmem:s20], [sflag:$0x3], $0x80, s30, s18, $0xb8;
	[tilespmem:$0x1E800] =	vst v63  }
0x51: {  	_ =	swait.ge [sflag:s16], $0x3E80  }
0x52: {  	[sflag:s16] =	ssyncset.done $0x0  }
0x53: {  	[sflag:s16] =	ssyncadd.s32 $0xFFFFC180  }
0x54: {  	[tilespmem:s20], [sflag:$0x2] =	stream.indirect.gather [hbm4b:s1+s18], $0x80, s23, s18, $0xb8;
	[tilespmem:$0x1E800] =	vst v63  }
0x55: {  	_ =	swait.ge [sflag:s21], $0x3E80  }
0x56: {  	[sflag:s21] =	ssyncset.done $0x0  }
0x57: {  	[sflag:s21] =	ssyncadd.s32 $0xFFFFC180  }
0x58: {  	[spmem:s2] =	stream.indirect.scatter.add.f32 [tilespmem:s19], [sflag:$0x3], $0x80, s24, s18, $0xb8;
	[tilespmem:$0x1E800] =	vst v63  }
0x59: {  	_ =	swait.ge [sflag:s16], $0x3E80  }
0x5a: {  	[sflag:s16] =	ssyncset.done $0x0  }
0x5b: {  	[sflag:s16] =	ssyncadd.s32 $0xFFFFC180  }
0x5c: {  	_ =	swait.ge [sflag:s22], $0x3E80  }
0x5d: {  	[sflag:s22] =	ssyncset.done $0x0  }
0x5e: {  	[sflag:s22] =	ssyncadd.s32 $0xFFFFC180  }
0x5f: {  	[spmem:s2] =	stream.indirect.scatter.add.f32 [tilespmem:s20], [sflag:$0x3], $0x80, s25, s18, $0xb8;
	[tilespmem:$0x1E800] =	vst v63  }
0x60: {  	_ =	swait.ge [sflag:s16], $0x3E80  }
0x61: {  	[sflag:s16] =	ssyncset.done $0x0  }
0x62: {  	s31 =	simm.s32 $0x0;
	[sflag:s16] =	ssyncadd.s32 $0xFFFFC180  }
0x63: {  	[tilespmem:s31], [sflag:$0x3] =	stream.linear.gather [hbm4b:s10+s31], $0x1400, $0x38;
	[tilespmem:$0x1E800] =	vst v63  }
0x64: {  	_ =	swait.ge [sflag:s16], $0x1400  }
0x65: {  	[sflag:s16] =	ssyncset.done $0x0  }
0x66: {  	[sflag:s16] =	ssyncadd.s32 $0xFFFFEC00  }
0x67: {  	[tilespmem:s17], [sflag:$0x3] =	stream.linear.gather [hbm4b:s11+s31], $0x1400, $0x38;
	[tilespmem:$0x1E800] =	vst v63  }
0x68: {  	_ =	swait.ge [sflag:s16], $0x1400  }
0x69: {  	[sflag:s16] =	ssyncset.done $0x0  }
0x6a: {  	[sflag:s16] =	ssyncadd.s32 $0xFFFFEC00  }
0x6b: {  	[tilespmem:s19], [sflag:$0x1] =	stream.indirect.gather [hbm4b:s1+s18], $0x80, s31, s18, $0xb8;
	[tilespmem:$0x1E800] =	vst v63  }
0x6c: {  	s30 =	simm.s32 $0x80  }
0x6d: {  	[tilespmem:s20], [sflag:$0x2] =	stream.indirect.gather [hbm4b:s1+s18], $0x80, s30, s18, $0xb8;
	[tilespmem:$0x1E800] =	vst v63  }
0x6e: {  	_ =	swait.ge [sflag:s21], $0x3E80  }
0x6f: {  	[sflag:s21] =	ssyncset.done $0x0  }
0x70: {  	s31 =	simm.s32 $0x1400;
	[sflag:s21] =	ssyncadd.s32 $0xFFFFC180  }
0x71: {  	[spmem:s2] =	stream.indirect.scatter.add.f32 [tilespmem:s19], [sflag:$0x3], $0x80, s31, s18, $0xb8;
	[tilespmem:$0x1E800] =	vst v63  }
0x72: {  	_ =	swait.ge [sflag:s16], $0x3E80  }
0x73: {  	[sflag:s16] =	ssyncset.done $0x0  }
0x74: {  	s30 =	simm.s32 $0x100;
	[sflag:s16] =	ssyncadd.s32 $0xFFFFC180  }
0x75: {  	[tilespmem:s19], [sflag:$0x1] =	stream.indirect.gather [hbm4b:s1+s18], $0x80, s30, s18, $0xb8;
	[tilespmem:$0x1E800] =	vst v63  }
0x76: {  	_ =	swait.ge [sflag:s22], $0x3E80  }
0x77: {  	[sflag:s22] =	ssyncset.done $0x0  }
0x78: {  	s31 =	simm.s32 $0x1480;
	[sflag:s22] =	ssyncadd.s32 $0xFFFFC180  }
0x79: {  	[spmem:s2] =	stream.indirect.scatter.add.f32 [tilespmem:s20], [sflag:$0x3], $0x80, s31, s18, $0xb8;
	[tilespmem:$0x1E800] =	vst v63  }
0x7a: {  	_ =	swait.ge [sflag:s16], $0x3E80  }
0x7b: {  	s29 =	simm.s32 $0x800;
	s28 =	simm.s32 $0x100;
	[sflag:s16] =	ssyncset.done $0x0  }
.LBB2_4:
0x7c: {  	s0 =	sadd.s32 $0x80, s28  }
0x7d: {  	[sflag:s16] =	ssyncadd.s32 $0xFFFFC180;
	s30 =	smov.u32 s29;
	s31 =	sadd.s32 $0x400, s29  }
0x7e: {  	[tilespmem:s20], [sflag:$0x2] =	stream.indirect.gather [hbm4b:s1+s18], $0x80, s0, s18, $0xb8;
	[tilespmem:$0x1E800] =	vst v63  }
0x7f: {  	p0 =	sne.s32 s29, $0x4800;
	_ =	swait.ge [sflag:s21], $0x3E80  }
0x80: {  	[sflag:s21] =	ssyncset.done $0x0  }
0x81: {  	s0 =	sadd.s32 $0x1400, s28;
	[sflag:s21] =	ssyncadd.s32 $0xFFFFC180  }
0x82: {  	[spmem:s2] =	stream.indirect.scatter.add.f32 [tilespmem:s19], [sflag:$0x3], $0x80, s0, s18, $0xb8;
	[tilespmem:$0x1E800] =	vst v63  }
0x83: {  	_ =	swait.ge [sflag:s16], $0x3E80  }
0x84: {  	[sflag:s16] =	ssyncset.done $0x0  }
0x85: {  	s0 =	sadd.s32 $0x100, s28;
	[sflag:s16] =	ssyncadd.s32 $0xFFFFC180  }
0x86: {  	[tilespmem:s19], [sflag:$0x1] =	stream.indirect.gather [hbm4b:s1+s18], $0x80, s0, s18, $0xb8;
	[tilespmem:$0x1E800] =	vst v63  }
0x87: {  	_ =	swait.ge [sflag:s22], $0x3E80  }
.Ltmp1:
0x88: {  	[sflag:s22] =	ssyncset.done $0x0;
	(pc) =	sbr.rel @p0 .LBB2_4-.Ltmp1, $4  }
0x89: {  	s0 =	sadd.s32 $0x1480, s28;
	[sflag:s22] =	ssyncadd.s32 $0xFFFFC180  }
0x8a: {  	[spmem:s2] =	stream.indirect.scatter.add.f32 [tilespmem:s20], [sflag:$0x3], $0x80, s0, s18, $0xb8;
	[tilespmem:$0x1E800] =	vst v63  }
0x8b: {  	_ =	swait.ge [sflag:s16], $0x3E80  }
0x8c: {  	s29 =	smov.u32 s31;
	s28 =	sshra.s32 s30, $0x2;
	[sflag:s16] =	ssyncset.done $0x0  }
0x8d: {  	s0 =	sadd.s32 $0x80, s28;
	[sflag:s16] =	ssyncadd.s32 $0xFFFFC180  }
0x8e: {  	[tilespmem:s20], [sflag:$0x2] =	stream.indirect.gather [hbm4b:s1+s18], $0x80, s0, s18, $0xb8;
	[tilespmem:$0x1E800] =	vst v63  }
0x8f: {  	_ =	swait.ge [sflag:s21], $0x3E80  }
0x90: {  	[sflag:s21] =	ssyncset.done $0x0  }
0x91: {  	s30 =	sadd.s32 $0x1400, s28;
	[sflag:s21] =	ssyncadd.s32 $0xFFFFC180  }
0x92: {  	[spmem:s2] =	stream.indirect.scatter.add.f32 [tilespmem:s19], [sflag:$0x3], $0x80, s30, s18, $0xb8;
	[tilespmem:$0x1E800] =	vst v63  }
0x93: {  	_ =	swait.ge [sflag:s16], $0x3E80  }
0x94: {  	[sflag:s16] =	ssyncset.done $0x0  }
0x95: {  	s31 =	sadd.s32 $0x100, s28;
	[sflag:s16] =	ssyncadd.s32 $0xFFFFC180  }
0x96: {  	[tilespmem:s19], [sflag:$0x1] =	stream.indirect.gather [hbm4b:s1+s18], $0x80, s31, s18, $0xb8;
	[tilespmem:$0x1E800] =	vst v63  }
0x97: {  	_ =	swait.ge [sflag:s22], $0x3E80  }
0x98: {  	[sflag:s22] =	ssyncset.done $0x0  }
0x99: {  	s30 =	sadd.s32 $0x1480, s28;
	[sflag:s22] =	ssyncadd.s32 $0xFFFFC180  }
0x9a: {  	[spmem:s2] =	stream.indirect.scatter.add.f32 [tilespmem:s20], [sflag:$0x3], $0x80, s30, s18, $0xb8;
	[tilespmem:$0x1E800] =	vst v63  }
0x9b: {  	_ =	swait.ge [sflag:s16], $0x3E80  }
0x9c: {  	[sflag:s16] =	ssyncset.done $0x0  }
0x9d: {  	[sflag:s16] =	ssyncadd.s32 $0xFFFFC180  }
0x9e: {  	[tilespmem:s20], [sflag:$0x2] =	stream.indirect.gather [hbm4b:s1+s18], $0x80, s23, s18, $0xb8;
	[tilespmem:$0x1E800] =	vst v63  }
0x9f: {  	_ =	swait.ge [sflag:s21], $0x3E80  }
0xa0: {  	[sflag:s21] =	ssyncset.done $0x0  }
0xa1: {  	[sflag:s21] =	ssyncadd.s32 $0xFFFFC180  }
0xa2: {  	[spmem:s2] =	stream.indirect.scatter.add.f32 [tilespmem:s19], [sflag:$0x3], $0x80, s24, s18, $0xb8;
	[tilespmem:$0x1E800] =	vst v63  }
0xa3: {  	_ =	swait.ge [sflag:s16], $0x3E80  }
0xa4: {  	[sflag:s16] =	ssyncset.done $0x0  }
0xa5: {  	[sflag:s16] =	ssyncadd.s32 $0xFFFFC180  }
0xa6: {  	_ =	swait.ge [sflag:s22], $0x3E80  }
0xa7: {  	[sflag:s22] =	ssyncset.done $0x0  }
0xa8: {  	[sflag:s22] =	ssyncadd.s32 $0xFFFFC180  }
0xa9: {  	[spmem:s2] =	stream.indirect.scatter.add.f32 [tilespmem:s20], [sflag:$0x3], $0x80, s25, s18, $0xb8;
	[tilespmem:$0x1E800] =	vst v63  }
0xaa: {  	_ =	swait.ge [sflag:s16], $0x3E80  }
0xab: {  	[sflag:s16] =	ssyncset.done $0x0  }
0xac: {  	[sflag:s16] =	ssyncadd.s32 $0xFFFFC180  }
0xad: {  	[bflag:$0x0] =	sbarrier.arrive $0xFFFF  }
0xae: {  	[hbm:s12], [sflag:s7] =	dma.local [spmem:s15], $0x2800  }
0xaf: {  	_ =	swait.ge [sflag:s16], $0x2800  }
0xb0: {  	[sflag:s16] =	ssyncset.done $0x0  }
0xb1: {  	[sflag:s16] =	ssyncadd.s32 $0xFFFFD800  }
0xb2: {  	[spmem:s15], [sflag:s7] =	dma.local [hbm:s6], $0x2800  }
0xb3: {  	_ =	swait.ge [sflag:s16], $0x2800  }
0xb4: {  	[sflag:s16] =	ssyncset.done $0x0  }
0xb5: {  	[sflag:s16] =	ssyncadd.s32 $0xFFFFD800  }
0xb6: {  	s31 =	simm.s32 $0x0;
	[bflag:$0x0] =	sbarrier.arrive $0xFFFF  }
0xb7: {  	[tilespmem:s31], [sflag:$0x3] =	stream.linear.gather [hbm4b:s8+s31], $0x1400, $0x38;
	[tilespmem:$0x1E800] =	vst v63  }
0xb8: {  	_ =	swait.ge [sflag:s16], $0x1400  }
0xb9: {  	[sflag:s16] =	ssyncset.done $0x0  }
0xba: {  	[sflag:s16] =	ssyncadd.s32 $0xFFFFEC00  }
0xbb: {  	[tilespmem:s17], [sflag:$0x3] =	stream.linear.gather [hbm4b:s9+s31], $0x1400, $0x38;
	[tilespmem:$0x1E800] =	vst v63  }
0xbc: {  	_ =	swait.ge [sflag:s16], $0x1400  }
0xbd: {  	[sflag:s16] =	ssyncset.done $0x0  }
0xbe: {  	[sflag:s16] =	ssyncadd.s32 $0xFFFFEC00  }
0xbf: {  	[tilespmem:s19], [sflag:$0x1] =	stream.indirect.gather [hbm4b:s5+s18], $0x80, s31, s18, $0xb8;
	[tilespmem:$0x1E800] =	vst v63  }
0xc0: {  	s30 =	simm.s32 $0x80  }
0xc1: {  	[tilespmem:s20], [sflag:$0x2] =	stream.indirect.gather [hbm4b:s5+s18], $0x80, s30, s18, $0xb8;
	[tilespmem:$0x1E800] =	vst v63  }
0xc2: {  	_ =	swait.ge [sflag:s21], $0x3E80  }
0xc3: {  	[sflag:s21] =	ssyncset.done $0x0  }
0xc4: {  	s31 =	simm.s32 $0x1400;
	[sflag:s21] =	ssyncadd.s32 $0xFFFFC180  }
0xc5: {  	[spmem:s2] =	stream.indirect.scatter.add.f32 [tilespmem:s19], [sflag:$0x3], $0x80, s31, s18, $0xb8;
	[tilespmem:$0x1E800] =	vst v63  }
0xc6: {  	_ =	swait.ge [sflag:s16], $0x3E80  }
0xc7: {  	[sflag:s16] =	ssyncset.done $0x0  }
0xc8: {  	s30 =	simm.s32 $0x100;
	[sflag:s16] =	ssyncadd.s32 $0xFFFFC180  }
0xc9: {  	[tilespmem:s19], [sflag:$0x1] =	stream.indirect.gather [hbm4b:s5+s18], $0x80, s30, s18, $0xb8;
	[tilespmem:$0x1E800] =	vst v63  }
0xca: {  	_ =	swait.ge [sflag:s22], $0x3E80  }
0xcb: {  	[sflag:s22] =	ssyncset.done $0x0  }
0xcc: {  	s31 =	simm.s32 $0x1480;
	[sflag:s22] =	ssyncadd.s32 $0xFFFFC180  }
0xcd: {  	[spmem:s2] =	stream.indirect.scatter.add.f32 [tilespmem:s20], [sflag:$0x3], $0x80, s31, s18, $0xb8;
	[tilespmem:$0x1E800] =	vst v63  }
0xce: {  	_ =	swait.ge [sflag:s16], $0x3E80  }
0xcf: {  	s29 =	simm.s32 $0x800;
	s28 =	simm.s32 $0x100;
	[sflag:s16] =	ssyncset.done $0x0  }
.LBB2_6:
0xd0: {  	s0 =	sadd.s32 $0x80, s28  }
0xd1: {  	[sflag:s16] =	ssyncadd.s32 $0xFFFFC180;
	s30 =	smov.u32 s29;
	s31 =	sadd.s32 $0x400, s29  }
0xd2: {  	[tilespmem:s20], [sflag:$0x2] =	stream.indirect.gather [hbm4b:s5+s18], $0x80, s0, s18, $0xb8;
	[tilespmem:$0x1E800] =	vst v63  }
0xd3: {  	p0 =	sne.s32 s29, $0x4800;
	_ =	swait.ge [sflag:s21], $0x3E80  }
0xd4: {  	[sflag:s21] =	ssyncset.done $0x0  }
0xd5: {  	s0 =	sadd.s32 $0x1400, s28;
	[sflag:s21] =	ssyncadd.s32 $0xFFFFC180  }
0xd6: {  	[spmem:s2] =	stream.indirect.scatter.add.f32 [tilespmem:s19], [sflag:$0x3], $0x80, s0, s18, $0xb8;
	[tilespmem:$0x1E800] =	vst v63  }
0xd7: {  	_ =	swait.ge [sflag:s16], $0x3E80  }
0xd8: {  	[sflag:s16] =	ssyncset.done $0x0  }
0xd9: {  	s0 =	sadd.s32 $0x100, s28;
	[sflag:s16] =	ssyncadd.s32 $0xFFFFC180  }
0xda: {  	[tilespmem:s19], [sflag:$0x1] =	stream.indirect.gather [hbm4b:s5+s18], $0x80, s0, s18, $0xb8;
	[tilespmem:$0x1E800] =	vst v63  }
0xdb: {  	_ =	swait.ge [sflag:s22], $0x3E80  }
.Ltmp2:
0xdc: {  	[sflag:s22] =	ssyncset.done $0x0;
	(pc) =	sbr.rel @p0 .LBB2_6-.Ltmp2, $4  }
0xdd: {  	s0 =	sadd.s32 $0x1480, s28;
	[sflag:s22] =	ssyncadd.s32 $0xFFFFC180  }
0xde: {  	[spmem:s2] =	stream.indirect.scatter.add.f32 [tilespmem:s20], [sflag:$0x3], $0x80, s0, s18, $0xb8;
	[tilespmem:$0x1E800] =	vst v63  }
0xdf: {  	_ =	swait.ge [sflag:s16], $0x3E80  }
0xe0: {  	s29 =	smov.u32 s31;
	s28 =	sshra.s32 s30, $0x2;
	[sflag:s16] =	ssyncset.done $0x0  }
0xe1: {  	s0 =	sadd.s32 $0x80, s28;
	[sflag:s16] =	ssyncadd.s32 $0xFFFFC180  }
0xe2: {  	[tilespmem:s20], [sflag:$0x2] =	stream.indirect.gather [hbm4b:s5+s18], $0x80, s0, s18, $0xb8;
	[tilespmem:$0x1E800] =	vst v63  }
0xe3: {  	_ =	swait.ge [sflag:s21], $0x3E80  }
0xe4: {  	[sflag:s21] =	ssyncset.done $0x0  }
0xe5: {  	s30 =	sadd.s32 $0x1400, s28;
	[sflag:s21] =	ssyncadd.s32 $0xFFFFC180  }
0xe6: {  	[spmem:s2] =	stream.indirect.scatter.add.f32 [tilespmem:s19], [sflag:$0x3], $0x80, s30, s18, $0xb8;
	[tilespmem:$0x1E800] =	vst v63  }
0xe7: {  	_ =	swait.ge [sflag:s16], $0x3E80  }
0xe8: {  	[sflag:s16] =	ssyncset.done $0x0  }
0xe9: {  	s31 =	sadd.s32 $0x100, s28;
	[sflag:s16] =	ssyncadd.s32 $0xFFFFC180  }
0xea: {  	[tilespmem:s19], [sflag:$0x1] =	stream.indirect.gather [hbm4b:s5+s18], $0x80, s31, s18, $0xb8;
	[tilespmem:$0x1E800] =	vst v63  }
0xeb: {  	_ =	swait.ge [sflag:s22], $0x3E80  }
0xec: {  	[sflag:s22] =	ssyncset.done $0x0  }
0xed: {  	s30 =	sadd.s32 $0x1480, s28;
	[sflag:s22] =	ssyncadd.s32 $0xFFFFC180  }
0xee: {  	[spmem:s2] =	stream.indirect.scatter.add.f32 [tilespmem:s20], [sflag:$0x3], $0x80, s30, s18, $0xb8;
	[tilespmem:$0x1E800] =	vst v63  }
0xef: {  	_ =	swait.ge [sflag:s16], $0x3E80  }
0xf0: {  	[sflag:s16] =	ssyncset.done $0x0  }
0xf1: {  	[sflag:s16] =	ssyncadd.s32 $0xFFFFC180  }
0xf2: {  	[tilespmem:s20], [sflag:$0x2] =	stream.indirect.gather [hbm4b:s5+s18], $0x80, s23, s18, $0xb8;
	[tilespmem:$0x1E800] =	vst v63  }
0xf3: {  	_ =	swait.ge [sflag:s21], $0x3E80  }
0xf4: {  	[sflag:s21] =	ssyncset.done $0x0  }
0xf5: {  	[sflag:s21] =	ssyncadd.s32 $0xFFFFC180  }
0xf6: {  	[spmem:s2] =	stream.indirect.scatter.add.f32 [tilespmem:s19], [sflag:$0x3], $0x80, s24, s18, $0xb8;
	[tilespmem:$0x1E800] =	vst v63  }
0xf7: {  	_ =	swait.ge [sflag:s16], $0x3E80  }
0xf8: {  	[sflag:s16] =	ssyncset.done $0x0  }
0xf9: {  	[sflag:s16] =	ssyncadd.s32 $0xFFFFC180  }
0xfa: {  	_ =	swait.ge [sflag:s22], $0x3E80  }
0xfb: {  	[sflag:s22] =	ssyncset.done $0x0  }
0xfc: {  	[sflag:s22] =	ssyncadd.s32 $0xFFFFC180  }
0xfd: {  	[spmem:s2] =	stream.indirect.scatter.add.f32 [tilespmem:s20], [sflag:$0x3], $0x80, s25, s18, $0xb8;
	[tilespmem:$0x1E800] =	vst v63  }
0xfe: {  	_ =	swait.ge [sflag:s16], $0x3E80  }
0xff: {  	[sflag:s16] =	ssyncset.done $0x0  }
0x100: {  	s31 =	simm.s32 $0x0;
	[sflag:s16] =	ssyncadd.s32 $0xFFFFC180  }
0x101: {  	[tilespmem:s31], [sflag:$0x3] =	stream.linear.gather [hbm4b:s10+s31], $0x1400, $0x38;
	[tilespmem:$0x1E800] =	vst v63  }
0x102: {  	_ =	swait.ge [sflag:s16], $0x1400  }
0x103: {  	[sflag:s16] =	ssyncset.done $0x0  }
0x104: {  	[sflag:s16] =	ssyncadd.s32 $0xFFFFEC00  }
0x105: {  	[tilespmem:s17], [sflag:$0x3] =	stream.linear.gather [hbm4b:s11+s31], $0x1400, $0x38;
	[tilespmem:$0x1E800] =	vst v63  }
0x106: {  	_ =	swait.ge [sflag:s16], $0x1400  }
0x107: {  	[sflag:s16] =	ssyncset.done $0x0  }
0x108: {  	[sflag:s16] =	ssyncadd.s32 $0xFFFFEC00  }
0x109: {  	[tilespmem:s19], [sflag:$0x1] =	stream.indirect.gather [hbm4b:s5+s18], $0x80, s31, s18, $0xb8;
	[tilespmem:$0x1E800] =	vst v63  }
0x10a: {  	s30 =	simm.s32 $0x80  }
0x10b: {  	[tilespmem:s20], [sflag:$0x2] =	stream.indirect.gather [hbm4b:s5+s18], $0x80, s30, s18, $0xb8;
	[tilespmem:$0x1E800] =	vst v63  }
0x10c: {  	_ =	swait.ge [sflag:s21], $0x3E80  }
0x10d: {  	[sflag:s21] =	ssyncset.done $0x0  }
0x10e: {  	s31 =	simm.s32 $0x1400;
	[sflag:s21] =	ssyncadd.s32 $0xFFFFC180  }
0x10f: {  	[spmem:s2] =	stream.indirect.scatter.add.f32 [tilespmem:s19], [sflag:$0x3], $0x80, s31, s18, $0xb8;
	[tilespmem:$0x1E800] =	vst v63  }
0x110: {  	_ =	swait.ge [sflag:s16], $0x3E80  }
0x111: {  	[sflag:s16] =	ssyncset.done $0x0  }
0x112: {  	s30 =	simm.s32 $0x100;
	[sflag:s16] =	ssyncadd.s32 $0xFFFFC180  }
0x113: {  	[tilespmem:s19], [sflag:$0x1] =	stream.indirect.gather [hbm4b:s5+s18], $0x80, s30, s18, $0xb8;
	[tilespmem:$0x1E800] =	vst v63  }
0x114: {  	_ =	swait.ge [sflag:s22], $0x3E80  }
0x115: {  	[sflag:s22] =	ssyncset.done $0x0  }
0x116: {  	s31 =	simm.s32 $0x1480;
	[sflag:s22] =	ssyncadd.s32 $0xFFFFC180  }
0x117: {  	[spmem:s2] =	stream.indirect.scatter.add.f32 [tilespmem:s20], [sflag:$0x3], $0x80, s31, s18, $0xb8;
	[tilespmem:$0x1E800] =	vst v63  }
0x118: {  	_ =	swait.ge [sflag:s16], $0x3E80  }
0x119: {  	s29 =	simm.s32 $0x800;
	s28 =	simm.s32 $0x100;
	[sflag:s16] =	ssyncset.done $0x0  }
.LBB2_8:
0x11a: {  	s0 =	sadd.s32 $0x80, s28  }
0x11b: {  	[sflag:s16] =	ssyncadd.s32 $0xFFFFC180;
	s30 =	smov.u32 s29;
	s31 =	sadd.s32 $0x400, s29  }
0x11c: {  	[tilespmem:s20], [sflag:$0x2] =	stream.indirect.gather [hbm4b:s5+s18], $0x80, s0, s18, $0xb8;
	[tilespmem:$0x1E800] =	vst v63  }
0x11d: {  	p0 =	sne.s32 s29, $0x4800;
	_ =	swait.ge [sflag:s21], $0x3E80  }
0x11e: {  	[sflag:s21] =	ssyncset.done $0x0  }
0x11f: {  	s0 =	sadd.s32 $0x1400, s28;
	[sflag:s21] =	ssyncadd.s32 $0xFFFFC180  }
0x120: {  	[spmem:s2] =	stream.indirect.scatter.add.f32 [tilespmem:s19], [sflag:$0x3], $0x80, s0, s18, $0xb8;
	[tilespmem:$0x1E800] =	vst v63  }
0x121: {  	_ =	swait.ge [sflag:s16], $0x3E80  }
0x122: {  	[sflag:s16] =	ssyncset.done $0x0  }
0x123: {  	s0 =	sadd.s32 $0x100, s28;
	[sflag:s16] =	ssyncadd.s32 $0xFFFFC180  }
0x124: {  	[tilespmem:s19], [sflag:$0x1] =	stream.indirect.gather [hbm4b:s5+s18], $0x80, s0, s18, $0xb8;
	[tilespmem:$0x1E800] =	vst v63  }
0x125: {  	_ =	swait.ge [sflag:s22], $0x3E80  }
.Ltmp3:
0x126: {  	[sflag:s22] =	ssyncset.done $0x0;
	(pc) =	sbr.rel @p0 .LBB2_8-.Ltmp3, $4  }
0x127: {  	s0 =	sadd.s32 $0x1480, s28;
	[sflag:s22] =	ssyncadd.s32 $0xFFFFC180  }
0x128: {  	[spmem:s2] =	stream.indirect.scatter.add.f32 [tilespmem:s20], [sflag:$0x3], $0x80, s0, s18, $0xb8;
	[tilespmem:$0x1E800] =	vst v63  }
0x129: {  	_ =	swait.ge [sflag:s16], $0x3E80  }
0x12a: {  	s29 =	smov.u32 s31;
	s28 =	sshra.s32 s30, $0x2;
	[sflag:s16] =	ssyncset.done $0x0  }
0x12b: {  	s0 =	sadd.s32 $0x80, s28;
	[sflag:s16] =	ssyncadd.s32 $0xFFFFC180  }
0x12c: {  	[tilespmem:s20], [sflag:$0x2] =	stream.indirect.gather [hbm4b:s5+s18], $0x80, s0, s18, $0xb8;
	[tilespmem:$0x1E800] =	vst v63  }
0x12d: {  	_ =	swait.ge [sflag:s21], $0x3E80  }
0x12e: {  	[sflag:s21] =	ssyncset.done $0x0  }
0x12f: {  	s29 =	sadd.s32 $0x1400, s28;
	[sflag:s21] =	ssyncadd.s32 $0xFFFFC180  }
0x130: {  	[spmem:s2] =	stream.indirect.scatter.add.f32 [tilespmem:s19], [sflag:$0x3], $0x80, s29, s18, $0xb8;
	[tilespmem:$0x1E800] =	vst v63  }
0x131: {  	_ =	swait.ge [sflag:s16], $0x3E80  }
0x132: {  	[sflag:s16] =	ssyncset.done $0x0  }
0x133: {  	s30 =	sadd.s32 $0x100, s28;
	[sflag:s16] =	ssyncadd.s32 $0xFFFFC180  }
0x134: {  	[tilespmem:s19], [sflag:$0x1] =	stream.indirect.gather [hbm4b:s5+s18], $0x80, s30, s18, $0xb8;
	[tilespmem:$0x1E800] =	vst v63  }
0x135: {  	_ =	swait.ge [sflag:s22], $0x3E80  }
0x136: {  	[sflag:s22] =	ssyncset.done $0x0  }
0x137: {  	s31 =	sadd.s32 $0x1480, s28;
	[sflag:s22] =	ssyncadd.s32 $0xFFFFC180  }
0x138: {  	[spmem:s2] =	stream.indirect.scatter.add.f32 [tilespmem:s20], [sflag:$0x3], $0x80, s31, s18, $0xb8;
	[tilespmem:$0x1E800] =	vst v63  }
0x139: {  	_ =	swait.ge [sflag:s16], $0x3E80  }
0x13a: {  	[sflag:s16] =	ssyncset.done $0x0  }
0x13b: {  	[sflag:s16] =	ssyncadd.s32 $0xFFFFC180  }
0x13c: {  	[tilespmem:s20], [sflag:$0x2] =	stream.indirect.gather [hbm4b:s5+s18], $0x80, s23, s18, $0xb8;
	[tilespmem:$0x1E800] =	vst v63  }
0x13d: {  	_ =	swait.ge [sflag:s21], $0x3E80  }
0x13e: {  	[sflag:s21] =	ssyncset.done $0x0  }
0x13f: {  	[sflag:s21] =	ssyncadd.s32 $0xFFFFC180  }
0x140: {  	[spmem:s2] =	stream.indirect.scatter.add.f32 [tilespmem:s19], [sflag:$0x3], $0x80, s24, s18, $0xb8;
	[tilespmem:$0x1E800] =	vst v63  }
0x141: {  	_ =	swait.ge [sflag:s16], $0x3E80  }
0x142: {  	[sflag:s16] =	ssyncset.done $0x0  }
0x143: {  	[sflag:s16] =	ssyncadd.s32 $0xFFFFC180  }
0x144: {  	_ =	swait.ge [sflag:s22], $0x3E80  }
0x145: {  	[sflag:s22] =	ssyncset.done $0x0  }
0x146: {  	[sflag:s22] =	ssyncadd.s32 $0xFFFFC180  }
0x147: {  	[spmem:s2] =	stream.indirect.scatter.add.f32 [tilespmem:s20], [sflag:$0x3], $0x80, s25, s18, $0xb8;
	[tilespmem:$0x1E800] =	vst v63  }
0x148: {  	_ =	swait.ge [sflag:s16], $0x3E80  }
0x149: {  	s26 =	sadd.s32 $0x1, s26;
	[sflag:s16] =	ssyncset.done $0x0  }
0x14a: {  	p0 =	sne.s32 s26, s14;
	[sflag:s16] =	ssyncadd.s32 $0xFFFFC180  }
.Ltmp4:
0x14b: {  	[bflag:$0x0] =	sbarrier.arrive $0xFFFF;
	(pc) =	sbr.rel @p0 .LBB2_1-.Ltmp4, $4  }
0x14c: {  	[hbm:s13], [sflag:s7] =	dma.local [spmem:s15], $0x2800  }
0x14d: {  	_ =	swait.ge [sflag:s16], $0x2800  }
0x14e: {  	[sflag:s16] =	ssyncset.done $0x0  }
0x14f: {  	[sflag:s16] =	ssyncadd.s32 $0xFFFFD800  }
0x150: {  	_ =	sfence.sel $0x180000  }
0x151: {  	[bflag:$0x0] =	sbarrier.arrive $0xFFFF  }
0x152: {  	_ =	strace $0x90000050  }
0x153: {  	[bflag:$0x2] =	sbarrier.arrive $0xFFFF  }
0x154: {  	p0 =	sne.s32 s3, $0x0;
	s0 =	rddreg [dreg:$0x4]  }
0x155: {  	s0 =	sadd.s32 @!p0 $0x100000, s0  }
0x156: {  	[sflag:s0] =	ssyncadd.tile.s32 @!p0 $0x1;
	_ =	shalt  }
.Lfunc_end2:
_tile_overlayer_lowered:
.L_overlay_start_2:
0x157: {  	(tag) =	ssettag $0x2  }
0x158: {  	s0 =	rddreg [dreg:$0x0];
	s2 =	stileid.u32  }
0x159: {  	s1 =	rddreg [dreg:$0x1];
	p0 =	sne.s32 s2, $0x0  }
0x15a: {  	s3 =	rddreg [dreg:$0x2];
	[bflag:$0x3] =	sbarrier.arrive $0xFFFF;
	s2 =	simm.s32 @!p0 $0x1C03  }
0x15b: {  	[timem:s3], [sflag:s2] =	dma.local @!p0 [hbm:s0], s1  }
0x15c: {  	s0 =	simm.s32 @!p0 $0x3  }
0x15d: {  	_ =	swait.ge @!p0 [sflag:s0], s1  }
0x15e: {  	s1 =	ssub.s32 @!p0 $0x0, s1;
	[sflag:s0] =	ssyncset.done @!p0 $0x0  }
0x15f: {  	[sflag:s0] =	ssyncadd.s32 @!p0 s1  }
0x160: {  	[bflag:$0x3] =	sbarrier.arrive $0xFFFF  }
0x161: {  	_ =	shalt  }

// kernel: kernel.25.cloned.1.call-start
scs
__scs_entry_jumppad:
0x0: {  	(pc) =	sbr.rel $0x88, $3  }
0x1: {  	(tag) =	ssettag $0x0;
	lr =	simm.s32 $0x1  }
0x2: {  	[smem:$0x3F98] =	sst lr;
	_ =	strace $0xD0000000  }
0x3: {  	_ = 	snop  }
0x4: {  	_ = 	snop  }
0x5: {  	_ = 	snop  }
0x6: {  	_ = 	snop  }
0x7: {  	_ = 	snop  }
__scs_overlays_trampoline_lowered:
0x8: {  	[smem:$0x3FA7] =	sst s0  }
0x9: {  	[smem:$0x3FA8] =	sst s1  }
0xa: {  	[smem:$0x3FA9] =	sst s2  }
0xb: {  	[smem:$0x3FAA] =	sst s3  }
0xc: {  	[smem:$0x3FAB] =	sst s4  }
0xd: {  	[smem:$0x3FAC] =	sst s5  }
0xe: {  	[smem:$0x3FAD] =	sst s6  }
0xf: {  	[smem:$0x3FAE] =	sst s7  }
0x10: {  	[smem:$0x3FAF] =	sst s8  }
0x11: {  	[smem:$0x3FB0] =	sst s9;
	s0 =	simm.s32 @!p0 $0x0  }
0x12: {  	s1 =	sld [smem:$0x3F96];
	s0 =	simm.s32 @p0 $0x1  }
0x13: {  	[smem:$0x3FB1] =	sst s0;
	s0 =	simm.s32 @!p1 $0x0  }
0x14: {  	s2 =	sld [smem:$0x3F95];
	s0 =	simm.s32 @p1 $0x1  }
0x15: {  	[smem:$0x3FB2] =	sst s0;
	s0 =	simm.s32 @!p2 $0x0  }
0x16: {  	s3 =	sld [smem:$0x3FDB];
	s0 =	simm.s32 @p2 $0x1  }
0x17: {  	s4 =	simm.s32 $0x1BF5;
	[smem:$0x3FB4] =	sst s0  }
0x18: {  	s0 =	sld [smem:$0x3F97];
	_ =	swait.ge [sflag:s4], $0x0  }
0x19: {  	s7 =	sld [smem:$0x3F98]  }
0x1a: {  	s8 =	sadd.s32 $0xFFFFE003, lr  }
0x1b: {  	s9 =	sadd.s32 $0xFFFFFEF7, lr;
	s5 =	simm.s32 $0xFFFFFFFF;
	p2 =	slt.u32 s8, $0xFFFFF086  }
0x1c: {  	p1 =	slt.u32 s9, $0xF7A;
	s5 =	simm.s32 @!p2 $0x0  }
0x1d: {  	s5 =	simm.s32 @p1 $0x1;
	p0 =	seq.s32 s7, s2  }
0x1e: {  	s7 =	smul.u32 @!p0 $0xF7A, s2;
	p2 =	seq.s32 @!p0 s5, $0x0  }
0x1f: {  	s9 =	smul.u32 $0xF7A, s1;
	s8 =	simm.s32 @!p0 $0x1BF5;
	p2 =	por !p2, p0  }
0x20: {  	[sflag:s8] =	ssyncset.s32 @!p0 $0xFFFFF086;
	s6 =	sadd.s32 @!p0 s3, s7;
	s7 =	simm.s32 @!p0 $0x108  }
0x21: {  	s3 =	sadd.s32 s3, s9;
	s6 =	sadd.s32 @!p0 $0x88, s6;
	s7 =	simm.s32 @p2 $0x1082  }
0x22: {  	[simem:s7], [sflag:s8] =	dma.local @!p0 [hbm:s6], $0xF7A  }
0x23: {  	s9 =	sor.u32 $0xD0000000, s2;
	s6 =	simm.s32 $0x108;
	_ =	swait.ge @!p0 [sflag:s8], $0x0  }
0x24: {  	s3 =	sadd.s32 $0x88, s3;
	s6 =	simm.s32 @!p1 $0x1082;
	[sflag:s4] =	ssyncset.s32 $0xFFFFF086  }
0x25: {  	[simem:s6], [sflag:s4] =	dma.local [hbm:s3], $0xF7A  }
0x26: {  	[smem:$0x3F98] =	sst s1;
	(tag) =	ssettag s2;
	_ =	strace s9  }
0x27: {  	s1 =	sld [smem:$0x3FA8]  }
0x28: {  	s2 =	sld [smem:$0x3FA9]  }
0x29: {  	s4 =	sld [smem:$0x3FAB]  }
0x2a: {  	p0 =	seq.s32 s5, $0x0;
	s5 =	sld [smem:$0x3FAC]  }
0x2b: {  	s6 =	sld [smem:$0x3FAD]  }
0x2c: {  	s7 =	sld [smem:$0x3FAE]  }
0x2d: {  	s3 =	simm.s32 $0x108;
	s8 =	sld [smem:$0x3FAF]  }
0x2e: {  	s3 =	simm.s32 @!p0 $0x1082;
	s9 =	sld [smem:$0x3FB0]  }
0x2f: {  	lr =	sadd.s32 s0, s3;
	s0 =	sld [smem:$0x3FA7]  }
0x30: {  	s3 =	sld [smem:$0x3FAA]  }
0x31: {  	[smem:$0x3FB3] =	sst s10  }
0x32: {  	s10 =	sld [smem:$0x3FB1];
	_ =	sdelay $0x3  }
0x33: {  	p0 =	seq.s32 s10, $0x1;
	s10 =	sld [smem:$0x3FB3];
	_ =	sdelay $0x3  }
0x34: {  	[smem:$0x3FB3] =	sst s10  }
0x35: {  	s10 =	sld [smem:$0x3FB2];
	_ =	sdelay $0x3  }
0x36: {  	p1 =	seq.s32 s10, $0x1;
	s10 =	sld [smem:$0x3FB3];
	_ =	sdelay $0x3  }
0x37: {  	[smem:$0x3FB3] =	sst s10  }
0x38: {  	s10 =	sld [smem:$0x3FB4]  }
0x39: {  	_ = 	snop;
	(pc) =	sbr.ind lr, $3  }
0x3a: {  	_ = 	snop  }
0x3b: {  	_ = 	snop  }
0x3c: {  	p2 =	seq.s32 s10, $0x1;
	s10 =	sld [smem:$0x3FB3]  }
0x3d: {  	_ =	shalt  }
0x3e: {  	_ =	shalt  }
0x3f: {  	_ =	shalt  }
0x40: {  	_ =	shalt  }
0x41: {  	_ =	shalt  }
0x42: {  	_ =	shalt  }
0x43: {  	_ =	shalt  }
0x44: {  	_ =	shalt  }
0x45: {  	_ =	shalt  }
0x46: {  	_ =	shalt  }
0x47: {  	_ =	shalt  }
0x48: {  	_ =	shalt  }
0x49: {  	_ =	shalt  }
0x4a: {  	_ =	shalt  }
0x4b: {  	_ =	shalt  }
0x4c: {  	_ =	shalt  }
0x4d: {  	_ =	shalt  }
0x4e: {  	_ =	shalt  }
0x4f: {  	_ =	shalt  }
0x50: {  	_ =	shalt  }
0x51: {  	_ =	shalt  }
0x52: {  	_ =	shalt  }
0x53: {  	_ =	shalt  }
0x54: {  	_ =	shalt  }
0x55: {  	_ =	shalt  }
0x56: {  	_ =	shalt  }
0x57: {  	_ =	shalt  }
0x58: {  	_ =	shalt  }
0x59: {  	_ =	shalt  }
0x5a: {  	_ =	shalt  }
0x5b: {  	_ =	shalt  }
0x5c: {  	_ =	shalt  }
0x5d: {  	_ =	shalt  }
0x5e: {  	_ =	shalt  }
0x5f: {  	_ =	shalt  }
0x60: {  	_ =	shalt  }
0x61: {  	_ =	shalt  }
0x62: {  	_ =	shalt  }
0x63: {  	_ =	shalt  }
0x64: {  	_ =	shalt  }
0x65: {  	_ =	shalt  }
0x66: {  	_ =	shalt  }
0x67: {  	_ =	shalt  }
0x68: {  	_ =	shalt  }
0x69: {  	_ =	shalt  }
0x6a: {  	_ =	shalt  }
0x6b: {  	_ =	shalt  }
0x6c: {  	_ =	shalt  }
0x6d: {  	_ =	shalt  }
0x6e: {  	_ =	shalt  }
0x6f: {  	_ =	shalt  }
0x70: {  	_ =	shalt  }
0x71: {  	_ =	shalt  }
0x72: {  	_ =	shalt  }
0x73: {  	_ =	shalt  }
0x74: {  	_ =	shalt  }
0x75: {  	_ =	shalt  }
0x76: {  	_ =	shalt  }
0x77: {  	_ =	shalt  }
0x78: {  	_ =	shalt  }
0x79: {  	_ =	shalt  }
0x7a: {  	_ =	shalt  }
0x7b: {  	_ =	shalt  }
0x7c: {  	_ =	shalt  }
0x7d: {  	_ =	shalt  }
0x7e: {  	_ =	shalt  }
0x7f: {  	_ =	shalt  }
0x80: {  	_ =	shalt  }
0x81: {  	_ =	shalt  }
0x82: {  	_ =	shalt  }
0x83: {  	_ =	shalt  }
0x84: {  	_ =	shalt  }
0x85: {  	_ =	shalt  }
0x86: {  	_ =	shalt  }
0x87: {  	_ =	shalt  }
.Lfunc_end0:
.L_simem_size_0:
called_computation.4_lowered:
.L_overlay_start_0:
0x88: {  	s2 =	sld [smem:$0x3FD9]  }
0x89: {  	s3 =	sld [smem:$0x3FFE];
	_ =	sdelay $0x1  }
0x8a: {  	s1 =	srdreg.scid  }
0x8b: {  	s0 =	sand.u32 $0x1, s1  }
0x8c: {  	s14 =	sshll.u32 s0, $0xA;
	s2 =	sadd.s32 s3, s2  }
0x8d: {  	s2 =	sadd.s32 s2, s14  }
0x8e: {  	[smem:$0x3FBF] =	sst s2  }
0x8f: {  	_ = 	snop  }
0x90: {  	s2 =	sld [smem:$0x3FD0];
	_ =	sdelay $0x2  }
0x91: {  	s15 =	simm.s32 $0xA;
	s4 =	simm.s32 $0x10  }
0x92: {  	[smem:s4], [sflag:s15] =	dma.local [hbm:s2], $0x1  }
0x93: {  	_ =	swait.eq [sflag:s15], $0x1  }
0x94: {  	[sflag:s15] =	ssyncset.done $0x0  }
0x95: {  	s16 =	sld [smem:$0x10];
	[sflag:s15] =	ssyncadd.s32 $0xFFFFFFFF  }
0x96: {  	s17 =	sld [smem:$0x11];
	(tm) =	ssettm $0x1  }
0x97: {  	s18 =	sld [smem:$0x3FFB];
	_ =	sdelay $0x3  }
0x98: {  	_ =	strace s18  }
0x99: {  	s4 =	sld [smem:$0x3FFC];
	_ =	sdelay $0x3  }
0x9a: {  	_ =	strace s4  }
0x9b: {  	s4 =	sld [smem:$0x3FFD];
	_ =	sdelay $0x3  }
0x9c: {  	_ =	strace s4  }
0x9d: {  	_ =	strace $0x8FFFFFFF  }
0x9e: {  	s19 =	sld [smem:$0x3FDB];
	_ =	sdelay $0x1  }
0x9f: {  	s5 =	simm.s32 $_scs_section_size  }
0xa0: {  	s6 =	simm.s32 $_size__tile_overlayer_lowered;
	s7 =	simm.s32 $_tile_overlayer_lowered  }
0xa1: {  	s22 =	simm.s32 $0x1BFF;
	s21 =	sshll.u32 s7, $0x1;
	s4 =	sadd.s32 s5, s19  }
0xa2: {  	s8 =	simm.s32 $0x0;
	s20 =	sshll.u32 s6, $0x1;
	s6 =	sadd.s32 s21, s4  }
0xa3: {  	[timem:s8], [sflag:s22] =	dma.local [hbm:s6], s20  }
0xa4: {  	_ =	swait.ge [sflag:s22], s20  }
0xa5: {  	s5 =	ssub.s32 $0x0, s20;
	[sflag:s22] =	ssyncset.done $0x0  }
0xa6: {  	[sflag:s22] =	ssyncadd.s32 s5;
	_ =	sdelay $0x1  }
0xa7: {  	s23 =	simm.s32 $0x1B8B  }
0xa8: {  	_ =	swait.ge [sflag:s23], $0x1  }
0xa9: {  	[sflag:s23] =	ssyncset.done $0x0  }
0xaa: {  	s25 =	simm.s32 $0x1B8E;
	s24 =	sld [smem:$0x3FFE];
	[sflag:s23] =	ssyncadd.s32 $0xFFFFFFFF  }
0xab: {  	s26 =	simm.s32 $execute0_lowered;
	[smem:$0x3FD2] =	sst s25  }
0xac: {  	s6 =	sshll.u32 s26, $0x1;
	_ =	strace $0x80000052;
	[dreg:$0x1] =	wrdreg $0xFFFFFFFF  }
0xad: {  	s28 =	simm.s32 $_size_execute0_lowered;
	s4 =	sadd.s32 s4, s6;
	[dreg:$0x0] =	wrdreg $0x0  }
0xae: {  	s6 =	sshll.u32 s28, $0x1;
	[dreg:$0x2] =	wrdreg s4  }
0xaf: {  	[dreg:$0x3] =	wrdreg s6  }
0xb0: {  	[dreg:$0x4] =	wrdreg $0xC0  }
0xb1: {  	_ =	task [dreg:s8], $0x5FFFF  }
0xb2: {  	[dreg:$0x1] =	wrdreg $0xFFFFFFFF  }
0xb3: {  	[dreg:$0x0] =	wrdreg $0x60  }
0xb4: {  	[dreg:$0x2] =	wrdreg s17  }
0xb5: {  	[dreg:$0x3] =	wrdreg s16  }
0xb6: {  	[dreg:$0x4] =	wrdreg s24  }
0xb7: {  	[dreg:$0x5] =	wrdreg $0xA8000  }
0xb8: {  	[dreg:$0x6] =	wrdreg $0x9  }
0xb9: {  	_ =	task.clear_ibuf [dreg:s8], $0x7FFFF;
	_ =	strace $0x90000052  }
0xba: {  	s29 =	simm.s32 $0x9;
	_ =	strace $0x80000054  }
0xbb: {  	_ =	swait.ge [sflag:s29], $0x1  }
0xbc: {  	[sflag:s29] =	ssyncadd.s32 $0xFFFFFFFF  }
0xbd: {  	_ =	strace $0x90000054  }
0xbe: {  	_ =	sfence  }
0xbf: {  	s30 =	sld [smem:$0x0];
	_ =	sdelay $0x2  }
0xc0: {  	s31 =	sshll.u32 s1, $0xD;
	s1 =	sshrl.u32 s1, $0x2  }
0xc1: {  	s3 =	sand.u32 $0x4000, s31;
	s1 =	sadd.s32 s1, s30  }
0xc2: {  	s0 =	sor.u32 s3, s0;
	s1 =	sshll.u32 s1, $0x11  }
0xc3: {  	s0 =	sor.u32 s1, s0  }
0xc4: {  	s0 =	sadd.s32 $0x8F2B, s0  }
0xc5: {  	[sflag:s0] =	ssyncadd.remote.s32 $0x1  }
0xc6: {  	_ =	sfence.sel $0xFFFF  }
0xc7: {  	[dreg:$0x0] =	wrdreg $0xFFFFFFFF;
	(pc) =	sbr.abs _section_cstart, $3  }
0xc8: {  	[dreg:$0x1] =	wrdreg $0xFFFFFFFF  }
0xc9: {  	_ =	task.clear_ibuf [dreg:s8], $0x2FFFF;
	_ =	strace $0x9FFFFFFF  }
0xca: {  	(tm) =	ssettm $0x7FFFFFFF  }
0xcb: {  	_ =	shalt  }
tec
execute0_lowered:
.L_overlay_start_1:
0x0: {  	(tag) =	ssettag $0x1  }
0x1: {  	s1 =	rddreg [dreg:$0x0]  }
0x2: {  	s9 =	rddreg [dreg:$0x1]  }
0x3: {  	s6 =	rddreg [dreg:$0x2]  }
0x4: {  	s2 =	rddreg [dreg:$0x3];
	s3 =	srdreg.scid  }
0x5: {  	s0 =	rddreg [dreg:$0x4];
	s4 =	simm.s32 $0x0;
	s16 =	simm.s32 $0x7D  }
0x6: {  	s17 =	simm.s32 $0x2800;
	s18 =	simm.s32 $0x6800;
	s19 =	simm.s32 $0x1  }
0x7: {  	s20 =	simm.s32 $0x2;
	s21 =	simm.s32 $0x1380;
	s22 =	simm.s32 $0x2700  }
0x8: {  	s23 =	simm.s32 $0x2780;
	s7 =	sand.u32 $0x1, s3;
	s3 =	stileid.u32  }
0x9: {  	s24 =	simm.s32 $0x0;
	[smem:$0x7FF] =	sst s4;
	s8 =	smul.u32 $0x140000, s7  }
0xa: {  	s11 =	sadd.s32 $0x5A00, s6;
	s5 =	sadd.s32 $0xB1400, s6;
	s10 =	smul.u32 $0x14000, s3  }
0xb: {  	_ =	strace $0x80000053;
	s25 =	sshll.u32 s7, $0x4;
	s7 =	ssub.s32 $0x2, s7  }
0xc: {  	s12 =	smul.u32 $0x50000, s3;
	s28 =	sshll.u32 s3, $0x6;
	s13 =	sshrl.u32 s7, $0x1  }
0xd: {  	s8 =	sadd.s32 s10, s8;
	s10 =	sor.u32 s3, s25;
	s13 =	ssub.s32 s7, s13  }
0xe: {  	s26 =	sshrl.u32 s12, $0x2;
	s8 =	sshrl.u32 s8, $0x3;
	s14 =	smul.u32 $0x2800, s10  }
0xf: {  	s29 =	smul.u32 $0x500, s10;
	s31 =	sadd.s32 s26, s2;
	s12 =	smax.u32 s13, $0x1  }
0x10: {  	s15 =	sadd.s32 s8, s6;
	s6 =	sor.u32 $0x1C03, s28;
	s30 =	sshrl.u32 s14, $0x3  }
0x11: {  	s13 =	sshrl.u32 s31, $0x3;
	s7 =	sadd.s32 s9, s29;
	s10 =	sadd.s32 $0x280, s30  }
0x12: {  	s8 =	sadd.s32 s11, s29;
	s14 =	simm.s32 $0x3;
	s9 =	sadd.s32 s9, s10  }
0x13: {  	s10 =	sadd.s32 s11, s10;
	s11 =	sadd.s32 $0xB3C00, s15;
	s15 =	simm.s32 $0x1400  }
.LBB2_1:
0x14: {  	[spmem:s13], [sflag:s6] =	dma.local [hbm:s5], $0x2800  }
0x15: {  	_ =	swait.ge [sflag:s14], $0x2800  }
0x16: {  	[sflag:s14] =	ssyncset.done $0x0  }
0x17: {  	[sflag:s14] =	ssyncadd.s32 $0xFFFFD800  }
0x18: {  	[bflag:$0x0] =	sbarrier.arrive $0xFFFF  }
0x19: {  	[tilespmem:s4], [sflag:$0x3] =	stream.linear.gather [hbm4b:s7+s4], $0x1400, $0x38;
	[tilespmem:$0x1E800] =	vst v63  }
0x1a: {  	_ =	swait.ge [sflag:s14], $0x1400  }
0x1b: {  	[sflag:s14] =	ssyncset.done $0x0  }
0x1c: {  	[sflag:s14] =	ssyncadd.s32 $0xFFFFEC00  }
0x1d: {  	[tilespmem:s15], [sflag:$0x3] =	stream.linear.gather [hbm4b:s8+s4], $0x1400, $0x38;
	[tilespmem:$0x1E800] =	vst v63  }
0x1e: {  	_ =	swait.ge [sflag:s14], $0x1400  }
0x1f: {  	[sflag:s14] =	ssyncset.done $0x0  }
0x20: {  	[sflag:s14] =	ssyncadd.s32 $0xFFFFEC00  }
0x21: {  	[tilespmem:s17], [sflag:$0x1] =	stream.indirect.gather [hbm4b:s1+s16], $0x80, s4, s16, $0xb8;
	[tilespmem:$0x1E800] =	vst v63  }
0x22: {  	s25 =	simm.s32 $0x80  }
0x23: {  	[tilespmem:s18], [sflag:$0x2] =	stream.indirect.gather [hbm4b:s1+s16], $0x80, s25, s16, $0xb8;
	[tilespmem:$0x1E800] =	vst v63  }
0x24: {  	_ =	swait.ge [sflag:s19], $0x3E80  }
0x25: {  	[sflag:s19] =	ssyncset.done $0x0  }
0x26: {  	s29 =	simm.s32 $0x1400;
	[sflag:s19] =	ssyncadd.s32 $0xFFFFC180  }
0x27: {  	[spmem:s2] =	stream.indirect.scatter.add.f32 [tilespmem:s17], [sflag:$0x3], $0x80, s29, s16, $0xb8;
	[tilespmem:$0x1E800] =	vst v63  }
0x28: {  	_ =	swait.ge [sflag:s14], $0x3E80  }
0x29: {  	[sflag:s14] =	ssyncset.done $0x0  }
0x2a: {  	s30 =	simm.s32 $0x100;
	[sflag:s14] =	ssyncadd.s32 $0xFFFFC180  }
0x2b: {  	[tilespmem:s17], [sflag:$0x1] =	stream.indirect.gather [hbm4b:s1+s16], $0x80, s30, s16, $0xb8;
	[tilespmem:$0x1E800] =	vst v63  }
0x2c: {  	_ =	swait.ge [sflag:s20], $0x3E80  }
0x2d: {  	[sflag:s20] =	ssyncset.done $0x0  }
0x2e: {  	s31 =	simm.s32 $0x1480;
	[sflag:s20] =	ssyncadd.s32 $0xFFFFC180  }
0x2f: {  	[spmem:s2] =	stream.indirect.scatter.add.f32 [tilespmem:s18], [sflag:$0x3], $0x80, s31, s16, $0xb8;
	[tilespmem:$0x1E800] =	vst v63  }
0x30: {  	_ =	swait.ge [sflag:s14], $0x3E80  }
0x31: {  	s26 =	simm.s32 $0x800;
	s25 =	simm.s32 $0x100;
	[sflag:s14] =	ssyncset.done $0x0  }
.LBB2_2:
0x32: {  	s28 =	sadd.s32 $0x80, s25  }
0x33: {  	[sflag:s14] =	ssyncadd.s32 $0xFFFFC180;
	s29 =	smov.u32 s26;
	s30 =	sadd.s32 $0x400, s26  }
0x34: {  	[tilespmem:s18], [sflag:$0x2] =	stream.indirect.gather [hbm4b:s1+s16], $0x80, s28, s16, $0xb8;
	[tilespmem:$0x1E800] =	vst v63  }
0x35: {  	p0 =	sne.s32 s26, $0x4800;
	_ =	swait.ge [sflag:s19], $0x3E80  }
0x36: {  	[sflag:s19] =	ssyncset.done $0x0  }
0x37: {  	s26 =	sadd.s32 $0x1400, s25;
	[sflag:s19] =	ssyncadd.s32 $0xFFFFC180  }
0x38: {  	[spmem:s2] =	stream.indirect.scatter.add.f32 [tilespmem:s17], [sflag:$0x3], $0x80, s26, s16, $0xb8;
	[tilespmem:$0x1E800] =	vst v63  }
0x39: {  	_ =	swait.ge [sflag:s14], $0x3E80  }
0x3a: {  	[sflag:s14] =	ssyncset.done $0x0  }
0x3b: {  	s26 =	sadd.s32 $0x100, s25;
	[sflag:s14] =	ssyncadd.s32 $0xFFFFC180  }
0x3c: {  	[tilespmem:s17], [sflag:$0x1] =	stream.indirect.gather [hbm4b:s1+s16], $0x80, s26, s16, $0xb8;
	[tilespmem:$0x1E800] =	vst v63  }
0x3d: {  	_ =	swait.ge [sflag:s20], $0x3E80  }
.Ltmp0:
0x3e: {  	[sflag:s20] =	ssyncset.done $0x0;
	(pc) =	sbr.rel @p0 .LBB2_2-.Ltmp0, $4  }
0x3f: {  	s25 =	sadd.s32 $0x1480, s25;
	[sflag:s20] =	ssyncadd.s32 $0xFFFFC180  }
0x40: {  	[spmem:s2] =	stream.indirect.scatter.add.f32 [tilespmem:s18], [sflag:$0x3], $0x80, s25, s16, $0xb8;
	[tilespmem:$0x1E800] =	vst v63  }
0x41: {  	_ =	swait.ge [sflag:s14], $0x3E80  }
0x42: {  	s26 =	smov.u32 s30;
	s25 =	sshra.s32 s29, $0x2;
	[sflag:s14] =	ssyncset.done $0x0  }
0x43: {  	s26 =	sadd.s32 $0x80, s25;
	[sflag:s14] =	ssyncadd.s32 $0xFFFFC180  }
0x44: {  	[tilespmem:s18], [sflag:$0x2] =	stream.indirect.gather [hbm4b:s1+s16], $0x80, s26, s16, $0xb8;
	[tilespmem:$0x1E800] =	vst v63  }
0x45: {  	_ =	swait.ge [sflag:s19], $0x3E80  }
0x46: {  	[sflag:s19] =	ssyncset.done $0x0  }
0x47: {  	s29 =	sadd.s32 $0x1400, s25;
	[sflag:s19] =	ssyncadd.s32 $0xFFFFC180  }
0x48: {  	[spmem:s2] =	stream.indirect.scatter.add.f32 [tilespmem:s17], [sflag:$0x3], $0x80, s29, s16, $0xb8;
	[tilespmem:$0x1E800] =	vst v63  }
0x49: {  	_ =	swait.ge [sflag:s14], $0x3E80  }
0x4a: {  	[sflag:s14] =	ssyncset.done $0x0  }
0x4b: {  	s30 =	sadd.s32 $0x100, s25;
	[sflag:s14] =	ssyncadd.s32 $0xFFFFC180  }
0x4c: {  	[tilespmem:s17], [sflag:$0x1] =	stream.indirect.gather [hbm4b:s1+s16], $0x80, s30, s16, $0xb8;
	[tilespmem:$0x1E800] =	vst v63  }
0x4d: {  	_ =	swait.ge [sflag:s20], $0x3E80  }
0x4e: {  	[sflag:s20] =	ssyncset.done $0x0  }
0x4f: {  	s31 =	sadd.s32 $0x1480, s25;
	[sflag:s20] =	ssyncadd.s32 $0xFFFFC180  }
0x50: {  	[spmem:s2] =	stream.indirect.scatter.add.f32 [tilespmem:s18], [sflag:$0x3], $0x80, s31, s16, $0xb8;
	[tilespmem:$0x1E800] =	vst v63  }
0x51: {  	_ =	swait.ge [sflag:s14], $0x3E80  }
0x52: {  	[sflag:s14] =	ssyncset.done $0x0  }
0x53: {  	[sflag:s14] =	ssyncadd.s32 $0xFFFFC180  }
0x54: {  	[tilespmem:s18], [sflag:$0x2] =	stream.indirect.gather [hbm4b:s1+s16], $0x80, s21, s16, $0xb8;
	[tilespmem:$0x1E800] =	vst v63  }
0x55: {  	_ =	swait.ge [sflag:s19], $0x3E80  }
0x56: {  	[sflag:s19] =	ssyncset.done $0x0  }
0x57: {  	[sflag:s19] =	ssyncadd.s32 $0xFFFFC180  }
0x58: {  	[spmem:s2] =	stream.indirect.scatter.add.f32 [tilespmem:s17], [sflag:$0x3], $0x80, s22, s16, $0xb8;
	[tilespmem:$0x1E800] =	vst v63  }
0x59: {  	_ =	swait.ge [sflag:s14], $0x3E80  }
0x5a: {  	[sflag:s14] =	ssyncset.done $0x0  }
0x5b: {  	[sflag:s14] =	ssyncadd.s32 $0xFFFFC180  }
0x5c: {  	_ =	swait.ge [sflag:s20], $0x3E80  }
0x5d: {  	[sflag:s20] =	ssyncset.done $0x0  }
0x5e: {  	[sflag:s20] =	ssyncadd.s32 $0xFFFFC180  }
0x5f: {  	[spmem:s2] =	stream.indirect.scatter.add.f32 [tilespmem:s18], [sflag:$0x3], $0x80, s23, s16, $0xb8;
	[tilespmem:$0x1E800] =	vst v63  }
0x60: {  	_ =	swait.ge [sflag:s14], $0x3E80  }
0x61: {  	[sflag:s14] =	ssyncset.done $0x0  }
0x62: {  	s26 =	simm.s32 $0x0;
	[sflag:s14] =	ssyncadd.s32 $0xFFFFC180  }
0x63: {  	[tilespmem:s26], [sflag:$0x3] =	stream.linear.gather [hbm4b:s9+s26], $0x1400, $0x38;
	[tilespmem:$0x1E800] =	vst v63  }
0x64: {  	_ =	swait.ge [sflag:s14], $0x1400  }
0x65: {  	[sflag:s14] =	ssyncset.done $0x0  }
0x66: {  	[sflag:s14] =	ssyncadd.s32 $0xFFFFEC00  }
0x67: {  	[tilespmem:s15], [sflag:$0x3] =	stream.linear.gather [hbm4b:s10+s26], $0x1400, $0x38;
	[tilespmem:$0x1E800] =	vst v63  }
0x68: {  	_ =	swait.ge [sflag:s14], $0x1400  }
0x69: {  	[sflag:s14] =	ssyncset.done $0x0  }
0x6a: {  	[sflag:s14] =	ssyncadd.s32 $0xFFFFEC00  }
0x6b: {  	[tilespmem:s17], [sflag:$0x1] =	stream.indirect.gather [hbm4b:s1+s16], $0x80, s26, s16, $0xb8;
	[tilespmem:$0x1E800] =	vst v63  }
0x6c: {  	s28 =	simm.s32 $0x80  }
0x6d: {  	[tilespmem:s18], [sflag:$0x2] =	stream.indirect.gather [hbm4b:s1+s16], $0x80, s28, s16, $0xb8;
	[tilespmem:$0x1E800] =	vst v63  }
0x6e: {  	_ =	swait.ge [sflag:s19], $0x3E80  }
0x6f: {  	[sflag:s19] =	ssyncset.done $0x0  }
0x70: {  	s29 =	simm.s32 $0x1400;
	[sflag:s19] =	ssyncadd.s32 $0xFFFFC180  }
0x71: {  	[spmem:s2] =	stream.indirect.scatter.add.f32 [tilespmem:s17], [sflag:$0x3], $0x80, s29, s16, $0xb8;
	[tilespmem:$0x1E800] =	vst v63  }
0x72: {  	_ =	swait.ge [sflag:s14], $0x3E80  }
0x73: {  	[sflag:s14] =	ssyncset.done $0x0  }
0x74: {  	s30 =	simm.s32 $0x100;
	[sflag:s14] =	ssyncadd.s32 $0xFFFFC180  }
0x75: {  	[tilespmem:s17], [sflag:$0x1] =	stream.indirect.gather [hbm4b:s1+s16], $0x80, s30, s16, $0xb8;
	[tilespmem:$0x1E800] =	vst v63  }
0x76: {  	_ =	swait.ge [sflag:s20], $0x3E80  }
0x77: {  	[sflag:s20] =	ssyncset.done $0x0  }
0x78: {  	s31 =	simm.s32 $0x1480;
	[sflag:s20] =	ssyncadd.s32 $0xFFFFC180  }
0x79: {  	[spmem:s2] =	stream.indirect.scatter.add.f32 [tilespmem:s18], [sflag:$0x3], $0x80, s31, s16, $0xb8;
	[tilespmem:$0x1E800] =	vst v63  }
0x7a: {  	_ =	swait.ge [sflag:s14], $0x3E80  }
0x7b: {  	s25 =	simm.s32 $0x100;
	s26 =	simm.s32 $0x800;
	[sflag:s14] =	ssyncset.done $0x0  }
.LBB2_4:
0x7c: {  	s28 =	sadd.s32 $0x80, s25  }
0x7d: {  	[sflag:s14] =	ssyncadd.s32 $0xFFFFC180;
	s29 =	smov.u32 s26;
	s30 =	sadd.s32 $0x400, s26  }
0x7e: {  	[tilespmem:s18], [sflag:$0x2] =	stream.indirect.gather [hbm4b:s1+s16], $0x80, s28, s16, $0xb8;
	[tilespmem:$0x1E800] =	vst v63  }
0x7f: {  	p0 =	sne.s32 s26, $0x4800;
	_ =	swait.ge [sflag:s19], $0x3E80  }
0x80: {  	[sflag:s19] =	ssyncset.done $0x0  }
0x81: {  	s26 =	sadd.s32 $0x1400, s25;
	[sflag:s19] =	ssyncadd.s32 $0xFFFFC180  }
0x82: {  	[spmem:s2] =	stream.indirect.scatter.add.f32 [tilespmem:s17], [sflag:$0x3], $0x80, s26, s16, $0xb8;
	[tilespmem:$0x1E800] =	vst v63  }
0x83: {  	_ =	swait.ge [sflag:s14], $0x3E80  }
0x84: {  	[sflag:s14] =	ssyncset.done $0x0  }
0x85: {  	s26 =	sadd.s32 $0x100, s25;
	[sflag:s14] =	ssyncadd.s32 $0xFFFFC180  }
0x86: {  	[tilespmem:s17], [sflag:$0x1] =	stream.indirect.gather [hbm4b:s1+s16], $0x80, s26, s16, $0xb8;
	[tilespmem:$0x1E800] =	vst v63  }
0x87: {  	_ =	swait.ge [sflag:s20], $0x3E80  }
.Ltmp1:
0x88: {  	[sflag:s20] =	ssyncset.done $0x0;
	(pc) =	sbr.rel @p0 .LBB2_4-.Ltmp1, $4  }
0x89: {  	s25 =	sadd.s32 $0x1480, s25;
	[sflag:s20] =	ssyncadd.s32 $0xFFFFC180  }
0x8a: {  	[spmem:s2] =	stream.indirect.scatter.add.f32 [tilespmem:s18], [sflag:$0x3], $0x80, s25, s16, $0xb8;
	[tilespmem:$0x1E800] =	vst v63  }
0x8b: {  	_ =	swait.ge [sflag:s14], $0x3E80  }
0x8c: {  	s26 =	smov.u32 s30;
	s25 =	sshra.s32 s29, $0x2;
	[sflag:s14] =	ssyncset.done $0x0  }
0x8d: {  	s26 =	sadd.s32 $0x80, s25;
	[sflag:s14] =	ssyncadd.s32 $0xFFFFC180  }
0x8e: {  	[tilespmem:s18], [sflag:$0x2] =	stream.indirect.gather [hbm4b:s1+s16], $0x80, s26, s16, $0xb8;
	[tilespmem:$0x1E800] =	vst v63  }
0x8f: {  	_ =	swait.ge [sflag:s19], $0x3E80  }
0x90: {  	[sflag:s19] =	ssyncset.done $0x0  }
0x91: {  	s29 =	sadd.s32 $0x1400, s25;
	[sflag:s19] =	ssyncadd.s32 $0xFFFFC180  }
0x92: {  	[spmem:s2] =	stream.indirect.scatter.add.f32 [tilespmem:s17], [sflag:$0x3], $0x80, s29, s16, $0xb8;
	[tilespmem:$0x1E800] =	vst v63  }
0x93: {  	_ =	swait.ge [sflag:s14], $0x3E80  }
0x94: {  	[sflag:s14] =	ssyncset.done $0x0  }
0x95: {  	s30 =	sadd.s32 $0x100, s25;
	[sflag:s14] =	ssyncadd.s32 $0xFFFFC180  }
0x96: {  	[tilespmem:s17], [sflag:$0x1] =	stream.indirect.gather [hbm4b:s1+s16], $0x80, s30, s16, $0xb8;
	[tilespmem:$0x1E800] =	vst v63  }
0x97: {  	_ =	swait.ge [sflag:s20], $0x3E80  }
0x98: {  	[sflag:s20] =	ssyncset.done $0x0  }
0x99: {  	s31 =	sadd.s32 $0x1480, s25;
	[sflag:s20] =	ssyncadd.s32 $0xFFFFC180  }
0x9a: {  	[spmem:s2] =	stream.indirect.scatter.add.f32 [tilespmem:s18], [sflag:$0x3], $0x80, s31, s16, $0xb8;
	[tilespmem:$0x1E800] =	vst v63  }
0x9b: {  	_ =	swait.ge [sflag:s14], $0x3E80  }
0x9c: {  	[sflag:s14] =	ssyncset.done $0x0  }
0x9d: {  	[sflag:s14] =	ssyncadd.s32 $0xFFFFC180  }
0x9e: {  	[tilespmem:s18], [sflag:$0x2] =	stream.indirect.gather [hbm4b:s1+s16], $0x80, s21, s16, $0xb8;
	[tilespmem:$0x1E800] =	vst v63  }
0x9f: {  	_ =	swait.ge [sflag:s19], $0x3E80  }
0xa0: {  	[sflag:s19] =	ssyncset.done $0x0  }
0xa1: {  	[sflag:s19] =	ssyncadd.s32 $0xFFFFC180  }
0xa2: {  	[spmem:s2] =	stream.indirect.scatter.add.f32 [tilespmem:s17], [sflag:$0x3], $0x80, s22, s16, $0xb8;
	[tilespmem:$0x1E800] =	vst v63  }
0xa3: {  	_ =	swait.ge [sflag:s14], $0x3E80  }
0xa4: {  	[sflag:s14] =	ssyncset.done $0x0  }
0xa5: {  	[sflag:s14] =	ssyncadd.s32 $0xFFFFC180  }
0xa6: {  	_ =	swait.ge [sflag:s20], $0x3E80  }
0xa7: {  	[sflag:s20] =	ssyncset.done $0x0  }
0xa8: {  	[sflag:s20] =	ssyncadd.s32 $0xFFFFC180  }
0xa9: {  	[spmem:s2] =	stream.indirect.scatter.add.f32 [tilespmem:s18], [sflag:$0x3], $0x80, s23, s16, $0xb8;
	[tilespmem:$0x1E800] =	vst v63  }
0xaa: {  	_ =	swait.ge [sflag:s14], $0x3E80  }
0xab: {  	s24 =	sadd.s32 $0x1, s24;
	[sflag:s14] =	ssyncset.done $0x0  }
0xac: {  	p0 =	sne.s32 s24, s12;
	[sflag:s14] =	ssyncadd.s32 $0xFFFFC180  }
.Ltmp2:
0xad: {  	[bflag:$0x0] =	sbarrier.arrive $0xFFFF;
	(pc) =	sbr.rel @p0 .LBB2_1-.Ltmp2, $4  }
0xae: {  	[hbm:s11], [sflag:s6] =	dma.local [spmem:s13], $0x2800  }
0xaf: {  	_ =	swait.ge [sflag:s14], $0x2800  }
0xb0: {  	[sflag:s14] =	ssyncset.done $0x0  }
0xb1: {  	[sflag:s14] =	ssyncadd.s32 $0xFFFFD800  }
0xb2: {  	_ =	sfence.sel $0x180000  }
0xb3: {  	[bflag:$0x0] =	sbarrier.arrive $0xFFFF  }
0xb4: {  	p0 =	sne.s32 s3, $0x0;
	_ =	strace $0x90000053  }
0xb5: {  	s0 =	sadd.s32 @!p0 $0x100000, s0;
	[bflag:$0x2] =	sbarrier.arrive $0xFFFF  }
0xb6: {  	[sflag:s0] =	ssyncadd.tile.s32 @!p0 $0x1;
	_ =	shalt  }
.Lfunc_end2:
_tile_overlayer_lowered:
.L_overlay_start_2:
0xb7: {  	(tag) =	ssettag $0x2  }
0xb8: {  	s0 =	rddreg [dreg:$0x0];
	s2 =	stileid.u32  }
0xb9: {  	s1 =	rddreg [dreg:$0x1];
	p0 =	sne.s32 s2, $0x0  }
0xba: {  	s3 =	rddreg [dreg:$0x2];
	[bflag:$0x3] =	sbarrier.arrive $0xFFFF;
	s2 =	simm.s32 @!p0 $0x1C03  }
0xbb: {  	[timem:s3], [sflag:s2] =	dma.local @!p0 [hbm:s0], s1  }
0xbc: {  	s0 =	simm.s32 @!p0 $0x3  }
0xbd: {  	_ =	swait.ge @!p0 [sflag:s0], s1  }
0xbe: {  	s1 =	ssub.s32 @!p0 $0x0, s1;
	[sflag:s0] =	ssyncset.done @!p0 $0x0  }
0xbf: {  	[sflag:s0] =	ssyncadd.s32 @!p0 s1  }
0xc0: {  	[bflag:$0x3] =	sbarrier.arrive $0xFFFF  }
0xc1: {  	_ =	shalt  }

</sc_bundles>
